<compile_context>
chip_gen: v7x
topology: tpu7x:2x2x1
jax: 0.10.2.dev20260603
libtpu: 0.0.44.dev20260713+nightly
codegen_flags: <defaults>
</compile_context>

<pallas_src>
import jax
import jax.numpy as jnp
from jax import lax
from jax.experimental import pallas as pl
from jax.experimental.pallas import tpu as pltpu
from jax.experimental.pallas import tpu_sc as plsc

N = 10000
E = 160000
D = 256
H = 128
NS = 16
EPT = E // NS
CH = 80
NCH = EPT // CH
NST = 25
IB = NCH // NST
RPT = 632
RPT_L = N - (NS - 1) * RPT
HR = 80
L = 16
RB = 2000
NB = N // RB


def _scale_body(x_ref, norm_ref, h_ref):
    h = x_ref[...] * norm_ref[...]
    h_ref[0, :, :] = h[:, :H]
    h_ref[1, :, :] = h[:, H:]


def _scale(x, norm):
    return pl.pallas_call(
        _scale_body,
        grid=(NB,),
        in_specs=[
            pl.BlockSpec((RB, D), lambda i: (i, 0)),
            pl.BlockSpec((RB, 1), lambda i: (i, 0)),
        ],
        out_specs=pl.BlockSpec((2, RB, H), lambda i: (0, i, 0)),
        out_shape=jax.ShapeDtypeStruct((2, N, H), jnp.float32),
    )(x, norm)


def _sc_agg_body(h0, h1, edg, s0, s1, deg,
                 src_a, src_b, dst_a, dst_b, rows_a, rows_b, hist1, idx80,
                 acc_sh, sem, semi):
    c = lax.axis_index("c")
    tid = lax.axis_index("s")
    r0 = pl.multiple_of(tid * RPT, 8)
    nz = NS - 1

    zv = jnp.zeros((L,), jnp.float32)
    ov = jnp.ones((L,), jnp.float32)
    iv = lax.iota(jnp.int32, L)
    for i in range(8):
        for k in range(H // L):
            rows_a[i, k * L:(k + 1) * L] = zv
    for k in range(HR // L):
        idx80[k * L:(k + 1) * L] = iv + (k * L)

    def zh(j, carry):
        hist1[pl.ds(j * L, L)] = zv
        return carry
    lax.fori_loop(0, (HR * H) // L, zh, 0)

    def z8(j, carry):
        rj = pl.multiple_of(r0 + j * 8, 8)
        pltpu.sync_copy(rows_a.at[pl.ds(0, 8)], acc_sh.at[pl.ds(rj, 8)])
        return carry

    @pl.when(tid < nz)
    def _():
        lax.fori_loop(0, RPT // 8, z8, 0)

    @pl.when(tid == nz)
    def _():
        lax.fori_loop(0, RPT_L // 8, z8, 0)

    pltpu.async_copy(edg.at[0, tid, 0], src_a, semi)
    pltpu.async_copy(edg.at[1, tid, 0], dst_a, semi)

    plsc.subcore_barrier()

    def main_loop(h_half, count_deg):
        bufs = [rows_a, rows_b]

        def process_stage(src_v, dst_v, p, next_src, wait_fn):
            for j in range(IB):
                b = (p + j) % 2
                pltpu.make_async_copy(
                    h_half.at[src_v.at[j]], bufs[b], sem).wait()
                nxt = (p + j + 1) % 2
                if j + 1 < IB:
                    pltpu.async_copy(
                        h_half.at[src_v.at[j + 1]], bufs[nxt], sem)
                else:
                    if wait_fn is not None:
                        wait_fn()
                    if next_src is not None:
                        pltpu.async_copy(
                            h_half.at[next_src.at[0]], bufs[nxt], sem)
                pltpu.sync_copy(bufs[b], acc_sh.at[dst_v.at[j]], add=True)
                if count_deg:
                    for k in range(CH // L):
                        vec = dst_v[j, k * L:(k + 1) * L]
                        plsc.addupdate_scatter(hist1, [vec], ov)

        def wait_idx(g, sv, dv):
            pltpu.make_async_copy(edg.at[0, tid, g], sv, semi).wait()
            pltpu.make_async_copy(edg.at[1, tid, g], dv, semi).wait()

        def start_idx(g, sv, dv):
            pltpu.async_copy(edg.at[0, tid, g], sv, semi)
            pltpu.async_copy(edg.at[1, tid, g], dv, semi)

        wait_idx(0, src_a, dst_a)
        pltpu.async_copy(h_half.at[src_a.at[0]], bufs[0], sem)
        start_idx(1, src_b, dst_b)

        def stage_pair(t, carry):
            g = 2 * t
            process_stage(src_a, dst_a, 0, src_b,
                          lambda: wait_idx(g + 1, src_b, dst_b))
            start_idx(g + 2, src_a, dst_a)
            process_stage(src_b, dst_b, 1, src_a,
                          lambda: wait_idx(g + 2, src_a, dst_a))

            @pl.when(g + 3 < NST)
            def _():
                start_idx(g + 3, src_b, dst_b)
            return carry
        lax.fori_loop(0, (NST - 1) // 2, stage_pair, 0)
        process_stage(src_a, dst_a, 0, None, None)

    @pl.when(c == 0)
    def _():
        main_loop(h0, True)

    @pl.when(c == 1)
    def _():
        main_loop(h1, False)

    plsc.subcore_barrier()

    def write_out(cnt):
        @pl.when(c == 0)
        def _():
            pltpu.sync_copy(acc_sh.at[pl.ds(r0, cnt)], s0.at[pl.ds(r0, cnt)])

        @pl.when(c == 1)
        def _():
            pltpu.sync_copy(acc_sh.at[pl.ds(r0, cnt)], s1.at[pl.ds(r0, cnt)])

    @pl.when(tid < nz)
    def _():
        write_out(RPT)

    @pl.when(tid == nz)
    def _():
        write_out(RPT_L)

    @pl.when(c == 0)
    def _():
        @pl.when(tid == 0)
        def _():
            for i in range(8):
                for k in range(H // L):
                    rows_b[i, k * L:(k + 1) * L] = zv
            def zd(j, carry):
                rj = pl.multiple_of(j * 8, 8)
                pltpu.sync_copy(rows_b.at[pl.ds(0, 8)], acc_sh.at[pl.ds(rj, 8)])
                return carry
            lax.fori_loop(0, HR // 8, zd, 0)

        plsc.subcore_barrier()

        def cp(j, carry):
            for k in range(H // L):
                rows_a[j, k * L:(k + 1) * L] = hist1[pl.ds(j * H + k * L, L)]
            return carry
        lax.fori_loop(0, HR, cp, 0)
        pltpu.sync_copy(rows_a.at[pl.ds(0, HR)], acc_sh.at[idx80], add=True)

        plsc.subcore_barrier()

        @pl.when(tid == 0)
        def _():
            pltpu.sync_copy(acc_sh.at[pl.ds(0, HR)], deg)


def _sc_agg(h0, h1, edg):
    mesh = plsc.VectorSubcoreMesh(core_axis_name="c", subcore_axis_name="s",
                                  num_cores=2, num_subcores=NS)
    f = pl.kernel(
        _sc_agg_body,
        out_type=(
            jax.ShapeDtypeStruct((N, H), jnp.float32),
            jax.ShapeDtypeStruct((N, H), jnp.float32),
            jax.ShapeDtypeStruct((HR, H), jnp.float32),
        ),
        mesh=mesh,
        compiler_params=pltpu.CompilerParams(needs_layout_passes=False),
        scratch_types=[
            pltpu.VMEM((IB, CH), jnp.int32),
            pltpu.VMEM((IB, CH), jnp.int32),
            pltpu.VMEM((IB, CH), jnp.int32),
            pltpu.VMEM((IB, CH), jnp.int32),
            pltpu.VMEM((CH, H), jnp.float32),
            pltpu.VMEM((CH, H), jnp.float32),
            pltpu.VMEM((HR * H,), jnp.float32),
            pltpu.VMEM((HR,), jnp.int32),
            pltpu.VMEM_SHARED((N, H), jnp.float32),
            pltpu.SemaphoreType.DMA,
            pltpu.SemaphoreType.DMA,
        ],
    )
    return f(h0, h1, edg)


def _post_body(s0_ref, s1_ref, deg_ref, h2x_ref, norm_ref, b_ref, h2_ref, stats_ref):
    i = pl.program_id(0)

    @pl.when(i == 0)
    def _():
        stats_ref[...] = jnp.zeros((8, D), jnp.float32)

    dinv = 1.0 / jnp.maximum(deg_ref[...], 1.0)
    c0 = s0_ref[...] * dinv
    c1 = s1_ref[...] * dinv
    h0 = h2x_ref[0, :, :]
    h1 = h2x_ref[1, :, :]
    ssq = (jnp.sum(h0 * h0, axis=1, keepdims=True)
           + jnp.sum(h1 * h1, axis=1, keepdims=True)
           + jnp.sum(c0 * c0, axis=1, keepdims=True)
           + jnp.sum(c1 * c1, axis=1, keepdims=True))
    inv = 1.0 / jnp.maximum(jnp.sqrt(ssq), 1e-12)
    b_ref[:, 0 * H:1 * H] = h0 * inv
    b_ref[:, 1 * H:2 * H] = h1 * inv
    b_ref[:, 2 * H:3 * H] = c0 * inv
    b_ref[:, 3 * H:4 * H] = c1 * inv

    nrm = norm_ref[...]
    h2 = jnp.concatenate([c0 * nrm, c1 * nrm], axis=1)
    h2_ref[...] = h2
    stats_ref[0:1, :] += jnp.sum(h2, axis=0, keepdims=True)
    stats_ref[1:2, :] += jnp.sum(h2 * h2, axis=0, keepdims=True)


def _post(s0, s1, deg, h2x, norm):
    return pl.pallas_call(
        _post_body,
        grid=(NB,),
        in_specs=[
            pl.BlockSpec((RB, H), lambda i: (i, 0)),
            pl.BlockSpec((RB, H), lambda i: (i, 0)),
            pl.BlockSpec((RB, 1), lambda i: (i, 0)),
            pl.BlockSpec((2, RB, H), lambda i: (0, i, 0)),
            pl.BlockSpec((RB, 1), lambda i: (i, 0)),
        ],
        out_specs=[
            pl.BlockSpec((RB, 2 * D), lambda i: (i, 0)),
            pl.BlockSpec((RB, D), lambda i: (i, 0)),
            pl.BlockSpec((8, D), lambda i: (0, 0)),
        ],
        out_shape=[
            jax.ShapeDtypeStruct((N, 2 * D), jnp.float32),
            jax.ShapeDtypeStruct((N, D), jnp.float32),
            jax.ShapeDtypeStruct((8, D), jnp.float32),
        ],
    )(s0, s1, deg, h2x, norm)


def _bn_body(h2_ref, stats_ref, gamma_ref, beta_ref, h3_ref):
    mean = stats_ref[0:1, :] / float(N)
    var = stats_ref[1:2, :] / float(N) - mean * mean
    scale = gamma_ref[...] * lax.rsqrt(var + 1e-5)
    h3_ref[...] = (h2_ref[...] - mean) * scale + beta_ref[...]


def _bn(h2, stats, gamma, beta):
    return pl.pallas_call(
        _bn_body,
        grid=(NB,),
        in_specs=[
            pl.BlockSpec((RB, D), lambda i: (i, 0)),
            pl.BlockSpec((8, D), lambda i: (0, 0)),
            pl.BlockSpec((1, D), lambda i: (0, 0)),
            pl.BlockSpec((1, D), lambda i: (0, 0)),
        ],
        out_specs=pl.BlockSpec((RB, D), lambda i: (i, 0)),
        out_shape=jax.ShapeDtypeStruct((N, D), jnp.float32),
    )(h2, stats, gamma, beta)


def kernel(x, norm, gamma, beta, edge_index):
    edg = edge_index.astype(jnp.int32).reshape(2, NS, NST, IB, CH)
    h2x = _scale(x, norm)
    s0, s1, degq = _sc_agg(h2x[0], h2x[1], edg)
    deg = degq.reshape(HR * H)[:N].reshape(N, 1)
    b, h2, stats = _post(s0, s1, deg, h2x, norm)
    h3 = _bn(h2, stats, gamma.reshape(1, D), beta.reshape(1, D))
    return (h3, b)

# --- scband reference (transcript-rebuilt; emitter-appended) ---
"""Pipeline reference for scband-activation-graph-sage-layer-50027779064260 (READ-ONLY COPY).

The authoritative reference and input builder live on the scoring server;
editing this copy changes nothing except your own understanding.
"""

import jax, jax.numpy as jnp
import numpy as np

N_NODES = 10000
N_EDGES = 160000
D = 256

def setup_inputs(seed: int = 0) -> dict:
    key = jax.random.key(seed)
    k1, k2, k3 = jax.random.split(key, 3)
    x = jax.random.normal(k1, (N_NODES, D), dtype=jnp.float32)
    norm = jax.random.uniform(k2, (N_NODES, 1), dtype=jnp.float32)
    edge_index = jax.random.randint(k3, (2, N_EDGES), 0, N_NODES, dtype=jnp.int64)
    # BatchNorm1d learned params (weight=1, bias=0 at init)
    gamma = jnp.ones((D,), dtype=jnp.float32)
    beta = jnp.zeros((D,), dtype=jnp.float32)
    return {"x": x, "norm": norm, "gamma": gamma, "beta": beta, "edge_index": edge_index}

def reference(x, norm, gamma, beta, edge_index):
    # dropout p=0.0 -> identity
    h = x * norm
    src = edge_index[0]
    dst = edge_index[1]
    # message: m = h[src]; reduce: mean over incoming messages per dst node
    m = jnp.take(h, src, axis=0)
    s = jax.ops.segment_sum(m, dst, num_segments=N_NODES)
    deg = jax.ops.segment_sum(jnp.ones((m.shape[0],), dtype=h.dtype), dst, num_segments=N_NODES)
    c = s / jnp.maximum(deg, 1.0)[:, None]
    # UpdateModule: bundle = concat(h, c); L2 normalize (eps=1e-12 like F.normalize); activation=None
    bundle = jnp.concatenate([h, c], axis=1)
    nrm = jnp.linalg.norm(bundle, ord=2, axis=1, keepdims=True)
    b = bundle / jnp.maximum(nrm, 1e-12)
    # node update: h <- c
    h2 = c * norm
    # BatchNorm1d in training mode: batch statistics (biased variance)
    mean = jnp.mean(h2, axis=0)
    var = jnp.mean((h2 - mean) ** 2, axis=0)
    h3 = (h2 - mean) / jnp.sqrt(var + 1e-5) * gamma + beta
    return (h3, b)

if __name__ == "__main__":
    import jax
    _d = setup_inputs()
    print(jax.jit(kernel)(*tuple(_d.values())))

</pallas_src>

<mosaic_0001>
#map = affine_map<(d0, d1) -> (0, 0)>
#map1 = affine_map<(d0, d1) -> (0, 0, 0, 0, 0)>
module attributes {stable_mosaic.version = 14 : i64} {
  func.func @_sc_agg_body(%arg0: i32, %arg1: i32, %arg2: memref<10000x128xf32, #tpu.memory_space<hbm>>, %arg3: memref<10000x128xf32, #tpu.memory_space<hbm>>, %arg4: memref<2x16x25x5x80xi32, #tpu.memory_space<hbm>>, %arg5: memref<10000x128xf32, #tpu.memory_space<hbm>>, %arg6: memref<10000x128xf32, #tpu.memory_space<hbm>>, %arg7: memref<80x128xf32, #tpu.memory_space<hbm>>, %arg8: memref<5x80xi32, #tpu.memory_space<vmem>>, %arg9: memref<5x80xi32, #tpu.memory_space<vmem>>, %arg10: memref<5x80xi32, #tpu.memory_space<vmem>>, %arg11: memref<5x80xi32, #tpu.memory_space<vmem>>, %arg12: memref<80x128xf32, #tpu.memory_space<vmem>>, %arg13: memref<80x128xf32, #tpu.memory_space<vmem>>, %arg14: memref<10240xf32, #tpu.memory_space<vmem>>, %arg15: memref<80xi32, #tpu.memory_space<vmem>>, %arg16: memref<10000x128xf32, #tpu.memory_space<vmem_shared>>, %arg17: memref<!tpu.dma_semaphore, #tpu.memory_space<semaphore_mem>>, %arg18: memref<!tpu.dma_semaphore, #tpu.memory_space<semaphore_mem>>) attributes {dimension_semantics = [#tpu.dimension_semantics<core_parallel>, #tpu.dimension_semantics<subcore_parallel>], iteration_bounds = array<i64: 2, 16>, scalar_prefetch = 0 : i64, scratch_operands = 11 : i64, tpu.core_type = #tpu.core_type<sc_vector_subcore>, window_params = [{transform_indices = #map}, {transform_indices = #map}, {transform_indices = #map1}, {transform_indices = #map}, {transform_indices = #map}, {transform_indices = #map}]} {
    %mul3A = arith.constant 632 : i32
    %mul3A_0 = arith.muli %arg1, %mul3A : i32
    %multiple_of3A = tpu.assume_multiple %mul3A_0, 8 : i32
    %broadcast_in_dim3A = arith.constant 0.000000e+00 : f32
    %broadcast_in_dim3A_1 = vector.broadcast %broadcast_in_dim3A : f32 to vector<16xf32>
    %broadcast_in_dim3A_2 = arith.constant 1.000000e+00 : f32
    %broadcast_in_dim3A_3 = vector.broadcast %broadcast_in_dim3A_2 : f32 to vector<16xf32>
    %iota3A = tpu.iota {dimensions = array<i32: 0>} : vector<16xi32>
    %swap3A = arith.constant 0 : i32
    %swap3A_4 = arith.index_cast %swap3A : i32 to index
    %swap3A_5 = arith.constant 0 : index
    %swap3A_6 = tpu.vector_load %arg12[%swap3A_4, %swap3A_5] {strides = array<i32>} : memref<80x128xf32, #tpu.memory_space<vmem>>, vector<16xf32>,
    tpu.vector_store %arg12[%swap3A_4, %swap3A_5], %broadcast_in_dim3A_1 {strides = array<i32>} : memref<80x128xf32, #tpu.memory_space<vmem>>, vector<16xf32>,
    %swap3A_7 = arith.constant 0 : i32
    %swap3A_8 = arith.index_cast %swap3A_7 : i32 to index
    %swap3A_9 = arith.constant 16 : index
    %swap3A_10 = tpu.vector_load %arg12[%swap3A_8, %swap3A_9] {strides = array<i32>} : memref<80x128xf32, #tpu.memory_space<vmem>>, vector<16xf32>,
    tpu.vector_store %arg12[%swap3A_8, %swap3A_9], %broadcast_in_dim3A_1 {strides = array<i32>} : memref<80x128xf32, #tpu.memory_space<vmem>>, vector<16xf32>,
    %swap3A_11 = arith.constant 0 : i32
    %swap3A_12 = arith.index_cast %swap3A_11 : i32 to index
    %swap3A_13 = arith.constant 32 : index
    %swap3A_14 = tpu.vector_load %arg12[%swap3A_12, %swap3A_13] {strides = array<i32>} : memref<80x128xf32, #tpu.memory_space<vmem>>, vector<16xf32>,
    tpu.vector_store %arg12[%swap3A_12, %swap3A_13], %broadcast_in_dim3A_1 {strides = array<i32>} : memref<80x128xf32, #tpu.memory_space<vmem>>, vector<16xf32>,
    %swap3A_15 = arith.constant 0 : i32
    %swap3A_16 = arith.index_cast %swap3A_15 : i32 to index
    %swap3A_17 = arith.constant 48 : index
    %swap3A_18 = tpu.vector_load %arg12[%swap3A_16, %swap3A_17] {strides = array<i32>} : memref<80x128xf32, #tpu.memory_space<vmem>>, vector<16xf32>,
    tpu.vector_store %arg12[%swap3A_16, %swap3A_17], %broadcast_in_dim3A_1 {strides = array<i32>} : memref<80x128xf32, #tpu.memory_space<vmem>>, vector<16xf32>,
    %swap3A_19 = arith.constant 0 : i32
    %swap3A_20 = arith.index_cast %swap3A_19 : i32 to index
    %swap3A_21 = arith.constant 64 : index
    %swap3A_22 = tpu.vector_load %arg12[%swap3A_20, %swap3A_21] {strides = array<i32>} : memref<80x128xf32, #tpu.memory_space<vmem>>, vector<16xf32>,
    tpu.vector_store %arg12[%swap3A_20, %swap3A_21], %broadcast_in_dim3A_1 {strides = array<i32>} : memref<80x128xf32, #tpu.memory_space<vmem>>, vector<16xf32>,
    %swap3A_23 = arith.constant 0 : i32
    %swap3A_24 = arith.index_cast %swap3A_23 : i32 to index
    %swap3A_25 = arith.constant 80 : index
    %swap3A_26 = tpu.vector_load %arg12[%swap3A_24, %swap3A_25] {strides = array<i32>} : memref<80x128xf32, #tpu.memory_space<vmem>>, vector<16xf32>,
    tpu.vector_store %arg12[%swap3A_24, %swap3A_25], %broadcast_in_dim3A_1 {strides = array<i32>} : memref<80x128xf32, #tpu.memory_space<vmem>>, vector<16xf32>,
    %swap3A_27 = arith.constant 0 : i32
    %swap3A_28 = arith.index_cast %swap3A_27 : i32 to index
    %swap3A_29 = arith.constant 96 : index
    %swap3A_30 = tpu.vector_load %arg12[%swap3A_28, %swap3A_29] {strides = array<i32>} : memref<80x128xf32, #tpu.memory_space<vmem>>, vector<16xf32>,
    tpu.vector_store %arg12[%swap3A_28, %swap3A_29], %broadcast_in_dim3A_1 {strides = array<i32>} : memref<80x128xf32, #tpu.memory_space<vmem>>, vector<16xf32>,
    %swap3A_31 = arith.constant 0 : i32
    %swap3A_32 = arith.index_cast %swap3A_31 : i32 to index
    %swap3A_33 = arith.constant 112 : index
    %swap3A_34 = tpu.vector_load %arg12[%swap3A_32, %swap3A_33] {strides = array<i32>} : memref<80x128xf32, #tpu.memory_space<vmem>>, vector<16xf32>,
    tpu.vector_store %arg12[%swap3A_32, %swap3A_33], %broadcast_in_dim3A_1 {strides = array<i32>} : memref<80x128xf32, #tpu.memory_space<vmem>>, vector<16xf32>,
    %swap3A_35 = arith.constant 1 : i32
    %swap3A_36 = arith.index_cast %swap3A_35 : i32 to index
    %swap3A_37 = arith.constant 0 : index
    %swap3A_38 = tpu.vector_load %arg12[%swap3A_36, %swap3A_37] {strides = array<i32>} : memref<80x128xf32, #tpu.memory_space<vmem>>, vector<16xf32>,
    tpu.vector_store %arg12[%swap3A_36, %swap3A_37], %broadcast_in_dim3A_1 {strides = array<i32>} : memref<80x128xf32, #tpu.memory_space<vmem>>, vector<16xf32>,
    %swap3A_39 = arith.constant 1 : i32
    %swap3A_40 = arith.index_cast %swap3A_39 : i32 to index
    %swap3A_41 = arith.constant 16 : index
    %swap3A_42 = tpu.vector_load %arg12[%swap3A_40, %swap3A_41] {strides = array<i32>} : memref<80x128xf32, #tpu.memory_space<vmem>>, vector<16xf32>,
    tpu.vector_store %arg12[%swap3A_40, %swap3A_41], %broadcast_in_dim3A_1 {strides = array<i32>} : memref<80x128xf32, #tpu.memory_space<vmem>>, vector<16xf32>,
    %swap3A_43 = arith.constant 1 : i32
    %swap3A_44 = arith.index_cast %swap3A_43 : i32 to index
    %swap3A_45 = arith.constant 32 : index
    %swap3A_46 = tpu.vector_load %arg12[%swap3A_44, %swap3A_45] {strides = array<i32>} : memref<80x128xf32, #tpu.memory_space<vmem>>, vector<16xf32>,
    tpu.vector_store %arg12[%swap3A_44, %swap3A_45], %broadcast_in_dim3A_1 {strides = array<i32>} : memref<80x128xf32, #tpu.memory_space<vmem>>, vector<16xf32>,
    %swap3A_47 = arith.constant 1 : i32
    %swap3A_48 = arith.index_cast %swap3A_47 : i32 to index
    %swap3A_49 = arith.constant 48 : index
    %swap3A_50 = tpu.vector_load %arg12[%swap3A_48, %swap3A_49] {strides = array<i32>} : memref<80x128xf32, #tpu.memory_space<vmem>>, vector<16xf32>,
    tpu.vector_store %arg12[%swap3A_48, %swap3A_49], %broadcast_in_dim3A_1 {strides = array<i32>} : memref<80x128xf32, #tpu.memory_space<vmem>>, vector<16xf32>,
    %swap3A_51 = arith.constant 1 : i32
    %swap3A_52 = arith.index_cast %swap3A_51 : i32 to index
    %swap3A_53 = arith.constant 64 : index
    %swap3A_54 = tpu.vector_load %arg12[%swap3A_52, %swap3A_53] {strides = array<i32>} : memref<80x128xf32, #tpu.memory_space<vmem>>, vector<16xf32>,
    tpu.vector_store %arg12[%swap3A_52, %swap3A_53], %broadcast_in_dim3A_1 {strides = array<i32>} : memref<80x128xf32, #tpu.memory_space<vmem>>, vector<16xf32>,
    %swap3A_55 = arith.constant 1 : i32
    %swap3A_56 = arith.index_cast %swap3A_55 : i32 to index
    %swap3A_57 = arith.constant 80 : index
    %swap3A_58 = tpu.vector_load %arg12[%swap3A_56, %swap3A_57] {strides = array<i32>} : memref<80x128xf32, #tpu.memory_space<vmem>>, vector<16xf32>,
    tpu.vector_store %arg12[%swap3A_56, %swap3A_57], %broadcast_in_dim3A_1 {strides = array<i32>} : memref<80x128xf32, #tpu.memory_space<vmem>>, vector<16xf32>,
    %swap3A_59 = arith.constant 1 : i32
    %swap3A_60 = arith.index_cast %swap3A_59 : i32 to index
    %swap3A_61 = arith.constant 96 : index
    %swap3A_62 = tpu.vector_load %arg12[%swap3A_60, %swap3A_61] {strides = array<i32>} : memref<80x128xf32, #tpu.memory_space<vmem>>, vector<16xf32>,
    tpu.vector_store %arg12[%swap3A_60, %swap3A_61], %broadcast_in_dim3A_1 {strides = array<i32>} : memref<80x128xf32, #tpu.memory_space<vmem>>, vector<16xf32>,
    %swap3A_63 = arith.constant 1 : i32
    %swap3A_64 = arith.index_cast %swap3A_63 : i32 to index
    %swap3A_65 = arith.constant 112 : index
    %swap3A_66 = tpu.vector_load %arg12[%swap3A_64, %swap3A_65] {strides = array<i32>} : memref<80x128xf32, #tpu.memory_space<vmem>>, vector<16xf32>,
    tpu.vector_store %arg12[%swap3A_64, %swap3A_65], %broadcast_in_dim3A_1 {strides = array<i32>} : memref<80x128xf32, #tpu.memory_space<vmem>>, vector<16xf32>,
    %swap3A_67 = arith.constant 2 : i32
    %swap3A_68 = arith.index_cast %swap3A_67 : i32 to index
    %swap3A_69 = arith.constant 0 : index
    %swap3A_70 = tpu.vector_load %arg12[%swap3A_68, %swap3A_69] {strides = array<i32>} : memref<80x128xf32, #tpu.memory_space<vmem>>, vector<16xf32>,
    tpu.vector_store %arg12[%swap3A_68, %swap3A_69], %broadcast_in_dim3A_1 {strides = array<i32>} : memref<80x128xf32, #tpu.memory_space<vmem>>, vector<16xf32>,
    %swap3A_71 = arith.constant 2 : i32
    %swap3A_72 = arith.index_cast %swap3A_71 : i32 to index
    %swap3A_73 = arith.constant 16 : index
    %swap3A_74 = tpu.vector_load %arg12[%swap3A_72, %swap3A_73] {strides = array<i32>} : memref<80x128xf32, #tpu.memory_space<vmem>>, vector<16xf32>,
    tpu.vector_store %arg12[%swap3A_72, %swap3A_73], %broadcast_in_dim3A_1 {strides = array<i32>} : memref<80x128xf32, #tpu.memory_space<vmem>>, vector<16xf32>,
    %swap3A_75 = arith.constant 2 : i32
    %swap3A_76 = arith.index_cast %swap3A_75 : i32 to index
    %swap3A_77 = arith.constant 32 : index
    %swap3A_78 = tpu.vector_load %arg12[%swap3A_76, %swap3A_77] {strides = array<i32>} : memref<80x128xf32, #tpu.memory_space<vmem>>, vector<16xf32>,
    tpu.vector_store %arg12[%swap3A_76, %swap3A_77], %broadcast_in_dim3A_1 {strides = array<i32>} : memref<80x128xf32, #tpu.memory_space<vmem>>, vector<16xf32>,
    %swap3A_79 = arith.constant 2 : i32
    %swap3A_80 = arith.index_cast %swap3A_79 : i32 to index
    %swap3A_81 = arith.constant 48 : index
    %swap3A_82 = tpu.vector_load %arg12[%swap3A_80, %swap3A_81] {strides = array<i32>} : memref<80x128xf32, #tpu.memory_space<vmem>>, vector<16xf32>,
    tpu.vector_store %arg12[%swap3A_80, %swap3A_81], %broadcast_in_dim3A_1 {strides = array<i32>} : memref<80x128xf32, #tpu.memory_space<vmem>>, vector<16xf32>,
    %swap3A_83 = arith.constant 2 : i32
    %swap3A_84 = arith.index_cast %swap3A_83 : i32 to index
    %swap3A_85 = arith.constant 64 : index
    %swap3A_86 = tpu.vector_load %arg12[%swap3A_84, %swap3A_85] {strides = array<i32>} : memref<80x128xf32, #tpu.memory_space<vmem>>, vector<16xf32>,
    tpu.vector_store %arg12[%swap3A_84, %swap3A_85], %broadcast_in_dim3A_1 {strides = array<i32>} : memref<80x128xf32, #tpu.memory_space<vmem>>, vector<16xf32>,
    %swap3A_87 = arith.constant 2 : i32
    %swap3A_88 = arith.index_cast %swap3A_87 : i32 to index
    %swap3A_89 = arith.constant 80 : index
    %swap3A_90 = tpu.vector_load %arg12[%swap3A_88, %swap3A_89] {strides = array<i32>} : memref<80x128xf32, #tpu.memory_space<vmem>>, vector<16xf32>,
    tpu.vector_store %arg12[%swap3A_88, %swap3A_89], %broadcast_in_dim3A_1 {strides = array<i32>} : memref<80x128xf32, #tpu.memory_space<vmem>>, vector<16xf32>,
    %swap3A_91 = arith.constant 2 : i32
    %swap3A_92 = arith.index_cast %swap3A_91 : i32 to index
    %swap3A_93 = arith.constant 96 : index
    %swap3A_94 = tpu.vector_load %arg12[%swap3A_92, %swap3A_93] {strides = array<i32>} : memref<80x128xf32, #tpu.memory_space<vmem>>, vector<16xf32>,
    tpu.vector_store %arg12[%swap3A_92, %swap3A_93], %broadcast_in_dim3A_1 {strides = array<i32>} : memref<80x128xf32, #tpu.memory_space<vmem>>, vector<16xf32>,
    %swap3A_95 = arith.constant 2 : i32
    %swap3A_96 = arith.index_cast %swap3A_95 : i32 to index
    %swap3A_97 = arith.constant 112 : index
    %swap3A_98 = tpu.vector_load %arg12[%swap3A_96, %swap3A_97] {strides = array<i32>} : memref<80x128xf32, #tpu.memory_space<vmem>>, vector<16xf32>,
    tpu.vector_store %arg12[%swap3A_96, %swap3A_97], %broadcast_in_dim3A_1 {strides = array<i32>} : memref<80x128xf32, #tpu.memory_space<vmem>>, vector<16xf32>,
    %swap3A_99 = arith.constant 3 : i32
    %swap3A_100 = arith.index_cast %swap3A_99 : i32 to index
    %swap3A_101 = arith.constant 0 : index
    %swap3A_102 = tpu.vector_load %arg12[%swap3A_100, %swap3A_101] {strides = array<i32>} : memref<80x128xf32, #tpu.memory_space<vmem>>, vector<16xf32>,
    tpu.vector_store %arg12[%swap3A_100, %swap3A_101], %broadcast_in_dim3A_1 {strides = array<i32>} : memref<80x128xf32, #tpu.memory_space<vmem>>, vector<16xf32>,
    %swap3A_103 = arith.constant 3 : i32
    %swap3A_104 = arith.index_cast %swap3A_103 : i32 to index
    %swap3A_105 = arith.constant 16 : index
    %swap3A_106 = tpu.vector_load %arg12[%swap3A_104, %swap3A_105] {strides = array<i32>} : memref<80x128xf32, #tpu.memory_space<vmem>>, vector<16xf32>,
    tpu.vector_store %arg12[%swap3A_104, %swap3A_105], %broadcast_in_dim3A_1 {strides = array<i32>} : memref<80x128xf32, #tpu.memory_space<vmem>>, vector<16xf32>,
    %swap3A_107 = arith.constant 3 : i32
    %swap3A_108 = arith.index_cast %swap3A_107 : i32 to index
    %swap3A_109 = arith.constant 32 : index
    %swap3A_110 = tpu.vector_load %arg12[%swap3A_108, %swap3A_109] {strides = array<i32>} : memref<80x128xf32, #tpu.memory_space<vmem>>, vector<16xf32>,
    tpu.vector_store %arg12[%swap3A_108, %swap3A_109], %broadcast_in_dim3A_1 {strides = array<i32>} : memref<80x128xf32, #tpu.memory_space<vmem>>, vector<16xf32>,
    %swap3A_111 = arith.constant 3 : i32
    %swap3A_112 = arith.index_cast %swap3A_111 : i32 to index
    %swap3A_113 = arith.constant 48 : index
    %swap3A_114 = tpu.vector_load %arg12[%swap3A_112, %swap3A_113] {strides = array<i32>} : memref<80x128xf32, #tpu.memory_space<vmem>>, vector<16xf32>,
    tpu.vector_store %arg12[%swap3A_112, %swap3A_113], %broadcast_in_dim3A_1 {strides = array<i32>} : memref<80x128xf32, #tpu.memory_space<vmem>>, vector<16xf32>,
    %swap3A_115 = arith.constant 3 : i32
    %swap3A_116 = arith.index_cast %swap3A_115 : i32 to index
    %swap3A_117 = arith.constant 64 : index
    %swap3A_118 = tpu.vector_load %arg12[%swap3A_116, %swap3A_117] {strides = array<i32>} : memref<80x128xf32, #tpu.memory_space<vmem>>, vector<16xf32>,
    tpu.vector_store %arg12[%swap3A_116, %swap3A_117], %broadcast_in_dim3A_1 {strides = array<i32>} : memref<80x128xf32, #tpu.memory_space<vmem>>, vector<16xf32>,
    %swap3A_119 = arith.constant 3 : i32
    %swap3A_120 = arith.index_cast %swap3A_119 : i32 to index
    %swap3A_121 = arith.constant 80 : index
    %swap3A_122 = tpu.vector_load %arg12[%swap3A_120, %swap3A_121] {strides = array<i32>} : memref<80x128xf32, #tpu.memory_space<vmem>>, vector<16xf32>,
    tpu.vector_store %arg12[%swap3A_120, %swap3A_121], %broadcast_in_dim3A_1 {strides = array<i32>} : memref<80x128xf32, #tpu.memory_space<vmem>>, vector<16xf32>,
    %swap3A_123 = arith.constant 3 : i32
    %swap3A_124 = arith.index_cast %swap3A_123 : i32 to index
    %swap3A_125 = arith.constant 96 : index
    %swap3A_126 = tpu.vector_load %arg12[%swap3A_124, %swap3A_125] {strides = array<i32>} : memref<80x128xf32, #tpu.memory_space<vmem>>, vector<16xf32>,
    tpu.vector_store %arg12[%swap3A_124, %swap3A_125], %broadcast_in_dim3A_1 {strides = array<i32>} : memref<80x128xf32, #tpu.memory_space<vmem>>, vector<16xf32>,
    %swap3A_127 = arith.constant 3 : i32
    %swap3A_128 = arith.index_cast %swap3A_127 : i32 to index
    %swap3A_129 = arith.constant 112 : index
    %swap3A_130 = tpu.vector_load %arg12[%swap3A_128, %swap3A_129] {strides = array<i32>} : memref<80x128xf32, #tpu.memory_space<vmem>>, vector<16xf32>,
    tpu.vector_store %arg12[%swap3A_128, %swap3A_129], %broadcast_in_dim3A_1 {strides = array<i32>} : memref<80x128xf32, #tpu.memory_space<vmem>>, vector<16xf32>,
    %swap3A_131 = arith.constant 4 : i32
    %swap3A_132 = arith.index_cast %swap3A_131 : i32 to index
    %swap3A_133 = arith.constant 0 : index
    %swap3A_134 = tpu.vector_load %arg12[%swap3A_132, %swap3A_133] {strides = array<i32>} : memref<80x128xf32, #tpu.memory_space<vmem>>, vector<16xf32>,
    tpu.vector_store %arg12[%swap3A_132, %swap3A_133], %broadcast_in_dim3A_1 {strides = array<i32>} : memref<80x128xf32, #tpu.memory_space<vmem>>, vector<16xf32>,
    %swap3A_135 = arith.constant 4 : i32
    %swap3A_136 = arith.index_cast %swap3A_135 : i32 to index
    %swap3A_137 = arith.constant 16 : index
    %swap3A_138 = tpu.vector_load %arg12[%swap3A_136, %swap3A_137] {strides = array<i32>} : memref<80x128xf32, #tpu.memory_space<vmem>>, vector<16xf32>,
    tpu.vector_store %arg12[%swap3A_136, %swap3A_137], %broadcast_in_dim3A_1 {strides = array<i32>} : memref<80x128xf32, #tpu.memory_space<vmem>>, vector<16xf32>,
    %swap3A_139 = arith.constant 4 : i32
    %swap3A_140 = arith.index_cast %swap3A_139 : i32 to index
    %swap3A_141 = arith.constant 32 : index
    %swap3A_142 = tpu.vector_load %arg12[%swap3A_140, %swap3A_141] {strides = array<i32>} : memref<80x128xf32, #tpu.memory_space<vmem>>, vector<16xf32>,
    tpu.vector_store %arg12[%swap3A_140, %swap3A_141], %broadcast_in_dim3A_1 {strides = array<i32>} : memref<80x128xf32, #tpu.memory_space<vmem>>, vector<16xf32>,
    %swap3A_143 = arith.constant 4 : i32
    %swap3A_144 = arith.index_cast %swap3A_143 : i32 to index
    %swap3A_145 = arith.constant 48 : index
    %swap3A_146 = tpu.vector_load %arg12[%swap3A_144, %swap3A_145] {strides = array<i32>} : memref<80x128xf32, #tpu.memory_space<vmem>>, vector<16xf32>,
    tpu.vector_store %arg12[%swap3A_144, %swap3A_145], %broadcast_in_dim3A_1 {strides = array<i32>} : memref<80x128xf32, #tpu.memory_space<vmem>>, vector<16xf32>,
    %swap3A_147 = arith.constant 4 : i32
    %swap3A_148 = arith.index_cast %swap3A_147 : i32 to index
    %swap3A_149 = arith.constant 64 : index
    %swap3A_150 = tpu.vector_load %arg12[%swap3A_148, %swap3A_149] {strides = array<i32>} : memref<80x128xf32, #tpu.memory_space<vmem>>, vector<16xf32>,
    tpu.vector_store %arg12[%swap3A_148, %swap3A_149], %broadcast_in_dim3A_1 {strides = array<i32>} : memref<80x128xf32, #tpu.memory_space<vmem>>, vector<16xf32>,
    %swap3A_151 = arith.constant 4 : i32
    %swap3A_152 = arith.index_cast %swap3A_151 : i32 to index
    %swap3A_153 = arith.constant 80 : index
    %swap3A_154 = tpu.vector_load %arg12[%swap3A_152, %swap3A_153] {strides = array<i32>} : memref<80x128xf32, #tpu.memory_space<vmem>>, vector<16xf32>,
    tpu.vector_store %arg12[%swap3A_152, %swap3A_153], %broadcast_in_dim3A_1 {strides = array<i32>} : memref<80x128xf32, #tpu.memory_space<vmem>>, vector<16xf32>,
    %swap3A_155 = arith.constant 4 : i32
    %swap3A_156 = arith.index_cast %swap3A_155 : i32 to index
    %swap3A_157 = arith.constant 96 : index
    %swap3A_158 = tpu.vector_load %arg12[%swap3A_156, %swap3A_157] {strides = array<i32>} : memref<80x128xf32, #tpu.memory_space<vmem>>, vector<16xf32>,
    tpu.vector_store %arg12[%swap3A_156, %swap3A_157], %broadcast_in_dim3A_1 {strides = array<i32>} : memref<80x128xf32, #tpu.memory_space<vmem>>, vector<16xf32>,
    %swap3A_159 = arith.constant 4 : i32
    %swap3A_160 = arith.index_cast %swap3A_159 : i32 to index
    %swap3A_161 = arith.constant 112 : index
    %swap3A_162 = tpu.vector_load %arg12[%swap3A_160, %swap3A_161] {strides = array<i32>} : memref<80x128xf32, #tpu.memory_space<vmem>>, vector<16xf32>,
    tpu.vector_store %arg12[%swap3A_160, %swap3A_161], %broadcast_in_dim3A_1 {strides = array<i32>} : memref<80x128xf32, #tpu.memory_space<vmem>>, vector<16xf32>,
    %swap3A_163 = arith.constant 5 : i32
    %swap3A_164 = arith.index_cast %swap3A_163 : i32 to index
    %swap3A_165 = arith.constant 0 : index
    %swap3A_166 = tpu.vector_load %arg12[%swap3A_164, %swap3A_165] {strides = array<i32>} : memref<80x128xf32, #tpu.memory_space<vmem>>, vector<16xf32>,
    tpu.vector_store %arg12[%swap3A_164, %swap3A_165], %broadcast_in_dim3A_1 {strides = array<i32>} : memref<80x128xf32, #tpu.memory_space<vmem>>, vector<16xf32>,
    %swap3A_167 = arith.constant 5 : i32
    %swap3A_168 = arith.index_cast %swap3A_167 : i32 to index
    %swap3A_169 = arith.constant 16 : index
    %swap3A_170 = tpu.vector_load %arg12[%swap3A_168, %swap3A_169] {strides = array<i32>} : memref<80x128xf32, #tpu.memory_space<vmem>>, vector<16xf32>,
    tpu.vector_store %arg12[%swap3A_168, %swap3A_169], %broadcast_in_dim3A_1 {strides = array<i32>} : memref<80x128xf32, #tpu.memory_space<vmem>>, vector<16xf32>,
    %swap3A_171 = arith.constant 5 : i32
    %swap3A_172 = arith.index_cast %swap3A_171 : i32 to index
    %swap3A_173 = arith.constant 32 : index
    %swap3A_174 = tpu.vector_load %arg12[%swap3A_172, %swap3A_173] {strides = array<i32>} : memref<80x128xf32, #tpu.memory_space<vmem>>, vector<16xf32>,
    tpu.vector_store %arg12[%swap3A_172, %swap3A_173], %broadcast_in_dim3A_1 {strides = array<i32>} : memref<80x128xf32, #tpu.memory_space<vmem>>, vector<16xf32>,
    %swap3A_175 = arith.constant 5 : i32
    %swap3A_176 = arith.index_cast %swap3A_175 : i32 to index
    %swap3A_177 = arith.constant 48 : index
    %swap3A_178 = tpu.vector_load %arg12[%swap3A_176, %swap3A_177] {strides = array<i32>} : memref<80x128xf32, #tpu.memory_space<vmem>>, vector<16xf32>,
    tpu.vector_store %arg12[%swap3A_176, %swap3A_177], %broadcast_in_dim3A_1 {strides = array<i32>} : memref<80x128xf32, #tpu.memory_space<vmem>>, vector<16xf32>,
    %swap3A_179 = arith.constant 5 : i32
    %swap3A_180 = arith.index_cast %swap3A_179 : i32 to index
    %swap3A_181 = arith.constant 64 : index
    %swap3A_182 = tpu.vector_load %arg12[%swap3A_180, %swap3A_181] {strides = array<i32>} : memref<80x128xf32, #tpu.memory_space<vmem>>, vector<16xf32>,
    tpu.vector_store %arg12[%swap3A_180, %swap3A_181], %broadcast_in_dim3A_1 {strides = array<i32>} : memref<80x128xf32, #tpu.memory_space<vmem>>, vector<16xf32>,
    %swap3A_183 = arith.constant 5 : i32
    %swap3A_184 = arith.index_cast %swap3A_183 : i32 to index
    %swap3A_185 = arith.constant 80 : index
    %swap3A_186 = tpu.vector_load %arg12[%swap3A_184, %swap3A_185] {strides = array<i32>} : memref<80x128xf32, #tpu.memory_space<vmem>>, vector<16xf32>,
    tpu.vector_store %arg12[%swap3A_184, %swap3A_185], %broadcast_in_dim3A_1 {strides = array<i32>} : memref<80x128xf32, #tpu.memory_space<vmem>>, vector<16xf32>,
    %swap3A_187 = arith.constant 5 : i32
    %swap3A_188 = arith.index_cast %swap3A_187 : i32 to index
    %swap3A_189 = arith.constant 96 : index
    %swap3A_190 = tpu.vector_load %arg12[%swap3A_188, %swap3A_189] {strides = array<i32>} : memref<80x128xf32, #tpu.memory_space<vmem>>, vector<16xf32>,
    tpu.vector_store %arg12[%swap3A_188, %swap3A_189], %broadcast_in_dim3A_1 {strides = array<i32>} : memref<80x128xf32, #tpu.memory_space<vmem>>, vector<16xf32>,
    %swap3A_191 = arith.constant 5 : i32
    %swap3A_192 = arith.index_cast %swap3A_191 : i32 to index
    %swap3A_193 = arith.constant 112 : index
    %swap3A_194 = tpu.vector_load %arg12[%swap3A_192, %swap3A_193] {strides = array<i32>} : memref<80x128xf32, #tpu.memory_space<vmem>>, vector<16xf32>,
    tpu.vector_store %arg12[%swap3A_192, %swap3A_193], %broadcast_in_dim3A_1 {strides = array<i32>} : memref<80x128xf32, #tpu.memory_space<vmem>>, vector<16xf32>,
    %swap3A_195 = arith.constant 6 : i32
    %swap3A_196 = arith.index_cast %swap3A_195 : i32 to index
    %swap3A_197 = arith.constant 0 : index
    %swap3A_198 = tpu.vector_load %arg12[%swap3A_196, %swap3A_197] {strides = array<i32>} : memref<80x128xf32, #tpu.memory_space<vmem>>, vector<16xf32>,
    tpu.vector_store %arg12[%swap3A_196, %swap3A_197], %broadcast_in_dim3A_1 {strides = array<i32>} : memref<80x128xf32, #tpu.memory_space<vmem>>, vector<16xf32>,
    %swap3A_199 = arith.constant 6 : i32
    %swap3A_200 = arith.index_cast %swap3A_199 : i32 to index
    %swap3A_201 = arith.constant 16 : index
    %swap3A_202 = tpu.vector_load %arg12[%swap3A_200, %swap3A_201] {strides = array<i32>} : memref<80x128xf32, #tpu.memory_space<vmem>>, vector<16xf32>,
    tpu.vector_store %arg12[%swap3A_200, %swap3A_201], %broadcast_in_dim3A_1 {strides = array<i32>} : memref<80x128xf32, #tpu.memory_space<vmem>>, vector<16xf32>,
    %swap3A_203 = arith.constant 6 : i32
    %swap3A_204 = arith.index_cast %swap3A_203 : i32 to index
    %swap3A_205 = arith.constant 32 : index
    %swap3A_206 = tpu.vector_load %arg12[%swap3A_204, %swap3A_205] {strides = array<i32>} : memref<80x128xf32, #tpu.memory_space<vmem>>, vector<16xf32>,
    tpu.vector_store %arg12[%swap3A_204, %swap3A_205], %broadcast_in_dim3A_1 {strides = array<i32>} : memref<80x128xf32, #tpu.memory_space<vmem>>, vector<16xf32>,
    %swap3A_207 = arith.constant 6 : i32
    %swap3A_208 = arith.index_cast %swap3A_207 : i32 to index
    %swap3A_209 = arith.constant 48 : index
    %swap3A_210 = tpu.vector_load %arg12[%swap3A_208, %swap3A_209] {strides = array<i32>} : memref<80x128xf32, #tpu.memory_space<vmem>>, vector<16xf32>,
    tpu.vector_store %arg12[%swap3A_208, %swap3A_209], %broadcast_in_dim3A_1 {strides = array<i32>} : memref<80x128xf32, #tpu.memory_space<vmem>>, vector<16xf32>,
    %swap3A_211 = arith.constant 6 : i32
    %swap3A_212 = arith.index_cast %swap3A_211 : i32 to index
    %swap3A_213 = arith.constant 64 : index
    %swap3A_214 = tpu.vector_load %arg12[%swap3A_212, %swap3A_213] {strides = array<i32>} : memref<80x128xf32, #tpu.memory_space<vmem>>, vector<16xf32>,
    tpu.vector_store %arg12[%swap3A_212, %swap3A_213], %broadcast_in_dim3A_1 {strides = array<i32>} : memref<80x128xf32, #tpu.memory_space<vmem>>, vector<16xf32>,
    %swap3A_215 = arith.constant 6 : i32
    %swap3A_216 = arith.index_cast %swap3A_215 : i32 to index
    %swap3A_217 = arith.constant 80 : index
    %swap3A_218 = tpu.vector_load %arg12[%swap3A_216, %swap3A_217] {strides = array<i32>} : memref<80x128xf32, #tpu.memory_space<vmem>>, vector<16xf32>,
    tpu.vector_store %arg12[%swap3A_216, %swap3A_217], %broadcast_in_dim3A_1 {strides = array<i32>} : memref<80x128xf32, #tpu.memory_space<vmem>>, vector<16xf32>,
    %swap3A_219 = arith.constant 6 : i32
    %swap3A_220 = arith.index_cast %swap3A_219 : i32 to index
    %swap3A_221 = arith.constant 96 : index
    %swap3A_222 = tpu.vector_load %arg12[%swap3A_220, %swap3A_221] {strides = array<i32>} : memref<80x128xf32, #tpu.memory_space<vmem>>, vector<16xf32>,
    tpu.vector_store %arg12[%swap3A_220, %swap3A_221], %broadcast_in_dim3A_1 {strides = array<i32>} : memref<80x128xf32, #tpu.memory_space<vmem>>, vector<16xf32>,
    %swap3A_223 = arith.constant 6 : i32
    %swap3A_224 = arith.index_cast %swap3A_223 : i32 to index
    %swap3A_225 = arith.constant 112 : index
    %swap3A_226 = tpu.vector_load %arg12[%swap3A_224, %swap3A_225] {strides = array<i32>} : memref<80x128xf32, #tpu.memory_space<vmem>>, vector<16xf32>,
    tpu.vector_store %arg12[%swap3A_224, %swap3A_225], %broadcast_in_dim3A_1 {strides = array<i32>} : memref<80x128xf32, #tpu.memory_space<vmem>>, vector<16xf32>,
    %swap3A_227 = arith.constant 7 : i32
    %swap3A_228 = arith.index_cast %swap3A_227 : i32 to index
    %swap3A_229 = arith.constant 0 : index
    %swap3A_230 = tpu.vector_load %arg12[%swap3A_228, %swap3A_229] {strides = array<i32>} : memref<80x128xf32, #tpu.memory_space<vmem>>, vector<16xf32>,
    tpu.vector_store %arg12[%swap3A_228, %swap3A_229], %broadcast_in_dim3A_1 {strides = array<i32>} : memref<80x128xf32, #tpu.memory_space<vmem>>, vector<16xf32>,
    %swap3A_231 = arith.constant 7 : i32
    %swap3A_232 = arith.index_cast %swap3A_231 : i32 to index
    %swap3A_233 = arith.constant 16 : index
    %swap3A_234 = tpu.vector_load %arg12[%swap3A_232, %swap3A_233] {strides = array<i32>} : memref<80x128xf32, #tpu.memory_space<vmem>>, vector<16xf32>,
    tpu.vector_store %arg12[%swap3A_232, %swap3A_233], %broadcast_in_dim3A_1 {strides = array<i32>} : memref<80x128xf32, #tpu.memory_space<vmem>>, vector<16xf32>,
    %swap3A_235 = arith.constant 7 : i32
    %swap3A_236 = arith.index_cast %swap3A_235 : i32 to index
    %swap3A_237 = arith.constant 32 : index
    %swap3A_238 = tpu.vector_load %arg12[%swap3A_236, %swap3A_237] {strides = array<i32>} : memref<80x128xf32, #tpu.memory_space<vmem>>, vector<16xf32>,
    tpu.vector_store %arg12[%swap3A_236, %swap3A_237], %broadcast_in_dim3A_1 {strides = array<i32>} : memref<80x128xf32, #tpu.memory_space<vmem>>, vector<16xf32>,
    %swap3A_239 = arith.constant 7 : i32
    %swap3A_240 = arith.index_cast %swap3A_239 : i32 to index
    %swap3A_241 = arith.constant 48 : index
    %swap3A_242 = tpu.vector_load %arg12[%swap3A_240, %swap3A_241] {strides = array<i32>} : memref<80x128xf32, #tpu.memory_space<vmem>>, vector<16xf32>,
    tpu.vector_store %arg12[%swap3A_240, %swap3A_241], %broadcast_in_dim3A_1 {strides = array<i32>} : memref<80x128xf32, #tpu.memory_space<vmem>>, vector<16xf32>,
    %swap3A_243 = arith.constant 7 : i32
    %swap3A_244 = arith.index_cast %swap3A_243 : i32 to index
    %swap3A_245 = arith.constant 64 : index
    %swap3A_246 = tpu.vector_load %arg12[%swap3A_244, %swap3A_245] {strides = array<i32>} : memref<80x128xf32, #tpu.memory_space<vmem>>, vector<16xf32>,
    tpu.vector_store %arg12[%swap3A_244, %swap3A_245], %broadcast_in_dim3A_1 {strides = array<i32>} : memref<80x128xf32, #tpu.memory_space<vmem>>, vector<16xf32>,
    %swap3A_247 = arith.constant 7 : i32
    %swap3A_248 = arith.index_cast %swap3A_247 : i32 to index
    %swap3A_249 = arith.constant 80 : index
    %swap3A_250 = tpu.vector_load %arg12[%swap3A_248, %swap3A_249] {strides = array<i32>} : memref<80x128xf32, #tpu.memory_space<vmem>>, vector<16xf32>,
    tpu.vector_store %arg12[%swap3A_248, %swap3A_249], %broadcast_in_dim3A_1 {strides = array<i32>} : memref<80x128xf32, #tpu.memory_space<vmem>>, vector<16xf32>,
    %swap3A_251 = arith.constant 7 : i32
    %swap3A_252 = arith.index_cast %swap3A_251 : i32 to index
    %swap3A_253 = arith.constant 96 : index
    %swap3A_254 = tpu.vector_load %arg12[%swap3A_252, %swap3A_253] {strides = array<i32>} : memref<80x128xf32, #tpu.memory_space<vmem>>, vector<16xf32>,
    tpu.vector_store %arg12[%swap3A_252, %swap3A_253], %broadcast_in_dim3A_1 {strides = array<i32>} : memref<80x128xf32, #tpu.memory_space<vmem>>, vector<16xf32>,
    %swap3A_255 = arith.constant 7 : i32
    %swap3A_256 = arith.index_cast %swap3A_255 : i32 to index
    %swap3A_257 = arith.constant 112 : index
    %swap3A_258 = tpu.vector_load %arg12[%swap3A_256, %swap3A_257] {strides = array<i32>} : memref<80x128xf32, #tpu.memory_space<vmem>>, vector<16xf32>,
    tpu.vector_store %arg12[%swap3A_256, %swap3A_257], %broadcast_in_dim3A_1 {strides = array<i32>} : memref<80x128xf32, #tpu.memory_space<vmem>>, vector<16xf32>,
    %add3A = arith.constant 0 : i32
    %add3A_259 = vector.broadcast %add3A : i32 to vector<16xi32>
    %add3A_260 = arith.addi %iota3A, %add3A_259 : vector<16xi32>
    %swap3A_261 = arith.constant 0 : index
    %swap3A_262 = tpu.vector_load %arg15[%swap3A_261] {strides = array<i32>} : memref<80xi32, #tpu.memory_space<vmem>>, vector<16xi32>,
    tpu.vector_store %arg15[%swap3A_261], %add3A_260 {strides = array<i32>} : memref<80xi32, #tpu.memory_space<vmem>>, vector<16xi32>,
    %add3A_263 = arith.constant 16 : i32
    %add3A_264 = vector.broadcast %add3A_263 : i32 to vector<16xi32>
    %add3A_265 = arith.addi %iota3A, %add3A_264 : vector<16xi32>
    %swap3A_266 = arith.constant 16 : index
    %swap3A_267 = tpu.vector_load %arg15[%swap3A_266] {strides = array<i32>} : memref<80xi32, #tpu.memory_space<vmem>>, vector<16xi32>,
    tpu.vector_store %arg15[%swap3A_266], %add3A_265 {strides = array<i32>} : memref<80xi32, #tpu.memory_space<vmem>>, vector<16xi32>,
    %add3A_268 = arith.constant 32 : i32
    %add3A_269 = vector.broadcast %add3A_268 : i32 to vector<16xi32>
    %add3A_270 = arith.addi %iota3A, %add3A_269 : vector<16xi32>
    %swap3A_271 = arith.constant 32 : index
    %swap3A_272 = tpu.vector_load %arg15[%swap3A_271] {strides = array<i32>} : memref<80xi32, #tpu.memory_space<vmem>>, vector<16xi32>,
    tpu.vector_store %arg15[%swap3A_271], %add3A_270 {strides = array<i32>} : memref<80xi32, #tpu.memory_space<vmem>>, vector<16xi32>,
    %add3A_273 = arith.constant 48 : i32
    %add3A_274 = vector.broadcast %add3A_273 : i32 to vector<16xi32>
    %add3A_275 = arith.addi %iota3A, %add3A_274 : vector<16xi32>
    %swap3A_276 = arith.constant 48 : index
    %swap3A_277 = tpu.vector_load %arg15[%swap3A_276] {strides = array<i32>} : memref<80xi32, #tpu.memory_space<vmem>>, vector<16xi32>,
    tpu.vector_store %arg15[%swap3A_276], %add3A_275 {strides = array<i32>} : memref<80xi32, #tpu.memory_space<vmem>>, vector<16xi32>,
    %add3A_278 = arith.constant 64 : i32
    %add3A_279 = vector.broadcast %add3A_278 : i32 to vector<16xi32>
    %add3A_280 = arith.addi %iota3A, %add3A_279 : vector<16xi32>
    %swap3A_281 = arith.constant 64 : index
    %swap3A_282 = tpu.vector_load %arg15[%swap3A_281] {strides = array<i32>} : memref<80xi32, #tpu.memory_space<vmem>>, vector<16xi32>,
    tpu.vector_store %arg15[%swap3A_281], %add3A_280 {strides = array<i32>} : memref<80xi32, #tpu.memory_space<vmem>>, vector<16xi32>,
    %scan3A = arith.constant 0 : i32
    %scan3A_283 = arith.constant 0 : i32
    %scan3A_284 = arith.constant 640 : i32
    %scan3A_285 = arith.addi %scan3A_283, %scan3A_284 : i32
    %scan3A_286 = arith.constant 1 : i32
    scf.for %scan3A_339 = %scan3A_283 to %scan3A_285 step %scan3A_286  : i32 {
      %mul3A_340 = arith.constant 16 : i32
      %mul3A_341 = arith.muli %scan3A_339, %mul3A_340 : i32
      %swap3A_342 = arith.index_cast %mul3A_341 : i32 to index
      %swap3A_343 = tpu.vector_load %arg14[%swap3A_342] {strides = array<i32>} : memref<10240xf32, #tpu.memory_space<vmem>>, vector<16xf32>,
      tpu.vector_store %arg14[%swap3A_342], %broadcast_in_dim3A_1 {strides = array<i32>} : memref<10240xf32, #tpu.memory_space<vmem>>, vector<16xf32>,
    }
    %scan3A_287 = arith.constant 640 : i32
    %lt3A = arith.constant 15 : i32
    %lt3A_288 = arith.cmpi slt, %arg1, %lt3A : i32
    %convert_element_type3A = arith.extui %lt3A_288 : i1 to i32
    %cond3A = arith.constant 0 : i32
    %cond3A_289 = arith.cmpi ne, %convert_element_type3A, %cond3A : i32
    scf.if %cond3A_289 {
      %scan3A_339 = arith.constant 0 : i32
      %scan3A_340 = arith.constant 0 : i32
      %scan3A_341 = arith.constant 79 : i32
      %scan3A_342 = arith.addi %scan3A_340, %scan3A_341 : i32
      %scan3A_343 = arith.constant 1 : i32
      scf.for %scan3A_345 = %scan3A_340 to %scan3A_342 step %scan3A_343  : i32 {
        %mul3A_346 = arith.constant 8 : i32
        %mul3A_347 = arith.muli %scan3A_345, %mul3A_346 : i32
        %add3A_348 = arith.addi %multiple_of3A, %mul3A_347 : i32
        %multiple_of3A_349 = tpu.assume_multiple %add3A_348, 8 : i32
        "tpu.region"() ({
          %run_scoped3A = tpu.sem_alloc : memref<!tpu.dma_semaphore, #tpu.memory_space<semaphore_mem>>
          %dma_start3A_350 = arith.constant 0 : i32
          %dma_start3A_351 = arith.constant 0 : i32
          %dma_start3A_352 = tpu.memref_slice %arg12[%dma_start3A_350, %dma_start3A_351] : memref<80x128xf32, #tpu.memory_space<vmem>> -> memref<8x128xf32, #tpu.memory_space<vmem>>
          %dma_start3A_353 = arith.constant 0 : i32
          %dma_start3A_354 = tpu.memref_slice %arg16[%multiple_of3A_349, %dma_start3A_353] : memref<10000x128xf32, #tpu.memory_space<vmem_shared>> -> memref<8x128xf32, #tpu.memory_space<vmem_shared>>
          %dma_start3A_355 = arith.constant 0 : i32
          %dma_start3A_356 = tpu.memref_slice %arg16[%multiple_of3A_349, %dma_start3A_355] : memref<10000x128xf32, #tpu.memory_space<vmem_shared>> -> memref<8x128xf32, #tpu.memory_space<vmem_shared>>
          %dma_start3A_357 = arith.constant 0 : i32
          %dma_start3A_358 = arith.constant 0 : i32
          %dma_start3A_359 = tpu.memref_slice %arg12[%dma_start3A_357, %dma_start3A_358] : memref<80x128xf32, #tpu.memory_space<vmem>> -> memref<8x128xf32, #tpu.memory_space<vmem>>
          tpu.enqueue_dma source(%dma_start3A_359 : memref<8x128xf32, #tpu.memory_space<vmem>>) target(%dma_start3A_356 : memref<8x128xf32, #tpu.memory_space<vmem_shared>>) target_semaphore(%run_scoped3A : memref<!tpu.dma_semaphore, #tpu.memory_space<semaphore_mem>>)
          %dma_wait3A = arith.constant 0 : i32
          %dma_wait3A_360 = arith.constant 0 : i32
          %dma_wait3A_361 = tpu.memref_slice %arg12[%dma_wait3A, %dma_wait3A_360] : memref<80x128xf32, #tpu.memory_space<vmem>> -> memref<8x128xf32, #tpu.memory_space<vmem>>
          %dma_wait3A_362 = arith.constant 0 : i32
          %dma_wait3A_363 = tpu.memref_slice %arg16[%multiple_of3A_349, %dma_wait3A_362] : memref<10000x128xf32, #tpu.memory_space<vmem_shared>> -> memref<8x128xf32, #tpu.memory_space<vmem_shared>>
          %dma_wait3A_364 = arith.constant 0 : i32
          %dma_wait3A_365 = tpu.memref_slice %arg16[%multiple_of3A_349, %dma_wait3A_364] : memref<10000x128xf32, #tpu.memory_space<vmem_shared>> -> memref<8x128xf32, #tpu.memory_space<vmem_shared>>
          %dma_wait3A_366 = arith.constant 0 : i32
          %dma_wait3A_367 = arith.constant 0 : i32
          %dma_wait3A_368 = tpu.memref_slice %arg12[%dma_wait3A_366, %dma_wait3A_367] : memref<80x128xf32, #tpu.memory_space<vmem>> -> memref<8x128xf32, #tpu.memory_space<vmem>>
          tpu.wait_dma2 semaphore(%run_scoped3A : memref<!tpu.dma_semaphore, #tpu.memory_space<semaphore_mem>>) src(%dma_wait3A_368 : memref<8x128xf32, #tpu.memory_space<vmem>>) dst(%dma_wait3A_365 : memref<8x128xf32, #tpu.memory_space<vmem_shared>>)
          tpu.yield
        }) : () -> ()
      }
      %scan3A_344 = arith.constant 79 : i32
    } else {
    }
    %eq3A = arith.constant 15 : i32
    %eq3A_290 = arith.cmpi eq, %arg1, %eq3A : i32
    %convert_element_type3A_291 = arith.extui %eq3A_290 : i1 to i32
    %cond3A_292 = arith.constant 0 : i32
    %cond3A_293 = arith.cmpi ne, %convert_element_type3A_291, %cond3A_292 : i32
    scf.if %cond3A_293 {
      %scan3A_339 = arith.constant 0 : i32
      %scan3A_340 = arith.constant 0 : i32
      %scan3A_341 = arith.constant 65 : i32
      %scan3A_342 = arith.addi %scan3A_340, %scan3A_341 : i32
      %scan3A_343 = arith.constant 1 : i32
      scf.for %scan3A_345 = %scan3A_340 to %scan3A_342 step %scan3A_343  : i32 {
        %mul3A_346 = arith.constant 8 : i32
        %mul3A_347 = arith.muli %scan3A_345, %mul3A_346 : i32
        %add3A_348 = arith.addi %multiple_of3A, %mul3A_347 : i32
        %multiple_of3A_349 = tpu.assume_multiple %add3A_348, 8 : i32
        "tpu.region"() ({
          %run_scoped3A = tpu.sem_alloc : memref<!tpu.dma_semaphore, #tpu.memory_space<semaphore_mem>>
          %dma_start3A_350 = arith.constant 0 : i32
          %dma_start3A_351 = arith.constant 0 : i32
          %dma_start3A_352 = tpu.memref_slice %arg12[%dma_start3A_350, %dma_start3A_351] : memref<80x128xf32, #tpu.memory_space<vmem>> -> memref<8x128xf32, #tpu.memory_space<vmem>>
          %dma_start3A_353 = arith.constant 0 : i32
          %dma_start3A_354 = tpu.memref_slice %arg16[%multiple_of3A_349, %dma_start3A_353] : memref<10000x128xf32, #tpu.memory_space<vmem_shared>> -> memref<8x128xf32, #tpu.memory_space<vmem_shared>>
          %dma_start3A_355 = arith.constant 0 : i32
          %dma_start3A_356 = tpu.memref_slice %arg16[%multiple_of3A_349, %dma_start3A_355] : memref<10000x128xf32, #tpu.memory_space<vmem_shared>> -> memref<8x128xf32, #tpu.memory_space<vmem_shared>>
          %dma_start3A_357 = arith.constant 0 : i32
          %dma_start3A_358 = arith.constant 0 : i32
          %dma_start3A_359 = tpu.memref_slice %arg12[%dma_start3A_357, %dma_start3A_358] : memref<80x128xf32, #tpu.memory_space<vmem>> -> memref<8x128xf32, #tpu.memory_space<vmem>>
          tpu.enqueue_dma source(%dma_start3A_359 : memref<8x128xf32, #tpu.memory_space<vmem>>) target(%dma_start3A_356 : memref<8x128xf32, #tpu.memory_space<vmem_shared>>) target_semaphore(%run_scoped3A : memref<!tpu.dma_semaphore, #tpu.memory_space<semaphore_mem>>)
          %dma_wait3A = arith.constant 0 : i32
          %dma_wait3A_360 = arith.constant 0 : i32
          %dma_wait3A_361 = tpu.memref_slice %arg12[%dma_wait3A, %dma_wait3A_360] : memref<80x128xf32, #tpu.memory_space<vmem>> -> memref<8x128xf32, #tpu.memory_space<vmem>>
          %dma_wait3A_362 = arith.constant 0 : i32
          %dma_wait3A_363 = tpu.memref_slice %arg16[%multiple_of3A_349, %dma_wait3A_362] : memref<10000x128xf32, #tpu.memory_space<vmem_shared>> -> memref<8x128xf32, #tpu.memory_space<vmem_shared>>
          %dma_wait3A_364 = arith.constant 0 : i32
          %dma_wait3A_365 = tpu.memref_slice %arg16[%multiple_of3A_349, %dma_wait3A_364] : memref<10000x128xf32, #tpu.memory_space<vmem_shared>> -> memref<8x128xf32, #tpu.memory_space<vmem_shared>>
          %dma_wait3A_366 = arith.constant 0 : i32
          %dma_wait3A_367 = arith.constant 0 : i32
          %dma_wait3A_368 = tpu.memref_slice %arg12[%dma_wait3A_366, %dma_wait3A_367] : memref<80x128xf32, #tpu.memory_space<vmem>> -> memref<8x128xf32, #tpu.memory_space<vmem>>
          tpu.wait_dma2 semaphore(%run_scoped3A : memref<!tpu.dma_semaphore, #tpu.memory_space<semaphore_mem>>) src(%dma_wait3A_368 : memref<8x128xf32, #tpu.memory_space<vmem>>) dst(%dma_wait3A_365 : memref<8x128xf32, #tpu.memory_space<vmem_shared>>)
          tpu.yield
        }) : () -> ()
      }
      %scan3A_344 = arith.constant 65 : i32
    } else {
    }
    %dma_start3A = arith.constant 0 : i32
    %dma_start3A_294 = arith.constant 0 : i32
    %dma_start3A_295 = arith.constant 0 : i32
    %dma_start3A_296 = arith.constant 0 : i32
    %dma_start3A_297 = tpu.memref_slice %arg4[%dma_start3A, %arg1, %dma_start3A_294, %dma_start3A_295, %dma_start3A_296] : memref<2x16x25x5x80xi32, #tpu.memory_space<hbm>> -> memref<1x1x1x5x80xi32, #tpu.memory_space<hbm>>
    %dma_start3A_298 = tpu.memref_squeeze %dma_start3A_297 : memref<1x1x1x5x80xi32, #tpu.memory_space<hbm>> -> memref<5x80xi32, #tpu.memory_space<hbm>>
    %dma_start3A_299 = arith.constant 0 : i32
    %dma_start3A_300 = arith.constant 0 : i32
    %dma_start3A_301 = tpu.memref_slice %arg4[%dma_start3A, %arg1, %dma_start3A_294, %dma_start3A_299, %dma_start3A_300] : memref<2x16x25x5x80xi32, #tpu.memory_space<hbm>> -> memref<1x1x1x5x80xi32, #tpu.memory_space<hbm>>
    %dma_start3A_302 = tpu.memref_squeeze %dma_start3A_301 : memref<1x1x1x5x80xi32, #tpu.memory_space<hbm>> -> memref<5x80xi32, #tpu.memory_space<hbm>>
    tpu.enqueue_dma source(%dma_start3A_302 : memref<5x80xi32, #tpu.memory_space<hbm>>) target(%arg8 : memref<5x80xi32, #tpu.memory_space<vmem>>) target_semaphore(%arg18 : memref<!tpu.dma_semaphore, #tpu.memory_space<semaphore_mem>>)
    %dma_start3A_303 = arith.constant 1 : i32
    %dma_start3A_304 = arith.constant 0 : i32
    %dma_start3A_305 = arith.constant 0 : i32
    %dma_start3A_306 = arith.constant 0 : i32
    %dma_start3A_307 = tpu.memref_slice %arg4[%dma_start3A_303, %arg1, %dma_start3A_304, %dma_start3A_305, %dma_start3A_306] : memref<2x16x25x5x80xi32, #tpu.memory_space<hbm>> -> memref<1x1x1x5x80xi32, #tpu.memory_space<hbm>>
    %dma_start3A_308 = tpu.memref_squeeze %dma_start3A_307 : memref<1x1x1x5x80xi32, #tpu.memory_space<hbm>> -> memref<5x80xi32, #tpu.memory_space<hbm>>
    %dma_start3A_309 = arith.constant 0 : i32
    %dma_start3A_310 = arith.constant 0 : i32
    %dma_start3A_311 = tpu.memref_slice %arg4[%dma_start3A_303, %arg1, %dma_start3A_304, %dma_start3A_309, %dma_start3A_310] : memref<2x16x25x5x80xi32, #tpu.memory_space<hbm>> -> memref<1x1x1x5x80xi32, #tpu.memory_space<hbm>>
    %dma_start3A_312 = tpu.memref_squeeze %dma_start3A_311 : memref<1x1x1x5x80xi32, #tpu.memory_space<hbm>> -> memref<5x80xi32, #tpu.memory_space<hbm>>
    tpu.enqueue_dma source(%dma_start3A_312 : memref<5x80xi32, #tpu.memory_space<hbm>>) target(%arg10 : memref<5x80xi32, #tpu.memory_space<vmem>>) target_semaphore(%arg18 : memref<!tpu.dma_semaphore, #tpu.memory_space<semaphore_mem>>)
    %barrier3A = arith.constant 0 : index
    tpu.barrier barrier_id(%barrier3A)
    %eq3A_313 = arith.constant 0 : i32
    %eq3A_314 = arith.cmpi eq, %arg0, %eq3A_313 : i32
    %convert_element_type3A_315 = arith.extui %eq3A_314 : i1 to i32
    %cond3A_316 = arith.constant 0 : i32
    %cond3A_317 = arith.cmpi ne, %convert_element_type3A_315, %cond3A_316 : i32
    scf.if %cond3A_317 {
      %dma_wait3A = arith.constant 0 : i32
      %dma_wait3A_339 = arith.constant 0 : i32
      %dma_wait3A_340 = arith.constant 0 : i32
      %dma_wait3A_341 = arith.constant 0 : i32
      %dma_wait3A_342 = tpu.memref_slice %arg4[%dma_wait3A, %arg1, %dma_wait3A_339, %dma_wait3A_340, %dma_wait3A_341] : memref<2x16x25x5x80xi32, #tpu.memory_space<hbm>> -> memref<1x1x1x5x80xi32, #tpu.memory_space<hbm>>
      %dma_wait3A_343 = tpu.memref_squeeze %dma_wait3A_342 : memref<1x1x1x5x80xi32, #tpu.memory_space<hbm>> -> memref<5x80xi32, #tpu.memory_space<hbm>>
      %dma_wait3A_344 = arith.constant 0 : i32
      %dma_wait3A_345 = arith.constant 0 : i32
      %dma_wait3A_346 = tpu.memref_slice %arg4[%dma_wait3A, %arg1, %dma_wait3A_339, %dma_wait3A_344, %dma_wait3A_345] : memref<2x16x25x5x80xi32, #tpu.memory_space<hbm>> -> memref<1x1x1x5x80xi32, #tpu.memory_space<hbm>>
      %dma_wait3A_347 = tpu.memref_squeeze %dma_wait3A_346 : memref<1x1x1x5x80xi32, #tpu.memory_space<hbm>> -> memref<5x80xi32, #tpu.memory_space<hbm>>
      tpu.wait_dma2 semaphore(%arg18 : memref<!tpu.dma_semaphore, #tpu.memory_space<semaphore_mem>>) src(%dma_wait3A_347 : memref<5x80xi32, #tpu.memory_space<hbm>>) dst(%arg8 : memref<5x80xi32, #tpu.memory_space<vmem>>)
      %dma_wait3A_348 = arith.constant 1 : i32
      %dma_wait3A_349 = arith.constant 0 : i32
      %dma_wait3A_350 = arith.constant 0 : i32
      %dma_wait3A_351 = arith.constant 0 : i32
      %dma_wait3A_352 = tpu.memref_slice %arg4[%dma_wait3A_348, %arg1, %dma_wait3A_349, %dma_wait3A_350, %dma_wait3A_351] : memref<2x16x25x5x80xi32, #tpu.memory_space<hbm>> -> memref<1x1x1x5x80xi32, #tpu.memory_space<hbm>>
      %dma_wait3A_353 = tpu.memref_squeeze %dma_wait3A_352 : memref<1x1x1x5x80xi32, #tpu.memory_space<hbm>> -> memref<5x80xi32, #tpu.memory_space<hbm>>
      %dma_wait3A_354 = arith.constant 0 : i32
      %dma_wait3A_355 = arith.constant 0 : i32
      %dma_wait3A_356 = tpu.memref_slice %arg4[%dma_wait3A_348, %arg1, %dma_wait3A_349, %dma_wait3A_354, %dma_wait3A_355] : memref<2x16x25x5x80xi32, #tpu.memory_space<hbm>> -> memref<1x1x1x5x80xi32, #tpu.memory_space<hbm>>
      %dma_wait3A_357 = tpu.memref_squeeze %dma_wait3A_356 : memref<1x1x1x5x80xi32, #tpu.memory_space<hbm>> -> memref<5x80xi32, #tpu.memory_space<hbm>>
      tpu.wait_dma2 semaphore(%arg18 : memref<!tpu.dma_semaphore, #tpu.memory_space<semaphore_mem>>) src(%dma_wait3A_357 : memref<5x80xi32, #tpu.memory_space<hbm>>) dst(%arg10 : memref<5x80xi32, #tpu.memory_space<vmem>>)
      %dma_start3A_358 = arith.constant 0 : i32
      %dma_start3A_359 = arith.constant 0 : i32
      %dma_start3A_360 = tpu.memref_slice %arg8[%dma_start3A_358, %dma_start3A_359] : memref<5x80xi32, #tpu.memory_space<vmem>> -> memref<1x80xi32, #tpu.memory_space<vmem>>
      %dma_start3A_361 = tpu.memref_squeeze %dma_start3A_360 : memref<1x80xi32, #tpu.memory_space<vmem>> -> memref<80xi32, #tpu.memory_space<vmem>>
      %dma_start3A_362 = arith.constant 0 : i32
      %dma_start3A_363 = arith.constant 0 : i32
      %dma_start3A_364 = tpu.memref_slice %arg2[%dma_start3A_362, %dma_start3A_363] : memref<10000x128xf32, #tpu.memory_space<hbm>> -> memref<10000x128xf32, #tpu.memory_space<hbm>>
      tpu.enqueue_indirect_dma source(%dma_start3A_364 : memref<10000x128xf32, #tpu.memory_space<hbm>>) target(%arg12 : memref<80x128xf32, #tpu.memory_space<vmem>>) offsets(%dma_start3A_361 : memref<80xi32, #tpu.memory_space<vmem>>) semaphore(%arg17 : memref<!tpu.dma_semaphore, #tpu.memory_space<semaphore_mem>>)
      %dma_start3A_365 = arith.constant 0 : i32
      %dma_start3A_366 = arith.constant 1 : i32
      %dma_start3A_367 = arith.constant 0 : i32
      %dma_start3A_368 = arith.constant 0 : i32
      %dma_start3A_369 = tpu.memref_slice %arg4[%dma_start3A_365, %arg1, %dma_start3A_366, %dma_start3A_367, %dma_start3A_368] : memref<2x16x25x5x80xi32, #tpu.memory_space<hbm>> -> memref<1x1x1x5x80xi32, #tpu.memory_space<hbm>>
      %dma_start3A_370 = tpu.memref_squeeze %dma_start3A_369 : memref<1x1x1x5x80xi32, #tpu.memory_space<hbm>> -> memref<5x80xi32, #tpu.memory_space<hbm>>
      %dma_start3A_371 = arith.constant 0 : i32
      %dma_start3A_372 = arith.constant 0 : i32
      %dma_start3A_373 = tpu.memref_slice %arg4[%dma_start3A_365, %arg1, %dma_start3A_366, %dma_start3A_371, %dma_start3A_372] : memref<2x16x25x5x80xi32, #tpu.memory_space<hbm>> -> memref<1x1x1x5x80xi32, #tpu.memory_space<hbm>>
      %dma_start3A_374 = tpu.memref_squeeze %dma_start3A_373 : memref<1x1x1x5x80xi32, #tpu.memory_space<hbm>> -> memref<5x80xi32, #tpu.memory_space<hbm>>
      tpu.enqueue_dma source(%dma_start3A_374 : memref<5x80xi32, #tpu.memory_space<hbm>>) target(%arg9 : memref<5x80xi32, #tpu.memory_space<vmem>>) target_semaphore(%arg18 : memref<!tpu.dma_semaphore, #tpu.memory_space<semaphore_mem>>)
      %dma_start3A_375 = arith.constant 1 : i32
      %dma_start3A_376 = arith.constant 1 : i32
      %dma_start3A_377 = arith.constant 0 : i32
      %dma_start3A_378 = arith.constant 0 : i32
      %dma_start3A_379 = tpu.memref_slice %arg4[%dma_start3A_375, %arg1, %dma_start3A_376, %dma_start3A_377, %dma_start3A_378] : memref<2x16x25x5x80xi32, #tpu.memory_space<hbm>> -> memref<1x1x1x5x80xi32, #tpu.memory_space<hbm>>
      %dma_start3A_380 = tpu.memref_squeeze %dma_start3A_379 : memref<1x1x1x5x80xi32, #tpu.memory_space<hbm>> -> memref<5x80xi32, #tpu.memory_space<hbm>>
      %dma_start3A_381 = arith.constant 0 : i32
      %dma_start3A_382 = arith.constant 0 : i32
      %dma_start3A_383 = tpu.memref_slice %arg4[%dma_start3A_375, %arg1, %dma_start3A_376, %dma_start3A_381, %dma_start3A_382] : memref<2x16x25x5x80xi32, #tpu.memory_space<hbm>> -> memref<1x1x1x5x80xi32, #tpu.memory_space<hbm>>
      %dma_start3A_384 = tpu.memref_squeeze %dma_start3A_383 : memref<1x1x1x5x80xi32, #tpu.memory_space<hbm>> -> memref<5x80xi32, #tpu.memory_space<hbm>>
      tpu.enqueue_dma source(%dma_start3A_384 : memref<5x80xi32, #tpu.memory_space<hbm>>) target(%arg11 : memref<5x80xi32, #tpu.memory_space<vmem>>) target_semaphore(%arg18 : memref<!tpu.dma_semaphore, #tpu.memory_space<semaphore_mem>>)
      %scan3A_385 = arith.constant 0 : i32
      %scan3A_386 = arith.constant 0 : i32
      %scan3A_387 = arith.constant 12 : i32
      %scan3A_388 = arith.addi %scan3A_386, %scan3A_387 : i32
      %scan3A_389 = arith.constant 1 : i32
      scf.for %scan3A_557 = %scan3A_386 to %scan3A_388 step %scan3A_389  : i32 {
        %mul3A_558 = arith.constant 2 : i32
        %mul3A_559 = arith.muli %mul3A_558, %scan3A_557 : i32
        %dma_wait3A_560 = arith.constant 0 : i32
        %dma_wait3A_561 = arith.constant 0 : i32
        %dma_wait3A_562 = tpu.memref_slice %arg8[%dma_wait3A_560, %dma_wait3A_561] : memref<5x80xi32, #tpu.memory_space<vmem>> -> memref<1x80xi32, #tpu.memory_space<vmem>>
        %dma_wait3A_563 = tpu.memref_squeeze %dma_wait3A_562 : memref<1x80xi32, #tpu.memory_space<vmem>> -> memref<80xi32, #tpu.memory_space<vmem>>
        %dma_wait3A_564 = arith.constant 0 : i32
        %dma_wait3A_565 = arith.constant 0 : i32
        %dma_wait3A_566 = tpu.memref_slice %arg2[%dma_wait3A_564, %dma_wait3A_565] : memref<10000x128xf32, #tpu.memory_space<hbm>> -> memref<10000x128xf32, #tpu.memory_space<hbm>>
        tpu.wait_indirect_dma semaphore(%arg17 : memref<!tpu.dma_semaphore, #tpu.memory_space<semaphore_mem>>) src(%dma_wait3A_566 : memref<10000x128xf32, #tpu.memory_space<hbm>>) dst(%arg12 : memref<80x128xf32, #tpu.memory_space<vmem>>)
        %dma_start3A_567 = arith.constant 1 : i32
        %dma_start3A_568 = arith.constant 0 : i32
        %dma_start3A_569 = tpu.memref_slice %arg8[%dma_start3A_567, %dma_start3A_568] : memref<5x80xi32, #tpu.memory_space<vmem>> -> memref<1x80xi32, #tpu.memory_space<vmem>>
        %dma_start3A_570 = tpu.memref_squeeze %dma_start3A_569 : memref<1x80xi32, #tpu.memory_space<vmem>> -> memref<80xi32, #tpu.memory_space<vmem>>
        %dma_start3A_571 = arith.constant 0 : i32
        %dma_start3A_572 = arith.constant 0 : i32
        %dma_start3A_573 = tpu.memref_slice %arg2[%dma_start3A_571, %dma_start3A_572] : memref<10000x128xf32, #tpu.memory_space<hbm>> -> memref<10000x128xf32, #tpu.memory_space<hbm>>
        tpu.enqueue_indirect_dma source(%dma_start3A_573 : memref<10000x128xf32, #tpu.memory_space<hbm>>) target(%arg13 : memref<80x128xf32, #tpu.memory_space<vmem>>) offsets(%dma_start3A_570 : memref<80xi32, #tpu.memory_space<vmem>>) semaphore(%arg17 : memref<!tpu.dma_semaphore, #tpu.memory_space<semaphore_mem>>)
        %run_scoped3A_574 = arith.constant 0 : i32
        "tpu.region"() ({
          %run_scoped3A_977 = tpu.sem_alloc : memref<!tpu.dma_semaphore, #tpu.memory_space<semaphore_mem>>
          %dma_start3A_978 = arith.constant 0 : i32
          %dma_start3A_979 = tpu.memref_slice %arg10[%run_scoped3A_574, %dma_start3A_978] : memref<5x80xi32, #tpu.memory_space<vmem>> -> memref<1x80xi32, #tpu.memory_space<vmem>>
          %dma_start3A_980 = tpu.memref_squeeze %dma_start3A_979 : memref<1x80xi32, #tpu.memory_space<vmem>> -> memref<80xi32, #tpu.memory_space<vmem>>
          %dma_start3A_981 = arith.constant 0 : i32
          %dma_start3A_982 = arith.constant 0 : i32
          %dma_start3A_983 = tpu.memref_slice %arg16[%dma_start3A_981, %dma_start3A_982] : memref<10000x128xf32, #tpu.memory_space<vmem_shared>> -> memref<10000x128xf32, #tpu.memory_space<vmem_shared>>
          tpu.enqueue_indirect_dma source(%arg12 : memref<80x128xf32, #tpu.memory_space<vmem>>) target(%dma_start3A_983 : memref<10000x128xf32, #tpu.memory_space<vmem_shared>>) offsets(%dma_start3A_980 : memref<80xi32, #tpu.memory_space<vmem>>) semaphore(%run_scoped3A_977 : memref<!tpu.dma_semaphore, #tpu.memory_space<semaphore_mem>>) {add = true}
          %dma_wait3A_984 = arith.constant 0 : i32
          %dma_wait3A_985 = tpu.memref_slice %arg10[%run_scoped3A_574, %dma_wait3A_984] : memref<5x80xi32, #tpu.memory_space<vmem>> -> memref<1x80xi32, #tpu.memory_space<vmem>>
          %dma_wait3A_986 = tpu.memref_squeeze %dma_wait3A_985 : memref<1x80xi32, #tpu.memory_space<vmem>> -> memref<80xi32, #tpu.memory_space<vmem>>
          %dma_wait3A_987 = arith.constant 0 : i32
          %dma_wait3A_988 = arith.constant 0 : i32
          %dma_wait3A_989 = tpu.memref_slice %arg16[%dma_wait3A_987, %dma_wait3A_988] : memref<10000x128xf32, #tpu.memory_space<vmem_shared>> -> memref<10000x128xf32, #tpu.memory_space<vmem_shared>>
          tpu.wait_indirect_dma semaphore(%run_scoped3A_977 : memref<!tpu.dma_semaphore, #tpu.memory_space<semaphore_mem>>) src(%arg12 : memref<80x128xf32, #tpu.memory_space<vmem>>) dst(%dma_wait3A_989 : memref<10000x128xf32, #tpu.memory_space<vmem_shared>>)
          tpu.yield
        }) : () -> ()
        %get3A_575 = arith.constant 0 : i32
        %get3A_576 = arith.index_cast %get3A_575 : i32 to index
        %get3A_577 = arith.constant 0 : index
        %get3A_578 = tpu.vector_load %arg10[%get3A_576, %get3A_577] {strides = array<i32>} : memref<5x80xi32, #tpu.memory_space<vmem>>, vector<16xi32>,
        tpu.vector_store_idx %arg14[%get3A_578], %broadcast_in_dim3A_3 {add = true} : memref<10240xf32, #tpu.memory_space<vmem>>[vector<16xi32>], vector<16xf32>,
        %get3A_579 = arith.constant 0 : i32
        %get3A_580 = arith.index_cast %get3A_579 : i32 to index
        %get3A_581 = arith.constant 16 : index
        %get3A_582 = tpu.vector_load %arg10[%get3A_580, %get3A_581] {strides = array<i32>} : memref<5x80xi32, #tpu.memory_space<vmem>>, vector<16xi32>,
        tpu.vector_store_idx %arg14[%get3A_582], %broadcast_in_dim3A_3 {add = true} : memref<10240xf32, #tpu.memory_space<vmem>>[vector<16xi32>], vector<16xf32>,
        %get3A_583 = arith.constant 0 : i32
        %get3A_584 = arith.index_cast %get3A_583 : i32 to index
        %get3A_585 = arith.constant 32 : index
        %get3A_586 = tpu.vector_load %arg10[%get3A_584, %get3A_585] {strides = array<i32>} : memref<5x80xi32, #tpu.memory_space<vmem>>, vector<16xi32>,
        tpu.vector_store_idx %arg14[%get3A_586], %broadcast_in_dim3A_3 {add = true} : memref<10240xf32, #tpu.memory_space<vmem>>[vector<16xi32>], vector<16xf32>,
        %get3A_587 = arith.constant 0 : i32
        %get3A_588 = arith.index_cast %get3A_587 : i32 to index
        %get3A_589 = arith.constant 48 : index
        %get3A_590 = tpu.vector_load %arg10[%get3A_588, %get3A_589] {strides = array<i32>} : memref<5x80xi32, #tpu.memory_space<vmem>>, vector<16xi32>,
        tpu.vector_store_idx %arg14[%get3A_590], %broadcast_in_dim3A_3 {add = true} : memref<10240xf32, #tpu.memory_space<vmem>>[vector<16xi32>], vector<16xf32>,
        %get3A_591 = arith.constant 0 : i32
        %get3A_592 = arith.index_cast %get3A_591 : i32 to index
        %get3A_593 = arith.constant 64 : index
        %get3A_594 = tpu.vector_load %arg10[%get3A_592, %get3A_593] {strides = array<i32>} : memref<5x80xi32, #tpu.memory_space<vmem>>, vector<16xi32>,
        tpu.vector_store_idx %arg14[%get3A_594], %broadcast_in_dim3A_3 {add = true} : memref<10240xf32, #tpu.memory_space<vmem>>[vector<16xi32>], vector<16xf32>,
        %dma_wait3A_595 = arith.constant 1 : i32
        %dma_wait3A_596 = arith.constant 0 : i32
        %dma_wait3A_597 = tpu.memref_slice %arg8[%dma_wait3A_595, %dma_wait3A_596] : memref<5x80xi32, #tpu.memory_space<vmem>> -> memref<1x80xi32, #tpu.memory_space<vmem>>
        %dma_wait3A_598 = tpu.memref_squeeze %dma_wait3A_597 : memref<1x80xi32, #tpu.memory_space<vmem>> -> memref<80xi32, #tpu.memory_space<vmem>>
        %dma_wait3A_599 = arith.constant 0 : i32
        %dma_wait3A_600 = arith.constant 0 : i32
        %dma_wait3A_601 = tpu.memref_slice %arg2[%dma_wait3A_599, %dma_wait3A_600] : memref<10000x128xf32, #tpu.memory_space<hbm>> -> memref<10000x128xf32, #tpu.memory_space<hbm>>
        tpu.wait_indirect_dma semaphore(%arg17 : memref<!tpu.dma_semaphore, #tpu.memory_space<semaphore_mem>>) src(%dma_wait3A_601 : memref<10000x128xf32, #tpu.memory_space<hbm>>) dst(%arg13 : memref<80x128xf32, #tpu.memory_space<vmem>>)
        %dma_start3A_602 = arith.constant 2 : i32
        %dma_start3A_603 = arith.constant 0 : i32
        %dma_start3A_604 = tpu.memref_slice %arg8[%dma_start3A_602, %dma_start3A_603] : memref<5x80xi32, #tpu.memory_space<vmem>> -> memref<1x80xi32, #tpu.memory_space<vmem>>
        %dma_start3A_605 = tpu.memref_squeeze %dma_start3A_604 : memref<1x80xi32, #tpu.memory_space<vmem>> -> memref<80xi32, #tpu.memory_space<vmem>>
        %dma_start3A_606 = arith.constant 0 : i32
        %dma_start3A_607 = arith.constant 0 : i32
        %dma_start3A_608 = tpu.memref_slice %arg2[%dma_start3A_606, %dma_start3A_607] : memref<10000x128xf32, #tpu.memory_space<hbm>> -> memref<10000x128xf32, #tpu.memory_space<hbm>>
        tpu.enqueue_indirect_dma source(%dma_start3A_608 : memref<10000x128xf32, #tpu.memory_space<hbm>>) target(%arg12 : memref<80x128xf32, #tpu.memory_space<vmem>>) offsets(%dma_start3A_605 : memref<80xi32, #tpu.memory_space<vmem>>) semaphore(%arg17 : memref<!tpu.dma_semaphore, #tpu.memory_space<semaphore_mem>>)
        %run_scoped3A_609 = arith.constant 1 : i32
        "tpu.region"() ({
          %run_scoped3A_977 = tpu.sem_alloc : memref<!tpu.dma_semaphore, #tpu.memory_space<semaphore_mem>>
          %dma_start3A_978 = arith.constant 0 : i32
          %dma_start3A_979 = tpu.memref_slice %arg10[%run_scoped3A_609, %dma_start3A_978] : memref<5x80xi32, #tpu.memory_space<vmem>> -> memref<1x80xi32, #tpu.memory_space<vmem>>
          %dma_start3A_980 = tpu.memref_squeeze %dma_start3A_979 : memref<1x80xi32, #tpu.memory_space<vmem>> -> memref<80xi32, #tpu.memory_space<vmem>>
          %dma_start3A_981 = arith.constant 0 : i32
          %dma_start3A_982 = arith.constant 0 : i32
          %dma_start3A_983 = tpu.memref_slice %arg16[%dma_start3A_981, %dma_start3A_982] : memref<10000x128xf32, #tpu.memory_space<vmem_shared>> -> memref<10000x128xf32, #tpu.memory_space<vmem_shared>>
          tpu.enqueue_indirect_dma source(%arg13 : memref<80x128xf32, #tpu.memory_space<vmem>>) target(%dma_start3A_983 : memref<10000x128xf32, #tpu.memory_space<vmem_shared>>) offsets(%dma_start3A_980 : memref<80xi32, #tpu.memory_space<vmem>>) semaphore(%run_scoped3A_977 : memref<!tpu.dma_semaphore, #tpu.memory_space<semaphore_mem>>) {add = true}
          %dma_wait3A_984 = arith.constant 0 : i32
          %dma_wait3A_985 = tpu.memref_slice %arg10[%run_scoped3A_609, %dma_wait3A_984] : memref<5x80xi32, #tpu.memory_space<vmem>> -> memref<1x80xi32, #tpu.memory_space<vmem>>
          %dma_wait3A_986 = tpu.memref_squeeze %dma_wait3A_985 : memref<1x80xi32, #tpu.memory_space<vmem>> -> memref<80xi32, #tpu.memory_space<vmem>>
          %dma_wait3A_987 = arith.constant 0 : i32
          %dma_wait3A_988 = arith.constant 0 : i32
          %dma_wait3A_989 = tpu.memref_slice %arg16[%dma_wait3A_987, %dma_wait3A_988] : memref<10000x128xf32, #tpu.memory_space<vmem_shared>> -> memref<10000x128xf32, #tpu.memory_space<vmem_shared>>
          tpu.wait_indirect_dma semaphore(%run_scoped3A_977 : memref<!tpu.dma_semaphore, #tpu.memory_space<semaphore_mem>>) src(%arg13 : memref<80x128xf32, #tpu.memory_space<vmem>>) dst(%dma_wait3A_989 : memref<10000x128xf32, #tpu.memory_space<vmem_shared>>)
          tpu.yield
        }) : () -> ()
        %get3A_610 = arith.constant 1 : i32
        %get3A_611 = arith.index_cast %get3A_610 : i32 to index
        %get3A_612 = arith.constant 0 : index
        %get3A_613 = tpu.vector_load %arg10[%get3A_611, %get3A_612] {strides = array<i32>} : memref<5x80xi32, #tpu.memory_space<vmem>>, vector<16xi32>,
        tpu.vector_store_idx %arg14[%get3A_613], %broadcast_in_dim3A_3 {add = true} : memref<10240xf32, #tpu.memory_space<vmem>>[vector<16xi32>], vector<16xf32>,
        %get3A_614 = arith.constant 1 : i32
        %get3A_615 = arith.index_cast %get3A_614 : i32 to index
        %get3A_616 = arith.constant 16 : index
        %get3A_617 = tpu.vector_load %arg10[%get3A_615, %get3A_616] {strides = array<i32>} : memref<5x80xi32, #tpu.memory_space<vmem>>, vector<16xi32>,
        tpu.vector_store_idx %arg14[%get3A_617], %broadcast_in_dim3A_3 {add = true} : memref<10240xf32, #tpu.memory_space<vmem>>[vector<16xi32>], vector<16xf32>,
        %get3A_618 = arith.constant 1 : i32
        %get3A_619 = arith.index_cast %get3A_618 : i32 to index
        %get3A_620 = arith.constant 32 : index
        %get3A_621 = tpu.vector_load %arg10[%get3A_619, %get3A_620] {strides = array<i32>} : memref<5x80xi32, #tpu.memory_space<vmem>>, vector<16xi32>,
        tpu.vector_store_idx %arg14[%get3A_621], %broadcast_in_dim3A_3 {add = true} : memref<10240xf32, #tpu.memory_space<vmem>>[vector<16xi32>], vector<16xf32>,
        %get3A_622 = arith.constant 1 : i32
        %get3A_623 = arith.index_cast %get3A_622 : i32 to index
        %get3A_624 = arith.constant 48 : index
        %get3A_625 = tpu.vector_load %arg10[%get3A_623, %get3A_624] {strides = array<i32>} : memref<5x80xi32, #tpu.memory_space<vmem>>, vector<16xi32>,
        tpu.vector_store_idx %arg14[%get3A_625], %broadcast_in_dim3A_3 {add = true} : memref<10240xf32, #tpu.memory_space<vmem>>[vector<16xi32>], vector<16xf32>,
        %get3A_626 = arith.constant 1 : i32
        %get3A_627 = arith.index_cast %get3A_626 : i32 to index
        %get3A_628 = arith.constant 64 : index
        %get3A_629 = tpu.vector_load %arg10[%get3A_627, %get3A_628] {strides = array<i32>} : memref<5x80xi32, #tpu.memory_space<vmem>>, vector<16xi32>,
        tpu.vector_store_idx %arg14[%get3A_629], %broadcast_in_dim3A_3 {add = true} : memref<10240xf32, #tpu.memory_space<vmem>>[vector<16xi32>], vector<16xf32>,
        %dma_wait3A_630 = arith.constant 2 : i32
        %dma_wait3A_631 = arith.constant 0 : i32
        %dma_wait3A_632 = tpu.memref_slice %arg8[%dma_wait3A_630, %dma_wait3A_631] : memref<5x80xi32, #tpu.memory_space<vmem>> -> memref<1x80xi32, #tpu.memory_space<vmem>>
        %dma_wait3A_633 = tpu.memref_squeeze %dma_wait3A_632 : memref<1x80xi32, #tpu.memory_space<vmem>> -> memref<80xi32, #tpu.memory_space<vmem>>
        %dma_wait3A_634 = arith.constant 0 : i32
        %dma_wait3A_635 = arith.constant 0 : i32
        %dma_wait3A_636 = tpu.memref_slice %arg2[%dma_wait3A_634, %dma_wait3A_635] : memref<10000x128xf32, #tpu.memory_space<hbm>> -> memref<10000x128xf32, #tpu.memory_space<hbm>>
        tpu.wait_indirect_dma semaphore(%arg17 : memref<!tpu.dma_semaphore, #tpu.memory_space<semaphore_mem>>) src(%dma_wait3A_636 : memref<10000x128xf32, #tpu.memory_space<hbm>>) dst(%arg12 : memref<80x128xf32, #tpu.memory_space<vmem>>)
        %dma_start3A_637 = arith.constant 3 : i32
        %dma_start3A_638 = arith.constant 0 : i32
        %dma_start3A_639 = tpu.memref_slice %arg8[%dma_start3A_637, %dma_start3A_638] : memref<5x80xi32, #tpu.memory_space<vmem>> -> memref<1x80xi32, #tpu.memory_space<vmem>>
        %dma_start3A_640 = tpu.memref_squeeze %dma_start3A_639 : memref<1x80xi32, #tpu.memory_space<vmem>> -> memref<80xi32, #tpu.memory_space<vmem>>
        %dma_start3A_641 = arith.constant 0 : i32
        %dma_start3A_642 = arith.constant 0 : i32
        %dma_start3A_643 = tpu.memref_slice %arg2[%dma_start3A_641, %dma_start3A_642] : memref<10000x128xf32, #tpu.memory_space<hbm>> -> memref<10000x128xf32, #tpu.memory_space<hbm>>
        tpu.enqueue_indirect_dma source(%dma_start3A_643 : memref<10000x128xf32, #tpu.memory_space<hbm>>) target(%arg13 : memref<80x128xf32, #tpu.memory_space<vmem>>) offsets(%dma_start3A_640 : memref<80xi32, #tpu.memory_space<vmem>>) semaphore(%arg17 : memref<!tpu.dma_semaphore, #tpu.memory_space<semaphore_mem>>)
        %run_scoped3A_644 = arith.constant 2 : i32
        "tpu.region"() ({
          %run_scoped3A_977 = tpu.sem_alloc : memref<!tpu.dma_semaphore, #tpu.memory_space<semaphore_mem>>
          %dma_start3A_978 = arith.constant 0 : i32
          %dma_start3A_979 = tpu.memref_slice %arg10[%run_scoped3A_644, %dma_start3A_978] : memref<5x80xi32, #tpu.memory_space<vmem>> -> memref<1x80xi32, #tpu.memory_space<vmem>>
          %dma_start3A_980 = tpu.memref_squeeze %dma_start3A_979 : memref<1x80xi32, #tpu.memory_space<vmem>> -> memref<80xi32, #tpu.memory_space<vmem>>
          %dma_start3A_981 = arith.constant 0 : i32
          %dma_start3A_982 = arith.constant 0 : i32
          %dma_start3A_983 = tpu.memref_slice %arg16[%dma_start3A_981, %dma_start3A_982] : memref<10000x128xf32, #tpu.memory_space<vmem_shared>> -> memref<10000x128xf32, #tpu.memory_space<vmem_shared>>
          tpu.enqueue_indirect_dma source(%arg12 : memref<80x128xf32, #tpu.memory_space<vmem>>) target(%dma_start3A_983 : memref<10000x128xf32, #tpu.memory_space<vmem_shared>>) offsets(%dma_start3A_980 : memref<80xi32, #tpu.memory_space<vmem>>) semaphore(%run_scoped3A_977 : memref<!tpu.dma_semaphore, #tpu.memory_space<semaphore_mem>>) {add = true}
          %dma_wait3A_984 = arith.constant 0 : i32
          %dma_wait3A_985 = tpu.memref_slice %arg10[%run_scoped3A_644, %dma_wait3A_984] : memref<5x80xi32, #tpu.memory_space<vmem>> -> memref<1x80xi32, #tpu.memory_space<vmem>>
          %dma_wait3A_986 = tpu.memref_squeeze %dma_wait3A_985 : memref<1x80xi32, #tpu.memory_space<vmem>> -> memref<80xi32, #tpu.memory_space<vmem>>
          %dma_wait3A_987 = arith.constant 0 : i32
          %dma_wait3A_988 = arith.constant 0 : i32
          %dma_wait3A_989 = tpu.memref_slice %arg16[%dma_wait3A_987, %dma_wait3A_988] : memref<10000x128xf32, #tpu.memory_space<vmem_shared>> -> memref<10000x128xf32, #tpu.memory_space<vmem_shared>>
          tpu.wait_indirect_dma semaphore(%run_scoped3A_977 : memref<!tpu.dma_semaphore, #tpu.memory_space<semaphore_mem>>) src(%arg12 : memref<80x128xf32, #tpu.memory_space<vmem>>) dst(%dma_wait3A_989 : memref<10000x128xf32, #tpu.memory_space<vmem_shared>>)
          tpu.yield
        }) : () -> ()
        %get3A_645 = arith.constant 2 : i32
        %get3A_646 = arith.index_cast %get3A_645 : i32 to index
        %get3A_647 = arith.constant 0 : index
        %get3A_648 = tpu.vector_load %arg10[%get3A_646, %get3A_647] {strides = array<i32>} : memref<5x80xi32, #tpu.memory_space<vmem>>, vector<16xi32>,
        tpu.vector_store_idx %arg14[%get3A_648], %broadcast_in_dim3A_3 {add = true} : memref<10240xf32, #tpu.memory_space<vmem>>[vector<16xi32>], vector<16xf32>,
        %get3A_649 = arith.constant 2 : i32
        %get3A_650 = arith.index_cast %get3A_649 : i32 to index
        %get3A_651 = arith.constant 16 : index
        %get3A_652 = tpu.vector_load %arg10[%get3A_650, %get3A_651] {strides = array<i32>} : memref<5x80xi32, #tpu.memory_space<vmem>>, vector<16xi32>,
        tpu.vector_store_idx %arg14[%get3A_652], %broadcast_in_dim3A_3 {add = true} : memref<10240xf32, #tpu.memory_space<vmem>>[vector<16xi32>], vector<16xf32>,
        %get3A_653 = arith.constant 2 : i32
        %get3A_654 = arith.index_cast %get3A_653 : i32 to index
        %get3A_655 = arith.constant 32 : index
        %get3A_656 = tpu.vector_load %arg10[%get3A_654, %get3A_655] {strides = array<i32>} : memref<5x80xi32, #tpu.memory_space<vmem>>, vector<16xi32>,
        tpu.vector_store_idx %arg14[%get3A_656], %broadcast_in_dim3A_3 {add = true} : memref<10240xf32, #tpu.memory_space<vmem>>[vector<16xi32>], vector<16xf32>,
        %get3A_657 = arith.constant 2 : i32
        %get3A_658 = arith.index_cast %get3A_657 : i32 to index
        %get3A_659 = arith.constant 48 : index
        %get3A_660 = tpu.vector_load %arg10[%get3A_658, %get3A_659] {strides = array<i32>} : memref<5x80xi32, #tpu.memory_space<vmem>>, vector<16xi32>,
        tpu.vector_store_idx %arg14[%get3A_660], %broadcast_in_dim3A_3 {add = true} : memref<10240xf32, #tpu.memory_space<vmem>>[vector<16xi32>], vector<16xf32>,
        %get3A_661 = arith.constant 2 : i32
        %get3A_662 = arith.index_cast %get3A_661 : i32 to index
        %get3A_663 = arith.constant 64 : index
        %get3A_664 = tpu.vector_load %arg10[%get3A_662, %get3A_663] {strides = array<i32>} : memref<5x80xi32, #tpu.memory_space<vmem>>, vector<16xi32>,
        tpu.vector_store_idx %arg14[%get3A_664], %broadcast_in_dim3A_3 {add = true} : memref<10240xf32, #tpu.memory_space<vmem>>[vector<16xi32>], vector<16xf32>,
        %dma_wait3A_665 = arith.constant 3 : i32
        %dma_wait3A_666 = arith.constant 0 : i32
        %dma_wait3A_667 = tpu.memref_slice %arg8[%dma_wait3A_665, %dma_wait3A_666] : memref<5x80xi32, #tpu.memory_space<vmem>> -> memref<1x80xi32, #tpu.memory_space<vmem>>
        %dma_wait3A_668 = tpu.memref_squeeze %dma_wait3A_667 : memref<1x80xi32, #tpu.memory_space<vmem>> -> memref<80xi32, #tpu.memory_space<vmem>>
        %dma_wait3A_669 = arith.constant 0 : i32
        %dma_wait3A_670 = arith.constant 0 : i32
        %dma_wait3A_671 = tpu.memref_slice %arg2[%dma_wait3A_669, %dma_wait3A_670] : memref<10000x128xf32, #tpu.memory_space<hbm>> -> memref<10000x128xf32, #tpu.memory_space<hbm>>
        tpu.wait_indirect_dma semaphore(%arg17 : memref<!tpu.dma_semaphore, #tpu.memory_space<semaphore_mem>>) src(%dma_wait3A_671 : memref<10000x128xf32, #tpu.memory_space<hbm>>) dst(%arg13 : memref<80x128xf32, #tpu.memory_space<vmem>>)
        %dma_start3A_672 = arith.constant 4 : i32
        %dma_start3A_673 = arith.constant 0 : i32
        %dma_start3A_674 = tpu.memref_slice %arg8[%dma_start3A_672, %dma_start3A_673] : memref<5x80xi32, #tpu.memory_space<vmem>> -> memref<1x80xi32, #tpu.memory_space<vmem>>
        %dma_start3A_675 = tpu.memref_squeeze %dma_start3A_674 : memref<1x80xi32, #tpu.memory_space<vmem>> -> memref<80xi32, #tpu.memory_space<vmem>>
        %dma_start3A_676 = arith.constant 0 : i32
        %dma_start3A_677 = arith.constant 0 : i32
        %dma_start3A_678 = tpu.memref_slice %arg2[%dma_start3A_676, %dma_start3A_677] : memref<10000x128xf32, #tpu.memory_space<hbm>> -> memref<10000x128xf32, #tpu.memory_space<hbm>>
        tpu.enqueue_indirect_dma source(%dma_start3A_678 : memref<10000x128xf32, #tpu.memory_space<hbm>>) target(%arg12 : memref<80x128xf32, #tpu.memory_space<vmem>>) offsets(%dma_start3A_675 : memref<80xi32, #tpu.memory_space<vmem>>) semaphore(%arg17 : memref<!tpu.dma_semaphore, #tpu.memory_space<semaphore_mem>>)
        %run_scoped3A_679 = arith.constant 3 : i32
        "tpu.region"() ({
          %run_scoped3A_977 = tpu.sem_alloc : memref<!tpu.dma_semaphore, #tpu.memory_space<semaphore_mem>>
          %dma_start3A_978 = arith.constant 0 : i32
          %dma_start3A_979 = tpu.memref_slice %arg10[%run_scoped3A_679, %dma_start3A_978] : memref<5x80xi32, #tpu.memory_space<vmem>> -> memref<1x80xi32, #tpu.memory_space<vmem>>
          %dma_start3A_980 = tpu.memref_squeeze %dma_start3A_979 : memref<1x80xi32, #tpu.memory_space<vmem>> -> memref<80xi32, #tpu.memory_space<vmem>>
          %dma_start3A_981 = arith.constant 0 : i32
          %dma_start3A_982 = arith.constant 0 : i32
          %dma_start3A_983 = tpu.memref_slice %arg16[%dma_start3A_981, %dma_start3A_982] : memref<10000x128xf32, #tpu.memory_space<vmem_shared>> -> memref<10000x128xf32, #tpu.memory_space<vmem_shared>>
          tpu.enqueue_indirect_dma source(%arg13 : memref<80x128xf32, #tpu.memory_space<vmem>>) target(%dma_start3A_983 : memref<10000x128xf32, #tpu.memory_space<vmem_shared>>) offsets(%dma_start3A_980 : memref<80xi32, #tpu.memory_space<vmem>>) semaphore(%run_scoped3A_977 : memref<!tpu.dma_semaphore, #tpu.memory_space<semaphore_mem>>) {add = true}
          %dma_wait3A_984 = arith.constant 0 : i32
          %dma_wait3A_985 = tpu.memref_slice %arg10[%run_scoped3A_679, %dma_wait3A_984] : memref<5x80xi32, #tpu.memory_space<vmem>> -> memref<1x80xi32, #tpu.memory_space<vmem>>
          %dma_wait3A_986 = tpu.memref_squeeze %dma_wait3A_985 : memref<1x80xi32, #tpu.memory_space<vmem>> -> memref<80xi32, #tpu.memory_space<vmem>>
          %dma_wait3A_987 = arith.constant 0 : i32
          %dma_wait3A_988 = arith.constant 0 : i32
          %dma_wait3A_989 = tpu.memref_slice %arg16[%dma_wait3A_987, %dma_wait3A_988] : memref<10000x128xf32, #tpu.memory_space<vmem_shared>> -> memref<10000x128xf32, #tpu.memory_space<vmem_shared>>
          tpu.wait_indirect_dma semaphore(%run_scoped3A_977 : memref<!tpu.dma_semaphore, #tpu.memory_space<semaphore_mem>>) src(%arg13 : memref<80x128xf32, #tpu.memory_space<vmem>>) dst(%dma_wait3A_989 : memref<10000x128xf32, #tpu.memory_space<vmem_shared>>)
          tpu.yield
        }) : () -> ()
        %get3A_680 = arith.constant 3 : i32
        %get3A_681 = arith.index_cast %get3A_680 : i32 to index
        %get3A_682 = arith.constant 0 : index
        %get3A_683 = tpu.vector_load %arg10[%get3A_681, %get3A_682] {strides = array<i32>} : memref<5x80xi32, #tpu.memory_space<vmem>>, vector<16xi32>,
        tpu.vector_store_idx %arg14[%get3A_683], %broadcast_in_dim3A_3 {add = true} : memref<10240xf32, #tpu.memory_space<vmem>>[vector<16xi32>], vector<16xf32>,
        %get3A_684 = arith.constant 3 : i32
        %get3A_685 = arith.index_cast %get3A_684 : i32 to index
        %get3A_686 = arith.constant 16 : index
        %get3A_687 = tpu.vector_load %arg10[%get3A_685, %get3A_686] {strides = array<i32>} : memref<5x80xi32, #tpu.memory_space<vmem>>, vector<16xi32>,
        tpu.vector_store_idx %arg14[%get3A_687], %broadcast_in_dim3A_3 {add = true} : memref<10240xf32, #tpu.memory_space<vmem>>[vector<16xi32>], vector<16xf32>,
        %get3A_688 = arith.constant 3 : i32
        %get3A_689 = arith.index_cast %get3A_688 : i32 to index
        %get3A_690 = arith.constant 32 : index
        %get3A_691 = tpu.vector_load %arg10[%get3A_689, %get3A_690] {strides = array<i32>} : memref<5x80xi32, #tpu.memory_space<vmem>>, vector<16xi32>,
        tpu.vector_store_idx %arg14[%get3A_691], %broadcast_in_dim3A_3 {add = true} : memref<10240xf32, #tpu.memory_space<vmem>>[vector<16xi32>], vector<16xf32>,
        %get3A_692 = arith.constant 3 : i32
        %get3A_693 = arith.index_cast %get3A_692 : i32 to index
        %get3A_694 = arith.constant 48 : index
        %get3A_695 = tpu.vector_load %arg10[%get3A_693, %get3A_694] {strides = array<i32>} : memref<5x80xi32, #tpu.memory_space<vmem>>, vector<16xi32>,
        tpu.vector_store_idx %arg14[%get3A_695], %broadcast_in_dim3A_3 {add = true} : memref<10240xf32, #tpu.memory_space<vmem>>[vector<16xi32>], vector<16xf32>,
        %get3A_696 = arith.constant 3 : i32
        %get3A_697 = arith.index_cast %get3A_696 : i32 to index
        %get3A_698 = arith.constant 64 : index
        %get3A_699 = tpu.vector_load %arg10[%get3A_697, %get3A_698] {strides = array<i32>} : memref<5x80xi32, #tpu.memory_space<vmem>>, vector<16xi32>,
        tpu.vector_store_idx %arg14[%get3A_699], %broadcast_in_dim3A_3 {add = true} : memref<10240xf32, #tpu.memory_space<vmem>>[vector<16xi32>], vector<16xf32>,
        %dma_wait3A_700 = arith.constant 4 : i32
        %dma_wait3A_701 = arith.constant 0 : i32
        %dma_wait3A_702 = tpu.memref_slice %arg8[%dma_wait3A_700, %dma_wait3A_701] : memref<5x80xi32, #tpu.memory_space<vmem>> -> memref<1x80xi32, #tpu.memory_space<vmem>>
        %dma_wait3A_703 = tpu.memref_squeeze %dma_wait3A_702 : memref<1x80xi32, #tpu.memory_space<vmem>> -> memref<80xi32, #tpu.memory_space<vmem>>
        %dma_wait3A_704 = arith.constant 0 : i32
        %dma_wait3A_705 = arith.constant 0 : i32
        %dma_wait3A_706 = tpu.memref_slice %arg2[%dma_wait3A_704, %dma_wait3A_705] : memref<10000x128xf32, #tpu.memory_space<hbm>> -> memref<10000x128xf32, #tpu.memory_space<hbm>>
        tpu.wait_indirect_dma semaphore(%arg17 : memref<!tpu.dma_semaphore, #tpu.memory_space<semaphore_mem>>) src(%dma_wait3A_706 : memref<10000x128xf32, #tpu.memory_space<hbm>>) dst(%arg12 : memref<80x128xf32, #tpu.memory_space<vmem>>)
        %add3A_707 = arith.constant 1 : i32
        %add3A_708 = arith.addi %mul3A_559, %add3A_707 : i32
        %dma_wait3A_709 = arith.constant 0 : i32
        %dma_wait3A_710 = arith.constant 0 : i32
        %dma_wait3A_711 = arith.constant 0 : i32
        %dma_wait3A_712 = tpu.memref_slice %arg4[%dma_wait3A_709, %arg1, %add3A_708, %dma_wait3A_710, %dma_wait3A_711] : memref<2x16x25x5x80xi32, #tpu.memory_space<hbm>> -> memref<1x1x1x5x80xi32, #tpu.memory_space<hbm>>
        %dma_wait3A_713 = tpu.memref_squeeze %dma_wait3A_712 : memref<1x1x1x5x80xi32, #tpu.memory_space<hbm>> -> memref<5x80xi32, #tpu.memory_space<hbm>>
        %dma_wait3A_714 = arith.constant 0 : i32
        %dma_wait3A_715 = arith.constant 0 : i32
        %dma_wait3A_716 = tpu.memref_slice %arg4[%dma_wait3A_709, %arg1, %add3A_708, %dma_wait3A_714, %dma_wait3A_715] : memref<2x16x25x5x80xi32, #tpu.memory_space<hbm>> -> memref<1x1x1x5x80xi32, #tpu.memory_space<hbm>>
        %dma_wait3A_717 = tpu.memref_squeeze %dma_wait3A_716 : memref<1x1x1x5x80xi32, #tpu.memory_space<hbm>> -> memref<5x80xi32, #tpu.memory_space<hbm>>
        tpu.wait_dma2 semaphore(%arg18 : memref<!tpu.dma_semaphore, #tpu.memory_space<semaphore_mem>>) src(%dma_wait3A_717 : memref<5x80xi32, #tpu.memory_space<hbm>>) dst(%arg9 : memref<5x80xi32, #tpu.memory_space<vmem>>)
        %dma_wait3A_718 = arith.constant 1 : i32
        %dma_wait3A_719 = arith.constant 0 : i32
        %dma_wait3A_720 = arith.constant 0 : i32
        %dma_wait3A_721 = tpu.memref_slice %arg4[%dma_wait3A_718, %arg1, %add3A_708, %dma_wait3A_719, %dma_wait3A_720] : memref<2x16x25x5x80xi32, #tpu.memory_space<hbm>> -> memref<1x1x1x5x80xi32, #tpu.memory_space<hbm>>
        %dma_wait3A_722 = tpu.memref_squeeze %dma_wait3A_721 : memref<1x1x1x5x80xi32, #tpu.memory_space<hbm>> -> memref<5x80xi32, #tpu.memory_space<hbm>>
        %dma_wait3A_723 = arith.constant 0 : i32
        %dma_wait3A_724 = arith.constant 0 : i32
        %dma_wait3A_725 = tpu.memref_slice %arg4[%dma_wait3A_718, %arg1, %add3A_708, %dma_wait3A_723, %dma_wait3A_724] : memref<2x16x25x5x80xi32, #tpu.memory_space<hbm>> -> memref<1x1x1x5x80xi32, #tpu.memory_space<hbm>>
        %dma_wait3A_726 = tpu.memref_squeeze %dma_wait3A_725 : memref<1x1x1x5x80xi32, #tpu.memory_space<hbm>> -> memref<5x80xi32, #tpu.memory_space<hbm>>
        tpu.wait_dma2 semaphore(%arg18 : memref<!tpu.dma_semaphore, #tpu.memory_space<semaphore_mem>>) src(%dma_wait3A_726 : memref<5x80xi32, #tpu.memory_space<hbm>>) dst(%arg11 : memref<5x80xi32, #tpu.memory_space<vmem>>)
        %dma_start3A_727 = arith.constant 0 : i32
        %dma_start3A_728 = arith.constant 0 : i32
        %dma_start3A_729 = tpu.memref_slice %arg9[%dma_start3A_727, %dma_start3A_728] : memref<5x80xi32, #tpu.memory_space<vmem>> -> memref<1x80xi32, #tpu.memory_space<vmem>>
        %dma_start3A_730 = tpu.memref_squeeze %dma_start3A_729 : memref<1x80xi32, #tpu.memory_space<vmem>> -> memref<80xi32, #tpu.memory_space<vmem>>
        %dma_start3A_731 = arith.constant 0 : i32
        %dma_start3A_732 = arith.constant 0 : i32
        %dma_start3A_733 = tpu.memref_slice %arg2[%dma_start3A_731, %dma_start3A_732] : memref<10000x128xf32, #tpu.memory_space<hbm>> -> memref<10000x128xf32, #tpu.memory_space<hbm>>
        tpu.enqueue_indirect_dma source(%dma_start3A_733 : memref<10000x128xf32, #tpu.memory_space<hbm>>) target(%arg13 : memref<80x128xf32, #tpu.memory_space<vmem>>) offsets(%dma_start3A_730 : memref<80xi32, #tpu.memory_space<vmem>>) semaphore(%arg17 : memref<!tpu.dma_semaphore, #tpu.memory_space<semaphore_mem>>)
        %run_scoped3A_734 = arith.constant 4 : i32
        "tpu.region"() ({
          %run_scoped3A_977 = tpu.sem_alloc : memref<!tpu.dma_semaphore, #tpu.memory_space<semaphore_mem>>
          %dma_start3A_978 = arith.constant 0 : i32
          %dma_start3A_979 = tpu.memref_slice %arg10[%run_scoped3A_734, %dma_start3A_978] : memref<5x80xi32, #tpu.memory_space<vmem>> -> memref<1x80xi32, #tpu.memory_space<vmem>>
          %dma_start3A_980 = tpu.memref_squeeze %dma_start3A_979 : memref<1x80xi32, #tpu.memory_space<vmem>> -> memref<80xi32, #tpu.memory_space<vmem>>
          %dma_start3A_981 = arith.constant 0 : i32
          %dma_start3A_982 = arith.constant 0 : i32
          %dma_start3A_983 = tpu.memref_slice %arg16[%dma_start3A_981, %dma_start3A_982] : memref<10000x128xf32, #tpu.memory_space<vmem_shared>> -> memref<10000x128xf32, #tpu.memory_space<vmem_shared>>
          tpu.enqueue_indirect_dma source(%arg12 : memref<80x128xf32, #tpu.memory_space<vmem>>) target(%dma_start3A_983 : memref<10000x128xf32, #tpu.memory_space<vmem_shared>>) offsets(%dma_start3A_980 : memref<80xi32, #tpu.memory_space<vmem>>) semaphore(%run_scoped3A_977 : memref<!tpu.dma_semaphore, #tpu.memory_space<semaphore_mem>>) {add = true}
          %dma_wait3A_984 = arith.constant 0 : i32
          %dma_wait3A_985 = tpu.memref_slice %arg10[%run_scoped3A_734, %dma_wait3A_984] : memref<5x80xi32, #tpu.memory_space<vmem>> -> memref<1x80xi32, #tpu.memory_space<vmem>>
          %dma_wait3A_986 = tpu.memref_squeeze %dma_wait3A_985 : memref<1x80xi32, #tpu.memory_space<vmem>> -> memref<80xi32, #tpu.memory_space<vmem>>
          %dma_wait3A_987 = arith.constant 0 : i32
          %dma_wait3A_988 = arith.constant 0 : i32
          %dma_wait3A_989 = tpu.memref_slice %arg16[%dma_wait3A_987, %dma_wait3A_988] : memref<10000x128xf32, #tpu.memory_space<vmem_shared>> -> memref<10000x128xf32, #tpu.memory_space<vmem_shared>>
          tpu.wait_indirect_dma semaphore(%run_scoped3A_977 : memref<!tpu.dma_semaphore, #tpu.memory_space<semaphore_mem>>) src(%arg12 : memref<80x128xf32, #tpu.memory_space<vmem>>) dst(%dma_wait3A_989 : memref<10000x128xf32, #tpu.memory_space<vmem_shared>>)
          tpu.yield
        }) : () -> ()
        %get3A_735 = arith.constant 4 : i32
        %get3A_736 = arith.index_cast %get3A_735 : i32 to index
        %get3A_737 = arith.constant 0 : index
        %get3A_738 = tpu.vector_load %arg10[%get3A_736, %get3A_737] {strides = array<i32>} : memref<5x80xi32, #tpu.memory_space<vmem>>, vector<16xi32>,
        tpu.vector_store_idx %arg14[%get3A_738], %broadcast_in_dim3A_3 {add = true} : memref<10240xf32, #tpu.memory_space<vmem>>[vector<16xi32>], vector<16xf32>,
        %get3A_739 = arith.constant 4 : i32
        %get3A_740 = arith.index_cast %get3A_739 : i32 to index
        %get3A_741 = arith.constant 16 : index
        %get3A_742 = tpu.vector_load %arg10[%get3A_740, %get3A_741] {strides = array<i32>} : memref<5x80xi32, #tpu.memory_space<vmem>>, vector<16xi32>,
        tpu.vector_store_idx %arg14[%get3A_742], %broadcast_in_dim3A_3 {add = true} : memref<10240xf32, #tpu.memory_space<vmem>>[vector<16xi32>], vector<16xf32>,
        %get3A_743 = arith.constant 4 : i32
        %get3A_744 = arith.index_cast %get3A_743 : i32 to index
        %get3A_745 = arith.constant 32 : index
        %get3A_746 = tpu.vector_load %arg10[%get3A_744, %get3A_745] {strides = array<i32>} : memref<5x80xi32, #tpu.memory_space<vmem>>, vector<16xi32>,
        tpu.vector_store_idx %arg14[%get3A_746], %broadcast_in_dim3A_3 {add = true} : memref<10240xf32, #tpu.memory_space<vmem>>[vector<16xi32>], vector<16xf32>,
        %get3A_747 = arith.constant 4 : i32
        %get3A_748 = arith.index_cast %get3A_747 : i32 to index
        %get3A_749 = arith.constant 48 : index
        %get3A_750 = tpu.vector_load %arg10[%get3A_748, %get3A_749] {strides = array<i32>} : memref<5x80xi32, #tpu.memory_space<vmem>>, vector<16xi32>,
        tpu.vector_store_idx %arg14[%get3A_750], %broadcast_in_dim3A_3 {add = true} : memref<10240xf32, #tpu.memory_space<vmem>>[vector<16xi32>], vector<16xf32>,
        %get3A_751 = arith.constant 4 : i32
        %get3A_752 = arith.index_cast %get3A_751 : i32 to index
        %get3A_753 = arith.constant 64 : index
        %get3A_754 = tpu.vector_load %arg10[%get3A_752, %get3A_753] {strides = array<i32>} : memref<5x80xi32, #tpu.memory_space<vmem>>, vector<16xi32>,
        tpu.vector_store_idx %arg14[%get3A_754], %broadcast_in_dim3A_3 {add = true} : memref<10240xf32, #tpu.memory_space<vmem>>[vector<16xi32>], vector<16xf32>,
        %add3A_755 = arith.constant 2 : i32
        %add3A_756 = arith.addi %mul3A_559, %add3A_755 : i32
        %dma_start3A_757 = arith.constant 0 : i32
        %dma_start3A_758 = arith.constant 0 : i32
        %dma_start3A_759 = arith.constant 0 : i32
        %dma_start3A_760 = tpu.memref_slice %arg4[%dma_start3A_757, %arg1, %add3A_756, %dma_start3A_758, %dma_start3A_759] : memref<2x16x25x5x80xi32, #tpu.memory_space<hbm>> -> memref<1x1x1x5x80xi32, #tpu.memory_space<hbm>>
        %dma_start3A_761 = tpu.memref_squeeze %dma_start3A_760 : memref<1x1x1x5x80xi32, #tpu.memory_space<hbm>> -> memref<5x80xi32, #tpu.memory_space<hbm>>
        %dma_start3A_762 = arith.constant 0 : i32
        %dma_start3A_763 = arith.constant 0 : i32
        %dma_start3A_764 = tpu.memref_slice %arg4[%dma_start3A_757, %arg1, %add3A_756, %dma_start3A_762, %dma_start3A_763] : memref<2x16x25x5x80xi32, #tpu.memory_space<hbm>> -> memref<1x1x1x5x80xi32, #tpu.memory_space<hbm>>
        %dma_start3A_765 = tpu.memref_squeeze %dma_start3A_764 : memref<1x1x1x5x80xi32, #tpu.memory_space<hbm>> -> memref<5x80xi32, #tpu.memory_space<hbm>>
        tpu.enqueue_dma source(%dma_start3A_765 : memref<5x80xi32, #tpu.memory_space<hbm>>) target(%arg8 : memref<5x80xi32, #tpu.memory_space<vmem>>) target_semaphore(%arg18 : memref<!tpu.dma_semaphore, #tpu.memory_space<semaphore_mem>>)
        %dma_start3A_766 = arith.constant 1 : i32
        %dma_start3A_767 = arith.constant 0 : i32
        %dma_start3A_768 = arith.constant 0 : i32
        %dma_start3A_769 = tpu.memref_slice %arg4[%dma_start3A_766, %arg1, %add3A_756, %dma_start3A_767, %dma_start3A_768] : memref<2x16x25x5x80xi32, #tpu.memory_space<hbm>> -> memref<1x1x1x5x80xi32, #tpu.memory_space<hbm>>
        %dma_start3A_770 = tpu.memref_squeeze %dma_start3A_769 : memref<1x1x1x5x80xi32, #tpu.memory_space<hbm>> -> memref<5x80xi32, #tpu.memory_space<hbm>>
        %dma_start3A_771 = arith.constant 0 : i32
        %dma_start3A_772 = arith.constant 0 : i32
        %dma_start3A_773 = tpu.memref_slice %arg4[%dma_start3A_766, %arg1, %add3A_756, %dma_start3A_771, %dma_start3A_772] : memref<2x16x25x5x80xi32, #tpu.memory_space<hbm>> -> memref<1x1x1x5x80xi32, #tpu.memory_space<hbm>>
        %dma_start3A_774 = tpu.memref_squeeze %dma_start3A_773 : memref<1x1x1x5x80xi32, #tpu.memory_space<hbm>> -> memref<5x80xi32, #tpu.memory_space<hbm>>
        tpu.enqueue_dma source(%dma_start3A_774 : memref<5x80xi32, #tpu.memory_space<hbm>>) target(%arg10 : memref<5x80xi32, #tpu.memory_space<vmem>>) target_semaphore(%arg18 : memref<!tpu.dma_semaphore, #tpu.memory_space<semaphore_mem>>)
        %dma_wait3A_775 = arith.constant 0 : i32
        %dma_wait3A_776 = arith.constant 0 : i32
        %dma_wait3A_777 = tpu.memref_slice %arg9[%dma_wait3A_775, %dma_wait3A_776] : memref<5x80xi32, #tpu.memory_space<vmem>> -> memref<1x80xi32, #tpu.memory_space<vmem>>
        %dma_wait3A_778 = tpu.memref_squeeze %dma_wait3A_777 : memref<1x80xi32, #tpu.memory_space<vmem>> -> memref<80xi32, #tpu.memory_space<vmem>>
        %dma_wait3A_779 = arith.constant 0 : i32
        %dma_wait3A_780 = arith.constant 0 : i32
        %dma_wait3A_781 = tpu.memref_slice %arg2[%dma_wait3A_779, %dma_wait3A_780] : memref<10000x128xf32, #tpu.memory_space<hbm>> -> memref<10000x128xf32, #tpu.memory_space<hbm>>
        tpu.wait_indirect_dma semaphore(%arg17 : memref<!tpu.dma_semaphore, #tpu.memory_space<semaphore_mem>>) src(%dma_wait3A_781 : memref<10000x128xf32, #tpu.memory_space<hbm>>) dst(%arg13 : memref<80x128xf32, #tpu.memory_space<vmem>>)
        %dma_start3A_782 = arith.constant 1 : i32
        %dma_start3A_783 = arith.constant 0 : i32
        %dma_start3A_784 = tpu.memref_slice %arg9[%dma_start3A_782, %dma_start3A_783] : memref<5x80xi32, #tpu.memory_space<vmem>> -> memref<1x80xi32, #tpu.memory_space<vmem>>
        %dma_start3A_785 = tpu.memref_squeeze %dma_start3A_784 : memref<1x80xi32, #tpu.memory_space<vmem>> -> memref<80xi32, #tpu.memory_space<vmem>>
        %dma_start3A_786 = arith.constant 0 : i32
        %dma_start3A_787 = arith.constant 0 : i32
        %dma_start3A_788 = tpu.memref_slice %arg2[%dma_start3A_786, %dma_start3A_787] : memref<10000x128xf32, #tpu.memory_space<hbm>> -> memref<10000x128xf32, #tpu.memory_space<hbm>>
        tpu.enqueue_indirect_dma source(%dma_start3A_788 : memref<10000x128xf32, #tpu.memory_space<hbm>>) target(%arg12 : memref<80x128xf32, #tpu.memory_space<vmem>>) offsets(%dma_start3A_785 : memref<80xi32, #tpu.memory_space<vmem>>) semaphore(%arg17 : memref<!tpu.dma_semaphore, #tpu.memory_space<semaphore_mem>>)
        %run_scoped3A_789 = arith.constant 0 : i32
        "tpu.region"() ({
          %run_scoped3A_977 = tpu.sem_alloc : memref<!tpu.dma_semaphore, #tpu.memory_space<semaphore_mem>>
          %dma_start3A_978 = arith.constant 0 : i32
          %dma_start3A_979 = tpu.memref_slice %arg11[%run_scoped3A_789, %dma_start3A_978] : memref<5x80xi32, #tpu.memory_space<vmem>> -> memref<1x80xi32, #tpu.memory_space<vmem>>
          %dma_start3A_980 = tpu.memref_squeeze %dma_start3A_979 : memref<1x80xi32, #tpu.memory_space<vmem>> -> memref<80xi32, #tpu.memory_space<vmem>>
          %dma_start3A_981 = arith.constant 0 : i32
          %dma_start3A_982 = arith.constant 0 : i32
          %dma_start3A_983 = tpu.memref_slice %arg16[%dma_start3A_981, %dma_start3A_982] : memref<10000x128xf32, #tpu.memory_space<vmem_shared>> -> memref<10000x128xf32, #tpu.memory_space<vmem_shared>>
          tpu.enqueue_indirect_dma source(%arg13 : memref<80x128xf32, #tpu.memory_space<vmem>>) target(%dma_start3A_983 : memref<10000x128xf32, #tpu.memory_space<vmem_shared>>) offsets(%dma_start3A_980 : memref<80xi32, #tpu.memory_space<vmem>>) semaphore(%run_scoped3A_977 : memref<!tpu.dma_semaphore, #tpu.memory_space<semaphore_mem>>) {add = true}
          %dma_wait3A_984 = arith.constant 0 : i32
          %dma_wait3A_985 = tpu.memref_slice %arg11[%run_scoped3A_789, %dma_wait3A_984] : memref<5x80xi32, #tpu.memory_space<vmem>> -> memref<1x80xi32, #tpu.memory_space<vmem>>
          %dma_wait3A_986 = tpu.memref_squeeze %dma_wait3A_985 : memref<1x80xi32, #tpu.memory_space<vmem>> -> memref<80xi32, #tpu.memory_space<vmem>>
          %dma_wait3A_987 = arith.constant 0 : i32
          %dma_wait3A_988 = arith.constant 0 : i32
          %dma_wait3A_989 = tpu.memref_slice %arg16[%dma_wait3A_987, %dma_wait3A_988] : memref<10000x128xf32, #tpu.memory_space<vmem_shared>> -> memref<10000x128xf32, #tpu.memory_space<vmem_shared>>
          tpu.wait_indirect_dma semaphore(%run_scoped3A_977 : memref<!tpu.dma_semaphore, #tpu.memory_space<semaphore_mem>>) src(%arg13 : memref<80x128xf32, #tpu.memory_space<vmem>>) dst(%dma_wait3A_989 : memref<10000x128xf32, #tpu.memory_space<vmem_shared>>)
          tpu.yield
        }) : () -> ()
        %get3A_790 = arith.constant 0 : i32
        %get3A_791 = arith.index_cast %get3A_790 : i32 to index
        %get3A_792 = arith.constant 0 : index
        %get3A_793 = tpu.vector_load %arg11[%get3A_791, %get3A_792] {strides = array<i32>} : memref<5x80xi32, #tpu.memory_space<vmem>>, vector<16xi32>,
        tpu.vector_store_idx %arg14[%get3A_793], %broadcast_in_dim3A_3 {add = true} : memref<10240xf32, #tpu.memory_space<vmem>>[vector<16xi32>], vector<16xf32>,
        %get3A_794 = arith.constant 0 : i32
        %get3A_795 = arith.index_cast %get3A_794 : i32 to index
        %get3A_796 = arith.constant 16 : index
        %get3A_797 = tpu.vector_load %arg11[%get3A_795, %get3A_796] {strides = array<i32>} : memref<5x80xi32, #tpu.memory_space<vmem>>, vector<16xi32>,
        tpu.vector_store_idx %arg14[%get3A_797], %broadcast_in_dim3A_3 {add = true} : memref<10240xf32, #tpu.memory_space<vmem>>[vector<16xi32>], vector<16xf32>,
        %get3A_798 = arith.constant 0 : i32
        %get3A_799 = arith.index_cast %get3A_798 : i32 to index
        %get3A_800 = arith.constant 32 : index
        %get3A_801 = tpu.vector_load %arg11[%get3A_799, %get3A_800] {strides = array<i32>} : memref<5x80xi32, #tpu.memory_space<vmem>>, vector<16xi32>,
        tpu.vector_store_idx %arg14[%get3A_801], %broadcast_in_dim3A_3 {add = true} : memref<10240xf32, #tpu.memory_space<vmem>>[vector<16xi32>], vector<16xf32>,
        %get3A_802 = arith.constant 0 : i32
        %get3A_803 = arith.index_cast %get3A_802 : i32 to index
        %get3A_804 = arith.constant 48 : index
        %get3A_805 = tpu.vector_load %arg11[%get3A_803, %get3A_804] {strides = array<i32>} : memref<5x80xi32, #tpu.memory_space<vmem>>, vector<16xi32>,
        tpu.vector_store_idx %arg14[%get3A_805], %broadcast_in_dim3A_3 {add = true} : memref<10240xf32, #tpu.memory_space<vmem>>[vector<16xi32>], vector<16xf32>,
        %get3A_806 = arith.constant 0 : i32
        %get3A_807 = arith.index_cast %get3A_806 : i32 to index
        %get3A_808 = arith.constant 64 : index
        %get3A_809 = tpu.vector_load %arg11[%get3A_807, %get3A_808] {strides = array<i32>} : memref<5x80xi32, #tpu.memory_space<vmem>>, vector<16xi32>,
        tpu.vector_store_idx %arg14[%get3A_809], %broadcast_in_dim3A_3 {add = true} : memref<10240xf32, #tpu.memory_space<vmem>>[vector<16xi32>], vector<16xf32>,
        %dma_wait3A_810 = arith.constant 1 : i32
        %dma_wait3A_811 = arith.constant 0 : i32
        %dma_wait3A_812 = tpu.memref_slice %arg9[%dma_wait3A_810, %dma_wait3A_811] : memref<5x80xi32, #tpu.memory_space<vmem>> -> memref<1x80xi32, #tpu.memory_space<vmem>>
        %dma_wait3A_813 = tpu.memref_squeeze %dma_wait3A_812 : memref<1x80xi32, #tpu.memory_space<vmem>> -> memref<80xi32, #tpu.memory_space<vmem>>
        %dma_wait3A_814 = arith.constant 0 : i32
        %dma_wait3A_815 = arith.constant 0 : i32
        %dma_wait3A_816 = tpu.memref_slice %arg2[%dma_wait3A_814, %dma_wait3A_815] : memref<10000x128xf32, #tpu.memory_space<hbm>> -> memref<10000x128xf32, #tpu.memory_space<hbm>>
        tpu.wait_indirect_dma semaphore(%arg17 : memref<!tpu.dma_semaphore, #tpu.memory_space<semaphore_mem>>) src(%dma_wait3A_816 : memref<10000x128xf32, #tpu.memory_space<hbm>>) dst(%arg12 : memref<80x128xf32, #tpu.memory_space<vmem>>)
        %dma_start3A_817 = arith.constant 2 : i32
        %dma_start3A_818 = arith.constant 0 : i32
        %dma_start3A_819 = tpu.memref_slice %arg9[%dma_start3A_817, %dma_start3A_818] : memref<5x80xi32, #tpu.memory_space<vmem>> -> memref<1x80xi32, #tpu.memory_space<vmem>>
        %dma_start3A_820 = tpu.memref_squeeze %dma_start3A_819 : memref<1x80xi32, #tpu.memory_space<vmem>> -> memref<80xi32, #tpu.memory_space<vmem>>
        %dma_start3A_821 = arith.constant 0 : i32
        %dma_start3A_822 = arith.constant 0 : i32
        %dma_start3A_823 = tpu.memref_slice %arg2[%dma_start3A_821, %dma_start3A_822] : memref<10000x128xf32, #tpu.memory_space<hbm>> -> memref<10000x128xf32, #tpu.memory_space<hbm>>
        tpu.enqueue_indirect_dma source(%dma_start3A_823 : memref<10000x128xf32, #tpu.memory_space<hbm>>) target(%arg13 : memref<80x128xf32, #tpu.memory_space<vmem>>) offsets(%dma_start3A_820 : memref<80xi32, #tpu.memory_space<vmem>>) semaphore(%arg17 : memref<!tpu.dma_semaphore, #tpu.memory_space<semaphore_mem>>)
        %run_scoped3A_824 = arith.constant 1 : i32
        "tpu.region"() ({
          %run_scoped3A_977 = tpu.sem_alloc : memref<!tpu.dma_semaphore, #tpu.memory_space<semaphore_mem>>
          %dma_start3A_978 = arith.constant 0 : i32
          %dma_start3A_979 = tpu.memref_slice %arg11[%run_scoped3A_824, %dma_start3A_978] : memref<5x80xi32, #tpu.memory_space<vmem>> -> memref<1x80xi32, #tpu.memory_space<vmem>>
          %dma_start3A_980 = tpu.memref_squeeze %dma_start3A_979 : memref<1x80xi32, #tpu.memory_space<vmem>> -> memref<80xi32, #tpu.memory_space<vmem>>
          %dma_start3A_981 = arith.constant 0 : i32
          %dma_start3A_982 = arith.constant 0 : i32
          %dma_start3A_983 = tpu.memref_slice %arg16[%dma_start3A_981, %dma_start3A_982] : memref<10000x128xf32, #tpu.memory_space<vmem_shared>> -> memref<10000x128xf32, #tpu.memory_space<vmem_shared>>
          tpu.enqueue_indirect_dma source(%arg12 : memref<80x128xf32, #tpu.memory_space<vmem>>) target(%dma_start3A_983 : memref<10000x128xf32, #tpu.memory_space<vmem_shared>>) offsets(%dma_start3A_980 : memref<80xi32, #tpu.memory_space<vmem>>) semaphore(%run_scoped3A_977 : memref<!tpu.dma_semaphore, #tpu.memory_space<semaphore_mem>>) {add = true}
          %dma_wait3A_984 = arith.constant 0 : i32
          %dma_wait3A_985 = tpu.memref_slice %arg11[%run_scoped3A_824, %dma_wait3A_984] : memref<5x80xi32, #tpu.memory_space<vmem>> -> memref<1x80xi32, #tpu.memory_space<vmem>>
          %dma_wait3A_986 = tpu.memref_squeeze %dma_wait3A_985 : memref<1x80xi32, #tpu.memory_space<vmem>> -> memref<80xi32, #tpu.memory_space<vmem>>
          %dma_wait3A_987 = arith.constant 0 : i32
          %dma_wait3A_988 = arith.constant 0 : i32
          %dma_wait3A_989 = tpu.memref_slice %arg16[%dma_wait3A_987, %dma_wait3A_988] : memref<10000x128xf32, #tpu.memory_space<vmem_shared>> -> memref<10000x128xf32, #tpu.memory_space<vmem_shared>>
          tpu.wait_indirect_dma semaphore(%run_scoped3A_977 : memref<!tpu.dma_semaphore, #tpu.memory_space<semaphore_mem>>) src(%arg12 : memref<80x128xf32, #tpu.memory_space<vmem>>) dst(%dma_wait3A_989 : memref<10000x128xf32, #tpu.memory_space<vmem_shared>>)
          tpu.yield
        }) : () -> ()
        %get3A_825 = arith.constant 1 : i32
        %get3A_826 = arith.index_cast %get3A_825 : i32 to index
        %get3A_827 = arith.constant 0 : index
        %get3A_828 = tpu.vector_load %arg11[%get3A_826, %get3A_827] {strides = array<i32>} : memref<5x80xi32, #tpu.memory_space<vmem>>, vector<16xi32>,
        tpu.vector_store_idx %arg14[%get3A_828], %broadcast_in_dim3A_3 {add = true} : memref<10240xf32, #tpu.memory_space<vmem>>[vector<16xi32>], vector<16xf32>,
        %get3A_829 = arith.constant 1 : i32
        %get3A_830 = arith.index_cast %get3A_829 : i32 to index
        %get3A_831 = arith.constant 16 : index
        %get3A_832 = tpu.vector_load %arg11[%get3A_830, %get3A_831] {strides = array<i32>} : memref<5x80xi32, #tpu.memory_space<vmem>>, vector<16xi32>,
        tpu.vector_store_idx %arg14[%get3A_832], %broadcast_in_dim3A_3 {add = true} : memref<10240xf32, #tpu.memory_space<vmem>>[vector<16xi32>], vector<16xf32>,
        %get3A_833 = arith.constant 1 : i32
        %get3A_834 = arith.index_cast %get3A_833 : i32 to index
        %get3A_835 = arith.constant 32 : index
        %get3A_836 = tpu.vector_load %arg11[%get3A_834, %get3A_835] {strides = array<i32>} : memref<5x80xi32, #tpu.memory_space<vmem>>, vector<16xi32>,
        tpu.vector_store_idx %arg14[%get3A_836], %broadcast_in_dim3A_3 {add = true} : memref<10240xf32, #tpu.memory_space<vmem>>[vector<16xi32>], vector<16xf32>,
        %get3A_837 = arith.constant 1 : i32
        %get3A_838 = arith.index_cast %get3A_837 : i32 to index
        %get3A_839 = arith.constant 48 : index
        %get3A_840 = tpu.vector_load %arg11[%get3A_838, %get3A_839] {strides = array<i32>} : memref<5x80xi32, #tpu.memory_space<vmem>>, vector<16xi32>,
        tpu.vector_store_idx %arg14[%get3A_840], %broadcast_in_dim3A_3 {add = true} : memref<10240xf32, #tpu.memory_space<vmem>>[vector<16xi32>], vector<16xf32>,
        %get3A_841 = arith.constant 1 : i32
        %get3A_842 = arith.index_cast %get3A_841 : i32 to index
        %get3A_843 = arith.constant 64 : index
        %get3A_844 = tpu.vector_load %arg11[%get3A_842, %get3A_843] {strides = array<i32>} : memref<5x80xi32, #tpu.memory_space<vmem>>, vector<16xi32>,
        tpu.vector_store_idx %arg14[%get3A_844], %broadcast_in_dim3A_3 {add = true} : memref<10240xf32, #tpu.memory_space<vmem>>[vector<16xi32>], vector<16xf32>,
        %dma_wait3A_845 = arith.constant 2 : i32
        %dma_wait3A_846 = arith.constant 0 : i32
        %dma_wait3A_847 = tpu.memref_slice %arg9[%dma_wait3A_845, %dma_wait3A_846] : memref<5x80xi32, #tpu.memory_space<vmem>> -> memref<1x80xi32, #tpu.memory_space<vmem>>
        %dma_wait3A_848 = tpu.memref_squeeze %dma_wait3A_847 : memref<1x80xi32, #tpu.memory_space<vmem>> -> memref<80xi32, #tpu.memory_space<vmem>>
        %dma_wait3A_849 = arith.constant 0 : i32
        %dma_wait3A_850 = arith.constant 0 : i32
        %dma_wait3A_851 = tpu.memref_slice %arg2[%dma_wait3A_849, %dma_wait3A_850] : memref<10000x128xf32, #tpu.memory_space<hbm>> -> memref<10000x128xf32, #tpu.memory_space<hbm>>
        tpu.wait_indirect_dma semaphore(%arg17 : memref<!tpu.dma_semaphore, #tpu.memory_space<semaphore_mem>>) src(%dma_wait3A_851 : memref<10000x128xf32, #tpu.memory_space<hbm>>) dst(%arg13 : memref<80x128xf32, #tpu.memory_space<vmem>>)
        %dma_start3A_852 = arith.constant 3 : i32
        %dma_start3A_853 = arith.constant 0 : i32
        %dma_start3A_854 = tpu.memref_slice %arg9[%dma_start3A_852, %dma_start3A_853] : memref<5x80xi32, #tpu.memory_space<vmem>> -> memref<1x80xi32, #tpu.memory_space<vmem>>
        %dma_start3A_855 = tpu.memref_squeeze %dma_start3A_854 : memref<1x80xi32, #tpu.memory_space<vmem>> -> memref<80xi32, #tpu.memory_space<vmem>>
        %dma_start3A_856 = arith.constant 0 : i32
        %dma_start3A_857 = arith.constant 0 : i32
        %dma_start3A_858 = tpu.memref_slice %arg2[%dma_start3A_856, %dma_start3A_857] : memref<10000x128xf32, #tpu.memory_space<hbm>> -> memref<10000x128xf32, #tpu.memory_space<hbm>>
        tpu.enqueue_indirect_dma source(%dma_start3A_858 : memref<10000x128xf32, #tpu.memory_space<hbm>>) target(%arg12 : memref<80x128xf32, #tpu.memory_space<vmem>>) offsets(%dma_start3A_855 : memref<80xi32, #tpu.memory_space<vmem>>) semaphore(%arg17 : memref<!tpu.dma_semaphore, #tpu.memory_space<semaphore_mem>>)
        %run_scoped3A_859 = arith.constant 2 : i32
        "tpu.region"() ({
          %run_scoped3A_977 = tpu.sem_alloc : memref<!tpu.dma_semaphore, #tpu.memory_space<semaphore_mem>>
          %dma_start3A_978 = arith.constant 0 : i32
          %dma_start3A_979 = tpu.memref_slice %arg11[%run_scoped3A_859, %dma_start3A_978] : memref<5x80xi32, #tpu.memory_space<vmem>> -> memref<1x80xi32, #tpu.memory_space<vmem>>
          %dma_start3A_980 = tpu.memref_squeeze %dma_start3A_979 : memref<1x80xi32, #tpu.memory_space<vmem>> -> memref<80xi32, #tpu.memory_space<vmem>>
          %dma_start3A_981 = arith.constant 0 : i32
          %dma_start3A_982 = arith.constant 0 : i32
          %dma_start3A_983 = tpu.memref_slice %arg16[%dma_start3A_981, %dma_start3A_982] : memref<10000x128xf32, #tpu.memory_space<vmem_shared>> -> memref<10000x128xf32, #tpu.memory_space<vmem_shared>>
          tpu.enqueue_indirect_dma source(%arg13 : memref<80x128xf32, #tpu.memory_space<vmem>>) target(%dma_start3A_983 : memref<10000x128xf32, #tpu.memory_space<vmem_shared>>) offsets(%dma_start3A_980 : memref<80xi32, #tpu.memory_space<vmem>>) semaphore(%run_scoped3A_977 : memref<!tpu.dma_semaphore, #tpu.memory_space<semaphore_mem>>) {add = true}
          %dma_wait3A_984 = arith.constant 0 : i32
          %dma_wait3A_985 = tpu.memref_slice %arg11[%run_scoped3A_859, %dma_wait3A_984] : memref<5x80xi32, #tpu.memory_space<vmem>> -> memref<1x80xi32, #tpu.memory_space<vmem>>
          %dma_wait3A_986 = tpu.memref_squeeze %dma_wait3A_985 : memref<1x80xi32, #tpu.memory_space<vmem>> -> memref<80xi32, #tpu.memory_space<vmem>>
          %dma_wait3A_987 = arith.constant 0 : i32
          %dma_wait3A_988 = arith.constant 0 : i32
          %dma_wait3A_989 = tpu.memref_slice %arg16[%dma_wait3A_987, %dma_wait3A_988] : memref<10000x128xf32, #tpu.memory_space<vmem_shared>> -> memref<10000x128xf32, #tpu.memory_space<vmem_shared>>
          tpu.wait_indirect_dma semaphore(%run_scoped3A_977 : memref<!tpu.dma_semaphore, #tpu.memory_space<semaphore_mem>>) src(%arg13 : memref<80x128xf32, #tpu.memory_space<vmem>>) dst(%dma_wait3A_989 : memref<10000x128xf32, #tpu.memory_space<vmem_shared>>)
          tpu.yield
        }) : () -> ()
        %get3A_860 = arith.constant 2 : i32
        %get3A_861 = arith.index_cast %get3A_860 : i32 to index
        %get3A_862 = arith.constant 0 : index
        %get3A_863 = tpu.vector_load %arg11[%get3A_861, %get3A_862] {strides = array<i32>} : memref<5x80xi32, #tpu.memory_space<vmem>>, vector<16xi32>,
        tpu.vector_store_idx %arg14[%get3A_863], %broadcast_in_dim3A_3 {add = true} : memref<10240xf32, #tpu.memory_space<vmem>>[vector<16xi32>], vector<16xf32>,
        %get3A_864 = arith.constant 2 : i32
        %get3A_865 = arith.index_cast %get3A_864 : i32 to index
        %get3A_866 = arith.constant 16 : index
        %get3A_867 = tpu.vector_load %arg11[%get3A_865, %get3A_866] {strides = array<i32>} : memref<5x80xi32, #tpu.memory_space<vmem>>, vector<16xi32>,
        tpu.vector_store_idx %arg14[%get3A_867], %broadcast_in_dim3A_3 {add = true} : memref<10240xf32, #tpu.memory_space<vmem>>[vector<16xi32>], vector<16xf32>,
        %get3A_868 = arith.constant 2 : i32
        %get3A_869 = arith.index_cast %get3A_868 : i32 to index
        %get3A_870 = arith.constant 32 : index
        %get3A_871 = tpu.vector_load %arg11[%get3A_869, %get3A_870] {strides = array<i32>} : memref<5x80xi32, #tpu.memory_space<vmem>>, vector<16xi32>,
        tpu.vector_store_idx %arg14[%get3A_871], %broadcast_in_dim3A_3 {add = true} : memref<10240xf32, #tpu.memory_space<vmem>>[vector<16xi32>], vector<16xf32>,
        %get3A_872 = arith.constant 2 : i32
        %get3A_873 = arith.index_cast %get3A_872 : i32 to index
        %get3A_874 = arith.constant 48 : index
        %get3A_875 = tpu.vector_load %arg11[%get3A_873, %get3A_874] {strides = array<i32>} : memref<5x80xi32, #tpu.memory_space<vmem>>, vector<16xi32>,
        tpu.vector_store_idx %arg14[%get3A_875], %broadcast_in_dim3A_3 {add = true} : memref<10240xf32, #tpu.memory_space<vmem>>[vector<16xi32>], vector<16xf32>,
        %get3A_876 = arith.constant 2 : i32
        %get3A_877 = arith.index_cast %get3A_876 : i32 to index
        %get3A_878 = arith.constant 64 : index
        %get3A_879 = tpu.vector_load %arg11[%get3A_877, %get3A_878] {strides = array<i32>} : memref<5x80xi32, #tpu.memory_space<vmem>>, vector<16xi32>,
        tpu.vector_store_idx %arg14[%get3A_879], %broadcast_in_dim3A_3 {add = true} : memref<10240xf32, #tpu.memory_space<vmem>>[vector<16xi32>], vector<16xf32>,
        %dma_wait3A_880 = arith.constant 3 : i32
        %dma_wait3A_881 = arith.constant 0 : i32
        %dma_wait3A_882 = tpu.memref_slice %arg9[%dma_wait3A_880, %dma_wait3A_881] : memref<5x80xi32, #tpu.memory_space<vmem>> -> memref<1x80xi32, #tpu.memory_space<vmem>>
        %dma_wait3A_883 = tpu.memref_squeeze %dma_wait3A_882 : memref<1x80xi32, #tpu.memory_space<vmem>> -> memref<80xi32, #tpu.memory_space<vmem>>
        %dma_wait3A_884 = arith.constant 0 : i32
        %dma_wait3A_885 = arith.constant 0 : i32
        %dma_wait3A_886 = tpu.memref_slice %arg2[%dma_wait3A_884, %dma_wait3A_885] : memref<10000x128xf32, #tpu.memory_space<hbm>> -> memref<10000x128xf32, #tpu.memory_space<hbm>>
        tpu.wait_indirect_dma semaphore(%arg17 : memref<!tpu.dma_semaphore, #tpu.memory_space<semaphore_mem>>) src(%dma_wait3A_886 : memref<10000x128xf32, #tpu.memory_space<hbm>>) dst(%arg12 : memref<80x128xf32, #tpu.memory_space<vmem>>)
        %dma_start3A_887 = arith.constant 4 : i32
        %dma_start3A_888 = arith.constant 0 : i32
        %dma_start3A_889 = tpu.memref_slice %arg9[%dma_start3A_887, %dma_start3A_888] : memref<5x80xi32, #tpu.memory_space<vmem>> -> memref<1x80xi32, #tpu.memory_space<vmem>>
        %dma_start3A_890 = tpu.memref_squeeze %dma_start3A_889 : memref<1x80xi32, #tpu.memory_space<vmem>> -> memref<80xi32, #tpu.memory_space<vmem>>
        %dma_start3A_891 = arith.constant 0 : i32
        %dma_start3A_892 = arith.constant 0 : i32
        %dma_start3A_893 = tpu.memref_slice %arg2[%dma_start3A_891, %dma_start3A_892] : memref<10000x128xf32, #tpu.memory_space<hbm>> -> memref<10000x128xf32, #tpu.memory_space<hbm>>
        tpu.enqueue_indirect_dma source(%dma_start3A_893 : memref<10000x128xf32, #tpu.memory_space<hbm>>) target(%arg13 : memref<80x128xf32, #tpu.memory_space<vmem>>) offsets(%dma_start3A_890 : memref<80xi32, #tpu.memory_space<vmem>>) semaphore(%arg17 : memref<!tpu.dma_semaphore, #tpu.memory_space<semaphore_mem>>)
        %run_scoped3A_894 = arith.constant 3 : i32
        "tpu.region"() ({
          %run_scoped3A_977 = tpu.sem_alloc : memref<!tpu.dma_semaphore, #tpu.memory_space<semaphore_mem>>
          %dma_start3A_978 = arith.constant 0 : i32
          %dma_start3A_979 = tpu.memref_slice %arg11[%run_scoped3A_894, %dma_start3A_978] : memref<5x80xi32, #tpu.memory_space<vmem>> -> memref<1x80xi32, #tpu.memory_space<vmem>>
          %dma_start3A_980 = tpu.memref_squeeze %dma_start3A_979 : memref<1x80xi32, #tpu.memory_space<vmem>> -> memref<80xi32, #tpu.memory_space<vmem>>
          %dma_start3A_981 = arith.constant 0 : i32
          %dma_start3A_982 = arith.constant 0 : i32
          %dma_start3A_983 = tpu.memref_slice %arg16[%dma_start3A_981, %dma_start3A_982] : memref<10000x128xf32, #tpu.memory_space<vmem_shared>> -> memref<10000x128xf32, #tpu.memory_space<vmem_shared>>
          tpu.enqueue_indirect_dma source(%arg12 : memref<80x128xf32, #tpu.memory_space<vmem>>) target(%dma_start3A_983 : memref<10000x128xf32, #tpu.memory_space<vmem_shared>>) offsets(%dma_start3A_980 : memref<80xi32, #tpu.memory_space<vmem>>) semaphore(%run_scoped3A_977 : memref<!tpu.dma_semaphore, #tpu.memory_space<semaphore_mem>>) {add = true}
          %dma_wait3A_984 = arith.constant 0 : i32
          %dma_wait3A_985 = tpu.memref_slice %arg11[%run_scoped3A_894, %dma_wait3A_984] : memref<5x80xi32, #tpu.memory_space<vmem>> -> memref<1x80xi32, #tpu.memory_space<vmem>>
          %dma_wait3A_986 = tpu.memref_squeeze %dma_wait3A_985 : memref<1x80xi32, #tpu.memory_space<vmem>> -> memref<80xi32, #tpu.memory_space<vmem>>
          %dma_wait3A_987 = arith.constant 0 : i32
          %dma_wait3A_988 = arith.constant 0 : i32
          %dma_wait3A_989 = tpu.memref_slice %arg16[%dma_wait3A_987, %dma_wait3A_988] : memref<10000x128xf32, #tpu.memory_space<vmem_shared>> -> memref<10000x128xf32, #tpu.memory_space<vmem_shared>>
          tpu.wait_indirect_dma semaphore(%run_scoped3A_977 : memref<!tpu.dma_semaphore, #tpu.memory_space<semaphore_mem>>) src(%arg12 : memref<80x128xf32, #tpu.memory_space<vmem>>) dst(%dma_wait3A_989 : memref<10000x128xf32, #tpu.memory_space<vmem_shared>>)
          tpu.yield
        }) : () -> ()
        %get3A_895 = arith.constant 3 : i32
        %get3A_896 = arith.index_cast %get3A_895 : i32 to index
        %get3A_897 = arith.constant 0 : index
        %get3A_898 = tpu.vector_load %arg11[%get3A_896, %get3A_897] {strides = array<i32>} : memref<5x80xi32, #tpu.memory_space<vmem>>, vector<16xi32>,
        tpu.vector_store_idx %arg14[%get3A_898], %broadcast_in_dim3A_3 {add = true} : memref<10240xf32, #tpu.memory_space<vmem>>[vector<16xi32>], vector<16xf32>,
        %get3A_899 = arith.constant 3 : i32
        %get3A_900 = arith.index_cast %get3A_899 : i32 to index
        %get3A_901 = arith.constant 16 : index
        %get3A_902 = tpu.vector_load %arg11[%get3A_900, %get3A_901] {strides = array<i32>} : memref<5x80xi32, #tpu.memory_space<vmem>>, vector<16xi32>,
        tpu.vector_store_idx %arg14[%get3A_902], %broadcast_in_dim3A_3 {add = true} : memref<10240xf32, #tpu.memory_space<vmem>>[vector<16xi32>], vector<16xf32>,
        %get3A_903 = arith.constant 3 : i32
        %get3A_904 = arith.index_cast %get3A_903 : i32 to index
        %get3A_905 = arith.constant 32 : index
        %get3A_906 = tpu.vector_load %arg11[%get3A_904, %get3A_905] {strides = array<i32>} : memref<5x80xi32, #tpu.memory_space<vmem>>, vector<16xi32>,
        tpu.vector_store_idx %arg14[%get3A_906], %broadcast_in_dim3A_3 {add = true} : memref<10240xf32, #tpu.memory_space<vmem>>[vector<16xi32>], vector<16xf32>,
        %get3A_907 = arith.constant 3 : i32
        %get3A_908 = arith.index_cast %get3A_907 : i32 to index
        %get3A_909 = arith.constant 48 : index
        %get3A_910 = tpu.vector_load %arg11[%get3A_908, %get3A_909] {strides = array<i32>} : memref<5x80xi32, #tpu.memory_space<vmem>>, vector<16xi32>,
        tpu.vector_store_idx %arg14[%get3A_910], %broadcast_in_dim3A_3 {add = true} : memref<10240xf32, #tpu.memory_space<vmem>>[vector<16xi32>], vector<16xf32>,
        %get3A_911 = arith.constant 3 : i32
        %get3A_912 = arith.index_cast %get3A_911 : i32 to index
        %get3A_913 = arith.constant 64 : index
        %get3A_914 = tpu.vector_load %arg11[%get3A_912, %get3A_913] {strides = array<i32>} : memref<5x80xi32, #tpu.memory_space<vmem>>, vector<16xi32>,
        tpu.vector_store_idx %arg14[%get3A_914], %broadcast_in_dim3A_3 {add = true} : memref<10240xf32, #tpu.memory_space<vmem>>[vector<16xi32>], vector<16xf32>,
        %dma_wait3A_915 = arith.constant 4 : i32
        %dma_wait3A_916 = arith.constant 0 : i32
        %dma_wait3A_917 = tpu.memref_slice %arg9[%dma_wait3A_915, %dma_wait3A_916] : memref<5x80xi32, #tpu.memory_space<vmem>> -> memref<1x80xi32, #tpu.memory_space<vmem>>
        %dma_wait3A_918 = tpu.memref_squeeze %dma_wait3A_917 : memref<1x80xi32, #tpu.memory_space<vmem>> -> memref<80xi32, #tpu.memory_space<vmem>>
        %dma_wait3A_919 = arith.constant 0 : i32
        %dma_wait3A_920 = arith.constant 0 : i32
        %dma_wait3A_921 = tpu.memref_slice %arg2[%dma_wait3A_919, %dma_wait3A_920] : memref<10000x128xf32, #tpu.memory_space<hbm>> -> memref<10000x128xf32, #tpu.memory_space<hbm>>
        tpu.wait_indirect_dma semaphore(%arg17 : memref<!tpu.dma_semaphore, #tpu.memory_space<semaphore_mem>>) src(%dma_wait3A_921 : memref<10000x128xf32, #tpu.memory_space<hbm>>) dst(%arg13 : memref<80x128xf32, #tpu.memory_space<vmem>>)
        %add3A_922 = arith.constant 2 : i32
        %add3A_923 = arith.addi %mul3A_559, %add3A_922 : i32
        %dma_wait3A_924 = arith.constant 0 : i32
        %dma_wait3A_925 = arith.constant 0 : i32
        %dma_wait3A_926 = arith.constant 0 : i32
        %dma_wait3A_927 = tpu.memref_slice %arg4[%dma_wait3A_924, %arg1, %add3A_923, %dma_wait3A_925, %dma_wait3A_926] : memref<2x16x25x5x80xi32, #tpu.memory_space<hbm>> -> memref<1x1x1x5x80xi32, #tpu.memory_space<hbm>>
        %dma_wait3A_928 = tpu.memref_squeeze %dma_wait3A_927 : memref<1x1x1x5x80xi32, #tpu.memory_space<hbm>> -> memref<5x80xi32, #tpu.memory_space<hbm>>
        %dma_wait3A_929 = arith.constant 0 : i32
        %dma_wait3A_930 = arith.constant 0 : i32
        %dma_wait3A_931 = tpu.memref_slice %arg4[%dma_wait3A_924, %arg1, %add3A_923, %dma_wait3A_929, %dma_wait3A_930] : memref<2x16x25x5x80xi32, #tpu.memory_space<hbm>> -> memref<1x1x1x5x80xi32, #tpu.memory_space<hbm>>
        %dma_wait3A_932 = tpu.memref_squeeze %dma_wait3A_931 : memref<1x1x1x5x80xi32, #tpu.memory_space<hbm>> -> memref<5x80xi32, #tpu.memory_space<hbm>>
        tpu.wait_dma2 semaphore(%arg18 : memref<!tpu.dma_semaphore, #tpu.memory_space<semaphore_mem>>) src(%dma_wait3A_932 : memref<5x80xi32, #tpu.memory_space<hbm>>) dst(%arg8 : memref<5x80xi32, #tpu.memory_space<vmem>>)
        %dma_wait3A_933 = arith.constant 1 : i32
        %dma_wait3A_934 = arith.constant 0 : i32
        %dma_wait3A_935 = arith.constant 0 : i32
        %dma_wait3A_936 = tpu.memref_slice %arg4[%dma_wait3A_933, %arg1, %add3A_923, %dma_wait3A_934, %dma_wait3A_935] : memref<2x16x25x5x80xi32, #tpu.memory_space<hbm>> -> memref<1x1x1x5x80xi32, #tpu.memory_space<hbm>>
        %dma_wait3A_937 = tpu.memref_squeeze %dma_wait3A_936 : memref<1x1x1x5x80xi32, #tpu.memory_space<hbm>> -> memref<5x80xi32, #tpu.memory_space<hbm>>
        %dma_wait3A_938 = arith.constant 0 : i32
        %dma_wait3A_939 = arith.constant 0 : i32
        %dma_wait3A_940 = tpu.memref_slice %arg4[%dma_wait3A_933, %arg1, %add3A_923, %dma_wait3A_938, %dma_wait3A_939] : memref<2x16x25x5x80xi32, #tpu.memory_space<hbm>> -> memref<1x1x1x5x80xi32, #tpu.memory_space<hbm>>
        %dma_wait3A_941 = tpu.memref_squeeze %dma_wait3A_940 : memref<1x1x1x5x80xi32, #tpu.memory_space<hbm>> -> memref<5x80xi32, #tpu.memory_space<hbm>>
        tpu.wait_dma2 semaphore(%arg18 : memref<!tpu.dma_semaphore, #tpu.memory_space<semaphore_mem>>) src(%dma_wait3A_941 : memref<5x80xi32, #tpu.memory_space<hbm>>) dst(%arg10 : memref<5x80xi32, #tpu.memory_space<vmem>>)
        %dma_start3A_942 = arith.constant 0 : i32
        %dma_start3A_943 = arith.constant 0 : i32
        %dma_start3A_944 = tpu.memref_slice %arg8[%dma_start3A_942, %dma_start3A_943] : memref<5x80xi32, #tpu.memory_space<vmem>> -> memref<1x80xi32, #tpu.memory_space<vmem>>
        %dma_start3A_945 = tpu.memref_squeeze %dma_start3A_944 : memref<1x80xi32, #tpu.memory_space<vmem>> -> memref<80xi32, #tpu.memory_space<vmem>>
        %dma_start3A_946 = arith.constant 0 : i32
        %dma_start3A_947 = arith.constant 0 : i32
        %dma_start3A_948 = tpu.memref_slice %arg2[%dma_start3A_946, %dma_start3A_947] : memref<10000x128xf32, #tpu.memory_space<hbm>> -> memref<10000x128xf32, #tpu.memory_space<hbm>>
        tpu.enqueue_indirect_dma source(%dma_start3A_948 : memref<10000x128xf32, #tpu.memory_space<hbm>>) target(%arg12 : memref<80x128xf32, #tpu.memory_space<vmem>>) offsets(%dma_start3A_945 : memref<80xi32, #tpu.memory_space<vmem>>) semaphore(%arg17 : memref<!tpu.dma_semaphore, #tpu.memory_space<semaphore_mem>>)
        %run_scoped3A_949 = arith.constant 4 : i32
        "tpu.region"() ({
          %run_scoped3A_977 = tpu.sem_alloc : memref<!tpu.dma_semaphore, #tpu.memory_space<semaphore_mem>>
          %dma_start3A_978 = arith.constant 0 : i32
          %dma_start3A_979 = tpu.memref_slice %arg11[%run_scoped3A_949, %dma_start3A_978] : memref<5x80xi32, #tpu.memory_space<vmem>> -> memref<1x80xi32, #tpu.memory_space<vmem>>
          %dma_start3A_980 = tpu.memref_squeeze %dma_start3A_979 : memref<1x80xi32, #tpu.memory_space<vmem>> -> memref<80xi32, #tpu.memory_space<vmem>>
          %dma_start3A_981 = arith.constant 0 : i32
          %dma_start3A_982 = arith.constant 0 : i32
          %dma_start3A_983 = tpu.memref_slice %arg16[%dma_start3A_981, %dma_start3A_982] : memref<10000x128xf32, #tpu.memory_space<vmem_shared>> -> memref<10000x128xf32, #tpu.memory_space<vmem_shared>>
          tpu.enqueue_indirect_dma source(%arg13 : memref<80x128xf32, #tpu.memory_space<vmem>>) target(%dma_start3A_983 : memref<10000x128xf32, #tpu.memory_space<vmem_shared>>) offsets(%dma_start3A_980 : memref<80xi32, #tpu.memory_space<vmem>>) semaphore(%run_scoped3A_977 : memref<!tpu.dma_semaphore, #tpu.memory_space<semaphore_mem>>) {add = true}
          %dma_wait3A_984 = arith.constant 0 : i32
          %dma_wait3A_985 = tpu.memref_slice %arg11[%run_scoped3A_949, %dma_wait3A_984] : memref<5x80xi32, #tpu.memory_space<vmem>> -> memref<1x80xi32, #tpu.memory_space<vmem>>
          %dma_wait3A_986 = tpu.memref_squeeze %dma_wait3A_985 : memref<1x80xi32, #tpu.memory_space<vmem>> -> memref<80xi32, #tpu.memory_space<vmem>>
          %dma_wait3A_987 = arith.constant 0 : i32
          %dma_wait3A_988 = arith.constant 0 : i32
          %dma_wait3A_989 = tpu.memref_slice %arg16[%dma_wait3A_987, %dma_wait3A_988] : memref<10000x128xf32, #tpu.memory_space<vmem_shared>> -> memref<10000x128xf32, #tpu.memory_space<vmem_shared>>
          tpu.wait_indirect_dma semaphore(%run_scoped3A_977 : memref<!tpu.dma_semaphore, #tpu.memory_space<semaphore_mem>>) src(%arg13 : memref<80x128xf32, #tpu.memory_space<vmem>>) dst(%dma_wait3A_989 : memref<10000x128xf32, #tpu.memory_space<vmem_shared>>)
          tpu.yield
        }) : () -> ()
        %get3A_950 = arith.constant 4 : i32
        %get3A_951 = arith.index_cast %get3A_950 : i32 to index
        %get3A_952 = arith.constant 0 : index
        %get3A_953 = tpu.vector_load %arg11[%get3A_951, %get3A_952] {strides = array<i32>} : memref<5x80xi32, #tpu.memory_space<vmem>>, vector<16xi32>,
        tpu.vector_store_idx %arg14[%get3A_953], %broadcast_in_dim3A_3 {add = true} : memref<10240xf32, #tpu.memory_space<vmem>>[vector<16xi32>], vector<16xf32>,
        %get3A_954 = arith.constant 4 : i32
        %get3A_955 = arith.index_cast %get3A_954 : i32 to index
        %get3A_956 = arith.constant 16 : index
        %get3A_957 = tpu.vector_load %arg11[%get3A_955, %get3A_956] {strides = array<i32>} : memref<5x80xi32, #tpu.memory_space<vmem>>, vector<16xi32>,
        tpu.vector_store_idx %arg14[%get3A_957], %broadcast_in_dim3A_3 {add = true} : memref<10240xf32, #tpu.memory_space<vmem>>[vector<16xi32>], vector<16xf32>,
        %get3A_958 = arith.constant 4 : i32
        %get3A_959 = arith.index_cast %get3A_958 : i32 to index
        %get3A_960 = arith.constant 32 : index
        %get3A_961 = tpu.vector_load %arg11[%get3A_959, %get3A_960] {strides = array<i32>} : memref<5x80xi32, #tpu.memory_space<vmem>>, vector<16xi32>,
        tpu.vector_store_idx %arg14[%get3A_961], %broadcast_in_dim3A_3 {add = true} : memref<10240xf32, #tpu.memory_space<vmem>>[vector<16xi32>], vector<16xf32>,
        %get3A_962 = arith.constant 4 : i32
        %get3A_963 = arith.index_cast %get3A_962 : i32 to index
        %get3A_964 = arith.constant 48 : index
        %get3A_965 = tpu.vector_load %arg11[%get3A_963, %get3A_964] {strides = array<i32>} : memref<5x80xi32, #tpu.memory_space<vmem>>, vector<16xi32>,
        tpu.vector_store_idx %arg14[%get3A_965], %broadcast_in_dim3A_3 {add = true} : memref<10240xf32, #tpu.memory_space<vmem>>[vector<16xi32>], vector<16xf32>,
        %get3A_966 = arith.constant 4 : i32
        %get3A_967 = arith.index_cast %get3A_966 : i32 to index
        %get3A_968 = arith.constant 64 : index
        %get3A_969 = tpu.vector_load %arg11[%get3A_967, %get3A_968] {strides = array<i32>} : memref<5x80xi32, #tpu.memory_space<vmem>>, vector<16xi32>,
        tpu.vector_store_idx %arg14[%get3A_969], %broadcast_in_dim3A_3 {add = true} : memref<10240xf32, #tpu.memory_space<vmem>>[vector<16xi32>], vector<16xf32>,
        %add3A_970 = arith.constant 3 : i32
        %add3A_971 = arith.addi %mul3A_559, %add3A_970 : i32
        %lt3A_972 = arith.constant 25 : i32
        %lt3A_973 = arith.cmpi slt, %add3A_971, %lt3A_972 : i32
        %convert_element_type3A_974 = arith.extui %lt3A_973 : i1 to i32
        %cond3A_975 = arith.constant 0 : i32
        %cond3A_976 = arith.cmpi ne, %convert_element_type3A_974, %cond3A_975 : i32
        scf.if %cond3A_976 {
          %add3A_977 = arith.constant 3 : i32
          %add3A_978 = arith.addi %mul3A_559, %add3A_977 : i32
          %dma_start3A_979 = arith.constant 0 : i32
          %dma_start3A_980 = arith.constant 0 : i32
          %dma_start3A_981 = arith.constant 0 : i32
          %dma_start3A_982 = tpu.memref_slice %arg4[%dma_start3A_979, %arg1, %add3A_978, %dma_start3A_980, %dma_start3A_981] : memref<2x16x25x5x80xi32, #tpu.memory_space<hbm>> -> memref<1x1x1x5x80xi32, #tpu.memory_space<hbm>>
          %dma_start3A_983 = tpu.memref_squeeze %dma_start3A_982 : memref<1x1x1x5x80xi32, #tpu.memory_space<hbm>> -> memref<5x80xi32, #tpu.memory_space<hbm>>
          %dma_start3A_984 = arith.constant 0 : i32
          %dma_start3A_985 = arith.constant 0 : i32
          %dma_start3A_986 = tpu.memref_slice %arg4[%dma_start3A_979, %arg1, %add3A_978, %dma_start3A_984, %dma_start3A_985] : memref<2x16x25x5x80xi32, #tpu.memory_space<hbm>> -> memref<1x1x1x5x80xi32, #tpu.memory_space<hbm>>
          %dma_start3A_987 = tpu.memref_squeeze %dma_start3A_986 : memref<1x1x1x5x80xi32, #tpu.memory_space<hbm>> -> memref<5x80xi32, #tpu.memory_space<hbm>>
          tpu.enqueue_dma source(%dma_start3A_987 : memref<5x80xi32, #tpu.memory_space<hbm>>) target(%arg9 : memref<5x80xi32, #tpu.memory_space<vmem>>) target_semaphore(%arg18 : memref<!tpu.dma_semaphore, #tpu.memory_space<semaphore_mem>>)
          %dma_start3A_988 = arith.constant 1 : i32
          %dma_start3A_989 = arith.constant 0 : i32
          %dma_start3A_990 = arith.constant 0 : i32
          %dma_start3A_991 = tpu.memref_slice %arg4[%dma_start3A_988, %arg1, %add3A_978, %dma_start3A_989, %dma_start3A_990] : memref<2x16x25x5x80xi32, #tpu.memory_space<hbm>> -> memref<1x1x1x5x80xi32, #tpu.memory_space<hbm>>
          %dma_start3A_992 = tpu.memref_squeeze %dma_start3A_991 : memref<1x1x1x5x80xi32, #tpu.memory_space<hbm>> -> memref<5x80xi32, #tpu.memory_space<hbm>>
          %dma_start3A_993 = arith.constant 0 : i32
          %dma_start3A_994 = arith.constant 0 : i32
          %dma_start3A_995 = tpu.memref_slice %arg4[%dma_start3A_988, %arg1, %add3A_978, %dma_start3A_993, %dma_start3A_994] : memref<2x16x25x5x80xi32, #tpu.memory_space<hbm>> -> memref<1x1x1x5x80xi32, #tpu.memory_space<hbm>>
          %dma_start3A_996 = tpu.memref_squeeze %dma_start3A_995 : memref<1x1x1x5x80xi32, #tpu.memory_space<hbm>> -> memref<5x80xi32, #tpu.memory_space<hbm>>
          tpu.enqueue_dma source(%dma_start3A_996 : memref<5x80xi32, #tpu.memory_space<hbm>>) target(%arg11 : memref<5x80xi32, #tpu.memory_space<vmem>>) target_semaphore(%arg18 : memref<!tpu.dma_semaphore, #tpu.memory_space<semaphore_mem>>)
        } else {
        }
      }
      %scan3A_390 = arith.constant 12 : i32
      %dma_wait3A_391 = arith.constant 0 : i32
      %dma_wait3A_392 = arith.constant 0 : i32
      %dma_wait3A_393 = tpu.memref_slice %arg8[%dma_wait3A_391, %dma_wait3A_392] : memref<5x80xi32, #tpu.memory_space<vmem>> -> memref<1x80xi32, #tpu.memory_space<vmem>>
      %dma_wait3A_394 = tpu.memref_squeeze %dma_wait3A_393 : memref<1x80xi32, #tpu.memory_space<vmem>> -> memref<80xi32, #tpu.memory_space<vmem>>
      %dma_wait3A_395 = arith.constant 0 : i32
      %dma_wait3A_396 = arith.constant 0 : i32
      %dma_wait3A_397 = tpu.memref_slice %arg2[%dma_wait3A_395, %dma_wait3A_396] : memref<10000x128xf32, #tpu.memory_space<hbm>> -> memref<10000x128xf32, #tpu.memory_space<hbm>>
      tpu.wait_indirect_dma semaphore(%arg17 : memref<!tpu.dma_semaphore, #tpu.memory_space<semaphore_mem>>) src(%dma_wait3A_397 : memref<10000x128xf32, #tpu.memory_space<hbm>>) dst(%arg12 : memref<80x128xf32, #tpu.memory_space<vmem>>)
      %dma_start3A_398 = arith.constant 1 : i32
      %dma_start3A_399 = arith.constant 0 : i32
      %dma_start3A_400 = tpu.memref_slice %arg8[%dma_start3A_398, %dma_start3A_399] : memref<5x80xi32, #tpu.memory_space<vmem>> -> memref<1x80xi32, #tpu.memory_space<vmem>>
      %dma_start3A_401 = tpu.memref_squeeze %dma_start3A_400 : memref<1x80xi32, #tpu.memory_space<vmem>> -> memref<80xi32, #tpu.memory_space<vmem>>
      %dma_start3A_402 = arith.constant 0 : i32
      %dma_start3A_403 = arith.constant 0 : i32
      %dma_start3A_404 = tpu.memref_slice %arg2[%dma_start3A_402, %dma_start3A_403] : memref<10000x128xf32, #tpu.memory_space<hbm>> -> memref<10000x128xf32, #tpu.memory_space<hbm>>
      tpu.enqueue_indirect_dma source(%dma_start3A_404 : memref<10000x128xf32, #tpu.memory_space<hbm>>) target(%arg13 : memref<80x128xf32, #tpu.memory_space<vmem>>) offsets(%dma_start3A_401 : memref<80xi32, #tpu.memory_space<vmem>>) semaphore(%arg17 : memref<!tpu.dma_semaphore, #tpu.memory_space<semaphore_mem>>)
      %run_scoped3A = arith.constant 0 : i32
      "tpu.region"() ({
        %run_scoped3A_557 = tpu.sem_alloc : memref<!tpu.dma_semaphore, #tpu.memory_space<semaphore_mem>>
        %dma_start3A_558 = arith.constant 0 : i32
        %dma_start3A_559 = tpu.memref_slice %arg10[%run_scoped3A, %dma_start3A_558] : memref<5x80xi32, #tpu.memory_space<vmem>> -> memref<1x80xi32, #tpu.memory_space<vmem>>
        %dma_start3A_560 = tpu.memref_squeeze %dma_start3A_559 : memref<1x80xi32, #tpu.memory_space<vmem>> -> memref<80xi32, #tpu.memory_space<vmem>>
        %dma_start3A_561 = arith.constant 0 : i32
        %dma_start3A_562 = arith.constant 0 : i32
        %dma_start3A_563 = tpu.memref_slice %arg16[%dma_start3A_561, %dma_start3A_562] : memref<10000x128xf32, #tpu.memory_space<vmem_shared>> -> memref<10000x128xf32, #tpu.memory_space<vmem_shared>>
        tpu.enqueue_indirect_dma source(%arg12 : memref<80x128xf32, #tpu.memory_space<vmem>>) target(%dma_start3A_563 : memref<10000x128xf32, #tpu.memory_space<vmem_shared>>) offsets(%dma_start3A_560 : memref<80xi32, #tpu.memory_space<vmem>>) semaphore(%run_scoped3A_557 : memref<!tpu.dma_semaphore, #tpu.memory_space<semaphore_mem>>) {add = true}
        %dma_wait3A_564 = arith.constant 0 : i32
        %dma_wait3A_565 = tpu.memref_slice %arg10[%run_scoped3A, %dma_wait3A_564] : memref<5x80xi32, #tpu.memory_space<vmem>> -> memref<1x80xi32, #tpu.memory_space<vmem>>
        %dma_wait3A_566 = tpu.memref_squeeze %dma_wait3A_565 : memref<1x80xi32, #tpu.memory_space<vmem>> -> memref<80xi32, #tpu.memory_space<vmem>>
        %dma_wait3A_567 = arith.constant 0 : i32
        %dma_wait3A_568 = arith.constant 0 : i32
        %dma_wait3A_569 = tpu.memref_slice %arg16[%dma_wait3A_567, %dma_wait3A_568] : memref<10000x128xf32, #tpu.memory_space<vmem_shared>> -> memref<10000x128xf32, #tpu.memory_space<vmem_shared>>
        tpu.wait_indirect_dma semaphore(%run_scoped3A_557 : memref<!tpu.dma_semaphore, #tpu.memory_space<semaphore_mem>>) src(%arg12 : memref<80x128xf32, #tpu.memory_space<vmem>>) dst(%dma_wait3A_569 : memref<10000x128xf32, #tpu.memory_space<vmem_shared>>)
        tpu.yield
      }) : () -> ()
      %get3A = arith.constant 0 : i32
      %get3A_405 = arith.index_cast %get3A : i32 to index
      %get3A_406 = arith.constant 0 : index
      %get3A_407 = tpu.vector_load %arg10[%get3A_405, %get3A_406] {strides = array<i32>} : memref<5x80xi32, #tpu.memory_space<vmem>>, vector<16xi32>,
      tpu.vector_store_idx %arg14[%get3A_407], %broadcast_in_dim3A_3 {add = true} : memref<10240xf32, #tpu.memory_space<vmem>>[vector<16xi32>], vector<16xf32>,
      %get3A_408 = arith.constant 0 : i32
      %get3A_409 = arith.index_cast %get3A_408 : i32 to index
      %get3A_410 = arith.constant 16 : index
      %get3A_411 = tpu.vector_load %arg10[%get3A_409, %get3A_410] {strides = array<i32>} : memref<5x80xi32, #tpu.memory_space<vmem>>, vector<16xi32>,
      tpu.vector_store_idx %arg14[%get3A_411], %broadcast_in_dim3A_3 {add = true} : memref<10240xf32, #tpu.memory_space<vmem>>[vector<16xi32>], vector<16xf32>,
      %get3A_412 = arith.constant 0 : i32
      %get3A_413 = arith.index_cast %get3A_412 : i32 to index
      %get3A_414 = arith.constant 32 : index
      %get3A_415 = tpu.vector_load %arg10[%get3A_413, %get3A_414] {strides = array<i32>} : memref<5x80xi32, #tpu.memory_space<vmem>>, vector<16xi32>,
      tpu.vector_store_idx %arg14[%get3A_415], %broadcast_in_dim3A_3 {add = true} : memref<10240xf32, #tpu.memory_space<vmem>>[vector<16xi32>], vector<16xf32>,
      %get3A_416 = arith.constant 0 : i32
      %get3A_417 = arith.index_cast %get3A_416 : i32 to index
      %get3A_418 = arith.constant 48 : index
      %get3A_419 = tpu.vector_load %arg10[%get3A_417, %get3A_418] {strides = array<i32>} : memref<5x80xi32, #tpu.memory_space<vmem>>, vector<16xi32>,
      tpu.vector_store_idx %arg14[%get3A_419], %broadcast_in_dim3A_3 {add = true} : memref<10240xf32, #tpu.memory_space<vmem>>[vector<16xi32>], vector<16xf32>,
      %get3A_420 = arith.constant 0 : i32
      %get3A_421 = arith.index_cast %get3A_420 : i32 to index
      %get3A_422 = arith.constant 64 : index
      %get3A_423 = tpu.vector_load %arg10[%get3A_421, %get3A_422] {strides = array<i32>} : memref<5x80xi32, #tpu.memory_space<vmem>>, vector<16xi32>,
      tpu.vector_store_idx %arg14[%get3A_423], %broadcast_in_dim3A_3 {add = true} : memref<10240xf32, #tpu.memory_space<vmem>>[vector<16xi32>], vector<16xf32>,
      %dma_wait3A_424 = arith.constant 1 : i32
      %dma_wait3A_425 = arith.constant 0 : i32
      %dma_wait3A_426 = tpu.memref_slice %arg8[%dma_wait3A_424, %dma_wait3A_425] : memref<5x80xi32, #tpu.memory_space<vmem>> -> memref<1x80xi32, #tpu.memory_space<vmem>>
      %dma_wait3A_427 = tpu.memref_squeeze %dma_wait3A_426 : memref<1x80xi32, #tpu.memory_space<vmem>> -> memref<80xi32, #tpu.memory_space<vmem>>
      %dma_wait3A_428 = arith.constant 0 : i32
      %dma_wait3A_429 = arith.constant 0 : i32
      %dma_wait3A_430 = tpu.memref_slice %arg2[%dma_wait3A_428, %dma_wait3A_429] : memref<10000x128xf32, #tpu.memory_space<hbm>> -> memref<10000x128xf32, #tpu.memory_space<hbm>>
      tpu.wait_indirect_dma semaphore(%arg17 : memref<!tpu.dma_semaphore, #tpu.memory_space<semaphore_mem>>) src(%dma_wait3A_430 : memref<10000x128xf32, #tpu.memory_space<hbm>>) dst(%arg13 : memref<80x128xf32, #tpu.memory_space<vmem>>)
      %dma_start3A_431 = arith.constant 2 : i32
      %dma_start3A_432 = arith.constant 0 : i32
      %dma_start3A_433 = tpu.memref_slice %arg8[%dma_start3A_431, %dma_start3A_432] : memref<5x80xi32, #tpu.memory_space<vmem>> -> memref<1x80xi32, #tpu.memory_space<vmem>>
      %dma_start3A_434 = tpu.memref_squeeze %dma_start3A_433 : memref<1x80xi32, #tpu.memory_space<vmem>> -> memref<80xi32, #tpu.memory_space<vmem>>
      %dma_start3A_435 = arith.constant 0 : i32
      %dma_start3A_436 = arith.constant 0 : i32
      %dma_start3A_437 = tpu.memref_slice %arg2[%dma_start3A_435, %dma_start3A_436] : memref<10000x128xf32, #tpu.memory_space<hbm>> -> memref<10000x128xf32, #tpu.memory_space<hbm>>
      tpu.enqueue_indirect_dma source(%dma_start3A_437 : memref<10000x128xf32, #tpu.memory_space<hbm>>) target(%arg12 : memref<80x128xf32, #tpu.memory_space<vmem>>) offsets(%dma_start3A_434 : memref<80xi32, #tpu.memory_space<vmem>>) semaphore(%arg17 : memref<!tpu.dma_semaphore, #tpu.memory_space<semaphore_mem>>)
      %run_scoped3A_438 = arith.constant 1 : i32
      "tpu.region"() ({
        %run_scoped3A_557 = tpu.sem_alloc : memref<!tpu.dma_semaphore, #tpu.memory_space<semaphore_mem>>
        %dma_start3A_558 = arith.constant 0 : i32
        %dma_start3A_559 = tpu.memref_slice %arg10[%run_scoped3A_438, %dma_start3A_558] : memref<5x80xi32, #tpu.memory_space<vmem>> -> memref<1x80xi32, #tpu.memory_space<vmem>>
        %dma_start3A_560 = tpu.memref_squeeze %dma_start3A_559 : memref<1x80xi32, #tpu.memory_space<vmem>> -> memref<80xi32, #tpu.memory_space<vmem>>
        %dma_start3A_561 = arith.constant 0 : i32
        %dma_start3A_562 = arith.constant 0 : i32
        %dma_start3A_563 = tpu.memref_slice %arg16[%dma_start3A_561, %dma_start3A_562] : memref<10000x128xf32, #tpu.memory_space<vmem_shared>> -> memref<10000x128xf32, #tpu.memory_space<vmem_shared>>
        tpu.enqueue_indirect_dma source(%arg13 : memref<80x128xf32, #tpu.memory_space<vmem>>) target(%dma_start3A_563 : memref<10000x128xf32, #tpu.memory_space<vmem_shared>>) offsets(%dma_start3A_560 : memref<80xi32, #tpu.memory_space<vmem>>) semaphore(%run_scoped3A_557 : memref<!tpu.dma_semaphore, #tpu.memory_space<semaphore_mem>>) {add = true}
        %dma_wait3A_564 = arith.constant 0 : i32
        %dma_wait3A_565 = tpu.memref_slice %arg10[%run_scoped3A_438, %dma_wait3A_564] : memref<5x80xi32, #tpu.memory_space<vmem>> -> memref<1x80xi32, #tpu.memory_space<vmem>>
        %dma_wait3A_566 = tpu.memref_squeeze %dma_wait3A_565 : memref<1x80xi32, #tpu.memory_space<vmem>> -> memref<80xi32, #tpu.memory_space<vmem>>
        %dma_wait3A_567 = arith.constant 0 : i32
        %dma_wait3A_568 = arith.constant 0 : i32
        %dma_wait3A_569 = tpu.memref_slice %arg16[%dma_wait3A_567, %dma_wait3A_568] : memref<10000x128xf32, #tpu.memory_space<vmem_shared>> -> memref<10000x128xf32, #tpu.memory_space<vmem_shared>>
        tpu.wait_indirect_dma semaphore(%run_scoped3A_557 : memref<!tpu.dma_semaphore, #tpu.memory_space<semaphore_mem>>) src(%arg13 : memref<80x128xf32, #tpu.memory_space<vmem>>) dst(%dma_wait3A_569 : memref<10000x128xf32, #tpu.memory_space<vmem_shared>>)
        tpu.yield
      }) : () -> ()
      %get3A_439 = arith.constant 1 : i32
      %get3A_440 = arith.index_cast %get3A_439 : i32 to index
      %get3A_441 = arith.constant 0 : index
      %get3A_442 = tpu.vector_load %arg10[%get3A_440, %get3A_441] {strides = array<i32>} : memref<5x80xi32, #tpu.memory_space<vmem>>, vector<16xi32>,
      tpu.vector_store_idx %arg14[%get3A_442], %broadcast_in_dim3A_3 {add = true} : memref<10240xf32, #tpu.memory_space<vmem>>[vector<16xi32>], vector<16xf32>,
      %get3A_443 = arith.constant 1 : i32
      %get3A_444 = arith.index_cast %get3A_443 : i32 to index
      %get3A_445 = arith.constant 16 : index
      %get3A_446 = tpu.vector_load %arg10[%get3A_444, %get3A_445] {strides = array<i32>} : memref<5x80xi32, #tpu.memory_space<vmem>>, vector<16xi32>,
      tpu.vector_store_idx %arg14[%get3A_446], %broadcast_in_dim3A_3 {add = true} : memref<10240xf32, #tpu.memory_space<vmem>>[vector<16xi32>], vector<16xf32>,
      %get3A_447 = arith.constant 1 : i32
      %get3A_448 = arith.index_cast %get3A_447 : i32 to index
      %get3A_449 = arith.constant 32 : index
      %get3A_450 = tpu.vector_load %arg10[%get3A_448, %get3A_449] {strides = array<i32>} : memref<5x80xi32, #tpu.memory_space<vmem>>, vector<16xi32>,
      tpu.vector_store_idx %arg14[%get3A_450], %broadcast_in_dim3A_3 {add = true} : memref<10240xf32, #tpu.memory_space<vmem>>[vector<16xi32>], vector<16xf32>,
      %get3A_451 = arith.constant 1 : i32
      %get3A_452 = arith.index_cast %get3A_451 : i32 to index
      %get3A_453 = arith.constant 48 : index
      %get3A_454 = tpu.vector_load %arg10[%get3A_452, %get3A_453] {strides = array<i32>} : memref<5x80xi32, #tpu.memory_space<vmem>>, vector<16xi32>,
      tpu.vector_store_idx %arg14[%get3A_454], %broadcast_in_dim3A_3 {add = true} : memref<10240xf32, #tpu.memory_space<vmem>>[vector<16xi32>], vector<16xf32>,
      %get3A_455 = arith.constant 1 : i32
      %get3A_456 = arith.index_cast %get3A_455 : i32 to index
      %get3A_457 = arith.constant 64 : index
      %get3A_458 = tpu.vector_load %arg10[%get3A_456, %get3A_457] {strides = array<i32>} : memref<5x80xi32, #tpu.memory_space<vmem>>, vector<16xi32>,
      tpu.vector_store_idx %arg14[%get3A_458], %broadcast_in_dim3A_3 {add = true} : memref<10240xf32, #tpu.memory_space<vmem>>[vector<16xi32>], vector<16xf32>,
      %dma_wait3A_459 = arith.constant 2 : i32
      %dma_wait3A_460 = arith.constant 0 : i32
      %dma_wait3A_461 = tpu.memref_slice %arg8[%dma_wait3A_459, %dma_wait3A_460] : memref<5x80xi32, #tpu.memory_space<vmem>> -> memref<1x80xi32, #tpu.memory_space<vmem>>
      %dma_wait3A_462 = tpu.memref_squeeze %dma_wait3A_461 : memref<1x80xi32, #tpu.memory_space<vmem>> -> memref<80xi32, #tpu.memory_space<vmem>>
      %dma_wait3A_463 = arith.constant 0 : i32
      %dma_wait3A_464 = arith.constant 0 : i32
      %dma_wait3A_465 = tpu.memref_slice %arg2[%dma_wait3A_463, %dma_wait3A_464] : memref<10000x128xf32, #tpu.memory_space<hbm>> -> memref<10000x128xf32, #tpu.memory_space<hbm>>
      tpu.wait_indirect_dma semaphore(%arg17 : memref<!tpu.dma_semaphore, #tpu.memory_space<semaphore_mem>>) src(%dma_wait3A_465 : memref<10000x128xf32, #tpu.memory_space<hbm>>) dst(%arg12 : memref<80x128xf32, #tpu.memory_space<vmem>>)
      %dma_start3A_466 = arith.constant 3 : i32
      %dma_start3A_467 = arith.constant 0 : i32
      %dma_start3A_468 = tpu.memref_slice %arg8[%dma_start3A_466, %dma_start3A_467] : memref<5x80xi32, #tpu.memory_space<vmem>> -> memref<1x80xi32, #tpu.memory_space<vmem>>
      %dma_start3A_469 = tpu.memref_squeeze %dma_start3A_468 : memref<1x80xi32, #tpu.memory_space<vmem>> -> memref<80xi32, #tpu.memory_space<vmem>>
      %dma_start3A_470 = arith.constant 0 : i32
      %dma_start3A_471 = arith.constant 0 : i32
      %dma_start3A_472 = tpu.memref_slice %arg2[%dma_start3A_470, %dma_start3A_471] : memref<10000x128xf32, #tpu.memory_space<hbm>> -> memref<10000x128xf32, #tpu.memory_space<hbm>>
      tpu.enqueue_indirect_dma source(%dma_start3A_472 : memref<10000x128xf32, #tpu.memory_space<hbm>>) target(%arg13 : memref<80x128xf32, #tpu.memory_space<vmem>>) offsets(%dma_start3A_469 : memref<80xi32, #tpu.memory_space<vmem>>) semaphore(%arg17 : memref<!tpu.dma_semaphore, #tpu.memory_space<semaphore_mem>>)
      %run_scoped3A_473 = arith.constant 2 : i32
      "tpu.region"() ({
        %run_scoped3A_557 = tpu.sem_alloc : memref<!tpu.dma_semaphore, #tpu.memory_space<semaphore_mem>>
        %dma_start3A_558 = arith.constant 0 : i32
        %dma_start3A_559 = tpu.memref_slice %arg10[%run_scoped3A_473, %dma_start3A_558] : memref<5x80xi32, #tpu.memory_space<vmem>> -> memref<1x80xi32, #tpu.memory_space<vmem>>
        %dma_start3A_560 = tpu.memref_squeeze %dma_start3A_559 : memref<1x80xi32, #tpu.memory_space<vmem>> -> memref<80xi32, #tpu.memory_space<vmem>>
        %dma_start3A_561 = arith.constant 0 : i32
        %dma_start3A_562 = arith.constant 0 : i32
        %dma_start3A_563 = tpu.memref_slice %arg16[%dma_start3A_561, %dma_start3A_562] : memref<10000x128xf32, #tpu.memory_space<vmem_shared>> -> memref<10000x128xf32, #tpu.memory_space<vmem_shared>>
        tpu.enqueue_indirect_dma source(%arg12 : memref<80x128xf32, #tpu.memory_space<vmem>>) target(%dma_start3A_563 : memref<10000x128xf32, #tpu.memory_space<vmem_shared>>) offsets(%dma_start3A_560 : memref<80xi32, #tpu.memory_space<vmem>>) semaphore(%run_scoped3A_557 : memref<!tpu.dma_semaphore, #tpu.memory_space<semaphore_mem>>) {add = true}
        %dma_wait3A_564 = arith.constant 0 : i32
        %dma_wait3A_565 = tpu.memref_slice %arg10[%run_scoped3A_473, %dma_wait3A_564] : memref<5x80xi32, #tpu.memory_space<vmem>> -> memref<1x80xi32, #tpu.memory_space<vmem>>
        %dma_wait3A_566 = tpu.memref_squeeze %dma_wait3A_565 : memref<1x80xi32, #tpu.memory_space<vmem>> -> memref<80xi32, #tpu.memory_space<vmem>>
        %dma_wait3A_567 = arith.constant 0 : i32
        %dma_wait3A_568 = arith.constant 0 : i32
        %dma_wait3A_569 = tpu.memref_slice %arg16[%dma_wait3A_567, %dma_wait3A_568] : memref<10000x128xf32, #tpu.memory_space<vmem_shared>> -> memref<10000x128xf32, #tpu.memory_space<vmem_shared>>
        tpu.wait_indirect_dma semaphore(%run_scoped3A_557 : memref<!tpu.dma_semaphore, #tpu.memory_space<semaphore_mem>>) src(%arg12 : memref<80x128xf32, #tpu.memory_space<vmem>>) dst(%dma_wait3A_569 : memref<10000x128xf32, #tpu.memory_space<vmem_shared>>)
        tpu.yield
      }) : () -> ()
      %get3A_474 = arith.constant 2 : i32
      %get3A_475 = arith.index_cast %get3A_474 : i32 to index
      %get3A_476 = arith.constant 0 : index
      %get3A_477 = tpu.vector_load %arg10[%get3A_475, %get3A_476] {strides = array<i32>} : memref<5x80xi32, #tpu.memory_space<vmem>>, vector<16xi32>,
      tpu.vector_store_idx %arg14[%get3A_477], %broadcast_in_dim3A_3 {add = true} : memref<10240xf32, #tpu.memory_space<vmem>>[vector<16xi32>], vector<16xf32>,
      %get3A_478 = arith.constant 2 : i32
      %get3A_479 = arith.index_cast %get3A_478 : i32 to index
      %get3A_480 = arith.constant 16 : index
      %get3A_481 = tpu.vector_load %arg10[%get3A_479, %get3A_480] {strides = array<i32>} : memref<5x80xi32, #tpu.memory_space<vmem>>, vector<16xi32>,
      tpu.vector_store_idx %arg14[%get3A_481], %broadcast_in_dim3A_3 {add = true} : memref<10240xf32, #tpu.memory_space<vmem>>[vector<16xi32>], vector<16xf32>,
      %get3A_482 = arith.constant 2 : i32
      %get3A_483 = arith.index_cast %get3A_482 : i32 to index
      %get3A_484 = arith.constant 32 : index
      %get3A_485 = tpu.vector_load %arg10[%get3A_483, %get3A_484] {strides = array<i32>} : memref<5x80xi32, #tpu.memory_space<vmem>>, vector<16xi32>,
      tpu.vector_store_idx %arg14[%get3A_485], %broadcast_in_dim3A_3 {add = true} : memref<10240xf32, #tpu.memory_space<vmem>>[vector<16xi32>], vector<16xf32>,
      %get3A_486 = arith.constant 2 : i32
      %get3A_487 = arith.index_cast %get3A_486 : i32 to index
      %get3A_488 = arith.constant 48 : index
      %get3A_489 = tpu.vector_load %arg10[%get3A_487, %get3A_488] {strides = array<i32>} : memref<5x80xi32, #tpu.memory_space<vmem>>, vector<16xi32>,
      tpu.vector_store_idx %arg14[%get3A_489], %broadcast_in_dim3A_3 {add = true} : memref<10240xf32, #tpu.memory_space<vmem>>[vector<16xi32>], vector<16xf32>,
      %get3A_490 = arith.constant 2 : i32
      %get3A_491 = arith.index_cast %get3A_490 : i32 to index
      %get3A_492 = arith.constant 64 : index
      %get3A_493 = tpu.vector_load %arg10[%get3A_491, %get3A_492] {strides = array<i32>} : memref<5x80xi32, #tpu.memory_space<vmem>>, vector<16xi32>,
      tpu.vector_store_idx %arg14[%get3A_493], %broadcast_in_dim3A_3 {add = true} : memref<10240xf32, #tpu.memory_space<vmem>>[vector<16xi32>], vector<16xf32>,
      %dma_wait3A_494 = arith.constant 3 : i32
      %dma_wait3A_495 = arith.constant 0 : i32
      %dma_wait3A_496 = tpu.memref_slice %arg8[%dma_wait3A_494, %dma_wait3A_495] : memref<5x80xi32, #tpu.memory_space<vmem>> -> memref<1x80xi32, #tpu.memory_space<vmem>>
      %dma_wait3A_497 = tpu.memref_squeeze %dma_wait3A_496 : memref<1x80xi32, #tpu.memory_space<vmem>> -> memref<80xi32, #tpu.memory_space<vmem>>
      %dma_wait3A_498 = arith.constant 0 : i32
      %dma_wait3A_499 = arith.constant 0 : i32
      %dma_wait3A_500 = tpu.memref_slice %arg2[%dma_wait3A_498, %dma_wait3A_499] : memref<10000x128xf32, #tpu.memory_space<hbm>> -> memref<10000x128xf32, #tpu.memory_space<hbm>>
      tpu.wait_indirect_dma semaphore(%arg17 : memref<!tpu.dma_semaphore, #tpu.memory_space<semaphore_mem>>) src(%dma_wait3A_500 : memref<10000x128xf32, #tpu.memory_space<hbm>>) dst(%arg13 : memref<80x128xf32, #tpu.memory_space<vmem>>)
      %dma_start3A_501 = arith.constant 4 : i32
      %dma_start3A_502 = arith.constant 0 : i32
      %dma_start3A_503 = tpu.memref_slice %arg8[%dma_start3A_501, %dma_start3A_502] : memref<5x80xi32, #tpu.memory_space<vmem>> -> memref<1x80xi32, #tpu.memory_space<vmem>>
      %dma_start3A_504 = tpu.memref_squeeze %dma_start3A_503 : memref<1x80xi32, #tpu.memory_space<vmem>> -> memref<80xi32, #tpu.memory_space<vmem>>
      %dma_start3A_505 = arith.constant 0 : i32
      %dma_start3A_506 = arith.constant 0 : i32
      %dma_start3A_507 = tpu.memref_slice %arg2[%dma_start3A_505, %dma_start3A_506] : memref<10000x128xf32, #tpu.memory_space<hbm>> -> memref<10000x128xf32, #tpu.memory_space<hbm>>
      tpu.enqueue_indirect_dma source(%dma_start3A_507 : memref<10000x128xf32, #tpu.memory_space<hbm>>) target(%arg12 : memref<80x128xf32, #tpu.memory_space<vmem>>) offsets(%dma_start3A_504 : memref<80xi32, #tpu.memory_space<vmem>>) semaphore(%arg17 : memref<!tpu.dma_semaphore, #tpu.memory_space<semaphore_mem>>)
      %run_scoped3A_508 = arith.constant 3 : i32
      "tpu.region"() ({
        %run_scoped3A_557 = tpu.sem_alloc : memref<!tpu.dma_semaphore, #tpu.memory_space<semaphore_mem>>
        %dma_start3A_558 = arith.constant 0 : i32
        %dma_start3A_559 = tpu.memref_slice %arg10[%run_scoped3A_508, %dma_start3A_558] : memref<5x80xi32, #tpu.memory_space<vmem>> -> memref<1x80xi32, #tpu.memory_space<vmem>>
        %dma_start3A_560 = tpu.memref_squeeze %dma_start3A_559 : memref<1x80xi32, #tpu.memory_space<vmem>> -> memref<80xi32, #tpu.memory_space<vmem>>
        %dma_start3A_561 = arith.constant 0 : i32
        %dma_start3A_562 = arith.constant 0 : i32
        %dma_start3A_563 = tpu.memref_slice %arg16[%dma_start3A_561, %dma_start3A_562] : memref<10000x128xf32, #tpu.memory_space<vmem_shared>> -> memref<10000x128xf32, #tpu.memory_space<vmem_shared>>
        tpu.enqueue_indirect_dma source(%arg13 : memref<80x128xf32, #tpu.memory_space<vmem>>) target(%dma_start3A_563 : memref<10000x128xf32, #tpu.memory_space<vmem_shared>>) offsets(%dma_start3A_560 : memref<80xi32, #tpu.memory_space<vmem>>) semaphore(%run_scoped3A_557 : memref<!tpu.dma_semaphore, #tpu.memory_space<semaphore_mem>>) {add = true}
        %dma_wait3A_564 = arith.constant 0 : i32
        %dma_wait3A_565 = tpu.memref_slice %arg10[%run_scoped3A_508, %dma_wait3A_564] : memref<5x80xi32, #tpu.memory_space<vmem>> -> memref<1x80xi32, #tpu.memory_space<vmem>>
        %dma_wait3A_566 = tpu.memref_squeeze %dma_wait3A_565 : memref<1x80xi32, #tpu.memory_space<vmem>> -> memref<80xi32, #tpu.memory_space<vmem>>
        %dma_wait3A_567 = arith.constant 0 : i32
        %dma_wait3A_568 = arith.constant 0 : i32
        %dma_wait3A_569 = tpu.memref_slice %arg16[%dma_wait3A_567, %dma_wait3A_568] : memref<10000x128xf32, #tpu.memory_space<vmem_shared>> -> memref<10000x128xf32, #tpu.memory_space<vmem_shared>>
        tpu.wait_indirect_dma semaphore(%run_scoped3A_557 : memref<!tpu.dma_semaphore, #tpu.memory_space<semaphore_mem>>) src(%arg13 : memref<80x128xf32, #tpu.memory_space<vmem>>) dst(%dma_wait3A_569 : memref<10000x128xf32, #tpu.memory_space<vmem_shared>>)
        tpu.yield
      }) : () -> ()
      %get3A_509 = arith.constant 3 : i32
      %get3A_510 = arith.index_cast %get3A_509 : i32 to index
      %get3A_511 = arith.constant 0 : index
      %get3A_512 = tpu.vector_load %arg10[%get3A_510, %get3A_511] {strides = array<i32>} : memref<5x80xi32, #tpu.memory_space<vmem>>, vector<16xi32>,
      tpu.vector_store_idx %arg14[%get3A_512], %broadcast_in_dim3A_3 {add = true} : memref<10240xf32, #tpu.memory_space<vmem>>[vector<16xi32>], vector<16xf32>,
      %get3A_513 = arith.constant 3 : i32
      %get3A_514 = arith.index_cast %get3A_513 : i32 to index
      %get3A_515 = arith.constant 16 : index
      %get3A_516 = tpu.vector_load %arg10[%get3A_514, %get3A_515] {strides = array<i32>} : memref<5x80xi32, #tpu.memory_space<vmem>>, vector<16xi32>,
      tpu.vector_store_idx %arg14[%get3A_516], %broadcast_in_dim3A_3 {add = true} : memref<10240xf32, #tpu.memory_space<vmem>>[vector<16xi32>], vector<16xf32>,
      %get3A_517 = arith.constant 3 : i32
      %get3A_518 = arith.index_cast %get3A_517 : i32 to index
      %get3A_519 = arith.constant 32 : index
      %get3A_520 = tpu.vector_load %arg10[%get3A_518, %get3A_519] {strides = array<i32>} : memref<5x80xi32, #tpu.memory_space<vmem>>, vector<16xi32>,
      tpu.vector_store_idx %arg14[%get3A_520], %broadcast_in_dim3A_3 {add = true} : memref<10240xf32, #tpu.memory_space<vmem>>[vector<16xi32>], vector<16xf32>,
      %get3A_521 = arith.constant 3 : i32
      %get3A_522 = arith.index_cast %get3A_521 : i32 to index
      %get3A_523 = arith.constant 48 : index
      %get3A_524 = tpu.vector_load %arg10[%get3A_522, %get3A_523] {strides = array<i32>} : memref<5x80xi32, #tpu.memory_space<vmem>>, vector<16xi32>,
      tpu.vector_store_idx %arg14[%get3A_524], %broadcast_in_dim3A_3 {add = true} : memref<10240xf32, #tpu.memory_space<vmem>>[vector<16xi32>], vector<16xf32>,
      %get3A_525 = arith.constant 3 : i32
      %get3A_526 = arith.index_cast %get3A_525 : i32 to index
      %get3A_527 = arith.constant 64 : index
      %get3A_528 = tpu.vector_load %arg10[%get3A_526, %get3A_527] {strides = array<i32>} : memref<5x80xi32, #tpu.memory_space<vmem>>, vector<16xi32>,
      tpu.vector_store_idx %arg14[%get3A_528], %broadcast_in_dim3A_3 {add = true} : memref<10240xf32, #tpu.memory_space<vmem>>[vector<16xi32>], vector<16xf32>,
      %dma_wait3A_529 = arith.constant 4 : i32
      %dma_wait3A_530 = arith.constant 0 : i32
      %dma_wait3A_531 = tpu.memref_slice %arg8[%dma_wait3A_529, %dma_wait3A_530] : memref<5x80xi32, #tpu.memory_space<vmem>> -> memref<1x80xi32, #tpu.memory_space<vmem>>
      %dma_wait3A_532 = tpu.memref_squeeze %dma_wait3A_531 : memref<1x80xi32, #tpu.memory_space<vmem>> -> memref<80xi32, #tpu.memory_space<vmem>>
      %dma_wait3A_533 = arith.constant 0 : i32
      %dma_wait3A_534 = arith.constant 0 : i32
      %dma_wait3A_535 = tpu.memref_slice %arg2[%dma_wait3A_533, %dma_wait3A_534] : memref<10000x128xf32, #tpu.memory_space<hbm>> -> memref<10000x128xf32, #tpu.memory_space<hbm>>
      tpu.wait_indirect_dma semaphore(%arg17 : memref<!tpu.dma_semaphore, #tpu.memory_space<semaphore_mem>>) src(%dma_wait3A_535 : memref<10000x128xf32, #tpu.memory_space<hbm>>) dst(%arg12 : memref<80x128xf32, #tpu.memory_space<vmem>>)
      %run_scoped3A_536 = arith.constant 4 : i32
      "tpu.region"() ({
        %run_scoped3A_557 = tpu.sem_alloc : memref<!tpu.dma_semaphore, #tpu.memory_space<semaphore_mem>>
        %dma_start3A_558 = arith.constant 0 : i32
        %dma_start3A_559 = tpu.memref_slice %arg10[%run_scoped3A_536, %dma_start3A_558] : memref<5x80xi32, #tpu.memory_space<vmem>> -> memref<1x80xi32, #tpu.memory_space<vmem>>
        %dma_start3A_560 = tpu.memref_squeeze %dma_start3A_559 : memref<1x80xi32, #tpu.memory_space<vmem>> -> memref<80xi32, #tpu.memory_space<vmem>>
        %dma_start3A_561 = arith.constant 0 : i32
        %dma_start3A_562 = arith.constant 0 : i32
        %dma_start3A_563 = tpu.memref_slice %arg16[%dma_start3A_561, %dma_start3A_562] : memref<10000x128xf32, #tpu.memory_space<vmem_shared>> -> memref<10000x128xf32, #tpu.memory_space<vmem_shared>>
        tpu.enqueue_indirect_dma source(%arg12 : memref<80x128xf32, #tpu.memory_space<vmem>>) target(%dma_start3A_563 : memref<10000x128xf32, #tpu.memory_space<vmem_shared>>) offsets(%dma_start3A_560 : memref<80xi32, #tpu.memory_space<vmem>>) semaphore(%run_scoped3A_557 : memref<!tpu.dma_semaphore, #tpu.memory_space<semaphore_mem>>) {add = true}
        %dma_wait3A_564 = arith.constant 0 : i32
        %dma_wait3A_565 = tpu.memref_slice %arg10[%run_scoped3A_536, %dma_wait3A_564] : memref<5x80xi32, #tpu.memory_space<vmem>> -> memref<1x80xi32, #tpu.memory_space<vmem>>
        %dma_wait3A_566 = tpu.memref_squeeze %dma_wait3A_565 : memref<1x80xi32, #tpu.memory_space<vmem>> -> memref<80xi32, #tpu.memory_space<vmem>>
        %dma_wait3A_567 = arith.constant 0 : i32
        %dma_wait3A_568 = arith.constant 0 : i32
        %dma_wait3A_569 = tpu.memref_slice %arg16[%dma_wait3A_567, %dma_wait3A_568] : memref<10000x128xf32, #tpu.memory_space<vmem_shared>> -> memref<10000x128xf32, #tpu.memory_space<vmem_shared>>
        tpu.wait_indirect_dma semaphore(%run_scoped3A_557 : memref<!tpu.dma_semaphore, #tpu.memory_space<semaphore_mem>>) src(%arg12 : memref<80x128xf32, #tpu.memory_space<vmem>>) dst(%dma_wait3A_569 : memref<10000x128xf32, #tpu.memory_space<vmem_shared>>)
        tpu.yield
      }) : () -> ()
      %get3A_537 = arith.constant 4 : i32
      %get3A_538 = arith.index_cast %get3A_537 : i32 to index
      %get3A_539 = arith.constant 0 : index
      %get3A_540 = tpu.vector_load %arg10[%get3A_538, %get3A_539] {strides = array<i32>} : memref<5x80xi32, #tpu.memory_space<vmem>>, vector<16xi32>,
      tpu.vector_store_idx %arg14[%get3A_540], %broadcast_in_dim3A_3 {add = true} : memref<10240xf32, #tpu.memory_space<vmem>>[vector<16xi32>], vector<16xf32>,
      %get3A_541 = arith.constant 4 : i32
      %get3A_542 = arith.index_cast %get3A_541 : i32 to index
      %get3A_543 = arith.constant 16 : index
      %get3A_544 = tpu.vector_load %arg10[%get3A_542, %get3A_543] {strides = array<i32>} : memref<5x80xi32, #tpu.memory_space<vmem>>, vector<16xi32>,
      tpu.vector_store_idx %arg14[%get3A_544], %broadcast_in_dim3A_3 {add = true} : memref<10240xf32, #tpu.memory_space<vmem>>[vector<16xi32>], vector<16xf32>,
      %get3A_545 = arith.constant 4 : i32
      %get3A_546 = arith.index_cast %get3A_545 : i32 to index
      %get3A_547 = arith.constant 32 : index
      %get3A_548 = tpu.vector_load %arg10[%get3A_546, %get3A_547] {strides = array<i32>} : memref<5x80xi32, #tpu.memory_space<vmem>>, vector<16xi32>,
      tpu.vector_store_idx %arg14[%get3A_548], %broadcast_in_dim3A_3 {add = true} : memref<10240xf32, #tpu.memory_space<vmem>>[vector<16xi32>], vector<16xf32>,
      %get3A_549 = arith.constant 4 : i32
      %get3A_550 = arith.index_cast %get3A_549 : i32 to index
      %get3A_551 = arith.constant 48 : index
      %get3A_552 = tpu.vector_load %arg10[%get3A_550, %get3A_551] {strides = array<i32>} : memref<5x80xi32, #tpu.memory_space<vmem>>, vector<16xi32>,
      tpu.vector_store_idx %arg14[%get3A_552], %broadcast_in_dim3A_3 {add = true} : memref<10240xf32, #tpu.memory_space<vmem>>[vector<16xi32>], vector<16xf32>,
      %get3A_553 = arith.constant 4 : i32
      %get3A_554 = arith.index_cast %get3A_553 : i32 to index
      %get3A_555 = arith.constant 64 : index
      %get3A_556 = tpu.vector_load %arg10[%get3A_554, %get3A_555] {strides = array<i32>} : memref<5x80xi32, #tpu.memory_space<vmem>>, vector<16xi32>,
      tpu.vector_store_idx %arg14[%get3A_556], %broadcast_in_dim3A_3 {add = true} : memref<10240xf32, #tpu.memory_space<vmem>>[vector<16xi32>], vector<16xf32>,
    } else {
    }
    %eq3A_318 = arith.constant 1 : i32
    %eq3A_319 = arith.cmpi eq, %arg0, %eq3A_318 : i32
    %convert_element_type3A_320 = arith.extui %eq3A_319 : i1 to i32
    %cond3A_321 = arith.constant 0 : i32
    %cond3A_322 = arith.cmpi ne, %convert_element_type3A_320, %cond3A_321 : i32
    scf.if %cond3A_322 {
      %dma_wait3A = arith.constant 0 : i32
      %dma_wait3A_339 = arith.constant 0 : i32
      %dma_wait3A_340 = arith.constant 0 : i32
      %dma_wait3A_341 = arith.constant 0 : i32
      %dma_wait3A_342 = tpu.memref_slice %arg4[%dma_wait3A, %arg1, %dma_wait3A_339, %dma_wait3A_340, %dma_wait3A_341] : memref<2x16x25x5x80xi32, #tpu.memory_space<hbm>> -> memref<1x1x1x5x80xi32, #tpu.memory_space<hbm>>
      %dma_wait3A_343 = tpu.memref_squeeze %dma_wait3A_342 : memref<1x1x1x5x80xi32, #tpu.memory_space<hbm>> -> memref<5x80xi32, #tpu.memory_space<hbm>>
      %dma_wait3A_344 = arith.constant 0 : i32
      %dma_wait3A_345 = arith.constant 0 : i32
      %dma_wait3A_346 = tpu.memref_slice %arg4[%dma_wait3A, %arg1, %dma_wait3A_339, %dma_wait3A_344, %dma_wait3A_345] : memref<2x16x25x5x80xi32, #tpu.memory_space<hbm>> -> memref<1x1x1x5x80xi32, #tpu.memory_space<hbm>>
      %dma_wait3A_347 = tpu.memref_squeeze %dma_wait3A_346 : memref<1x1x1x5x80xi32, #tpu.memory_space<hbm>> -> memref<5x80xi32, #tpu.memory_space<hbm>>
      tpu.wait_dma2 semaphore(%arg18 : memref<!tpu.dma_semaphore, #tpu.memory_space<semaphore_mem>>) src(%dma_wait3A_347 : memref<5x80xi32, #tpu.memory_space<hbm>>) dst(%arg8 : memref<5x80xi32, #tpu.memory_space<vmem>>)
      %dma_wait3A_348 = arith.constant 1 : i32
      %dma_wait3A_349 = arith.constant 0 : i32
      %dma_wait3A_350 = arith.constant 0 : i32
      %dma_wait3A_351 = arith.constant 0 : i32
      %dma_wait3A_352 = tpu.memref_slice %arg4[%dma_wait3A_348, %arg1, %dma_wait3A_349, %dma_wait3A_350, %dma_wait3A_351] : memref<2x16x25x5x80xi32, #tpu.memory_space<hbm>> -> memref<1x1x1x5x80xi32, #tpu.memory_space<hbm>>
      %dma_wait3A_353 = tpu.memref_squeeze %dma_wait3A_352 : memref<1x1x1x5x80xi32, #tpu.memory_space<hbm>> -> memref<5x80xi32, #tpu.memory_space<hbm>>
      %dma_wait3A_354 = arith.constant 0 : i32
      %dma_wait3A_355 = arith.constant 0 : i32
      %dma_wait3A_356 = tpu.memref_slice %arg4[%dma_wait3A_348, %arg1, %dma_wait3A_349, %dma_wait3A_354, %dma_wait3A_355] : memref<2x16x25x5x80xi32, #tpu.memory_space<hbm>> -> memref<1x1x1x5x80xi32, #tpu.memory_space<hbm>>
      %dma_wait3A_357 = tpu.memref_squeeze %dma_wait3A_356 : memref<1x1x1x5x80xi32, #tpu.memory_space<hbm>> -> memref<5x80xi32, #tpu.memory_space<hbm>>
      tpu.wait_dma2 semaphore(%arg18 : memref<!tpu.dma_semaphore, #tpu.memory_space<semaphore_mem>>) src(%dma_wait3A_357 : memref<5x80xi32, #tpu.memory_space<hbm>>) dst(%arg10 : memref<5x80xi32, #tpu.memory_space<vmem>>)
      %dma_start3A_358 = arith.constant 0 : i32
      %dma_start3A_359 = arith.constant 0 : i32
      %dma_start3A_360 = tpu.memref_slice %arg8[%dma_start3A_358, %dma_start3A_359] : memref<5x80xi32, #tpu.memory_space<vmem>> -> memref<1x80xi32, #tpu.memory_space<vmem>>
      %dma_start3A_361 = tpu.memref_squeeze %dma_start3A_360 : memref<1x80xi32, #tpu.memory_space<vmem>> -> memref<80xi32, #tpu.memory_space<vmem>>
      %dma_start3A_362 = arith.constant 0 : i32
      %dma_start3A_363 = arith.constant 0 : i32
      %dma_start3A_364 = tpu.memref_slice %arg3[%dma_start3A_362, %dma_start3A_363] : memref<10000x128xf32, #tpu.memory_space<hbm>> -> memref<10000x128xf32, #tpu.memory_space<hbm>>
      tpu.enqueue_indirect_dma source(%dma_start3A_364 : memref<10000x128xf32, #tpu.memory_space<hbm>>) target(%arg12 : memref<80x128xf32, #tpu.memory_space<vmem>>) offsets(%dma_start3A_361 : memref<80xi32, #tpu.memory_space<vmem>>) semaphore(%arg17 : memref<!tpu.dma_semaphore, #tpu.memory_space<semaphore_mem>>)
      %dma_start3A_365 = arith.constant 0 : i32
      %dma_start3A_366 = arith.constant 1 : i32
      %dma_start3A_367 = arith.constant 0 : i32
      %dma_start3A_368 = arith.constant 0 : i32
      %dma_start3A_369 = tpu.memref_slice %arg4[%dma_start3A_365, %arg1, %dma_start3A_366, %dma_start3A_367, %dma_start3A_368] : memref<2x16x25x5x80xi32, #tpu.memory_space<hbm>> -> memref<1x1x1x5x80xi32, #tpu.memory_space<hbm>>
      %dma_start3A_370 = tpu.memref_squeeze %dma_start3A_369 : memref<1x1x1x5x80xi32, #tpu.memory_space<hbm>> -> memref<5x80xi32, #tpu.memory_space<hbm>>
      %dma_start3A_371 = arith.constant 0 : i32
      %dma_start3A_372 = arith.constant 0 : i32
      %dma_start3A_373 = tpu.memref_slice %arg4[%dma_start3A_365, %arg1, %dma_start3A_366, %dma_start3A_371, %dma_start3A_372] : memref<2x16x25x5x80xi32, #tpu.memory_space<hbm>> -> memref<1x1x1x5x80xi32, #tpu.memory_space<hbm>>
      %dma_start3A_374 = tpu.memref_squeeze %dma_start3A_373 : memref<1x1x1x5x80xi32, #tpu.memory_space<hbm>> -> memref<5x80xi32, #tpu.memory_space<hbm>>
      tpu.enqueue_dma source(%dma_start3A_374 : memref<5x80xi32, #tpu.memory_space<hbm>>) target(%arg9 : memref<5x80xi32, #tpu.memory_space<vmem>>) target_semaphore(%arg18 : memref<!tpu.dma_semaphore, #tpu.memory_space<semaphore_mem>>)
      %dma_start3A_375 = arith.constant 1 : i32
      %dma_start3A_376 = arith.constant 1 : i32
      %dma_start3A_377 = arith.constant 0 : i32
      %dma_start3A_378 = arith.constant 0 : i32
      %dma_start3A_379 = tpu.memref_slice %arg4[%dma_start3A_375, %arg1, %dma_start3A_376, %dma_start3A_377, %dma_start3A_378] : memref<2x16x25x5x80xi32, #tpu.memory_space<hbm>> -> memref<1x1x1x5x80xi32, #tpu.memory_space<hbm>>
      %dma_start3A_380 = tpu.memref_squeeze %dma_start3A_379 : memref<1x1x1x5x80xi32, #tpu.memory_space<hbm>> -> memref<5x80xi32, #tpu.memory_space<hbm>>
      %dma_start3A_381 = arith.constant 0 : i32
      %dma_start3A_382 = arith.constant 0 : i32
      %dma_start3A_383 = tpu.memref_slice %arg4[%dma_start3A_375, %arg1, %dma_start3A_376, %dma_start3A_381, %dma_start3A_382] : memref<2x16x25x5x80xi32, #tpu.memory_space<hbm>> -> memref<1x1x1x5x80xi32, #tpu.memory_space<hbm>>
      %dma_start3A_384 = tpu.memref_squeeze %dma_start3A_383 : memref<1x1x1x5x80xi32, #tpu.memory_space<hbm>> -> memref<5x80xi32, #tpu.memory_space<hbm>>
      tpu.enqueue_dma source(%dma_start3A_384 : memref<5x80xi32, #tpu.memory_space<hbm>>) target(%arg11 : memref<5x80xi32, #tpu.memory_space<vmem>>) target_semaphore(%arg18 : memref<!tpu.dma_semaphore, #tpu.memory_space<semaphore_mem>>)
      %scan3A_385 = arith.constant 0 : i32
      %scan3A_386 = arith.constant 0 : i32
      %scan3A_387 = arith.constant 12 : i32
      %scan3A_388 = arith.addi %scan3A_386, %scan3A_387 : i32
      %scan3A_389 = arith.constant 1 : i32
      scf.for %scan3A_458 = %scan3A_386 to %scan3A_388 step %scan3A_389  : i32 {
        %mul3A_459 = arith.constant 2 : i32
        %mul3A_460 = arith.muli %mul3A_459, %scan3A_458 : i32
        %dma_wait3A_461 = arith.constant 0 : i32
        %dma_wait3A_462 = arith.constant 0 : i32
        %dma_wait3A_463 = tpu.memref_slice %arg8[%dma_wait3A_461, %dma_wait3A_462] : memref<5x80xi32, #tpu.memory_space<vmem>> -> memref<1x80xi32, #tpu.memory_space<vmem>>
        %dma_wait3A_464 = tpu.memref_squeeze %dma_wait3A_463 : memref<1x80xi32, #tpu.memory_space<vmem>> -> memref<80xi32, #tpu.memory_space<vmem>>
        %dma_wait3A_465 = arith.constant 0 : i32
        %dma_wait3A_466 = arith.constant 0 : i32
        %dma_wait3A_467 = tpu.memref_slice %arg3[%dma_wait3A_465, %dma_wait3A_466] : memref<10000x128xf32, #tpu.memory_space<hbm>> -> memref<10000x128xf32, #tpu.memory_space<hbm>>
        tpu.wait_indirect_dma semaphore(%arg17 : memref<!tpu.dma_semaphore, #tpu.memory_space<semaphore_mem>>) src(%dma_wait3A_467 : memref<10000x128xf32, #tpu.memory_space<hbm>>) dst(%arg12 : memref<80x128xf32, #tpu.memory_space<vmem>>)
        %dma_start3A_468 = arith.constant 1 : i32
        %dma_start3A_469 = arith.constant 0 : i32
        %dma_start3A_470 = tpu.memref_slice %arg8[%dma_start3A_468, %dma_start3A_469] : memref<5x80xi32, #tpu.memory_space<vmem>> -> memref<1x80xi32, #tpu.memory_space<vmem>>
        %dma_start3A_471 = tpu.memref_squeeze %dma_start3A_470 : memref<1x80xi32, #tpu.memory_space<vmem>> -> memref<80xi32, #tpu.memory_space<vmem>>
        %dma_start3A_472 = arith.constant 0 : i32
        %dma_start3A_473 = arith.constant 0 : i32
        %dma_start3A_474 = tpu.memref_slice %arg3[%dma_start3A_472, %dma_start3A_473] : memref<10000x128xf32, #tpu.memory_space<hbm>> -> memref<10000x128xf32, #tpu.memory_space<hbm>>
        tpu.enqueue_indirect_dma source(%dma_start3A_474 : memref<10000x128xf32, #tpu.memory_space<hbm>>) target(%arg13 : memref<80x128xf32, #tpu.memory_space<vmem>>) offsets(%dma_start3A_471 : memref<80xi32, #tpu.memory_space<vmem>>) semaphore(%arg17 : memref<!tpu.dma_semaphore, #tpu.memory_space<semaphore_mem>>)
        %run_scoped3A_475 = arith.constant 0 : i32
        "tpu.region"() ({
          %run_scoped3A_678 = tpu.sem_alloc : memref<!tpu.dma_semaphore, #tpu.memory_space<semaphore_mem>>
          %dma_start3A_679 = arith.constant 0 : i32
          %dma_start3A_680 = tpu.memref_slice %arg10[%run_scoped3A_475, %dma_start3A_679] : memref<5x80xi32, #tpu.memory_space<vmem>> -> memref<1x80xi32, #tpu.memory_space<vmem>>
          %dma_start3A_681 = tpu.memref_squeeze %dma_start3A_680 : memref<1x80xi32, #tpu.memory_space<vmem>> -> memref<80xi32, #tpu.memory_space<vmem>>
          %dma_start3A_682 = arith.constant 0 : i32
          %dma_start3A_683 = arith.constant 0 : i32
          %dma_start3A_684 = tpu.memref_slice %arg16[%dma_start3A_682, %dma_start3A_683] : memref<10000x128xf32, #tpu.memory_space<vmem_shared>> -> memref<10000x128xf32, #tpu.memory_space<vmem_shared>>
          tpu.enqueue_indirect_dma source(%arg12 : memref<80x128xf32, #tpu.memory_space<vmem>>) target(%dma_start3A_684 : memref<10000x128xf32, #tpu.memory_space<vmem_shared>>) offsets(%dma_start3A_681 : memref<80xi32, #tpu.memory_space<vmem>>) semaphore(%run_scoped3A_678 : memref<!tpu.dma_semaphore, #tpu.memory_space<semaphore_mem>>) {add = true}
          %dma_wait3A_685 = arith.constant 0 : i32
          %dma_wait3A_686 = tpu.memref_slice %arg10[%run_scoped3A_475, %dma_wait3A_685] : memref<5x80xi32, #tpu.memory_space<vmem>> -> memref<1x80xi32, #tpu.memory_space<vmem>>
          %dma_wait3A_687 = tpu.memref_squeeze %dma_wait3A_686 : memref<1x80xi32, #tpu.memory_space<vmem>> -> memref<80xi32, #tpu.memory_space<vmem>>
          %dma_wait3A_688 = arith.constant 0 : i32
          %dma_wait3A_689 = arith.constant 0 : i32
          %dma_wait3A_690 = tpu.memref_slice %arg16[%dma_wait3A_688, %dma_wait3A_689] : memref<10000x128xf32, #tpu.memory_space<vmem_shared>> -> memref<10000x128xf32, #tpu.memory_space<vmem_shared>>
          tpu.wait_indirect_dma semaphore(%run_scoped3A_678 : memref<!tpu.dma_semaphore, #tpu.memory_space<semaphore_mem>>) src(%arg12 : memref<80x128xf32, #tpu.memory_space<vmem>>) dst(%dma_wait3A_690 : memref<10000x128xf32, #tpu.memory_space<vmem_shared>>)
          tpu.yield
        }) : () -> ()
        %dma_wait3A_476 = arith.constant 1 : i32
        %dma_wait3A_477 = arith.constant 0 : i32
        %dma_wait3A_478 = tpu.memref_slice %arg8[%dma_wait3A_476, %dma_wait3A_477] : memref<5x80xi32, #tpu.memory_space<vmem>> -> memref<1x80xi32, #tpu.memory_space<vmem>>
        %dma_wait3A_479 = tpu.memref_squeeze %dma_wait3A_478 : memref<1x80xi32, #tpu.memory_space<vmem>> -> memref<80xi32, #tpu.memory_space<vmem>>
        %dma_wait3A_480 = arith.constant 0 : i32
        %dma_wait3A_481 = arith.constant 0 : i32
        %dma_wait3A_482 = tpu.memref_slice %arg3[%dma_wait3A_480, %dma_wait3A_481] : memref<10000x128xf32, #tpu.memory_space<hbm>> -> memref<10000x128xf32, #tpu.memory_space<hbm>>
        tpu.wait_indirect_dma semaphore(%arg17 : memref<!tpu.dma_semaphore, #tpu.memory_space<semaphore_mem>>) src(%dma_wait3A_482 : memref<10000x128xf32, #tpu.memory_space<hbm>>) dst(%arg13 : memref<80x128xf32, #tpu.memory_space<vmem>>)
        %dma_start3A_483 = arith.constant 2 : i32
        %dma_start3A_484 = arith.constant 0 : i32
        %dma_start3A_485 = tpu.memref_slice %arg8[%dma_start3A_483, %dma_start3A_484] : memref<5x80xi32, #tpu.memory_space<vmem>> -> memref<1x80xi32, #tpu.memory_space<vmem>>
        %dma_start3A_486 = tpu.memref_squeeze %dma_start3A_485 : memref<1x80xi32, #tpu.memory_space<vmem>> -> memref<80xi32, #tpu.memory_space<vmem>>
        %dma_start3A_487 = arith.constant 0 : i32
        %dma_start3A_488 = arith.constant 0 : i32
        %dma_start3A_489 = tpu.memref_slice %arg3[%dma_start3A_487, %dma_start3A_488] : memref<10000x128xf32, #tpu.memory_space<hbm>> -> memref<10000x128xf32, #tpu.memory_space<hbm>>
        tpu.enqueue_indirect_dma source(%dma_start3A_489 : memref<10000x128xf32, #tpu.memory_space<hbm>>) target(%arg12 : memref<80x128xf32, #tpu.memory_space<vmem>>) offsets(%dma_start3A_486 : memref<80xi32, #tpu.memory_space<vmem>>) semaphore(%arg17 : memref<!tpu.dma_semaphore, #tpu.memory_space<semaphore_mem>>)
        %run_scoped3A_490 = arith.constant 1 : i32
        "tpu.region"() ({
          %run_scoped3A_678 = tpu.sem_alloc : memref<!tpu.dma_semaphore, #tpu.memory_space<semaphore_mem>>
          %dma_start3A_679 = arith.constant 0 : i32
          %dma_start3A_680 = tpu.memref_slice %arg10[%run_scoped3A_490, %dma_start3A_679] : memref<5x80xi32, #tpu.memory_space<vmem>> -> memref<1x80xi32, #tpu.memory_space<vmem>>
          %dma_start3A_681 = tpu.memref_squeeze %dma_start3A_680 : memref<1x80xi32, #tpu.memory_space<vmem>> -> memref<80xi32, #tpu.memory_space<vmem>>
          %dma_start3A_682 = arith.constant 0 : i32
          %dma_start3A_683 = arith.constant 0 : i32
          %dma_start3A_684 = tpu.memref_slice %arg16[%dma_start3A_682, %dma_start3A_683] : memref<10000x128xf32, #tpu.memory_space<vmem_shared>> -> memref<10000x128xf32, #tpu.memory_space<vmem_shared>>
          tpu.enqueue_indirect_dma source(%arg13 : memref<80x128xf32, #tpu.memory_space<vmem>>) target(%dma_start3A_684 : memref<10000x128xf32, #tpu.memory_space<vmem_shared>>) offsets(%dma_start3A_681 : memref<80xi32, #tpu.memory_space<vmem>>) semaphore(%run_scoped3A_678 : memref<!tpu.dma_semaphore, #tpu.memory_space<semaphore_mem>>) {add = true}
          %dma_wait3A_685 = arith.constant 0 : i32
          %dma_wait3A_686 = tpu.memref_slice %arg10[%run_scoped3A_490, %dma_wait3A_685] : memref<5x80xi32, #tpu.memory_space<vmem>> -> memref<1x80xi32, #tpu.memory_space<vmem>>
          %dma_wait3A_687 = tpu.memref_squeeze %dma_wait3A_686 : memref<1x80xi32, #tpu.memory_space<vmem>> -> memref<80xi32, #tpu.memory_space<vmem>>
          %dma_wait3A_688 = arith.constant 0 : i32
          %dma_wait3A_689 = arith.constant 0 : i32
          %dma_wait3A_690 = tpu.memref_slice %arg16[%dma_wait3A_688, %dma_wait3A_689] : memref<10000x128xf32, #tpu.memory_space<vmem_shared>> -> memref<10000x128xf32, #tpu.memory_space<vmem_shared>>
          tpu.wait_indirect_dma semaphore(%run_scoped3A_678 : memref<!tpu.dma_semaphore, #tpu.memory_space<semaphore_mem>>) src(%arg13 : memref<80x128xf32, #tpu.memory_space<vmem>>) dst(%dma_wait3A_690 : memref<10000x128xf32, #tpu.memory_space<vmem_shared>>)
          tpu.yield
        }) : () -> ()
        %dma_wait3A_491 = arith.constant 2 : i32
        %dma_wait3A_492 = arith.constant 0 : i32
        %dma_wait3A_493 = tpu.memref_slice %arg8[%dma_wait3A_491, %dma_wait3A_492] : memref<5x80xi32, #tpu.memory_space<vmem>> -> memref<1x80xi32, #tpu.memory_space<vmem>>
        %dma_wait3A_494 = tpu.memref_squeeze %dma_wait3A_493 : memref<1x80xi32, #tpu.memory_space<vmem>> -> memref<80xi32, #tpu.memory_space<vmem>>
        %dma_wait3A_495 = arith.constant 0 : i32
        %dma_wait3A_496 = arith.constant 0 : i32
        %dma_wait3A_497 = tpu.memref_slice %arg3[%dma_wait3A_495, %dma_wait3A_496] : memref<10000x128xf32, #tpu.memory_space<hbm>> -> memref<10000x128xf32, #tpu.memory_space<hbm>>
        tpu.wait_indirect_dma semaphore(%arg17 : memref<!tpu.dma_semaphore, #tpu.memory_space<semaphore_mem>>) src(%dma_wait3A_497 : memref<10000x128xf32, #tpu.memory_space<hbm>>) dst(%arg12 : memref<80x128xf32, #tpu.memory_space<vmem>>)
        %dma_start3A_498 = arith.constant 3 : i32
        %dma_start3A_499 = arith.constant 0 : i32
        %dma_start3A_500 = tpu.memref_slice %arg8[%dma_start3A_498, %dma_start3A_499] : memref<5x80xi32, #tpu.memory_space<vmem>> -> memref<1x80xi32, #tpu.memory_space<vmem>>
        %dma_start3A_501 = tpu.memref_squeeze %dma_start3A_500 : memref<1x80xi32, #tpu.memory_space<vmem>> -> memref<80xi32, #tpu.memory_space<vmem>>
        %dma_start3A_502 = arith.constant 0 : i32
        %dma_start3A_503 = arith.constant 0 : i32
        %dma_start3A_504 = tpu.memref_slice %arg3[%dma_start3A_502, %dma_start3A_503] : memref<10000x128xf32, #tpu.memory_space<hbm>> -> memref<10000x128xf32, #tpu.memory_space<hbm>>
        tpu.enqueue_indirect_dma source(%dma_start3A_504 : memref<10000x128xf32, #tpu.memory_space<hbm>>) target(%arg13 : memref<80x128xf32, #tpu.memory_space<vmem>>) offsets(%dma_start3A_501 : memref<80xi32, #tpu.memory_space<vmem>>) semaphore(%arg17 : memref<!tpu.dma_semaphore, #tpu.memory_space<semaphore_mem>>)
        %run_scoped3A_505 = arith.constant 2 : i32
        "tpu.region"() ({
          %run_scoped3A_678 = tpu.sem_alloc : memref<!tpu.dma_semaphore, #tpu.memory_space<semaphore_mem>>
          %dma_start3A_679 = arith.constant 0 : i32
          %dma_start3A_680 = tpu.memref_slice %arg10[%run_scoped3A_505, %dma_start3A_679] : memref<5x80xi32, #tpu.memory_space<vmem>> -> memref<1x80xi32, #tpu.memory_space<vmem>>
          %dma_start3A_681 = tpu.memref_squeeze %dma_start3A_680 : memref<1x80xi32, #tpu.memory_space<vmem>> -> memref<80xi32, #tpu.memory_space<vmem>>
          %dma_start3A_682 = arith.constant 0 : i32
          %dma_start3A_683 = arith.constant 0 : i32
          %dma_start3A_684 = tpu.memref_slice %arg16[%dma_start3A_682, %dma_start3A_683] : memref<10000x128xf32, #tpu.memory_space<vmem_shared>> -> memref<10000x128xf32, #tpu.memory_space<vmem_shared>>
          tpu.enqueue_indirect_dma source(%arg12 : memref<80x128xf32, #tpu.memory_space<vmem>>) target(%dma_start3A_684 : memref<10000x128xf32, #tpu.memory_space<vmem_shared>>) offsets(%dma_start3A_681 : memref<80xi32, #tpu.memory_space<vmem>>) semaphore(%run_scoped3A_678 : memref<!tpu.dma_semaphore, #tpu.memory_space<semaphore_mem>>) {add = true}
          %dma_wait3A_685 = arith.constant 0 : i32
          %dma_wait3A_686 = tpu.memref_slice %arg10[%run_scoped3A_505, %dma_wait3A_685] : memref<5x80xi32, #tpu.memory_space<vmem>> -> memref<1x80xi32, #tpu.memory_space<vmem>>
          %dma_wait3A_687 = tpu.memref_squeeze %dma_wait3A_686 : memref<1x80xi32, #tpu.memory_space<vmem>> -> memref<80xi32, #tpu.memory_space<vmem>>
          %dma_wait3A_688 = arith.constant 0 : i32
          %dma_wait3A_689 = arith.constant 0 : i32
          %dma_wait3A_690 = tpu.memref_slice %arg16[%dma_wait3A_688, %dma_wait3A_689] : memref<10000x128xf32, #tpu.memory_space<vmem_shared>> -> memref<10000x128xf32, #tpu.memory_space<vmem_shared>>
          tpu.wait_indirect_dma semaphore(%run_scoped3A_678 : memref<!tpu.dma_semaphore, #tpu.memory_space<semaphore_mem>>) src(%arg12 : memref<80x128xf32, #tpu.memory_space<vmem>>) dst(%dma_wait3A_690 : memref<10000x128xf32, #tpu.memory_space<vmem_shared>>)
          tpu.yield
        }) : () -> ()
        %dma_wait3A_506 = arith.constant 3 : i32
        %dma_wait3A_507 = arith.constant 0 : i32
        %dma_wait3A_508 = tpu.memref_slice %arg8[%dma_wait3A_506, %dma_wait3A_507] : memref<5x80xi32, #tpu.memory_space<vmem>> -> memref<1x80xi32, #tpu.memory_space<vmem>>
        %dma_wait3A_509 = tpu.memref_squeeze %dma_wait3A_508 : memref<1x80xi32, #tpu.memory_space<vmem>> -> memref<80xi32, #tpu.memory_space<vmem>>
        %dma_wait3A_510 = arith.constant 0 : i32
        %dma_wait3A_511 = arith.constant 0 : i32
        %dma_wait3A_512 = tpu.memref_slice %arg3[%dma_wait3A_510, %dma_wait3A_511] : memref<10000x128xf32, #tpu.memory_space<hbm>> -> memref<10000x128xf32, #tpu.memory_space<hbm>>
        tpu.wait_indirect_dma semaphore(%arg17 : memref<!tpu.dma_semaphore, #tpu.memory_space<semaphore_mem>>) src(%dma_wait3A_512 : memref<10000x128xf32, #tpu.memory_space<hbm>>) dst(%arg13 : memref<80x128xf32, #tpu.memory_space<vmem>>)
        %dma_start3A_513 = arith.constant 4 : i32
        %dma_start3A_514 = arith.constant 0 : i32
        %dma_start3A_515 = tpu.memref_slice %arg8[%dma_start3A_513, %dma_start3A_514] : memref<5x80xi32, #tpu.memory_space<vmem>> -> memref<1x80xi32, #tpu.memory_space<vmem>>
        %dma_start3A_516 = tpu.memref_squeeze %dma_start3A_515 : memref<1x80xi32, #tpu.memory_space<vmem>> -> memref<80xi32, #tpu.memory_space<vmem>>
        %dma_start3A_517 = arith.constant 0 : i32
        %dma_start3A_518 = arith.constant 0 : i32
        %dma_start3A_519 = tpu.memref_slice %arg3[%dma_start3A_517, %dma_start3A_518] : memref<10000x128xf32, #tpu.memory_space<hbm>> -> memref<10000x128xf32, #tpu.memory_space<hbm>>
        tpu.enqueue_indirect_dma source(%dma_start3A_519 : memref<10000x128xf32, #tpu.memory_space<hbm>>) target(%arg12 : memref<80x128xf32, #tpu.memory_space<vmem>>) offsets(%dma_start3A_516 : memref<80xi32, #tpu.memory_space<vmem>>) semaphore(%arg17 : memref<!tpu.dma_semaphore, #tpu.memory_space<semaphore_mem>>)
        %run_scoped3A_520 = arith.constant 3 : i32
        "tpu.region"() ({
          %run_scoped3A_678 = tpu.sem_alloc : memref<!tpu.dma_semaphore, #tpu.memory_space<semaphore_mem>>
          %dma_start3A_679 = arith.constant 0 : i32
          %dma_start3A_680 = tpu.memref_slice %arg10[%run_scoped3A_520, %dma_start3A_679] : memref<5x80xi32, #tpu.memory_space<vmem>> -> memref<1x80xi32, #tpu.memory_space<vmem>>
          %dma_start3A_681 = tpu.memref_squeeze %dma_start3A_680 : memref<1x80xi32, #tpu.memory_space<vmem>> -> memref<80xi32, #tpu.memory_space<vmem>>
          %dma_start3A_682 = arith.constant 0 : i32
          %dma_start3A_683 = arith.constant 0 : i32
          %dma_start3A_684 = tpu.memref_slice %arg16[%dma_start3A_682, %dma_start3A_683] : memref<10000x128xf32, #tpu.memory_space<vmem_shared>> -> memref<10000x128xf32, #tpu.memory_space<vmem_shared>>
          tpu.enqueue_indirect_dma source(%arg13 : memref<80x128xf32, #tpu.memory_space<vmem>>) target(%dma_start3A_684 : memref<10000x128xf32, #tpu.memory_space<vmem_shared>>) offsets(%dma_start3A_681 : memref<80xi32, #tpu.memory_space<vmem>>) semaphore(%run_scoped3A_678 : memref<!tpu.dma_semaphore, #tpu.memory_space<semaphore_mem>>) {add = true}
          %dma_wait3A_685 = arith.constant 0 : i32
          %dma_wait3A_686 = tpu.memref_slice %arg10[%run_scoped3A_520, %dma_wait3A_685] : memref<5x80xi32, #tpu.memory_space<vmem>> -> memref<1x80xi32, #tpu.memory_space<vmem>>
          %dma_wait3A_687 = tpu.memref_squeeze %dma_wait3A_686 : memref<1x80xi32, #tpu.memory_space<vmem>> -> memref<80xi32, #tpu.memory_space<vmem>>
          %dma_wait3A_688 = arith.constant 0 : i32
          %dma_wait3A_689 = arith.constant 0 : i32
          %dma_wait3A_690 = tpu.memref_slice %arg16[%dma_wait3A_688, %dma_wait3A_689] : memref<10000x128xf32, #tpu.memory_space<vmem_shared>> -> memref<10000x128xf32, #tpu.memory_space<vmem_shared>>
          tpu.wait_indirect_dma semaphore(%run_scoped3A_678 : memref<!tpu.dma_semaphore, #tpu.memory_space<semaphore_mem>>) src(%arg13 : memref<80x128xf32, #tpu.memory_space<vmem>>) dst(%dma_wait3A_690 : memref<10000x128xf32, #tpu.memory_space<vmem_shared>>)
          tpu.yield
        }) : () -> ()
        %dma_wait3A_521 = arith.constant 4 : i32
        %dma_wait3A_522 = arith.constant 0 : i32
        %dma_wait3A_523 = tpu.memref_slice %arg8[%dma_wait3A_521, %dma_wait3A_522] : memref<5x80xi32, #tpu.memory_space<vmem>> -> memref<1x80xi32, #tpu.memory_space<vmem>>
        %dma_wait3A_524 = tpu.memref_squeeze %dma_wait3A_523 : memref<1x80xi32, #tpu.memory_space<vmem>> -> memref<80xi32, #tpu.memory_space<vmem>>
        %dma_wait3A_525 = arith.constant 0 : i32
        %dma_wait3A_526 = arith.constant 0 : i32
        %dma_wait3A_527 = tpu.memref_slice %arg3[%dma_wait3A_525, %dma_wait3A_526] : memref<10000x128xf32, #tpu.memory_space<hbm>> -> memref<10000x128xf32, #tpu.memory_space<hbm>>
        tpu.wait_indirect_dma semaphore(%arg17 : memref<!tpu.dma_semaphore, #tpu.memory_space<semaphore_mem>>) src(%dma_wait3A_527 : memref<10000x128xf32, #tpu.memory_space<hbm>>) dst(%arg12 : memref<80x128xf32, #tpu.memory_space<vmem>>)
        %add3A_528 = arith.constant 1 : i32
        %add3A_529 = arith.addi %mul3A_460, %add3A_528 : i32
        %dma_wait3A_530 = arith.constant 0 : i32
        %dma_wait3A_531 = arith.constant 0 : i32
        %dma_wait3A_532 = arith.constant 0 : i32
        %dma_wait3A_533 = tpu.memref_slice %arg4[%dma_wait3A_530, %arg1, %add3A_529, %dma_wait3A_531, %dma_wait3A_532] : memref<2x16x25x5x80xi32, #tpu.memory_space<hbm>> -> memref<1x1x1x5x80xi32, #tpu.memory_space<hbm>>
        %dma_wait3A_534 = tpu.memref_squeeze %dma_wait3A_533 : memref<1x1x1x5x80xi32, #tpu.memory_space<hbm>> -> memref<5x80xi32, #tpu.memory_space<hbm>>
        %dma_wait3A_535 = arith.constant 0 : i32
        %dma_wait3A_536 = arith.constant 0 : i32
        %dma_wait3A_537 = tpu.memref_slice %arg4[%dma_wait3A_530, %arg1, %add3A_529, %dma_wait3A_535, %dma_wait3A_536] : memref<2x16x25x5x80xi32, #tpu.memory_space<hbm>> -> memref<1x1x1x5x80xi32, #tpu.memory_space<hbm>>
        %dma_wait3A_538 = tpu.memref_squeeze %dma_wait3A_537 : memref<1x1x1x5x80xi32, #tpu.memory_space<hbm>> -> memref<5x80xi32, #tpu.memory_space<hbm>>
        tpu.wait_dma2 semaphore(%arg18 : memref<!tpu.dma_semaphore, #tpu.memory_space<semaphore_mem>>) src(%dma_wait3A_538 : memref<5x80xi32, #tpu.memory_space<hbm>>) dst(%arg9 : memref<5x80xi32, #tpu.memory_space<vmem>>)
        %dma_wait3A_539 = arith.constant 1 : i32
        %dma_wait3A_540 = arith.constant 0 : i32
        %dma_wait3A_541 = arith.constant 0 : i32
        %dma_wait3A_542 = tpu.memref_slice %arg4[%dma_wait3A_539, %arg1, %add3A_529, %dma_wait3A_540, %dma_wait3A_541] : memref<2x16x25x5x80xi32, #tpu.memory_space<hbm>> -> memref<1x1x1x5x80xi32, #tpu.memory_space<hbm>>
        %dma_wait3A_543 = tpu.memref_squeeze %dma_wait3A_542 : memref<1x1x1x5x80xi32, #tpu.memory_space<hbm>> -> memref<5x80xi32, #tpu.memory_space<hbm>>
        %dma_wait3A_544 = arith.constant 0 : i32
        %dma_wait3A_545 = arith.constant 0 : i32
        %dma_wait3A_546 = tpu.memref_slice %arg4[%dma_wait3A_539, %arg1, %add3A_529, %dma_wait3A_544, %dma_wait3A_545] : memref<2x16x25x5x80xi32, #tpu.memory_space<hbm>> -> memref<1x1x1x5x80xi32, #tpu.memory_space<hbm>>
        %dma_wait3A_547 = tpu.memref_squeeze %dma_wait3A_546 : memref<1x1x1x5x80xi32, #tpu.memory_space<hbm>> -> memref<5x80xi32, #tpu.memory_space<hbm>>
        tpu.wait_dma2 semaphore(%arg18 : memref<!tpu.dma_semaphore, #tpu.memory_space<semaphore_mem>>) src(%dma_wait3A_547 : memref<5x80xi32, #tpu.memory_space<hbm>>) dst(%arg11 : memref<5x80xi32, #tpu.memory_space<vmem>>)
        %dma_start3A_548 = arith.constant 0 : i32
        %dma_start3A_549 = arith.constant 0 : i32
        %dma_start3A_550 = tpu.memref_slice %arg9[%dma_start3A_548, %dma_start3A_549] : memref<5x80xi32, #tpu.memory_space<vmem>> -> memref<1x80xi32, #tpu.memory_space<vmem>>
        %dma_start3A_551 = tpu.memref_squeeze %dma_start3A_550 : memref<1x80xi32, #tpu.memory_space<vmem>> -> memref<80xi32, #tpu.memory_space<vmem>>
        %dma_start3A_552 = arith.constant 0 : i32
        %dma_start3A_553 = arith.constant 0 : i32
        %dma_start3A_554 = tpu.memref_slice %arg3[%dma_start3A_552, %dma_start3A_553] : memref<10000x128xf32, #tpu.memory_space<hbm>> -> memref<10000x128xf32, #tpu.memory_space<hbm>>
        tpu.enqueue_indirect_dma source(%dma_start3A_554 : memref<10000x128xf32, #tpu.memory_space<hbm>>) target(%arg13 : memref<80x128xf32, #tpu.memory_space<vmem>>) offsets(%dma_start3A_551 : memref<80xi32, #tpu.memory_space<vmem>>) semaphore(%arg17 : memref<!tpu.dma_semaphore, #tpu.memory_space<semaphore_mem>>)
        %run_scoped3A_555 = arith.constant 4 : i32
        "tpu.region"() ({
          %run_scoped3A_678 = tpu.sem_alloc : memref<!tpu.dma_semaphore, #tpu.memory_space<semaphore_mem>>
          %dma_start3A_679 = arith.constant 0 : i32
          %dma_start3A_680 = tpu.memref_slice %arg10[%run_scoped3A_555, %dma_start3A_679] : memref<5x80xi32, #tpu.memory_space<vmem>> -> memref<1x80xi32, #tpu.memory_space<vmem>>
          %dma_start3A_681 = tpu.memref_squeeze %dma_start3A_680 : memref<1x80xi32, #tpu.memory_space<vmem>> -> memref<80xi32, #tpu.memory_space<vmem>>
          %dma_start3A_682 = arith.constant 0 : i32
          %dma_start3A_683 = arith.constant 0 : i32
          %dma_start3A_684 = tpu.memref_slice %arg16[%dma_start3A_682, %dma_start3A_683] : memref<10000x128xf32, #tpu.memory_space<vmem_shared>> -> memref<10000x128xf32, #tpu.memory_space<vmem_shared>>
          tpu.enqueue_indirect_dma source(%arg12 : memref<80x128xf32, #tpu.memory_space<vmem>>) target(%dma_start3A_684 : memref<10000x128xf32, #tpu.memory_space<vmem_shared>>) offsets(%dma_start3A_681 : memref<80xi32, #tpu.memory_space<vmem>>) semaphore(%run_scoped3A_678 : memref<!tpu.dma_semaphore, #tpu.memory_space<semaphore_mem>>) {add = true}
          %dma_wait3A_685 = arith.constant 0 : i32
          %dma_wait3A_686 = tpu.memref_slice %arg10[%run_scoped3A_555, %dma_wait3A_685] : memref<5x80xi32, #tpu.memory_space<vmem>> -> memref<1x80xi32, #tpu.memory_space<vmem>>
          %dma_wait3A_687 = tpu.memref_squeeze %dma_wait3A_686 : memref<1x80xi32, #tpu.memory_space<vmem>> -> memref<80xi32, #tpu.memory_space<vmem>>
          %dma_wait3A_688 = arith.constant 0 : i32
          %dma_wait3A_689 = arith.constant 0 : i32
          %dma_wait3A_690 = tpu.memref_slice %arg16[%dma_wait3A_688, %dma_wait3A_689] : memref<10000x128xf32, #tpu.memory_space<vmem_shared>> -> memref<10000x128xf32, #tpu.memory_space<vmem_shared>>
          tpu.wait_indirect_dma semaphore(%run_scoped3A_678 : memref<!tpu.dma_semaphore, #tpu.memory_space<semaphore_mem>>) src(%arg12 : memref<80x128xf32, #tpu.memory_space<vmem>>) dst(%dma_wait3A_690 : memref<10000x128xf32, #tpu.memory_space<vmem_shared>>)
          tpu.yield
        }) : () -> ()
        %add3A_556 = arith.constant 2 : i32
        %add3A_557 = arith.addi %mul3A_460, %add3A_556 : i32
        %dma_start3A_558 = arith.constant 0 : i32
        %dma_start3A_559 = arith.constant 0 : i32
        %dma_start3A_560 = arith.constant 0 : i32
        %dma_start3A_561 = tpu.memref_slice %arg4[%dma_start3A_558, %arg1, %add3A_557, %dma_start3A_559, %dma_start3A_560] : memref<2x16x25x5x80xi32, #tpu.memory_space<hbm>> -> memref<1x1x1x5x80xi32, #tpu.memory_space<hbm>>
        %dma_start3A_562 = tpu.memref_squeeze %dma_start3A_561 : memref<1x1x1x5x80xi32, #tpu.memory_space<hbm>> -> memref<5x80xi32, #tpu.memory_space<hbm>>
        %dma_start3A_563 = arith.constant 0 : i32
        %dma_start3A_564 = arith.constant 0 : i32
        %dma_start3A_565 = tpu.memref_slice %arg4[%dma_start3A_558, %arg1, %add3A_557, %dma_start3A_563, %dma_start3A_564] : memref<2x16x25x5x80xi32, #tpu.memory_space<hbm>> -> memref<1x1x1x5x80xi32, #tpu.memory_space<hbm>>
        %dma_start3A_566 = tpu.memref_squeeze %dma_start3A_565 : memref<1x1x1x5x80xi32, #tpu.memory_space<hbm>> -> memref<5x80xi32, #tpu.memory_space<hbm>>
        tpu.enqueue_dma source(%dma_start3A_566 : memref<5x80xi32, #tpu.memory_space<hbm>>) target(%arg8 : memref<5x80xi32, #tpu.memory_space<vmem>>) target_semaphore(%arg18 : memref<!tpu.dma_semaphore, #tpu.memory_space<semaphore_mem>>)
        %dma_start3A_567 = arith.constant 1 : i32
        %dma_start3A_568 = arith.constant 0 : i32
        %dma_start3A_569 = arith.constant 0 : i32
        %dma_start3A_570 = tpu.memref_slice %arg4[%dma_start3A_567, %arg1, %add3A_557, %dma_start3A_568, %dma_start3A_569] : memref<2x16x25x5x80xi32, #tpu.memory_space<hbm>> -> memref<1x1x1x5x80xi32, #tpu.memory_space<hbm>>
        %dma_start3A_571 = tpu.memref_squeeze %dma_start3A_570 : memref<1x1x1x5x80xi32, #tpu.memory_space<hbm>> -> memref<5x80xi32, #tpu.memory_space<hbm>>
        %dma_start3A_572 = arith.constant 0 : i32
        %dma_start3A_573 = arith.constant 0 : i32
        %dma_start3A_574 = tpu.memref_slice %arg4[%dma_start3A_567, %arg1, %add3A_557, %dma_start3A_572, %dma_start3A_573] : memref<2x16x25x5x80xi32, #tpu.memory_space<hbm>> -> memref<1x1x1x5x80xi32, #tpu.memory_space<hbm>>
        %dma_start3A_575 = tpu.memref_squeeze %dma_start3A_574 : memref<1x1x1x5x80xi32, #tpu.memory_space<hbm>> -> memref<5x80xi32, #tpu.memory_space<hbm>>
        tpu.enqueue_dma source(%dma_start3A_575 : memref<5x80xi32, #tpu.memory_space<hbm>>) target(%arg10 : memref<5x80xi32, #tpu.memory_space<vmem>>) target_semaphore(%arg18 : memref<!tpu.dma_semaphore, #tpu.memory_space<semaphore_mem>>)
        %dma_wait3A_576 = arith.constant 0 : i32
        %dma_wait3A_577 = arith.constant 0 : i32
        %dma_wait3A_578 = tpu.memref_slice %arg9[%dma_wait3A_576, %dma_wait3A_577] : memref<5x80xi32, #tpu.memory_space<vmem>> -> memref<1x80xi32, #tpu.memory_space<vmem>>
        %dma_wait3A_579 = tpu.memref_squeeze %dma_wait3A_578 : memref<1x80xi32, #tpu.memory_space<vmem>> -> memref<80xi32, #tpu.memory_space<vmem>>
        %dma_wait3A_580 = arith.constant 0 : i32
        %dma_wait3A_581 = arith.constant 0 : i32
        %dma_wait3A_582 = tpu.memref_slice %arg3[%dma_wait3A_580, %dma_wait3A_581] : memref<10000x128xf32, #tpu.memory_space<hbm>> -> memref<10000x128xf32, #tpu.memory_space<hbm>>
        tpu.wait_indirect_dma semaphore(%arg17 : memref<!tpu.dma_semaphore, #tpu.memory_space<semaphore_mem>>) src(%dma_wait3A_582 : memref<10000x128xf32, #tpu.memory_space<hbm>>) dst(%arg13 : memref<80x128xf32, #tpu.memory_space<vmem>>)
        %dma_start3A_583 = arith.constant 1 : i32
        %dma_start3A_584 = arith.constant 0 : i32
        %dma_start3A_585 = tpu.memref_slice %arg9[%dma_start3A_583, %dma_start3A_584] : memref<5x80xi32, #tpu.memory_space<vmem>> -> memref<1x80xi32, #tpu.memory_space<vmem>>
        %dma_start3A_586 = tpu.memref_squeeze %dma_start3A_585 : memref<1x80xi32, #tpu.memory_space<vmem>> -> memref<80xi32, #tpu.memory_space<vmem>>
        %dma_start3A_587 = arith.constant 0 : i32
        %dma_start3A_588 = arith.constant 0 : i32
        %dma_start3A_589 = tpu.memref_slice %arg3[%dma_start3A_587, %dma_start3A_588] : memref<10000x128xf32, #tpu.memory_space<hbm>> -> memref<10000x128xf32, #tpu.memory_space<hbm>>
        tpu.enqueue_indirect_dma source(%dma_start3A_589 : memref<10000x128xf32, #tpu.memory_space<hbm>>) target(%arg12 : memref<80x128xf32, #tpu.memory_space<vmem>>) offsets(%dma_start3A_586 : memref<80xi32, #tpu.memory_space<vmem>>) semaphore(%arg17 : memref<!tpu.dma_semaphore, #tpu.memory_space<semaphore_mem>>)
        %run_scoped3A_590 = arith.constant 0 : i32
        "tpu.region"() ({
          %run_scoped3A_678 = tpu.sem_alloc : memref<!tpu.dma_semaphore, #tpu.memory_space<semaphore_mem>>
          %dma_start3A_679 = arith.constant 0 : i32
          %dma_start3A_680 = tpu.memref_slice %arg11[%run_scoped3A_590, %dma_start3A_679] : memref<5x80xi32, #tpu.memory_space<vmem>> -> memref<1x80xi32, #tpu.memory_space<vmem>>
          %dma_start3A_681 = tpu.memref_squeeze %dma_start3A_680 : memref<1x80xi32, #tpu.memory_space<vmem>> -> memref<80xi32, #tpu.memory_space<vmem>>
          %dma_start3A_682 = arith.constant 0 : i32
          %dma_start3A_683 = arith.constant 0 : i32
          %dma_start3A_684 = tpu.memref_slice %arg16[%dma_start3A_682, %dma_start3A_683] : memref<10000x128xf32, #tpu.memory_space<vmem_shared>> -> memref<10000x128xf32, #tpu.memory_space<vmem_shared>>
          tpu.enqueue_indirect_dma source(%arg13 : memref<80x128xf32, #tpu.memory_space<vmem>>) target(%dma_start3A_684 : memref<10000x128xf32, #tpu.memory_space<vmem_shared>>) offsets(%dma_start3A_681 : memref<80xi32, #tpu.memory_space<vmem>>) semaphore(%run_scoped3A_678 : memref<!tpu.dma_semaphore, #tpu.memory_space<semaphore_mem>>) {add = true}
          %dma_wait3A_685 = arith.constant 0 : i32
          %dma_wait3A_686 = tpu.memref_slice %arg11[%run_scoped3A_590, %dma_wait3A_685] : memref<5x80xi32, #tpu.memory_space<vmem>> -> memref<1x80xi32, #tpu.memory_space<vmem>>
          %dma_wait3A_687 = tpu.memref_squeeze %dma_wait3A_686 : memref<1x80xi32, #tpu.memory_space<vmem>> -> memref<80xi32, #tpu.memory_space<vmem>>
          %dma_wait3A_688 = arith.constant 0 : i32
          %dma_wait3A_689 = arith.constant 0 : i32
          %dma_wait3A_690 = tpu.memref_slice %arg16[%dma_wait3A_688, %dma_wait3A_689] : memref<10000x128xf32, #tpu.memory_space<vmem_shared>> -> memref<10000x128xf32, #tpu.memory_space<vmem_shared>>
          tpu.wait_indirect_dma semaphore(%run_scoped3A_678 : memref<!tpu.dma_semaphore, #tpu.memory_space<semaphore_mem>>) src(%arg13 : memref<80x128xf32, #tpu.memory_space<vmem>>) dst(%dma_wait3A_690 : memref<10000x128xf32, #tpu.memory_space<vmem_shared>>)
          tpu.yield
        }) : () -> ()
        %dma_wait3A_591 = arith.constant 1 : i32
        %dma_wait3A_592 = arith.constant 0 : i32
        %dma_wait3A_593 = tpu.memref_slice %arg9[%dma_wait3A_591, %dma_wait3A_592] : memref<5x80xi32, #tpu.memory_space<vmem>> -> memref<1x80xi32, #tpu.memory_space<vmem>>
        %dma_wait3A_594 = tpu.memref_squeeze %dma_wait3A_593 : memref<1x80xi32, #tpu.memory_space<vmem>> -> memref<80xi32, #tpu.memory_space<vmem>>
        %dma_wait3A_595 = arith.constant 0 : i32
        %dma_wait3A_596 = arith.constant 0 : i32
        %dma_wait3A_597 = tpu.memref_slice %arg3[%dma_wait3A_595, %dma_wait3A_596] : memref<10000x128xf32, #tpu.memory_space<hbm>> -> memref<10000x128xf32, #tpu.memory_space<hbm>>
        tpu.wait_indirect_dma semaphore(%arg17 : memref<!tpu.dma_semaphore, #tpu.memory_space<semaphore_mem>>) src(%dma_wait3A_597 : memref<10000x128xf32, #tpu.memory_space<hbm>>) dst(%arg12 : memref<80x128xf32, #tpu.memory_space<vmem>>)
        %dma_start3A_598 = arith.constant 2 : i32
        %dma_start3A_599 = arith.constant 0 : i32
        %dma_start3A_600 = tpu.memref_slice %arg9[%dma_start3A_598, %dma_start3A_599] : memref<5x80xi32, #tpu.memory_space<vmem>> -> memref<1x80xi32, #tpu.memory_space<vmem>>
        %dma_start3A_601 = tpu.memref_squeeze %dma_start3A_600 : memref<1x80xi32, #tpu.memory_space<vmem>> -> memref<80xi32, #tpu.memory_space<vmem>>
        %dma_start3A_602 = arith.constant 0 : i32
        %dma_start3A_603 = arith.constant 0 : i32
        %dma_start3A_604 = tpu.memref_slice %arg3[%dma_start3A_602, %dma_start3A_603] : memref<10000x128xf32, #tpu.memory_space<hbm>> -> memref<10000x128xf32, #tpu.memory_space<hbm>>
        tpu.enqueue_indirect_dma source(%dma_start3A_604 : memref<10000x128xf32, #tpu.memory_space<hbm>>) target(%arg13 : memref<80x128xf32, #tpu.memory_space<vmem>>) offsets(%dma_start3A_601 : memref<80xi32, #tpu.memory_space<vmem>>) semaphore(%arg17 : memref<!tpu.dma_semaphore, #tpu.memory_space<semaphore_mem>>)
        %run_scoped3A_605 = arith.constant 1 : i32
        "tpu.region"() ({
          %run_scoped3A_678 = tpu.sem_alloc : memref<!tpu.dma_semaphore, #tpu.memory_space<semaphore_mem>>
          %dma_start3A_679 = arith.constant 0 : i32
          %dma_start3A_680 = tpu.memref_slice %arg11[%run_scoped3A_605, %dma_start3A_679] : memref<5x80xi32, #tpu.memory_space<vmem>> -> memref<1x80xi32, #tpu.memory_space<vmem>>
          %dma_start3A_681 = tpu.memref_squeeze %dma_start3A_680 : memref<1x80xi32, #tpu.memory_space<vmem>> -> memref<80xi32, #tpu.memory_space<vmem>>
          %dma_start3A_682 = arith.constant 0 : i32
          %dma_start3A_683 = arith.constant 0 : i32
          %dma_start3A_684 = tpu.memref_slice %arg16[%dma_start3A_682, %dma_start3A_683] : memref<10000x128xf32, #tpu.memory_space<vmem_shared>> -> memref<10000x128xf32, #tpu.memory_space<vmem_shared>>
          tpu.enqueue_indirect_dma source(%arg12 : memref<80x128xf32, #tpu.memory_space<vmem>>) target(%dma_start3A_684 : memref<10000x128xf32, #tpu.memory_space<vmem_shared>>) offsets(%dma_start3A_681 : memref<80xi32, #tpu.memory_space<vmem>>) semaphore(%run_scoped3A_678 : memref<!tpu.dma_semaphore, #tpu.memory_space<semaphore_mem>>) {add = true}
          %dma_wait3A_685 = arith.constant 0 : i32
          %dma_wait3A_686 = tpu.memref_slice %arg11[%run_scoped3A_605, %dma_wait3A_685] : memref<5x80xi32, #tpu.memory_space<vmem>> -> memref<1x80xi32, #tpu.memory_space<vmem>>
          %dma_wait3A_687 = tpu.memref_squeeze %dma_wait3A_686 : memref<1x80xi32, #tpu.memory_space<vmem>> -> memref<80xi32, #tpu.memory_space<vmem>>
          %dma_wait3A_688 = arith.constant 0 : i32
          %dma_wait3A_689 = arith.constant 0 : i32
          %dma_wait3A_690 = tpu.memref_slice %arg16[%dma_wait3A_688, %dma_wait3A_689] : memref<10000x128xf32, #tpu.memory_space<vmem_shared>> -> memref<10000x128xf32, #tpu.memory_space<vmem_shared>>
          tpu.wait_indirect_dma semaphore(%run_scoped3A_678 : memref<!tpu.dma_semaphore, #tpu.memory_space<semaphore_mem>>) src(%arg12 : memref<80x128xf32, #tpu.memory_space<vmem>>) dst(%dma_wait3A_690 : memref<10000x128xf32, #tpu.memory_space<vmem_shared>>)
          tpu.yield
        }) : () -> ()
        %dma_wait3A_606 = arith.constant 2 : i32
        %dma_wait3A_607 = arith.constant 0 : i32
        %dma_wait3A_608 = tpu.memref_slice %arg9[%dma_wait3A_606, %dma_wait3A_607] : memref<5x80xi32, #tpu.memory_space<vmem>> -> memref<1x80xi32, #tpu.memory_space<vmem>>
        %dma_wait3A_609 = tpu.memref_squeeze %dma_wait3A_608 : memref<1x80xi32, #tpu.memory_space<vmem>> -> memref<80xi32, #tpu.memory_space<vmem>>
        %dma_wait3A_610 = arith.constant 0 : i32
        %dma_wait3A_611 = arith.constant 0 : i32
        %dma_wait3A_612 = tpu.memref_slice %arg3[%dma_wait3A_610, %dma_wait3A_611] : memref<10000x128xf32, #tpu.memory_space<hbm>> -> memref<10000x128xf32, #tpu.memory_space<hbm>>
        tpu.wait_indirect_dma semaphore(%arg17 : memref<!tpu.dma_semaphore, #tpu.memory_space<semaphore_mem>>) src(%dma_wait3A_612 : memref<10000x128xf32, #tpu.memory_space<hbm>>) dst(%arg13 : memref<80x128xf32, #tpu.memory_space<vmem>>)
        %dma_start3A_613 = arith.constant 3 : i32
        %dma_start3A_614 = arith.constant 0 : i32
        %dma_start3A_615 = tpu.memref_slice %arg9[%dma_start3A_613, %dma_start3A_614] : memref<5x80xi32, #tpu.memory_space<vmem>> -> memref<1x80xi32, #tpu.memory_space<vmem>>
        %dma_start3A_616 = tpu.memref_squeeze %dma_start3A_615 : memref<1x80xi32, #tpu.memory_space<vmem>> -> memref<80xi32, #tpu.memory_space<vmem>>
        %dma_start3A_617 = arith.constant 0 : i32
        %dma_start3A_618 = arith.constant 0 : i32
        %dma_start3A_619 = tpu.memref_slice %arg3[%dma_start3A_617, %dma_start3A_618] : memref<10000x128xf32, #tpu.memory_space<hbm>> -> memref<10000x128xf32, #tpu.memory_space<hbm>>
        tpu.enqueue_indirect_dma source(%dma_start3A_619 : memref<10000x128xf32, #tpu.memory_space<hbm>>) target(%arg12 : memref<80x128xf32, #tpu.memory_space<vmem>>) offsets(%dma_start3A_616 : memref<80xi32, #tpu.memory_space<vmem>>) semaphore(%arg17 : memref<!tpu.dma_semaphore, #tpu.memory_space<semaphore_mem>>)
        %run_scoped3A_620 = arith.constant 2 : i32
        "tpu.region"() ({
          %run_scoped3A_678 = tpu.sem_alloc : memref<!tpu.dma_semaphore, #tpu.memory_space<semaphore_mem>>
          %dma_start3A_679 = arith.constant 0 : i32
          %dma_start3A_680 = tpu.memref_slice %arg11[%run_scoped3A_620, %dma_start3A_679] : memref<5x80xi32, #tpu.memory_space<vmem>> -> memref<1x80xi32, #tpu.memory_space<vmem>>
          %dma_start3A_681 = tpu.memref_squeeze %dma_start3A_680 : memref<1x80xi32, #tpu.memory_space<vmem>> -> memref<80xi32, #tpu.memory_space<vmem>>
          %dma_start3A_682 = arith.constant 0 : i32
          %dma_start3A_683 = arith.constant 0 : i32
          %dma_start3A_684 = tpu.memref_slice %arg16[%dma_start3A_682, %dma_start3A_683] : memref<10000x128xf32, #tpu.memory_space<vmem_shared>> -> memref<10000x128xf32, #tpu.memory_space<vmem_shared>>
          tpu.enqueue_indirect_dma source(%arg13 : memref<80x128xf32, #tpu.memory_space<vmem>>) target(%dma_start3A_684 : memref<10000x128xf32, #tpu.memory_space<vmem_shared>>) offsets(%dma_start3A_681 : memref<80xi32, #tpu.memory_space<vmem>>) semaphore(%run_scoped3A_678 : memref<!tpu.dma_semaphore, #tpu.memory_space<semaphore_mem>>) {add = true}
          %dma_wait3A_685 = arith.constant 0 : i32
          %dma_wait3A_686 = tpu.memref_slice %arg11[%run_scoped3A_620, %dma_wait3A_685] : memref<5x80xi32, #tpu.memory_space<vmem>> -> memref<1x80xi32, #tpu.memory_space<vmem>>
          %dma_wait3A_687 = tpu.memref_squeeze %dma_wait3A_686 : memref<1x80xi32, #tpu.memory_space<vmem>> -> memref<80xi32, #tpu.memory_space<vmem>>
          %dma_wait3A_688 = arith.constant 0 : i32
          %dma_wait3A_689 = arith.constant 0 : i32
          %dma_wait3A_690 = tpu.memref_slice %arg16[%dma_wait3A_688, %dma_wait3A_689] : memref<10000x128xf32, #tpu.memory_space<vmem_shared>> -> memref<10000x128xf32, #tpu.memory_space<vmem_shared>>
          tpu.wait_indirect_dma semaphore(%run_scoped3A_678 : memref<!tpu.dma_semaphore, #tpu.memory_space<semaphore_mem>>) src(%arg13 : memref<80x128xf32, #tpu.memory_space<vmem>>) dst(%dma_wait3A_690 : memref<10000x128xf32, #tpu.memory_space<vmem_shared>>)
          tpu.yield
        }) : () -> ()
        %dma_wait3A_621 = arith.constant 3 : i32
        %dma_wait3A_622 = arith.constant 0 : i32
        %dma_wait3A_623 = tpu.memref_slice %arg9[%dma_wait3A_621, %dma_wait3A_622] : memref<5x80xi32, #tpu.memory_space<vmem>> -> memref<1x80xi32, #tpu.memory_space<vmem>>
        %dma_wait3A_624 = tpu.memref_squeeze %dma_wait3A_623 : memref<1x80xi32, #tpu.memory_space<vmem>> -> memref<80xi32, #tpu.memory_space<vmem>>
        %dma_wait3A_625 = arith.constant 0 : i32
        %dma_wait3A_626 = arith.constant 0 : i32
        %dma_wait3A_627 = tpu.memref_slice %arg3[%dma_wait3A_625, %dma_wait3A_626] : memref<10000x128xf32, #tpu.memory_space<hbm>> -> memref<10000x128xf32, #tpu.memory_space<hbm>>
        tpu.wait_indirect_dma semaphore(%arg17 : memref<!tpu.dma_semaphore, #tpu.memory_space<semaphore_mem>>) src(%dma_wait3A_627 : memref<10000x128xf32, #tpu.memory_space<hbm>>) dst(%arg12 : memref<80x128xf32, #tpu.memory_space<vmem>>)
        %dma_start3A_628 = arith.constant 4 : i32
        %dma_start3A_629 = arith.constant 0 : i32
        %dma_start3A_630 = tpu.memref_slice %arg9[%dma_start3A_628, %dma_start3A_629] : memref<5x80xi32, #tpu.memory_space<vmem>> -> memref<1x80xi32, #tpu.memory_space<vmem>>
        %dma_start3A_631 = tpu.memref_squeeze %dma_start3A_630 : memref<1x80xi32, #tpu.memory_space<vmem>> -> memref<80xi32, #tpu.memory_space<vmem>>
        %dma_start3A_632 = arith.constant 0 : i32
        %dma_start3A_633 = arith.constant 0 : i32
        %dma_start3A_634 = tpu.memref_slice %arg3[%dma_start3A_632, %dma_start3A_633] : memref<10000x128xf32, #tpu.memory_space<hbm>> -> memref<10000x128xf32, #tpu.memory_space<hbm>>
        tpu.enqueue_indirect_dma source(%dma_start3A_634 : memref<10000x128xf32, #tpu.memory_space<hbm>>) target(%arg13 : memref<80x128xf32, #tpu.memory_space<vmem>>) offsets(%dma_start3A_631 : memref<80xi32, #tpu.memory_space<vmem>>) semaphore(%arg17 : memref<!tpu.dma_semaphore, #tpu.memory_space<semaphore_mem>>)
        %run_scoped3A_635 = arith.constant 3 : i32
        "tpu.region"() ({
          %run_scoped3A_678 = tpu.sem_alloc : memref<!tpu.dma_semaphore, #tpu.memory_space<semaphore_mem>>
          %dma_start3A_679 = arith.constant 0 : i32
          %dma_start3A_680 = tpu.memref_slice %arg11[%run_scoped3A_635, %dma_start3A_679] : memref<5x80xi32, #tpu.memory_space<vmem>> -> memref<1x80xi32, #tpu.memory_space<vmem>>
          %dma_start3A_681 = tpu.memref_squeeze %dma_start3A_680 : memref<1x80xi32, #tpu.memory_space<vmem>> -> memref<80xi32, #tpu.memory_space<vmem>>
          %dma_start3A_682 = arith.constant 0 : i32
          %dma_start3A_683 = arith.constant 0 : i32
          %dma_start3A_684 = tpu.memref_slice %arg16[%dma_start3A_682, %dma_start3A_683] : memref<10000x128xf32, #tpu.memory_space<vmem_shared>> -> memref<10000x128xf32, #tpu.memory_space<vmem_shared>>
          tpu.enqueue_indirect_dma source(%arg12 : memref<80x128xf32, #tpu.memory_space<vmem>>) target(%dma_start3A_684 : memref<10000x128xf32, #tpu.memory_space<vmem_shared>>) offsets(%dma_start3A_681 : memref<80xi32, #tpu.memory_space<vmem>>) semaphore(%run_scoped3A_678 : memref<!tpu.dma_semaphore, #tpu.memory_space<semaphore_mem>>) {add = true}
          %dma_wait3A_685 = arith.constant 0 : i32
          %dma_wait3A_686 = tpu.memref_slice %arg11[%run_scoped3A_635, %dma_wait3A_685] : memref<5x80xi32, #tpu.memory_space<vmem>> -> memref<1x80xi32, #tpu.memory_space<vmem>>
          %dma_wait3A_687 = tpu.memref_squeeze %dma_wait3A_686 : memref<1x80xi32, #tpu.memory_space<vmem>> -> memref<80xi32, #tpu.memory_space<vmem>>
          %dma_wait3A_688 = arith.constant 0 : i32
          %dma_wait3A_689 = arith.constant 0 : i32
          %dma_wait3A_690 = tpu.memref_slice %arg16[%dma_wait3A_688, %dma_wait3A_689] : memref<10000x128xf32, #tpu.memory_space<vmem_shared>> -> memref<10000x128xf32, #tpu.memory_space<vmem_shared>>
          tpu.wait_indirect_dma semaphore(%run_scoped3A_678 : memref<!tpu.dma_semaphore, #tpu.memory_space<semaphore_mem>>) src(%arg12 : memref<80x128xf32, #tpu.memory_space<vmem>>) dst(%dma_wait3A_690 : memref<10000x128xf32, #tpu.memory_space<vmem_shared>>)
          tpu.yield
        }) : () -> ()
        %dma_wait3A_636 = arith.constant 4 : i32
        %dma_wait3A_637 = arith.constant 0 : i32
        %dma_wait3A_638 = tpu.memref_slice %arg9[%dma_wait3A_636, %dma_wait3A_637] : memref<5x80xi32, #tpu.memory_space<vmem>> -> memref<1x80xi32, #tpu.memory_space<vmem>>
        %dma_wait3A_639 = tpu.memref_squeeze %dma_wait3A_638 : memref<1x80xi32, #tpu.memory_space<vmem>> -> memref<80xi32, #tpu.memory_space<vmem>>
        %dma_wait3A_640 = arith.constant 0 : i32
        %dma_wait3A_641 = arith.constant 0 : i32
        %dma_wait3A_642 = tpu.memref_slice %arg3[%dma_wait3A_640, %dma_wait3A_641] : memref<10000x128xf32, #tpu.memory_space<hbm>> -> memref<10000x128xf32, #tpu.memory_space<hbm>>
        tpu.wait_indirect_dma semaphore(%arg17 : memref<!tpu.dma_semaphore, #tpu.memory_space<semaphore_mem>>) src(%dma_wait3A_642 : memref<10000x128xf32, #tpu.memory_space<hbm>>) dst(%arg13 : memref<80x128xf32, #tpu.memory_space<vmem>>)
        %add3A_643 = arith.constant 2 : i32
        %add3A_644 = arith.addi %mul3A_460, %add3A_643 : i32
        %dma_wait3A_645 = arith.constant 0 : i32
        %dma_wait3A_646 = arith.constant 0 : i32
        %dma_wait3A_647 = arith.constant 0 : i32
        %dma_wait3A_648 = tpu.memref_slice %arg4[%dma_wait3A_645, %arg1, %add3A_644, %dma_wait3A_646, %dma_wait3A_647] : memref<2x16x25x5x80xi32, #tpu.memory_space<hbm>> -> memref<1x1x1x5x80xi32, #tpu.memory_space<hbm>>
        %dma_wait3A_649 = tpu.memref_squeeze %dma_wait3A_648 : memref<1x1x1x5x80xi32, #tpu.memory_space<hbm>> -> memref<5x80xi32, #tpu.memory_space<hbm>>
        %dma_wait3A_650 = arith.constant 0 : i32
        %dma_wait3A_651 = arith.constant 0 : i32
        %dma_wait3A_652 = tpu.memref_slice %arg4[%dma_wait3A_645, %arg1, %add3A_644, %dma_wait3A_650, %dma_wait3A_651] : memref<2x16x25x5x80xi32, #tpu.memory_space<hbm>> -> memref<1x1x1x5x80xi32, #tpu.memory_space<hbm>>
        %dma_wait3A_653 = tpu.memref_squeeze %dma_wait3A_652 : memref<1x1x1x5x80xi32, #tpu.memory_space<hbm>> -> memref<5x80xi32, #tpu.memory_space<hbm>>
        tpu.wait_dma2 semaphore(%arg18 : memref<!tpu.dma_semaphore, #tpu.memory_space<semaphore_mem>>) src(%dma_wait3A_653 : memref<5x80xi32, #tpu.memory_space<hbm>>) dst(%arg8 : memref<5x80xi32, #tpu.memory_space<vmem>>)
        %dma_wait3A_654 = arith.constant 1 : i32
        %dma_wait3A_655 = arith.constant 0 : i32
        %dma_wait3A_656 = arith.constant 0 : i32
        %dma_wait3A_657 = tpu.memref_slice %arg4[%dma_wait3A_654, %arg1, %add3A_644, %dma_wait3A_655, %dma_wait3A_656] : memref<2x16x25x5x80xi32, #tpu.memory_space<hbm>> -> memref<1x1x1x5x80xi32, #tpu.memory_space<hbm>>
        %dma_wait3A_658 = tpu.memref_squeeze %dma_wait3A_657 : memref<1x1x1x5x80xi32, #tpu.memory_space<hbm>> -> memref<5x80xi32, #tpu.memory_space<hbm>>
        %dma_wait3A_659 = arith.constant 0 : i32
        %dma_wait3A_660 = arith.constant 0 : i32
        %dma_wait3A_661 = tpu.memref_slice %arg4[%dma_wait3A_654, %arg1, %add3A_644, %dma_wait3A_659, %dma_wait3A_660] : memref<2x16x25x5x80xi32, #tpu.memory_space<hbm>> -> memref<1x1x1x5x80xi32, #tpu.memory_space<hbm>>
        %dma_wait3A_662 = tpu.memref_squeeze %dma_wait3A_661 : memref<1x1x1x5x80xi32, #tpu.memory_space<hbm>> -> memref<5x80xi32, #tpu.memory_space<hbm>>
        tpu.wait_dma2 semaphore(%arg18 : memref<!tpu.dma_semaphore, #tpu.memory_space<semaphore_mem>>) src(%dma_wait3A_662 : memref<5x80xi32, #tpu.memory_space<hbm>>) dst(%arg10 : memref<5x80xi32, #tpu.memory_space<vmem>>)
        %dma_start3A_663 = arith.constant 0 : i32
        %dma_start3A_664 = arith.constant 0 : i32
        %dma_start3A_665 = tpu.memref_slice %arg8[%dma_start3A_663, %dma_start3A_664] : memref<5x80xi32, #tpu.memory_space<vmem>> -> memref<1x80xi32, #tpu.memory_space<vmem>>
        %dma_start3A_666 = tpu.memref_squeeze %dma_start3A_665 : memref<1x80xi32, #tpu.memory_space<vmem>> -> memref<80xi32, #tpu.memory_space<vmem>>
        %dma_start3A_667 = arith.constant 0 : i32
        %dma_start3A_668 = arith.constant 0 : i32
        %dma_start3A_669 = tpu.memref_slice %arg3[%dma_start3A_667, %dma_start3A_668] : memref<10000x128xf32, #tpu.memory_space<hbm>> -> memref<10000x128xf32, #tpu.memory_space<hbm>>
        tpu.enqueue_indirect_dma source(%dma_start3A_669 : memref<10000x128xf32, #tpu.memory_space<hbm>>) target(%arg12 : memref<80x128xf32, #tpu.memory_space<vmem>>) offsets(%dma_start3A_666 : memref<80xi32, #tpu.memory_space<vmem>>) semaphore(%arg17 : memref<!tpu.dma_semaphore, #tpu.memory_space<semaphore_mem>>)
        %run_scoped3A_670 = arith.constant 4 : i32
        "tpu.region"() ({
          %run_scoped3A_678 = tpu.sem_alloc : memref<!tpu.dma_semaphore, #tpu.memory_space<semaphore_mem>>
          %dma_start3A_679 = arith.constant 0 : i32
          %dma_start3A_680 = tpu.memref_slice %arg11[%run_scoped3A_670, %dma_start3A_679] : memref<5x80xi32, #tpu.memory_space<vmem>> -> memref<1x80xi32, #tpu.memory_space<vmem>>
          %dma_start3A_681 = tpu.memref_squeeze %dma_start3A_680 : memref<1x80xi32, #tpu.memory_space<vmem>> -> memref<80xi32, #tpu.memory_space<vmem>>
          %dma_start3A_682 = arith.constant 0 : i32
          %dma_start3A_683 = arith.constant 0 : i32
          %dma_start3A_684 = tpu.memref_slice %arg16[%dma_start3A_682, %dma_start3A_683] : memref<10000x128xf32, #tpu.memory_space<vmem_shared>> -> memref<10000x128xf32, #tpu.memory_space<vmem_shared>>
          tpu.enqueue_indirect_dma source(%arg13 : memref<80x128xf32, #tpu.memory_space<vmem>>) target(%dma_start3A_684 : memref<10000x128xf32, #tpu.memory_space<vmem_shared>>) offsets(%dma_start3A_681 : memref<80xi32, #tpu.memory_space<vmem>>) semaphore(%run_scoped3A_678 : memref<!tpu.dma_semaphore, #tpu.memory_space<semaphore_mem>>) {add = true}
          %dma_wait3A_685 = arith.constant 0 : i32
          %dma_wait3A_686 = tpu.memref_slice %arg11[%run_scoped3A_670, %dma_wait3A_685] : memref<5x80xi32, #tpu.memory_space<vmem>> -> memref<1x80xi32, #tpu.memory_space<vmem>>
          %dma_wait3A_687 = tpu.memref_squeeze %dma_wait3A_686 : memref<1x80xi32, #tpu.memory_space<vmem>> -> memref<80xi32, #tpu.memory_space<vmem>>
          %dma_wait3A_688 = arith.constant 0 : i32
          %dma_wait3A_689 = arith.constant 0 : i32
          %dma_wait3A_690 = tpu.memref_slice %arg16[%dma_wait3A_688, %dma_wait3A_689] : memref<10000x128xf32, #tpu.memory_space<vmem_shared>> -> memref<10000x128xf32, #tpu.memory_space<vmem_shared>>
          tpu.wait_indirect_dma semaphore(%run_scoped3A_678 : memref<!tpu.dma_semaphore, #tpu.memory_space<semaphore_mem>>) src(%arg13 : memref<80x128xf32, #tpu.memory_space<vmem>>) dst(%dma_wait3A_690 : memref<10000x128xf32, #tpu.memory_space<vmem_shared>>)
          tpu.yield
        }) : () -> ()
        %add3A_671 = arith.constant 3 : i32
        %add3A_672 = arith.addi %mul3A_460, %add3A_671 : i32
        %lt3A_673 = arith.constant 25 : i32
        %lt3A_674 = arith.cmpi slt, %add3A_672, %lt3A_673 : i32
        %convert_element_type3A_675 = arith.extui %lt3A_674 : i1 to i32
        %cond3A_676 = arith.constant 0 : i32
        %cond3A_677 = arith.cmpi ne, %convert_element_type3A_675, %cond3A_676 : i32
        scf.if %cond3A_677 {
          %add3A_678 = arith.constant 3 : i32
          %add3A_679 = arith.addi %mul3A_460, %add3A_678 : i32
          %dma_start3A_680 = arith.constant 0 : i32
          %dma_start3A_681 = arith.constant 0 : i32
          %dma_start3A_682 = arith.constant 0 : i32
          %dma_start3A_683 = tpu.memref_slice %arg4[%dma_start3A_680, %arg1, %add3A_679, %dma_start3A_681, %dma_start3A_682] : memref<2x16x25x5x80xi32, #tpu.memory_space<hbm>> -> memref<1x1x1x5x80xi32, #tpu.memory_space<hbm>>
          %dma_start3A_684 = tpu.memref_squeeze %dma_start3A_683 : memref<1x1x1x5x80xi32, #tpu.memory_space<hbm>> -> memref<5x80xi32, #tpu.memory_space<hbm>>
          %dma_start3A_685 = arith.constant 0 : i32
          %dma_start3A_686 = arith.constant 0 : i32
          %dma_start3A_687 = tpu.memref_slice %arg4[%dma_start3A_680, %arg1, %add3A_679, %dma_start3A_685, %dma_start3A_686] : memref<2x16x25x5x80xi32, #tpu.memory_space<hbm>> -> memref<1x1x1x5x80xi32, #tpu.memory_space<hbm>>
          %dma_start3A_688 = tpu.memref_squeeze %dma_start3A_687 : memref<1x1x1x5x80xi32, #tpu.memory_space<hbm>> -> memref<5x80xi32, #tpu.memory_space<hbm>>
          tpu.enqueue_dma source(%dma_start3A_688 : memref<5x80xi32, #tpu.memory_space<hbm>>) target(%arg9 : memref<5x80xi32, #tpu.memory_space<vmem>>) target_semaphore(%arg18 : memref<!tpu.dma_semaphore, #tpu.memory_space<semaphore_mem>>)
          %dma_start3A_689 = arith.constant 1 : i32
          %dma_start3A_690 = arith.constant 0 : i32
          %dma_start3A_691 = arith.constant 0 : i32
          %dma_start3A_692 = tpu.memref_slice %arg4[%dma_start3A_689, %arg1, %add3A_679, %dma_start3A_690, %dma_start3A_691] : memref<2x16x25x5x80xi32, #tpu.memory_space<hbm>> -> memref<1x1x1x5x80xi32, #tpu.memory_space<hbm>>
          %dma_start3A_693 = tpu.memref_squeeze %dma_start3A_692 : memref<1x1x1x5x80xi32, #tpu.memory_space<hbm>> -> memref<5x80xi32, #tpu.memory_space<hbm>>
          %dma_start3A_694 = arith.constant 0 : i32
          %dma_start3A_695 = arith.constant 0 : i32
          %dma_start3A_696 = tpu.memref_slice %arg4[%dma_start3A_689, %arg1, %add3A_679, %dma_start3A_694, %dma_start3A_695] : memref<2x16x25x5x80xi32, #tpu.memory_space<hbm>> -> memref<1x1x1x5x80xi32, #tpu.memory_space<hbm>>
          %dma_start3A_697 = tpu.memref_squeeze %dma_start3A_696 : memref<1x1x1x5x80xi32, #tpu.memory_space<hbm>> -> memref<5x80xi32, #tpu.memory_space<hbm>>
          tpu.enqueue_dma source(%dma_start3A_697 : memref<5x80xi32, #tpu.memory_space<hbm>>) target(%arg11 : memref<5x80xi32, #tpu.memory_space<vmem>>) target_semaphore(%arg18 : memref<!tpu.dma_semaphore, #tpu.memory_space<semaphore_mem>>)
        } else {
        }
      }
      %scan3A_390 = arith.constant 12 : i32
      %dma_wait3A_391 = arith.constant 0 : i32
      %dma_wait3A_392 = arith.constant 0 : i32
      %dma_wait3A_393 = tpu.memref_slice %arg8[%dma_wait3A_391, %dma_wait3A_392] : memref<5x80xi32, #tpu.memory_space<vmem>> -> memref<1x80xi32, #tpu.memory_space<vmem>>
      %dma_wait3A_394 = tpu.memref_squeeze %dma_wait3A_393 : memref<1x80xi32, #tpu.memory_space<vmem>> -> memref<80xi32, #tpu.memory_space<vmem>>
      %dma_wait3A_395 = arith.constant 0 : i32
      %dma_wait3A_396 = arith.constant 0 : i32
      %dma_wait3A_397 = tpu.memref_slice %arg3[%dma_wait3A_395, %dma_wait3A_396] : memref<10000x128xf32, #tpu.memory_space<hbm>> -> memref<10000x128xf32, #tpu.memory_space<hbm>>
      tpu.wait_indirect_dma semaphore(%arg17 : memref<!tpu.dma_semaphore, #tpu.memory_space<semaphore_mem>>) src(%dma_wait3A_397 : memref<10000x128xf32, #tpu.memory_space<hbm>>) dst(%arg12 : memref<80x128xf32, #tpu.memory_space<vmem>>)
      %dma_start3A_398 = arith.constant 1 : i32
      %dma_start3A_399 = arith.constant 0 : i32
      %dma_start3A_400 = tpu.memref_slice %arg8[%dma_start3A_398, %dma_start3A_399] : memref<5x80xi32, #tpu.memory_space<vmem>> -> memref<1x80xi32, #tpu.memory_space<vmem>>
      %dma_start3A_401 = tpu.memref_squeeze %dma_start3A_400 : memref<1x80xi32, #tpu.memory_space<vmem>> -> memref<80xi32, #tpu.memory_space<vmem>>
      %dma_start3A_402 = arith.constant 0 : i32
      %dma_start3A_403 = arith.constant 0 : i32
      %dma_start3A_404 = tpu.memref_slice %arg3[%dma_start3A_402, %dma_start3A_403] : memref<10000x128xf32, #tpu.memory_space<hbm>> -> memref<10000x128xf32, #tpu.memory_space<hbm>>
      tpu.enqueue_indirect_dma source(%dma_start3A_404 : memref<10000x128xf32, #tpu.memory_space<hbm>>) target(%arg13 : memref<80x128xf32, #tpu.memory_space<vmem>>) offsets(%dma_start3A_401 : memref<80xi32, #tpu.memory_space<vmem>>) semaphore(%arg17 : memref<!tpu.dma_semaphore, #tpu.memory_space<semaphore_mem>>)
      %run_scoped3A = arith.constant 0 : i32
      "tpu.region"() ({
        %run_scoped3A_458 = tpu.sem_alloc : memref<!tpu.dma_semaphore, #tpu.memory_space<semaphore_mem>>
        %dma_start3A_459 = arith.constant 0 : i32
        %dma_start3A_460 = tpu.memref_slice %arg10[%run_scoped3A, %dma_start3A_459] : memref<5x80xi32, #tpu.memory_space<vmem>> -> memref<1x80xi32, #tpu.memory_space<vmem>>
        %dma_start3A_461 = tpu.memref_squeeze %dma_start3A_460 : memref<1x80xi32, #tpu.memory_space<vmem>> -> memref<80xi32, #tpu.memory_space<vmem>>
        %dma_start3A_462 = arith.constant 0 : i32
        %dma_start3A_463 = arith.constant 0 : i32
        %dma_start3A_464 = tpu.memref_slice %arg16[%dma_start3A_462, %dma_start3A_463] : memref<10000x128xf32, #tpu.memory_space<vmem_shared>> -> memref<10000x128xf32, #tpu.memory_space<vmem_shared>>
        tpu.enqueue_indirect_dma source(%arg12 : memref<80x128xf32, #tpu.memory_space<vmem>>) target(%dma_start3A_464 : memref<10000x128xf32, #tpu.memory_space<vmem_shared>>) offsets(%dma_start3A_461 : memref<80xi32, #tpu.memory_space<vmem>>) semaphore(%run_scoped3A_458 : memref<!tpu.dma_semaphore, #tpu.memory_space<semaphore_mem>>) {add = true}
        %dma_wait3A_465 = arith.constant 0 : i32
        %dma_wait3A_466 = tpu.memref_slice %arg10[%run_scoped3A, %dma_wait3A_465] : memref<5x80xi32, #tpu.memory_space<vmem>> -> memref<1x80xi32, #tpu.memory_space<vmem>>
        %dma_wait3A_467 = tpu.memref_squeeze %dma_wait3A_466 : memref<1x80xi32, #tpu.memory_space<vmem>> -> memref<80xi32, #tpu.memory_space<vmem>>
        %dma_wait3A_468 = arith.constant 0 : i32
        %dma_wait3A_469 = arith.constant 0 : i32
        %dma_wait3A_470 = tpu.memref_slice %arg16[%dma_wait3A_468, %dma_wait3A_469] : memref<10000x128xf32, #tpu.memory_space<vmem_shared>> -> memref<10000x128xf32, #tpu.memory_space<vmem_shared>>
        tpu.wait_indirect_dma semaphore(%run_scoped3A_458 : memref<!tpu.dma_semaphore, #tpu.memory_space<semaphore_mem>>) src(%arg12 : memref<80x128xf32, #tpu.memory_space<vmem>>) dst(%dma_wait3A_470 : memref<10000x128xf32, #tpu.memory_space<vmem_shared>>)
        tpu.yield
      }) : () -> ()
      %dma_wait3A_405 = arith.constant 1 : i32
      %dma_wait3A_406 = arith.constant 0 : i32
      %dma_wait3A_407 = tpu.memref_slice %arg8[%dma_wait3A_405, %dma_wait3A_406] : memref<5x80xi32, #tpu.memory_space<vmem>> -> memref<1x80xi32, #tpu.memory_space<vmem>>
      %dma_wait3A_408 = tpu.memref_squeeze %dma_wait3A_407 : memref<1x80xi32, #tpu.memory_space<vmem>> -> memref<80xi32, #tpu.memory_space<vmem>>
      %dma_wait3A_409 = arith.constant 0 : i32
      %dma_wait3A_410 = arith.constant 0 : i32
      %dma_wait3A_411 = tpu.memref_slice %arg3[%dma_wait3A_409, %dma_wait3A_410] : memref<10000x128xf32, #tpu.memory_space<hbm>> -> memref<10000x128xf32, #tpu.memory_space<hbm>>
      tpu.wait_indirect_dma semaphore(%arg17 : memref<!tpu.dma_semaphore, #tpu.memory_space<semaphore_mem>>) src(%dma_wait3A_411 : memref<10000x128xf32, #tpu.memory_space<hbm>>) dst(%arg13 : memref<80x128xf32, #tpu.memory_space<vmem>>)
      %dma_start3A_412 = arith.constant 2 : i32
      %dma_start3A_413 = arith.constant 0 : i32
      %dma_start3A_414 = tpu.memref_slice %arg8[%dma_start3A_412, %dma_start3A_413] : memref<5x80xi32, #tpu.memory_space<vmem>> -> memref<1x80xi32, #tpu.memory_space<vmem>>
      %dma_start3A_415 = tpu.memref_squeeze %dma_start3A_414 : memref<1x80xi32, #tpu.memory_space<vmem>> -> memref<80xi32, #tpu.memory_space<vmem>>
      %dma_start3A_416 = arith.constant 0 : i32
      %dma_start3A_417 = arith.constant 0 : i32
      %dma_start3A_418 = tpu.memref_slice %arg3[%dma_start3A_416, %dma_start3A_417] : memref<10000x128xf32, #tpu.memory_space<hbm>> -> memref<10000x128xf32, #tpu.memory_space<hbm>>
      tpu.enqueue_indirect_dma source(%dma_start3A_418 : memref<10000x128xf32, #tpu.memory_space<hbm>>) target(%arg12 : memref<80x128xf32, #tpu.memory_space<vmem>>) offsets(%dma_start3A_415 : memref<80xi32, #tpu.memory_space<vmem>>) semaphore(%arg17 : memref<!tpu.dma_semaphore, #tpu.memory_space<semaphore_mem>>)
      %run_scoped3A_419 = arith.constant 1 : i32
      "tpu.region"() ({
        %run_scoped3A_458 = tpu.sem_alloc : memref<!tpu.dma_semaphore, #tpu.memory_space<semaphore_mem>>
        %dma_start3A_459 = arith.constant 0 : i32
        %dma_start3A_460 = tpu.memref_slice %arg10[%run_scoped3A_419, %dma_start3A_459] : memref<5x80xi32, #tpu.memory_space<vmem>> -> memref<1x80xi32, #tpu.memory_space<vmem>>
        %dma_start3A_461 = tpu.memref_squeeze %dma_start3A_460 : memref<1x80xi32, #tpu.memory_space<vmem>> -> memref<80xi32, #tpu.memory_space<vmem>>
        %dma_start3A_462 = arith.constant 0 : i32
        %dma_start3A_463 = arith.constant 0 : i32
        %dma_start3A_464 = tpu.memref_slice %arg16[%dma_start3A_462, %dma_start3A_463] : memref<10000x128xf32, #tpu.memory_space<vmem_shared>> -> memref<10000x128xf32, #tpu.memory_space<vmem_shared>>
        tpu.enqueue_indirect_dma source(%arg13 : memref<80x128xf32, #tpu.memory_space<vmem>>) target(%dma_start3A_464 : memref<10000x128xf32, #tpu.memory_space<vmem_shared>>) offsets(%dma_start3A_461 : memref<80xi32, #tpu.memory_space<vmem>>) semaphore(%run_scoped3A_458 : memref<!tpu.dma_semaphore, #tpu.memory_space<semaphore_mem>>) {add = true}
        %dma_wait3A_465 = arith.constant 0 : i32
        %dma_wait3A_466 = tpu.memref_slice %arg10[%run_scoped3A_419, %dma_wait3A_465] : memref<5x80xi32, #tpu.memory_space<vmem>> -> memref<1x80xi32, #tpu.memory_space<vmem>>
        %dma_wait3A_467 = tpu.memref_squeeze %dma_wait3A_466 : memref<1x80xi32, #tpu.memory_space<vmem>> -> memref<80xi32, #tpu.memory_space<vmem>>
        %dma_wait3A_468 = arith.constant 0 : i32
        %dma_wait3A_469 = arith.constant 0 : i32
        %dma_wait3A_470 = tpu.memref_slice %arg16[%dma_wait3A_468, %dma_wait3A_469] : memref<10000x128xf32, #tpu.memory_space<vmem_shared>> -> memref<10000x128xf32, #tpu.memory_space<vmem_shared>>
        tpu.wait_indirect_dma semaphore(%run_scoped3A_458 : memref<!tpu.dma_semaphore, #tpu.memory_space<semaphore_mem>>) src(%arg13 : memref<80x128xf32, #tpu.memory_space<vmem>>) dst(%dma_wait3A_470 : memref<10000x128xf32, #tpu.memory_space<vmem_shared>>)
        tpu.yield
      }) : () -> ()
      %dma_wait3A_420 = arith.constant 2 : i32
      %dma_wait3A_421 = arith.constant 0 : i32
      %dma_wait3A_422 = tpu.memref_slice %arg8[%dma_wait3A_420, %dma_wait3A_421] : memref<5x80xi32, #tpu.memory_space<vmem>> -> memref<1x80xi32, #tpu.memory_space<vmem>>
      %dma_wait3A_423 = tpu.memref_squeeze %dma_wait3A_422 : memref<1x80xi32, #tpu.memory_space<vmem>> -> memref<80xi32, #tpu.memory_space<vmem>>
      %dma_wait3A_424 = arith.constant 0 : i32
      %dma_wait3A_425 = arith.constant 0 : i32
      %dma_wait3A_426 = tpu.memref_slice %arg3[%dma_wait3A_424, %dma_wait3A_425] : memref<10000x128xf32, #tpu.memory_space<hbm>> -> memref<10000x128xf32, #tpu.memory_space<hbm>>
      tpu.wait_indirect_dma semaphore(%arg17 : memref<!tpu.dma_semaphore, #tpu.memory_space<semaphore_mem>>) src(%dma_wait3A_426 : memref<10000x128xf32, #tpu.memory_space<hbm>>) dst(%arg12 : memref<80x128xf32, #tpu.memory_space<vmem>>)
      %dma_start3A_427 = arith.constant 3 : i32
      %dma_start3A_428 = arith.constant 0 : i32
      %dma_start3A_429 = tpu.memref_slice %arg8[%dma_start3A_427, %dma_start3A_428] : memref<5x80xi32, #tpu.memory_space<vmem>> -> memref<1x80xi32, #tpu.memory_space<vmem>>
      %dma_start3A_430 = tpu.memref_squeeze %dma_start3A_429 : memref<1x80xi32, #tpu.memory_space<vmem>> -> memref<80xi32, #tpu.memory_space<vmem>>
      %dma_start3A_431 = arith.constant 0 : i32
      %dma_start3A_432 = arith.constant 0 : i32
      %dma_start3A_433 = tpu.memref_slice %arg3[%dma_start3A_431, %dma_start3A_432] : memref<10000x128xf32, #tpu.memory_space<hbm>> -> memref<10000x128xf32, #tpu.memory_space<hbm>>
      tpu.enqueue_indirect_dma source(%dma_start3A_433 : memref<10000x128xf32, #tpu.memory_space<hbm>>) target(%arg13 : memref<80x128xf32, #tpu.memory_space<vmem>>) offsets(%dma_start3A_430 : memref<80xi32, #tpu.memory_space<vmem>>) semaphore(%arg17 : memref<!tpu.dma_semaphore, #tpu.memory_space<semaphore_mem>>)
      %run_scoped3A_434 = arith.constant 2 : i32
      "tpu.region"() ({
        %run_scoped3A_458 = tpu.sem_alloc : memref<!tpu.dma_semaphore, #tpu.memory_space<semaphore_mem>>
        %dma_start3A_459 = arith.constant 0 : i32
        %dma_start3A_460 = tpu.memref_slice %arg10[%run_scoped3A_434, %dma_start3A_459] : memref<5x80xi32, #tpu.memory_space<vmem>> -> memref<1x80xi32, #tpu.memory_space<vmem>>
        %dma_start3A_461 = tpu.memref_squeeze %dma_start3A_460 : memref<1x80xi32, #tpu.memory_space<vmem>> -> memref<80xi32, #tpu.memory_space<vmem>>
        %dma_start3A_462 = arith.constant 0 : i32
        %dma_start3A_463 = arith.constant 0 : i32
        %dma_start3A_464 = tpu.memref_slice %arg16[%dma_start3A_462, %dma_start3A_463] : memref<10000x128xf32, #tpu.memory_space<vmem_shared>> -> memref<10000x128xf32, #tpu.memory_space<vmem_shared>>
        tpu.enqueue_indirect_dma source(%arg12 : memref<80x128xf32, #tpu.memory_space<vmem>>) target(%dma_start3A_464 : memref<10000x128xf32, #tpu.memory_space<vmem_shared>>) offsets(%dma_start3A_461 : memref<80xi32, #tpu.memory_space<vmem>>) semaphore(%run_scoped3A_458 : memref<!tpu.dma_semaphore, #tpu.memory_space<semaphore_mem>>) {add = true}
        %dma_wait3A_465 = arith.constant 0 : i32
        %dma_wait3A_466 = tpu.memref_slice %arg10[%run_scoped3A_434, %dma_wait3A_465] : memref<5x80xi32, #tpu.memory_space<vmem>> -> memref<1x80xi32, #tpu.memory_space<vmem>>
        %dma_wait3A_467 = tpu.memref_squeeze %dma_wait3A_466 : memref<1x80xi32, #tpu.memory_space<vmem>> -> memref<80xi32, #tpu.memory_space<vmem>>
        %dma_wait3A_468 = arith.constant 0 : i32
        %dma_wait3A_469 = arith.constant 0 : i32
        %dma_wait3A_470 = tpu.memref_slice %arg16[%dma_wait3A_468, %dma_wait3A_469] : memref<10000x128xf32, #tpu.memory_space<vmem_shared>> -> memref<10000x128xf32, #tpu.memory_space<vmem_shared>>
        tpu.wait_indirect_dma semaphore(%run_scoped3A_458 : memref<!tpu.dma_semaphore, #tpu.memory_space<semaphore_mem>>) src(%arg12 : memref<80x128xf32, #tpu.memory_space<vmem>>) dst(%dma_wait3A_470 : memref<10000x128xf32, #tpu.memory_space<vmem_shared>>)
        tpu.yield
      }) : () -> ()
      %dma_wait3A_435 = arith.constant 3 : i32
      %dma_wait3A_436 = arith.constant 0 : i32
      %dma_wait3A_437 = tpu.memref_slice %arg8[%dma_wait3A_435, %dma_wait3A_436] : memref<5x80xi32, #tpu.memory_space<vmem>> -> memref<1x80xi32, #tpu.memory_space<vmem>>
      %dma_wait3A_438 = tpu.memref_squeeze %dma_wait3A_437 : memref<1x80xi32, #tpu.memory_space<vmem>> -> memref<80xi32, #tpu.memory_space<vmem>>
      %dma_wait3A_439 = arith.constant 0 : i32
      %dma_wait3A_440 = arith.constant 0 : i32
      %dma_wait3A_441 = tpu.memref_slice %arg3[%dma_wait3A_439, %dma_wait3A_440] : memref<10000x128xf32, #tpu.memory_space<hbm>> -> memref<10000x128xf32, #tpu.memory_space<hbm>>
      tpu.wait_indirect_dma semaphore(%arg17 : memref<!tpu.dma_semaphore, #tpu.memory_space<semaphore_mem>>) src(%dma_wait3A_441 : memref<10000x128xf32, #tpu.memory_space<hbm>>) dst(%arg13 : memref<80x128xf32, #tpu.memory_space<vmem>>)
      %dma_start3A_442 = arith.constant 4 : i32
      %dma_start3A_443 = arith.constant 0 : i32
      %dma_start3A_444 = tpu.memref_slice %arg8[%dma_start3A_442, %dma_start3A_443] : memref<5x80xi32, #tpu.memory_space<vmem>> -> memref<1x80xi32, #tpu.memory_space<vmem>>
      %dma_start3A_445 = tpu.memref_squeeze %dma_start3A_444 : memref<1x80xi32, #tpu.memory_space<vmem>> -> memref<80xi32, #tpu.memory_space<vmem>>
      %dma_start3A_446 = arith.constant 0 : i32
      %dma_start3A_447 = arith.constant 0 : i32
      %dma_start3A_448 = tpu.memref_slice %arg3[%dma_start3A_446, %dma_start3A_447] : memref<10000x128xf32, #tpu.memory_space<hbm>> -> memref<10000x128xf32, #tpu.memory_space<hbm>>
      tpu.enqueue_indirect_dma source(%dma_start3A_448 : memref<10000x128xf32, #tpu.memory_space<hbm>>) target(%arg12 : memref<80x128xf32, #tpu.memory_space<vmem>>) offsets(%dma_start3A_445 : memref<80xi32, #tpu.memory_space<vmem>>) semaphore(%arg17 : memref<!tpu.dma_semaphore, #tpu.memory_space<semaphore_mem>>)
      %run_scoped3A_449 = arith.constant 3 : i32
      "tpu.region"() ({
        %run_scoped3A_458 = tpu.sem_alloc : memref<!tpu.dma_semaphore, #tpu.memory_space<semaphore_mem>>
        %dma_start3A_459 = arith.constant 0 : i32
        %dma_start3A_460 = tpu.memref_slice %arg10[%run_scoped3A_449, %dma_start3A_459] : memref<5x80xi32, #tpu.memory_space<vmem>> -> memref<1x80xi32, #tpu.memory_space<vmem>>
        %dma_start3A_461 = tpu.memref_squeeze %dma_start3A_460 : memref<1x80xi32, #tpu.memory_space<vmem>> -> memref<80xi32, #tpu.memory_space<vmem>>
        %dma_start3A_462 = arith.constant 0 : i32
        %dma_start3A_463 = arith.constant 0 : i32
        %dma_start3A_464 = tpu.memref_slice %arg16[%dma_start3A_462, %dma_start3A_463] : memref<10000x128xf32, #tpu.memory_space<vmem_shared>> -> memref<10000x128xf32, #tpu.memory_space<vmem_shared>>
        tpu.enqueue_indirect_dma source(%arg13 : memref<80x128xf32, #tpu.memory_space<vmem>>) target(%dma_start3A_464 : memref<10000x128xf32, #tpu.memory_space<vmem_shared>>) offsets(%dma_start3A_461 : memref<80xi32, #tpu.memory_space<vmem>>) semaphore(%run_scoped3A_458 : memref<!tpu.dma_semaphore, #tpu.memory_space<semaphore_mem>>) {add = true}
        %dma_wait3A_465 = arith.constant 0 : i32
        %dma_wait3A_466 = tpu.memref_slice %arg10[%run_scoped3A_449, %dma_wait3A_465] : memref<5x80xi32, #tpu.memory_space<vmem>> -> memref<1x80xi32, #tpu.memory_space<vmem>>
        %dma_wait3A_467 = tpu.memref_squeeze %dma_wait3A_466 : memref<1x80xi32, #tpu.memory_space<vmem>> -> memref<80xi32, #tpu.memory_space<vmem>>
        %dma_wait3A_468 = arith.constant 0 : i32
        %dma_wait3A_469 = arith.constant 0 : i32
        %dma_wait3A_470 = tpu.memref_slice %arg16[%dma_wait3A_468, %dma_wait3A_469] : memref<10000x128xf32, #tpu.memory_space<vmem_shared>> -> memref<10000x128xf32, #tpu.memory_space<vmem_shared>>
        tpu.wait_indirect_dma semaphore(%run_scoped3A_458 : memref<!tpu.dma_semaphore, #tpu.memory_space<semaphore_mem>>) src(%arg13 : memref<80x128xf32, #tpu.memory_space<vmem>>) dst(%dma_wait3A_470 : memref<10000x128xf32, #tpu.memory_space<vmem_shared>>)
        tpu.yield
      }) : () -> ()
      %dma_wait3A_450 = arith.constant 4 : i32
      %dma_wait3A_451 = arith.constant 0 : i32
      %dma_wait3A_452 = tpu.memref_slice %arg8[%dma_wait3A_450, %dma_wait3A_451] : memref<5x80xi32, #tpu.memory_space<vmem>> -> memref<1x80xi32, #tpu.memory_space<vmem>>
      %dma_wait3A_453 = tpu.memref_squeeze %dma_wait3A_452 : memref<1x80xi32, #tpu.memory_space<vmem>> -> memref<80xi32, #tpu.memory_space<vmem>>
      %dma_wait3A_454 = arith.constant 0 : i32
      %dma_wait3A_455 = arith.constant 0 : i32
      %dma_wait3A_456 = tpu.memref_slice %arg3[%dma_wait3A_454, %dma_wait3A_455] : memref<10000x128xf32, #tpu.memory_space<hbm>> -> memref<10000x128xf32, #tpu.memory_space<hbm>>
      tpu.wait_indirect_dma semaphore(%arg17 : memref<!tpu.dma_semaphore, #tpu.memory_space<semaphore_mem>>) src(%dma_wait3A_456 : memref<10000x128xf32, #tpu.memory_space<hbm>>) dst(%arg12 : memref<80x128xf32, #tpu.memory_space<vmem>>)
      %run_scoped3A_457 = arith.constant 4 : i32
      "tpu.region"() ({
        %run_scoped3A_458 = tpu.sem_alloc : memref<!tpu.dma_semaphore, #tpu.memory_space<semaphore_mem>>
        %dma_start3A_459 = arith.constant 0 : i32
        %dma_start3A_460 = tpu.memref_slice %arg10[%run_scoped3A_457, %dma_start3A_459] : memref<5x80xi32, #tpu.memory_space<vmem>> -> memref<1x80xi32, #tpu.memory_space<vmem>>
        %dma_start3A_461 = tpu.memref_squeeze %dma_start3A_460 : memref<1x80xi32, #tpu.memory_space<vmem>> -> memref<80xi32, #tpu.memory_space<vmem>>
        %dma_start3A_462 = arith.constant 0 : i32
        %dma_start3A_463 = arith.constant 0 : i32
        %dma_start3A_464 = tpu.memref_slice %arg16[%dma_start3A_462, %dma_start3A_463] : memref<10000x128xf32, #tpu.memory_space<vmem_shared>> -> memref<10000x128xf32, #tpu.memory_space<vmem_shared>>
        tpu.enqueue_indirect_dma source(%arg12 : memref<80x128xf32, #tpu.memory_space<vmem>>) target(%dma_start3A_464 : memref<10000x128xf32, #tpu.memory_space<vmem_shared>>) offsets(%dma_start3A_461 : memref<80xi32, #tpu.memory_space<vmem>>) semaphore(%run_scoped3A_458 : memref<!tpu.dma_semaphore, #tpu.memory_space<semaphore_mem>>) {add = true}
        %dma_wait3A_465 = arith.constant 0 : i32
        %dma_wait3A_466 = tpu.memref_slice %arg10[%run_scoped3A_457, %dma_wait3A_465] : memref<5x80xi32, #tpu.memory_space<vmem>> -> memref<1x80xi32, #tpu.memory_space<vmem>>
        %dma_wait3A_467 = tpu.memref_squeeze %dma_wait3A_466 : memref<1x80xi32, #tpu.memory_space<vmem>> -> memref<80xi32, #tpu.memory_space<vmem>>
        %dma_wait3A_468 = arith.constant 0 : i32
        %dma_wait3A_469 = arith.constant 0 : i32
        %dma_wait3A_470 = tpu.memref_slice %arg16[%dma_wait3A_468, %dma_wait3A_469] : memref<10000x128xf32, #tpu.memory_space<vmem_shared>> -> memref<10000x128xf32, #tpu.memory_space<vmem_shared>>
        tpu.wait_indirect_dma semaphore(%run_scoped3A_458 : memref<!tpu.dma_semaphore, #tpu.memory_space<semaphore_mem>>) src(%arg12 : memref<80x128xf32, #tpu.memory_space<vmem>>) dst(%dma_wait3A_470 : memref<10000x128xf32, #tpu.memory_space<vmem_shared>>)
        tpu.yield
      }) : () -> ()
    } else {
    }
    %barrier3A_323 = arith.constant 0 : index
    tpu.barrier barrier_id(%barrier3A_323)
    %lt3A_324 = arith.constant 15 : i32
    %lt3A_325 = arith.cmpi slt, %arg1, %lt3A_324 : i32
    %convert_element_type3A_326 = arith.extui %lt3A_325 : i1 to i32
    %cond3A_327 = arith.constant 0 : i32
    %cond3A_328 = arith.cmpi ne, %convert_element_type3A_326, %cond3A_327 : i32
    scf.if %cond3A_328 {
      %eq3A_339 = arith.constant 0 : i32
      %eq3A_340 = arith.cmpi eq, %arg0, %eq3A_339 : i32
      %convert_element_type3A_341 = arith.extui %eq3A_340 : i1 to i32
      %cond3A_342 = arith.constant 0 : i32
      %cond3A_343 = arith.cmpi ne, %convert_element_type3A_341, %cond3A_342 : i32
      scf.if %cond3A_343 {
        "tpu.region"() ({
          %run_scoped3A = tpu.sem_alloc : memref<!tpu.dma_semaphore, #tpu.memory_space<semaphore_mem>>
          %dma_start3A_349 = arith.constant 0 : i32
          %dma_start3A_350 = tpu.memref_slice %arg5[%multiple_of3A, %dma_start3A_349] : memref<10000x128xf32, #tpu.memory_space<hbm>> -> memref<632x128xf32, #tpu.memory_space<hbm>>
          %dma_start3A_351 = arith.constant 0 : i32
          %dma_start3A_352 = tpu.memref_slice %arg16[%multiple_of3A, %dma_start3A_351] : memref<10000x128xf32, #tpu.memory_space<vmem_shared>> -> memref<632x128xf32, #tpu.memory_space<vmem_shared>>
          tpu.enqueue_dma source(%dma_start3A_352 : memref<632x128xf32, #tpu.memory_space<vmem_shared>>) target(%dma_start3A_350 : memref<632x128xf32, #tpu.memory_space<hbm>>) target_semaphore(%run_scoped3A : memref<!tpu.dma_semaphore, #tpu.memory_space<semaphore_mem>>)
          %dma_wait3A = arith.constant 0 : i32
          %dma_wait3A_353 = tpu.memref_slice %arg5[%multiple_of3A, %dma_wait3A] : memref<10000x128xf32, #tpu.memory_space<hbm>> -> memref<632x128xf32, #tpu.memory_space<hbm>>
          %dma_wait3A_354 = arith.constant 0 : i32
          %dma_wait3A_355 = tpu.memref_slice %arg16[%multiple_of3A, %dma_wait3A_354] : memref<10000x128xf32, #tpu.memory_space<vmem_shared>> -> memref<632x128xf32, #tpu.memory_space<vmem_shared>>
          tpu.wait_dma2 semaphore(%run_scoped3A : memref<!tpu.dma_semaphore, #tpu.memory_space<semaphore_mem>>) src(%dma_wait3A_355 : memref<632x128xf32, #tpu.memory_space<vmem_shared>>) dst(%dma_wait3A_353 : memref<632x128xf32, #tpu.memory_space<hbm>>)
          tpu.yield
        }) : () -> ()
      } else {
      }
      %eq3A_344 = arith.constant 1 : i32
      %eq3A_345 = arith.cmpi eq, %arg0, %eq3A_344 : i32
      %convert_element_type3A_346 = arith.extui %eq3A_345 : i1 to i32
      %cond3A_347 = arith.constant 0 : i32
      %cond3A_348 = arith.cmpi ne, %convert_element_type3A_346, %cond3A_347 : i32
      scf.if %cond3A_348 {
        "tpu.region"() ({
          %run_scoped3A = tpu.sem_alloc : memref<!tpu.dma_semaphore, #tpu.memory_space<semaphore_mem>>
          %dma_start3A_349 = arith.constant 0 : i32
          %dma_start3A_350 = tpu.memref_slice %arg6[%multiple_of3A, %dma_start3A_349] : memref<10000x128xf32, #tpu.memory_space<hbm>> -> memref<632x128xf32, #tpu.memory_space<hbm>>
          %dma_start3A_351 = arith.constant 0 : i32
          %dma_start3A_352 = tpu.memref_slice %arg16[%multiple_of3A, %dma_start3A_351] : memref<10000x128xf32, #tpu.memory_space<vmem_shared>> -> memref<632x128xf32, #tpu.memory_space<vmem_shared>>
          tpu.enqueue_dma source(%dma_start3A_352 : memref<632x128xf32, #tpu.memory_space<vmem_shared>>) target(%dma_start3A_350 : memref<632x128xf32, #tpu.memory_space<hbm>>) target_semaphore(%run_scoped3A : memref<!tpu.dma_semaphore, #tpu.memory_space<semaphore_mem>>)
          %dma_wait3A = arith.constant 0 : i32
          %dma_wait3A_353 = tpu.memref_slice %arg6[%multiple_of3A, %dma_wait3A] : memref<10000x128xf32, #tpu.memory_space<hbm>> -> memref<632x128xf32, #tpu.memory_space<hbm>>
          %dma_wait3A_354 = arith.constant 0 : i32
          %dma_wait3A_355 = tpu.memref_slice %arg16[%multiple_of3A, %dma_wait3A_354] : memref<10000x128xf32, #tpu.memory_space<vmem_shared>> -> memref<632x128xf32, #tpu.memory_space<vmem_shared>>
          tpu.wait_dma2 semaphore(%run_scoped3A : memref<!tpu.dma_semaphore, #tpu.memory_space<semaphore_mem>>) src(%dma_wait3A_355 : memref<632x128xf32, #tpu.memory_space<vmem_shared>>) dst(%dma_wait3A_353 : memref<632x128xf32, #tpu.memory_space<hbm>>)
          tpu.yield
        }) : () -> ()
      } else {
      }
    } else {
    }
    %eq3A_329 = arith.constant 15 : i32
    %eq3A_330 = arith.cmpi eq, %arg1, %eq3A_329 : i32
    %convert_element_type3A_331 = arith.extui %eq3A_330 : i1 to i32
    %cond3A_332 = arith.constant 0 : i32
    %cond3A_333 = arith.cmpi ne, %convert_element_type3A_331, %cond3A_332 : i32
    scf.if %cond3A_333 {
      %eq3A_339 = arith.constant 0 : i32
      %eq3A_340 = arith.cmpi eq, %arg0, %eq3A_339 : i32
      %convert_element_type3A_341 = arith.extui %eq3A_340 : i1 to i32
      %cond3A_342 = arith.constant 0 : i32
      %cond3A_343 = arith.cmpi ne, %convert_element_type3A_341, %cond3A_342 : i32
      scf.if %cond3A_343 {
        "tpu.region"() ({
          %run_scoped3A = tpu.sem_alloc : memref<!tpu.dma_semaphore, #tpu.memory_space<semaphore_mem>>
          %dma_start3A_349 = arith.constant 0 : i32
          %dma_start3A_350 = tpu.memref_slice %arg5[%multiple_of3A, %dma_start3A_349] : memref<10000x128xf32, #tpu.memory_space<hbm>> -> memref<520x128xf32, #tpu.memory_space<hbm>>
          %dma_start3A_351 = arith.constant 0 : i32
          %dma_start3A_352 = tpu.memref_slice %arg16[%multiple_of3A, %dma_start3A_351] : memref<10000x128xf32, #tpu.memory_space<vmem_shared>> -> memref<520x128xf32, #tpu.memory_space<vmem_shared>>
          tpu.enqueue_dma source(%dma_start3A_352 : memref<520x128xf32, #tpu.memory_space<vmem_shared>>) target(%dma_start3A_350 : memref<520x128xf32, #tpu.memory_space<hbm>>) target_semaphore(%run_scoped3A : memref<!tpu.dma_semaphore, #tpu.memory_space<semaphore_mem>>)
          %dma_wait3A = arith.constant 0 : i32
          %dma_wait3A_353 = tpu.memref_slice %arg5[%multiple_of3A, %dma_wait3A] : memref<10000x128xf32, #tpu.memory_space<hbm>> -> memref<520x128xf32, #tpu.memory_space<hbm>>
          %dma_wait3A_354 = arith.constant 0 : i32
          %dma_wait3A_355 = tpu.memref_slice %arg16[%multiple_of3A, %dma_wait3A_354] : memref<10000x128xf32, #tpu.memory_space<vmem_shared>> -> memref<520x128xf32, #tpu.memory_space<vmem_shared>>
          tpu.wait_dma2 semaphore(%run_scoped3A : memref<!tpu.dma_semaphore, #tpu.memory_space<semaphore_mem>>) src(%dma_wait3A_355 : memref<520x128xf32, #tpu.memory_space<vmem_shared>>) dst(%dma_wait3A_353 : memref<520x128xf32, #tpu.memory_space<hbm>>)
          tpu.yield
        }) : () -> ()
      } else {
      }
      %eq3A_344 = arith.constant 1 : i32
      %eq3A_345 = arith.cmpi eq, %arg0, %eq3A_344 : i32
      %convert_element_type3A_346 = arith.extui %eq3A_345 : i1 to i32
      %cond3A_347 = arith.constant 0 : i32
      %cond3A_348 = arith.cmpi ne, %convert_element_type3A_346, %cond3A_347 : i32
      scf.if %cond3A_348 {
        "tpu.region"() ({
          %run_scoped3A = tpu.sem_alloc : memref<!tpu.dma_semaphore, #tpu.memory_space<semaphore_mem>>
          %dma_start3A_349 = arith.constant 0 : i32
          %dma_start3A_350 = tpu.memref_slice %arg6[%multiple_of3A, %dma_start3A_349] : memref<10000x128xf32, #tpu.memory_space<hbm>> -> memref<520x128xf32, #tpu.memory_space<hbm>>
          %dma_start3A_351 = arith.constant 0 : i32
          %dma_start3A_352 = tpu.memref_slice %arg16[%multiple_of3A, %dma_start3A_351] : memref<10000x128xf32, #tpu.memory_space<vmem_shared>> -> memref<520x128xf32, #tpu.memory_space<vmem_shared>>
          tpu.enqueue_dma source(%dma_start3A_352 : memref<520x128xf32, #tpu.memory_space<vmem_shared>>) target(%dma_start3A_350 : memref<520x128xf32, #tpu.memory_space<hbm>>) target_semaphore(%run_scoped3A : memref<!tpu.dma_semaphore, #tpu.memory_space<semaphore_mem>>)
          %dma_wait3A = arith.constant 0 : i32
          %dma_wait3A_353 = tpu.memref_slice %arg6[%multiple_of3A, %dma_wait3A] : memref<10000x128xf32, #tpu.memory_space<hbm>> -> memref<520x128xf32, #tpu.memory_space<hbm>>
          %dma_wait3A_354 = arith.constant 0 : i32
          %dma_wait3A_355 = tpu.memref_slice %arg16[%multiple_of3A, %dma_wait3A_354] : memref<10000x128xf32, #tpu.memory_space<vmem_shared>> -> memref<520x128xf32, #tpu.memory_space<vmem_shared>>
          tpu.wait_dma2 semaphore(%run_scoped3A : memref<!tpu.dma_semaphore, #tpu.memory_space<semaphore_mem>>) src(%dma_wait3A_355 : memref<520x128xf32, #tpu.memory_space<vmem_shared>>) dst(%dma_wait3A_353 : memref<520x128xf32, #tpu.memory_space<hbm>>)
          tpu.yield
        }) : () -> ()
      } else {
      }
    } else {
    }
    %eq3A_334 = arith.constant 0 : i32
    %eq3A_335 = arith.cmpi eq, %arg0, %eq3A_334 : i32
    %convert_element_type3A_336 = arith.extui %eq3A_335 : i1 to i32
    %cond3A_337 = arith.constant 0 : i32
    %cond3A_338 = arith.cmpi ne, %convert_element_type3A_336, %cond3A_337 : i32
    scf.if %cond3A_338 {
      %eq3A_339 = arith.constant 0 : i32
      %eq3A_340 = arith.cmpi eq, %arg1, %eq3A_339 : i32
      %convert_element_type3A_341 = arith.extui %eq3A_340 : i1 to i32
      %cond3A_342 = arith.constant 0 : i32
      %cond3A_343 = arith.cmpi ne, %convert_element_type3A_341, %cond3A_342 : i32
      scf.if %cond3A_343 {
        %swap3A_357 = arith.constant 0 : i32
        %swap3A_358 = arith.index_cast %swap3A_357 : i32 to index
        %swap3A_359 = arith.constant 0 : index
        %swap3A_360 = tpu.vector_load %arg13[%swap3A_358, %swap3A_359] {strides = array<i32>} : memref<80x128xf32, #tpu.memory_space<vmem>>, vector<16xf32>,
        tpu.vector_store %arg13[%swap3A_358, %swap3A_359], %broadcast_in_dim3A_1 {strides = array<i32>} : memref<80x128xf32, #tpu.memory_space<vmem>>, vector<16xf32>,
        %swap3A_361 = arith.constant 0 : i32
        %swap3A_362 = arith.index_cast %swap3A_361 : i32 to index
        %swap3A_363 = arith.constant 16 : index
        %swap3A_364 = tpu.vector_load %arg13[%swap3A_362, %swap3A_363] {strides = array<i32>} : memref<80x128xf32, #tpu.memory_space<vmem>>, vector<16xf32>,
        tpu.vector_store %arg13[%swap3A_362, %swap3A_363], %broadcast_in_dim3A_1 {strides = array<i32>} : memref<80x128xf32, #tpu.memory_space<vmem>>, vector<16xf32>,
        %swap3A_365 = arith.constant 0 : i32
        %swap3A_366 = arith.index_cast %swap3A_365 : i32 to index
        %swap3A_367 = arith.constant 32 : index
        %swap3A_368 = tpu.vector_load %arg13[%swap3A_366, %swap3A_367] {strides = array<i32>} : memref<80x128xf32, #tpu.memory_space<vmem>>, vector<16xf32>,
        tpu.vector_store %arg13[%swap3A_366, %swap3A_367], %broadcast_in_dim3A_1 {strides = array<i32>} : memref<80x128xf32, #tpu.memory_space<vmem>>, vector<16xf32>,
        %swap3A_369 = arith.constant 0 : i32
        %swap3A_370 = arith.index_cast %swap3A_369 : i32 to index
        %swap3A_371 = arith.constant 48 : index
        %swap3A_372 = tpu.vector_load %arg13[%swap3A_370, %swap3A_371] {strides = array<i32>} : memref<80x128xf32, #tpu.memory_space<vmem>>, vector<16xf32>,
        tpu.vector_store %arg13[%swap3A_370, %swap3A_371], %broadcast_in_dim3A_1 {strides = array<i32>} : memref<80x128xf32, #tpu.memory_space<vmem>>, vector<16xf32>,
        %swap3A_373 = arith.constant 0 : i32
        %swap3A_374 = arith.index_cast %swap3A_373 : i32 to index
        %swap3A_375 = arith.constant 64 : index
        %swap3A_376 = tpu.vector_load %arg13[%swap3A_374, %swap3A_375] {strides = array<i32>} : memref<80x128xf32, #tpu.memory_space<vmem>>, vector<16xf32>,
        tpu.vector_store %arg13[%swap3A_374, %swap3A_375], %broadcast_in_dim3A_1 {strides = array<i32>} : memref<80x128xf32, #tpu.memory_space<vmem>>, vector<16xf32>,
        %swap3A_377 = arith.constant 0 : i32
        %swap3A_378 = arith.index_cast %swap3A_377 : i32 to index
        %swap3A_379 = arith.constant 80 : index
        %swap3A_380 = tpu.vector_load %arg13[%swap3A_378, %swap3A_379] {strides = array<i32>} : memref<80x128xf32, #tpu.memory_space<vmem>>, vector<16xf32>,
        tpu.vector_store %arg13[%swap3A_378, %swap3A_379], %broadcast_in_dim3A_1 {strides = array<i32>} : memref<80x128xf32, #tpu.memory_space<vmem>>, vector<16xf32>,
        %swap3A_381 = arith.constant 0 : i32
        %swap3A_382 = arith.index_cast %swap3A_381 : i32 to index
        %swap3A_383 = arith.constant 96 : index
        %swap3A_384 = tpu.vector_load %arg13[%swap3A_382, %swap3A_383] {strides = array<i32>} : memref<80x128xf32, #tpu.memory_space<vmem>>, vector<16xf32>,
        tpu.vector_store %arg13[%swap3A_382, %swap3A_383], %broadcast_in_dim3A_1 {strides = array<i32>} : memref<80x128xf32, #tpu.memory_space<vmem>>, vector<16xf32>,
        %swap3A_385 = arith.constant 0 : i32
        %swap3A_386 = arith.index_cast %swap3A_385 : i32 to index
        %swap3A_387 = arith.constant 112 : index
        %swap3A_388 = tpu.vector_load %arg13[%swap3A_386, %swap3A_387] {strides = array<i32>} : memref<80x128xf32, #tpu.memory_space<vmem>>, vector<16xf32>,
        tpu.vector_store %arg13[%swap3A_386, %swap3A_387], %broadcast_in_dim3A_1 {strides = array<i32>} : memref<80x128xf32, #tpu.memory_space<vmem>>, vector<16xf32>,
        %swap3A_389 = arith.constant 1 : i32
        %swap3A_390 = arith.index_cast %swap3A_389 : i32 to index
        %swap3A_391 = arith.constant 0 : index
        %swap3A_392 = tpu.vector_load %arg13[%swap3A_390, %swap3A_391] {strides = array<i32>} : memref<80x128xf32, #tpu.memory_space<vmem>>, vector<16xf32>,
        tpu.vector_store %arg13[%swap3A_390, %swap3A_391], %broadcast_in_dim3A_1 {strides = array<i32>} : memref<80x128xf32, #tpu.memory_space<vmem>>, vector<16xf32>,
        %swap3A_393 = arith.constant 1 : i32
        %swap3A_394 = arith.index_cast %swap3A_393 : i32 to index
        %swap3A_395 = arith.constant 16 : index
        %swap3A_396 = tpu.vector_load %arg13[%swap3A_394, %swap3A_395] {strides = array<i32>} : memref<80x128xf32, #tpu.memory_space<vmem>>, vector<16xf32>,
        tpu.vector_store %arg13[%swap3A_394, %swap3A_395], %broadcast_in_dim3A_1 {strides = array<i32>} : memref<80x128xf32, #tpu.memory_space<vmem>>, vector<16xf32>,
        %swap3A_397 = arith.constant 1 : i32
        %swap3A_398 = arith.index_cast %swap3A_397 : i32 to index
        %swap3A_399 = arith.constant 32 : index
        %swap3A_400 = tpu.vector_load %arg13[%swap3A_398, %swap3A_399] {strides = array<i32>} : memref<80x128xf32, #tpu.memory_space<vmem>>, vector<16xf32>,
        tpu.vector_store %arg13[%swap3A_398, %swap3A_399], %broadcast_in_dim3A_1 {strides = array<i32>} : memref<80x128xf32, #tpu.memory_space<vmem>>, vector<16xf32>,
        %swap3A_401 = arith.constant 1 : i32
        %swap3A_402 = arith.index_cast %swap3A_401 : i32 to index
        %swap3A_403 = arith.constant 48 : index
        %swap3A_404 = tpu.vector_load %arg13[%swap3A_402, %swap3A_403] {strides = array<i32>} : memref<80x128xf32, #tpu.memory_space<vmem>>, vector<16xf32>,
        tpu.vector_store %arg13[%swap3A_402, %swap3A_403], %broadcast_in_dim3A_1 {strides = array<i32>} : memref<80x128xf32, #tpu.memory_space<vmem>>, vector<16xf32>,
        %swap3A_405 = arith.constant 1 : i32
        %swap3A_406 = arith.index_cast %swap3A_405 : i32 to index
        %swap3A_407 = arith.constant 64 : index
        %swap3A_408 = tpu.vector_load %arg13[%swap3A_406, %swap3A_407] {strides = array<i32>} : memref<80x128xf32, #tpu.memory_space<vmem>>, vector<16xf32>,
        tpu.vector_store %arg13[%swap3A_406, %swap3A_407], %broadcast_in_dim3A_1 {strides = array<i32>} : memref<80x128xf32, #tpu.memory_space<vmem>>, vector<16xf32>,
        %swap3A_409 = arith.constant 1 : i32
        %swap3A_410 = arith.index_cast %swap3A_409 : i32 to index
        %swap3A_411 = arith.constant 80 : index
        %swap3A_412 = tpu.vector_load %arg13[%swap3A_410, %swap3A_411] {strides = array<i32>} : memref<80x128xf32, #tpu.memory_space<vmem>>, vector<16xf32>,
        tpu.vector_store %arg13[%swap3A_410, %swap3A_411], %broadcast_in_dim3A_1 {strides = array<i32>} : memref<80x128xf32, #tpu.memory_space<vmem>>, vector<16xf32>,
        %swap3A_413 = arith.constant 1 : i32
        %swap3A_414 = arith.index_cast %swap3A_413 : i32 to index
        %swap3A_415 = arith.constant 96 : index
        %swap3A_416 = tpu.vector_load %arg13[%swap3A_414, %swap3A_415] {strides = array<i32>} : memref<80x128xf32, #tpu.memory_space<vmem>>, vector<16xf32>,
        tpu.vector_store %arg13[%swap3A_414, %swap3A_415], %broadcast_in_dim3A_1 {strides = array<i32>} : memref<80x128xf32, #tpu.memory_space<vmem>>, vector<16xf32>,
        %swap3A_417 = arith.constant 1 : i32
        %swap3A_418 = arith.index_cast %swap3A_417 : i32 to index
        %swap3A_419 = arith.constant 112 : index
        %swap3A_420 = tpu.vector_load %arg13[%swap3A_418, %swap3A_419] {strides = array<i32>} : memref<80x128xf32, #tpu.memory_space<vmem>>, vector<16xf32>,
        tpu.vector_store %arg13[%swap3A_418, %swap3A_419], %broadcast_in_dim3A_1 {strides = array<i32>} : memref<80x128xf32, #tpu.memory_space<vmem>>, vector<16xf32>,
        %swap3A_421 = arith.constant 2 : i32
        %swap3A_422 = arith.index_cast %swap3A_421 : i32 to index
        %swap3A_423 = arith.constant 0 : index
        %swap3A_424 = tpu.vector_load %arg13[%swap3A_422, %swap3A_423] {strides = array<i32>} : memref<80x128xf32, #tpu.memory_space<vmem>>, vector<16xf32>,
        tpu.vector_store %arg13[%swap3A_422, %swap3A_423], %broadcast_in_dim3A_1 {strides = array<i32>} : memref<80x128xf32, #tpu.memory_space<vmem>>, vector<16xf32>,
        %swap3A_425 = arith.constant 2 : i32
        %swap3A_426 = arith.index_cast %swap3A_425 : i32 to index
        %swap3A_427 = arith.constant 16 : index
        %swap3A_428 = tpu.vector_load %arg13[%swap3A_426, %swap3A_427] {strides = array<i32>} : memref<80x128xf32, #tpu.memory_space<vmem>>, vector<16xf32>,
        tpu.vector_store %arg13[%swap3A_426, %swap3A_427], %broadcast_in_dim3A_1 {strides = array<i32>} : memref<80x128xf32, #tpu.memory_space<vmem>>, vector<16xf32>,
        %swap3A_429 = arith.constant 2 : i32
        %swap3A_430 = arith.index_cast %swap3A_429 : i32 to index
        %swap3A_431 = arith.constant 32 : index
        %swap3A_432 = tpu.vector_load %arg13[%swap3A_430, %swap3A_431] {strides = array<i32>} : memref<80x128xf32, #tpu.memory_space<vmem>>, vector<16xf32>,
        tpu.vector_store %arg13[%swap3A_430, %swap3A_431], %broadcast_in_dim3A_1 {strides = array<i32>} : memref<80x128xf32, #tpu.memory_space<vmem>>, vector<16xf32>,
        %swap3A_433 = arith.constant 2 : i32
        %swap3A_434 = arith.index_cast %swap3A_433 : i32 to index
        %swap3A_435 = arith.constant 48 : index
        %swap3A_436 = tpu.vector_load %arg13[%swap3A_434, %swap3A_435] {strides = array<i32>} : memref<80x128xf32, #tpu.memory_space<vmem>>, vector<16xf32>,
        tpu.vector_store %arg13[%swap3A_434, %swap3A_435], %broadcast_in_dim3A_1 {strides = array<i32>} : memref<80x128xf32, #tpu.memory_space<vmem>>, vector<16xf32>,
        %swap3A_437 = arith.constant 2 : i32
        %swap3A_438 = arith.index_cast %swap3A_437 : i32 to index
        %swap3A_439 = arith.constant 64 : index
        %swap3A_440 = tpu.vector_load %arg13[%swap3A_438, %swap3A_439] {strides = array<i32>} : memref<80x128xf32, #tpu.memory_space<vmem>>, vector<16xf32>,
        tpu.vector_store %arg13[%swap3A_438, %swap3A_439], %broadcast_in_dim3A_1 {strides = array<i32>} : memref<80x128xf32, #tpu.memory_space<vmem>>, vector<16xf32>,
        %swap3A_441 = arith.constant 2 : i32
        %swap3A_442 = arith.index_cast %swap3A_441 : i32 to index
        %swap3A_443 = arith.constant 80 : index
        %swap3A_444 = tpu.vector_load %arg13[%swap3A_442, %swap3A_443] {strides = array<i32>} : memref<80x128xf32, #tpu.memory_space<vmem>>, vector<16xf32>,
        tpu.vector_store %arg13[%swap3A_442, %swap3A_443], %broadcast_in_dim3A_1 {strides = array<i32>} : memref<80x128xf32, #tpu.memory_space<vmem>>, vector<16xf32>,
        %swap3A_445 = arith.constant 2 : i32
        %swap3A_446 = arith.index_cast %swap3A_445 : i32 to index
        %swap3A_447 = arith.constant 96 : index
        %swap3A_448 = tpu.vector_load %arg13[%swap3A_446, %swap3A_447] {strides = array<i32>} : memref<80x128xf32, #tpu.memory_space<vmem>>, vector<16xf32>,
        tpu.vector_store %arg13[%swap3A_446, %swap3A_447], %broadcast_in_dim3A_1 {strides = array<i32>} : memref<80x128xf32, #tpu.memory_space<vmem>>, vector<16xf32>,
        %swap3A_449 = arith.constant 2 : i32
        %swap3A_450 = arith.index_cast %swap3A_449 : i32 to index
        %swap3A_451 = arith.constant 112 : index
        %swap3A_452 = tpu.vector_load %arg13[%swap3A_450, %swap3A_451] {strides = array<i32>} : memref<80x128xf32, #tpu.memory_space<vmem>>, vector<16xf32>,
        tpu.vector_store %arg13[%swap3A_450, %swap3A_451], %broadcast_in_dim3A_1 {strides = array<i32>} : memref<80x128xf32, #tpu.memory_space<vmem>>, vector<16xf32>,
        %swap3A_453 = arith.constant 3 : i32
        %swap3A_454 = arith.index_cast %swap3A_453 : i32 to index
        %swap3A_455 = arith.constant 0 : index
        %swap3A_456 = tpu.vector_load %arg13[%swap3A_454, %swap3A_455] {strides = array<i32>} : memref<80x128xf32, #tpu.memory_space<vmem>>, vector<16xf32>,
        tpu.vector_store %arg13[%swap3A_454, %swap3A_455], %broadcast_in_dim3A_1 {strides = array<i32>} : memref<80x128xf32, #tpu.memory_space<vmem>>, vector<16xf32>,
        %swap3A_457 = arith.constant 3 : i32
        %swap3A_458 = arith.index_cast %swap3A_457 : i32 to index
        %swap3A_459 = arith.constant 16 : index
        %swap3A_460 = tpu.vector_load %arg13[%swap3A_458, %swap3A_459] {strides = array<i32>} : memref<80x128xf32, #tpu.memory_space<vmem>>, vector<16xf32>,
        tpu.vector_store %arg13[%swap3A_458, %swap3A_459], %broadcast_in_dim3A_1 {strides = array<i32>} : memref<80x128xf32, #tpu.memory_space<vmem>>, vector<16xf32>,
        %swap3A_461 = arith.constant 3 : i32
        %swap3A_462 = arith.index_cast %swap3A_461 : i32 to index
        %swap3A_463 = arith.constant 32 : index
        %swap3A_464 = tpu.vector_load %arg13[%swap3A_462, %swap3A_463] {strides = array<i32>} : memref<80x128xf32, #tpu.memory_space<vmem>>, vector<16xf32>,
        tpu.vector_store %arg13[%swap3A_462, %swap3A_463], %broadcast_in_dim3A_1 {strides = array<i32>} : memref<80x128xf32, #tpu.memory_space<vmem>>, vector<16xf32>,
        %swap3A_465 = arith.constant 3 : i32
        %swap3A_466 = arith.index_cast %swap3A_465 : i32 to index
        %swap3A_467 = arith.constant 48 : index
        %swap3A_468 = tpu.vector_load %arg13[%swap3A_466, %swap3A_467] {strides = array<i32>} : memref<80x128xf32, #tpu.memory_space<vmem>>, vector<16xf32>,
        tpu.vector_store %arg13[%swap3A_466, %swap3A_467], %broadcast_in_dim3A_1 {strides = array<i32>} : memref<80x128xf32, #tpu.memory_space<vmem>>, vector<16xf32>,
        %swap3A_469 = arith.constant 3 : i32
        %swap3A_470 = arith.index_cast %swap3A_469 : i32 to index
        %swap3A_471 = arith.constant 64 : index
        %swap3A_472 = tpu.vector_load %arg13[%swap3A_470, %swap3A_471] {strides = array<i32>} : memref<80x128xf32, #tpu.memory_space<vmem>>, vector<16xf32>,
        tpu.vector_store %arg13[%swap3A_470, %swap3A_471], %broadcast_in_dim3A_1 {strides = array<i32>} : memref<80x128xf32, #tpu.memory_space<vmem>>, vector<16xf32>,
        %swap3A_473 = arith.constant 3 : i32
        %swap3A_474 = arith.index_cast %swap3A_473 : i32 to index
        %swap3A_475 = arith.constant 80 : index
        %swap3A_476 = tpu.vector_load %arg13[%swap3A_474, %swap3A_475] {strides = array<i32>} : memref<80x128xf32, #tpu.memory_space<vmem>>, vector<16xf32>,
        tpu.vector_store %arg13[%swap3A_474, %swap3A_475], %broadcast_in_dim3A_1 {strides = array<i32>} : memref<80x128xf32, #tpu.memory_space<vmem>>, vector<16xf32>,
        %swap3A_477 = arith.constant 3 : i32
        %swap3A_478 = arith.index_cast %swap3A_477 : i32 to index
        %swap3A_479 = arith.constant 96 : index
        %swap3A_480 = tpu.vector_load %arg13[%swap3A_478, %swap3A_479] {strides = array<i32>} : memref<80x128xf32, #tpu.memory_space<vmem>>, vector<16xf32>,
        tpu.vector_store %arg13[%swap3A_478, %swap3A_479], %broadcast_in_dim3A_1 {strides = array<i32>} : memref<80x128xf32, #tpu.memory_space<vmem>>, vector<16xf32>,
        %swap3A_481 = arith.constant 3 : i32
        %swap3A_482 = arith.index_cast %swap3A_481 : i32 to index
        %swap3A_483 = arith.constant 112 : index
        %swap3A_484 = tpu.vector_load %arg13[%swap3A_482, %swap3A_483] {strides = array<i32>} : memref<80x128xf32, #tpu.memory_space<vmem>>, vector<16xf32>,
        tpu.vector_store %arg13[%swap3A_482, %swap3A_483], %broadcast_in_dim3A_1 {strides = array<i32>} : memref<80x128xf32, #tpu.memory_space<vmem>>, vector<16xf32>,
        %swap3A_485 = arith.constant 4 : i32
        %swap3A_486 = arith.index_cast %swap3A_485 : i32 to index
        %swap3A_487 = arith.constant 0 : index
        %swap3A_488 = tpu.vector_load %arg13[%swap3A_486, %swap3A_487] {strides = array<i32>} : memref<80x128xf32, #tpu.memory_space<vmem>>, vector<16xf32>,
        tpu.vector_store %arg13[%swap3A_486, %swap3A_487], %broadcast_in_dim3A_1 {strides = array<i32>} : memref<80x128xf32, #tpu.memory_space<vmem>>, vector<16xf32>,
        %swap3A_489 = arith.constant 4 : i32
        %swap3A_490 = arith.index_cast %swap3A_489 : i32 to index
        %swap3A_491 = arith.constant 16 : index
        %swap3A_492 = tpu.vector_load %arg13[%swap3A_490, %swap3A_491] {strides = array<i32>} : memref<80x128xf32, #tpu.memory_space<vmem>>, vector<16xf32>,
        tpu.vector_store %arg13[%swap3A_490, %swap3A_491], %broadcast_in_dim3A_1 {strides = array<i32>} : memref<80x128xf32, #tpu.memory_space<vmem>>, vector<16xf32>,
        %swap3A_493 = arith.constant 4 : i32
        %swap3A_494 = arith.index_cast %swap3A_493 : i32 to index
        %swap3A_495 = arith.constant 32 : index
        %swap3A_496 = tpu.vector_load %arg13[%swap3A_494, %swap3A_495] {strides = array<i32>} : memref<80x128xf32, #tpu.memory_space<vmem>>, vector<16xf32>,
        tpu.vector_store %arg13[%swap3A_494, %swap3A_495], %broadcast_in_dim3A_1 {strides = array<i32>} : memref<80x128xf32, #tpu.memory_space<vmem>>, vector<16xf32>,
        %swap3A_497 = arith.constant 4 : i32
        %swap3A_498 = arith.index_cast %swap3A_497 : i32 to index
        %swap3A_499 = arith.constant 48 : index
        %swap3A_500 = tpu.vector_load %arg13[%swap3A_498, %swap3A_499] {strides = array<i32>} : memref<80x128xf32, #tpu.memory_space<vmem>>, vector<16xf32>,
        tpu.vector_store %arg13[%swap3A_498, %swap3A_499], %broadcast_in_dim3A_1 {strides = array<i32>} : memref<80x128xf32, #tpu.memory_space<vmem>>, vector<16xf32>,
        %swap3A_501 = arith.constant 4 : i32
        %swap3A_502 = arith.index_cast %swap3A_501 : i32 to index
        %swap3A_503 = arith.constant 64 : index
        %swap3A_504 = tpu.vector_load %arg13[%swap3A_502, %swap3A_503] {strides = array<i32>} : memref<80x128xf32, #tpu.memory_space<vmem>>, vector<16xf32>,
        tpu.vector_store %arg13[%swap3A_502, %swap3A_503], %broadcast_in_dim3A_1 {strides = array<i32>} : memref<80x128xf32, #tpu.memory_space<vmem>>, vector<16xf32>,
        %swap3A_505 = arith.constant 4 : i32
        %swap3A_506 = arith.index_cast %swap3A_505 : i32 to index
        %swap3A_507 = arith.constant 80 : index
        %swap3A_508 = tpu.vector_load %arg13[%swap3A_506, %swap3A_507] {strides = array<i32>} : memref<80x128xf32, #tpu.memory_space<vmem>>, vector<16xf32>,
        tpu.vector_store %arg13[%swap3A_506, %swap3A_507], %broadcast_in_dim3A_1 {strides = array<i32>} : memref<80x128xf32, #tpu.memory_space<vmem>>, vector<16xf32>,
        %swap3A_509 = arith.constant 4 : i32
        %swap3A_510 = arith.index_cast %swap3A_509 : i32 to index
        %swap3A_511 = arith.constant 96 : index
        %swap3A_512 = tpu.vector_load %arg13[%swap3A_510, %swap3A_511] {strides = array<i32>} : memref<80x128xf32, #tpu.memory_space<vmem>>, vector<16xf32>,
        tpu.vector_store %arg13[%swap3A_510, %swap3A_511], %broadcast_in_dim3A_1 {strides = array<i32>} : memref<80x128xf32, #tpu.memory_space<vmem>>, vector<16xf32>,
        %swap3A_513 = arith.constant 4 : i32
        %swap3A_514 = arith.index_cast %swap3A_513 : i32 to index
        %swap3A_515 = arith.constant 112 : index
        %swap3A_516 = tpu.vector_load %arg13[%swap3A_514, %swap3A_515] {strides = array<i32>} : memref<80x128xf32, #tpu.memory_space<vmem>>, vector<16xf32>,
        tpu.vector_store %arg13[%swap3A_514, %swap3A_515], %broadcast_in_dim3A_1 {strides = array<i32>} : memref<80x128xf32, #tpu.memory_space<vmem>>, vector<16xf32>,
        %swap3A_517 = arith.constant 5 : i32
        %swap3A_518 = arith.index_cast %swap3A_517 : i32 to index
        %swap3A_519 = arith.constant 0 : index
        %swap3A_520 = tpu.vector_load %arg13[%swap3A_518, %swap3A_519] {strides = array<i32>} : memref<80x128xf32, #tpu.memory_space<vmem>>, vector<16xf32>,
        tpu.vector_store %arg13[%swap3A_518, %swap3A_519], %broadcast_in_dim3A_1 {strides = array<i32>} : memref<80x128xf32, #tpu.memory_space<vmem>>, vector<16xf32>,
        %swap3A_521 = arith.constant 5 : i32
        %swap3A_522 = arith.index_cast %swap3A_521 : i32 to index
        %swap3A_523 = arith.constant 16 : index
        %swap3A_524 = tpu.vector_load %arg13[%swap3A_522, %swap3A_523] {strides = array<i32>} : memref<80x128xf32, #tpu.memory_space<vmem>>, vector<16xf32>,
        tpu.vector_store %arg13[%swap3A_522, %swap3A_523], %broadcast_in_dim3A_1 {strides = array<i32>} : memref<80x128xf32, #tpu.memory_space<vmem>>, vector<16xf32>,
        %swap3A_525 = arith.constant 5 : i32
        %swap3A_526 = arith.index_cast %swap3A_525 : i32 to index
        %swap3A_527 = arith.constant 32 : index
        %swap3A_528 = tpu.vector_load %arg13[%swap3A_526, %swap3A_527] {strides = array<i32>} : memref<80x128xf32, #tpu.memory_space<vmem>>, vector<16xf32>,
        tpu.vector_store %arg13[%swap3A_526, %swap3A_527], %broadcast_in_dim3A_1 {strides = array<i32>} : memref<80x128xf32, #tpu.memory_space<vmem>>, vector<16xf32>,
        %swap3A_529 = arith.constant 5 : i32
        %swap3A_530 = arith.index_cast %swap3A_529 : i32 to index
        %swap3A_531 = arith.constant 48 : index
        %swap3A_532 = tpu.vector_load %arg13[%swap3A_530, %swap3A_531] {strides = array<i32>} : memref<80x128xf32, #tpu.memory_space<vmem>>, vector<16xf32>,
        tpu.vector_store %arg13[%swap3A_530, %swap3A_531], %broadcast_in_dim3A_1 {strides = array<i32>} : memref<80x128xf32, #tpu.memory_space<vmem>>, vector<16xf32>,
        %swap3A_533 = arith.constant 5 : i32
        %swap3A_534 = arith.index_cast %swap3A_533 : i32 to index
        %swap3A_535 = arith.constant 64 : index
        %swap3A_536 = tpu.vector_load %arg13[%swap3A_534, %swap3A_535] {strides = array<i32>} : memref<80x128xf32, #tpu.memory_space<vmem>>, vector<16xf32>,
        tpu.vector_store %arg13[%swap3A_534, %swap3A_535], %broadcast_in_dim3A_1 {strides = array<i32>} : memref<80x128xf32, #tpu.memory_space<vmem>>, vector<16xf32>,
        %swap3A_537 = arith.constant 5 : i32
        %swap3A_538 = arith.index_cast %swap3A_537 : i32 to index
        %swap3A_539 = arith.constant 80 : index
        %swap3A_540 = tpu.vector_load %arg13[%swap3A_538, %swap3A_539] {strides = array<i32>} : memref<80x128xf32, #tpu.memory_space<vmem>>, vector<16xf32>,
        tpu.vector_store %arg13[%swap3A_538, %swap3A_539], %broadcast_in_dim3A_1 {strides = array<i32>} : memref<80x128xf32, #tpu.memory_space<vmem>>, vector<16xf32>,
        %swap3A_541 = arith.constant 5 : i32
        %swap3A_542 = arith.index_cast %swap3A_541 : i32 to index
        %swap3A_543 = arith.constant 96 : index
        %swap3A_544 = tpu.vector_load %arg13[%swap3A_542, %swap3A_543] {strides = array<i32>} : memref<80x128xf32, #tpu.memory_space<vmem>>, vector<16xf32>,
        tpu.vector_store %arg13[%swap3A_542, %swap3A_543], %broadcast_in_dim3A_1 {strides = array<i32>} : memref<80x128xf32, #tpu.memory_space<vmem>>, vector<16xf32>,
        %swap3A_545 = arith.constant 5 : i32
        %swap3A_546 = arith.index_cast %swap3A_545 : i32 to index
        %swap3A_547 = arith.constant 112 : index
        %swap3A_548 = tpu.vector_load %arg13[%swap3A_546, %swap3A_547] {strides = array<i32>} : memref<80x128xf32, #tpu.memory_space<vmem>>, vector<16xf32>,
        tpu.vector_store %arg13[%swap3A_546, %swap3A_547], %broadcast_in_dim3A_1 {strides = array<i32>} : memref<80x128xf32, #tpu.memory_space<vmem>>, vector<16xf32>,
        %swap3A_549 = arith.constant 6 : i32
        %swap3A_550 = arith.index_cast %swap3A_549 : i32 to index
        %swap3A_551 = arith.constant 0 : index
        %swap3A_552 = tpu.vector_load %arg13[%swap3A_550, %swap3A_551] {strides = array<i32>} : memref<80x128xf32, #tpu.memory_space<vmem>>, vector<16xf32>,
        tpu.vector_store %arg13[%swap3A_550, %swap3A_551], %broadcast_in_dim3A_1 {strides = array<i32>} : memref<80x128xf32, #tpu.memory_space<vmem>>, vector<16xf32>,
        %swap3A_553 = arith.constant 6 : i32
        %swap3A_554 = arith.index_cast %swap3A_553 : i32 to index
        %swap3A_555 = arith.constant 16 : index
        %swap3A_556 = tpu.vector_load %arg13[%swap3A_554, %swap3A_555] {strides = array<i32>} : memref<80x128xf32, #tpu.memory_space<vmem>>, vector<16xf32>,
        tpu.vector_store %arg13[%swap3A_554, %swap3A_555], %broadcast_in_dim3A_1 {strides = array<i32>} : memref<80x128xf32, #tpu.memory_space<vmem>>, vector<16xf32>,
        %swap3A_557 = arith.constant 6 : i32
        %swap3A_558 = arith.index_cast %swap3A_557 : i32 to index
        %swap3A_559 = arith.constant 32 : index
        %swap3A_560 = tpu.vector_load %arg13[%swap3A_558, %swap3A_559] {strides = array<i32>} : memref<80x128xf32, #tpu.memory_space<vmem>>, vector<16xf32>,
        tpu.vector_store %arg13[%swap3A_558, %swap3A_559], %broadcast_in_dim3A_1 {strides = array<i32>} : memref<80x128xf32, #tpu.memory_space<vmem>>, vector<16xf32>,
        %swap3A_561 = arith.constant 6 : i32
        %swap3A_562 = arith.index_cast %swap3A_561 : i32 to index
        %swap3A_563 = arith.constant 48 : index
        %swap3A_564 = tpu.vector_load %arg13[%swap3A_562, %swap3A_563] {strides = array<i32>} : memref<80x128xf32, #tpu.memory_space<vmem>>, vector<16xf32>,
        tpu.vector_store %arg13[%swap3A_562, %swap3A_563], %broadcast_in_dim3A_1 {strides = array<i32>} : memref<80x128xf32, #tpu.memory_space<vmem>>, vector<16xf32>,
        %swap3A_565 = arith.constant 6 : i32
        %swap3A_566 = arith.index_cast %swap3A_565 : i32 to index
        %swap3A_567 = arith.constant 64 : index
        %swap3A_568 = tpu.vector_load %arg13[%swap3A_566, %swap3A_567] {strides = array<i32>} : memref<80x128xf32, #tpu.memory_space<vmem>>, vector<16xf32>,
        tpu.vector_store %arg13[%swap3A_566, %swap3A_567], %broadcast_in_dim3A_1 {strides = array<i32>} : memref<80x128xf32, #tpu.memory_space<vmem>>, vector<16xf32>,
        %swap3A_569 = arith.constant 6 : i32
        %swap3A_570 = arith.index_cast %swap3A_569 : i32 to index
        %swap3A_571 = arith.constant 80 : index
        %swap3A_572 = tpu.vector_load %arg13[%swap3A_570, %swap3A_571] {strides = array<i32>} : memref<80x128xf32, #tpu.memory_space<vmem>>, vector<16xf32>,
        tpu.vector_store %arg13[%swap3A_570, %swap3A_571], %broadcast_in_dim3A_1 {strides = array<i32>} : memref<80x128xf32, #tpu.memory_space<vmem>>, vector<16xf32>,
        %swap3A_573 = arith.constant 6 : i32
        %swap3A_574 = arith.index_cast %swap3A_573 : i32 to index
        %swap3A_575 = arith.constant 96 : index
        %swap3A_576 = tpu.vector_load %arg13[%swap3A_574, %swap3A_575] {strides = array<i32>} : memref<80x128xf32, #tpu.memory_space<vmem>>, vector<16xf32>,
        tpu.vector_store %arg13[%swap3A_574, %swap3A_575], %broadcast_in_dim3A_1 {strides = array<i32>} : memref<80x128xf32, #tpu.memory_space<vmem>>, vector<16xf32>,
        %swap3A_577 = arith.constant 6 : i32
        %swap3A_578 = arith.index_cast %swap3A_577 : i32 to index
        %swap3A_579 = arith.constant 112 : index
        %swap3A_580 = tpu.vector_load %arg13[%swap3A_578, %swap3A_579] {strides = array<i32>} : memref<80x128xf32, #tpu.memory_space<vmem>>, vector<16xf32>,
        tpu.vector_store %arg13[%swap3A_578, %swap3A_579], %broadcast_in_dim3A_1 {strides = array<i32>} : memref<80x128xf32, #tpu.memory_space<vmem>>, vector<16xf32>,
        %swap3A_581 = arith.constant 7 : i32
        %swap3A_582 = arith.index_cast %swap3A_581 : i32 to index
        %swap3A_583 = arith.constant 0 : index
        %swap3A_584 = tpu.vector_load %arg13[%swap3A_582, %swap3A_583] {strides = array<i32>} : memref<80x128xf32, #tpu.memory_space<vmem>>, vector<16xf32>,
        tpu.vector_store %arg13[%swap3A_582, %swap3A_583], %broadcast_in_dim3A_1 {strides = array<i32>} : memref<80x128xf32, #tpu.memory_space<vmem>>, vector<16xf32>,
        %swap3A_585 = arith.constant 7 : i32
        %swap3A_586 = arith.index_cast %swap3A_585 : i32 to index
        %swap3A_587 = arith.constant 16 : index
        %swap3A_588 = tpu.vector_load %arg13[%swap3A_586, %swap3A_587] {strides = array<i32>} : memref<80x128xf32, #tpu.memory_space<vmem>>, vector<16xf32>,
        tpu.vector_store %arg13[%swap3A_586, %swap3A_587], %broadcast_in_dim3A_1 {strides = array<i32>} : memref<80x128xf32, #tpu.memory_space<vmem>>, vector<16xf32>,
        %swap3A_589 = arith.constant 7 : i32
        %swap3A_590 = arith.index_cast %swap3A_589 : i32 to index
        %swap3A_591 = arith.constant 32 : index
        %swap3A_592 = tpu.vector_load %arg13[%swap3A_590, %swap3A_591] {strides = array<i32>} : memref<80x128xf32, #tpu.memory_space<vmem>>, vector<16xf32>,
        tpu.vector_store %arg13[%swap3A_590, %swap3A_591], %broadcast_in_dim3A_1 {strides = array<i32>} : memref<80x128xf32, #tpu.memory_space<vmem>>, vector<16xf32>,
        %swap3A_593 = arith.constant 7 : i32
        %swap3A_594 = arith.index_cast %swap3A_593 : i32 to index
        %swap3A_595 = arith.constant 48 : index
        %swap3A_596 = tpu.vector_load %arg13[%swap3A_594, %swap3A_595] {strides = array<i32>} : memref<80x128xf32, #tpu.memory_space<vmem>>, vector<16xf32>,
        tpu.vector_store %arg13[%swap3A_594, %swap3A_595], %broadcast_in_dim3A_1 {strides = array<i32>} : memref<80x128xf32, #tpu.memory_space<vmem>>, vector<16xf32>,
        %swap3A_597 = arith.constant 7 : i32
        %swap3A_598 = arith.index_cast %swap3A_597 : i32 to index
        %swap3A_599 = arith.constant 64 : index
        %swap3A_600 = tpu.vector_load %arg13[%swap3A_598, %swap3A_599] {strides = array<i32>} : memref<80x128xf32, #tpu.memory_space<vmem>>, vector<16xf32>,
        tpu.vector_store %arg13[%swap3A_598, %swap3A_599], %broadcast_in_dim3A_1 {strides = array<i32>} : memref<80x128xf32, #tpu.memory_space<vmem>>, vector<16xf32>,
        %swap3A_601 = arith.constant 7 : i32
        %swap3A_602 = arith.index_cast %swap3A_601 : i32 to index
        %swap3A_603 = arith.constant 80 : index
        %swap3A_604 = tpu.vector_load %arg13[%swap3A_602, %swap3A_603] {strides = array<i32>} : memref<80x128xf32, #tpu.memory_space<vmem>>, vector<16xf32>,
        tpu.vector_store %arg13[%swap3A_602, %swap3A_603], %broadcast_in_dim3A_1 {strides = array<i32>} : memref<80x128xf32, #tpu.memory_space<vmem>>, vector<16xf32>,
        %swap3A_605 = arith.constant 7 : i32
        %swap3A_606 = arith.index_cast %swap3A_605 : i32 to index
        %swap3A_607 = arith.constant 96 : index
        %swap3A_608 = tpu.vector_load %arg13[%swap3A_606, %swap3A_607] {strides = array<i32>} : memref<80x128xf32, #tpu.memory_space<vmem>>, vector<16xf32>,
        tpu.vector_store %arg13[%swap3A_606, %swap3A_607], %broadcast_in_dim3A_1 {strides = array<i32>} : memref<80x128xf32, #tpu.memory_space<vmem>>, vector<16xf32>,
        %swap3A_609 = arith.constant 7 : i32
        %swap3A_610 = arith.index_cast %swap3A_609 : i32 to index
        %swap3A_611 = arith.constant 112 : index
        %swap3A_612 = tpu.vector_load %arg13[%swap3A_610, %swap3A_611] {strides = array<i32>} : memref<80x128xf32, #tpu.memory_space<vmem>>, vector<16xf32>,
        tpu.vector_store %arg13[%swap3A_610, %swap3A_611], %broadcast_in_dim3A_1 {strides = array<i32>} : memref<80x128xf32, #tpu.memory_space<vmem>>, vector<16xf32>,
        %scan3A_613 = arith.constant 0 : i32
        %scan3A_614 = arith.constant 0 : i32
        %scan3A_615 = arith.constant 10 : i32
        %scan3A_616 = arith.addi %scan3A_614, %scan3A_615 : i32
        %scan3A_617 = arith.constant 1 : i32
        scf.for %scan3A_619 = %scan3A_614 to %scan3A_616 step %scan3A_617  : i32 {
          %mul3A_620 = arith.constant 8 : i32
          %mul3A_621 = arith.muli %scan3A_619, %mul3A_620 : i32
          %multiple_of3A_622 = tpu.assume_multiple %mul3A_621, 8 : i32
          "tpu.region"() ({
            %run_scoped3A = tpu.sem_alloc : memref<!tpu.dma_semaphore, #tpu.memory_space<semaphore_mem>>
            %dma_start3A_623 = arith.constant 0 : i32
            %dma_start3A_624 = arith.constant 0 : i32
            %dma_start3A_625 = tpu.memref_slice %arg13[%dma_start3A_623, %dma_start3A_624] : memref<80x128xf32, #tpu.memory_space<vmem>> -> memref<8x128xf32, #tpu.memory_space<vmem>>
            %dma_start3A_626 = arith.constant 0 : i32
            %dma_start3A_627 = tpu.memref_slice %arg16[%multiple_of3A_622, %dma_start3A_626] : memref<10000x128xf32, #tpu.memory_space<vmem_shared>> -> memref<8x128xf32, #tpu.memory_space<vmem_shared>>
            %dma_start3A_628 = arith.constant 0 : i32
            %dma_start3A_629 = tpu.memref_slice %arg16[%multiple_of3A_622, %dma_start3A_628] : memref<10000x128xf32, #tpu.memory_space<vmem_shared>> -> memref<8x128xf32, #tpu.memory_space<vmem_shared>>
            %dma_start3A_630 = arith.constant 0 : i32
            %dma_start3A_631 = arith.constant 0 : i32
            %dma_start3A_632 = tpu.memref_slice %arg13[%dma_start3A_630, %dma_start3A_631] : memref<80x128xf32, #tpu.memory_space<vmem>> -> memref<8x128xf32, #tpu.memory_space<vmem>>
            tpu.enqueue_dma source(%dma_start3A_632 : memref<8x128xf32, #tpu.memory_space<vmem>>) target(%dma_start3A_629 : memref<8x128xf32, #tpu.memory_space<vmem_shared>>) target_semaphore(%run_scoped3A : memref<!tpu.dma_semaphore, #tpu.memory_space<semaphore_mem>>)
            %dma_wait3A = arith.constant 0 : i32
            %dma_wait3A_633 = arith.constant 0 : i32
            %dma_wait3A_634 = tpu.memref_slice %arg13[%dma_wait3A, %dma_wait3A_633] : memref<80x128xf32, #tpu.memory_space<vmem>> -> memref<8x128xf32, #tpu.memory_space<vmem>>
            %dma_wait3A_635 = arith.constant 0 : i32
            %dma_wait3A_636 = tpu.memref_slice %arg16[%multiple_of3A_622, %dma_wait3A_635] : memref<10000x128xf32, #tpu.memory_space<vmem_shared>> -> memref<8x128xf32, #tpu.memory_space<vmem_shared>>
            %dma_wait3A_637 = arith.constant 0 : i32
            %dma_wait3A_638 = tpu.memref_slice %arg16[%multiple_of3A_622, %dma_wait3A_637] : memref<10000x128xf32, #tpu.memory_space<vmem_shared>> -> memref<8x128xf32, #tpu.memory_space<vmem_shared>>
            %dma_wait3A_639 = arith.constant 0 : i32
            %dma_wait3A_640 = arith.constant 0 : i32
            %dma_wait3A_641 = tpu.memref_slice %arg13[%dma_wait3A_639, %dma_wait3A_640] : memref<80x128xf32, #tpu.memory_space<vmem>> -> memref<8x128xf32, #tpu.memory_space<vmem>>
            tpu.wait_dma2 semaphore(%run_scoped3A : memref<!tpu.dma_semaphore, #tpu.memory_space<semaphore_mem>>) src(%dma_wait3A_641 : memref<8x128xf32, #tpu.memory_space<vmem>>) dst(%dma_wait3A_638 : memref<8x128xf32, #tpu.memory_space<vmem_shared>>)
            tpu.yield
          }) : () -> ()
        }
        %scan3A_618 = arith.constant 10 : i32
      } else {
      }
      %barrier3A_344 = arith.constant 0 : index
      tpu.barrier barrier_id(%barrier3A_344)
      %scan3A_345 = arith.constant 0 : i32
      %scan3A_346 = arith.constant 0 : i32
      %scan3A_347 = arith.constant 80 : i32
      %scan3A_348 = arith.addi %scan3A_346, %scan3A_347 : i32
      %scan3A_349 = arith.constant 1 : i32
      scf.for %scan3A_357 = %scan3A_346 to %scan3A_348 step %scan3A_349  : i32 {
        %mul3A_358 = arith.constant 128 : i32
        %mul3A_359 = arith.muli %scan3A_357, %mul3A_358 : i32
        %add3A_360 = arith.constant 0 : i32
        %add3A_361 = arith.addi %mul3A_359, %add3A_360 : i32
        %get3A = arith.index_cast %add3A_361 : i32 to index
        %get3A_362 = tpu.vector_load %arg14[%get3A] {strides = array<i32>} : memref<10240xf32, #tpu.memory_space<vmem>>, vector<16xf32>,
        %swap3A_363 = arith.index_cast %scan3A_357 : i32 to index
        %swap3A_364 = arith.constant 0 : index
        %swap3A_365 = tpu.vector_load %arg12[%swap3A_363, %swap3A_364] {strides = array<i32>} : memref<80x128xf32, #tpu.memory_space<vmem>>, vector<16xf32>,
        tpu.vector_store %arg12[%swap3A_363, %swap3A_364], %get3A_362 {strides = array<i32>} : memref<80x128xf32, #tpu.memory_space<vmem>>, vector<16xf32>,
        %mul3A_366 = arith.constant 128 : i32
        %mul3A_367 = arith.muli %scan3A_357, %mul3A_366 : i32
        %add3A_368 = arith.constant 16 : i32
        %add3A_369 = arith.addi %mul3A_367, %add3A_368 : i32
        %get3A_370 = arith.index_cast %add3A_369 : i32 to index
        %get3A_371 = tpu.vector_load %arg14[%get3A_370] {strides = array<i32>} : memref<10240xf32, #tpu.memory_space<vmem>>, vector<16xf32>,
        %swap3A_372 = arith.index_cast %scan3A_357 : i32 to index
        %swap3A_373 = arith.constant 16 : index
        %swap3A_374 = tpu.vector_load %arg12[%swap3A_372, %swap3A_373] {strides = array<i32>} : memref<80x128xf32, #tpu.memory_space<vmem>>, vector<16xf32>,
        tpu.vector_store %arg12[%swap3A_372, %swap3A_373], %get3A_371 {strides = array<i32>} : memref<80x128xf32, #tpu.memory_space<vmem>>, vector<16xf32>,
        %mul3A_375 = arith.constant 128 : i32
        %mul3A_376 = arith.muli %scan3A_357, %mul3A_375 : i32
        %add3A_377 = arith.constant 32 : i32
        %add3A_378 = arith.addi %mul3A_376, %add3A_377 : i32
        %get3A_379 = arith.index_cast %add3A_378 : i32 to index
        %get3A_380 = tpu.vector_load %arg14[%get3A_379] {strides = array<i32>} : memref<10240xf32, #tpu.memory_space<vmem>>, vector<16xf32>,
        %swap3A_381 = arith.index_cast %scan3A_357 : i32 to index
        %swap3A_382 = arith.constant 32 : index
        %swap3A_383 = tpu.vector_load %arg12[%swap3A_381, %swap3A_382] {strides = array<i32>} : memref<80x128xf32, #tpu.memory_space<vmem>>, vector<16xf32>,
        tpu.vector_store %arg12[%swap3A_381, %swap3A_382], %get3A_380 {strides = array<i32>} : memref<80x128xf32, #tpu.memory_space<vmem>>, vector<16xf32>,
        %mul3A_384 = arith.constant 128 : i32
        %mul3A_385 = arith.muli %scan3A_357, %mul3A_384 : i32
        %add3A_386 = arith.constant 48 : i32
        %add3A_387 = arith.addi %mul3A_385, %add3A_386 : i32
        %get3A_388 = arith.index_cast %add3A_387 : i32 to index
        %get3A_389 = tpu.vector_load %arg14[%get3A_388] {strides = array<i32>} : memref<10240xf32, #tpu.memory_space<vmem>>, vector<16xf32>,
        %swap3A_390 = arith.index_cast %scan3A_357 : i32 to index
        %swap3A_391 = arith.constant 48 : index
        %swap3A_392 = tpu.vector_load %arg12[%swap3A_390, %swap3A_391] {strides = array<i32>} : memref<80x128xf32, #tpu.memory_space<vmem>>, vector<16xf32>,
        tpu.vector_store %arg12[%swap3A_390, %swap3A_391], %get3A_389 {strides = array<i32>} : memref<80x128xf32, #tpu.memory_space<vmem>>, vector<16xf32>,
        %mul3A_393 = arith.constant 128 : i32
        %mul3A_394 = arith.muli %scan3A_357, %mul3A_393 : i32
        %add3A_395 = arith.constant 64 : i32
        %add3A_396 = arith.addi %mul3A_394, %add3A_395 : i32
        %get3A_397 = arith.index_cast %add3A_396 : i32 to index
        %get3A_398 = tpu.vector_load %arg14[%get3A_397] {strides = array<i32>} : memref<10240xf32, #tpu.memory_space<vmem>>, vector<16xf32>,
        %swap3A_399 = arith.index_cast %scan3A_357 : i32 to index
        %swap3A_400 = arith.constant 64 : index
        %swap3A_401 = tpu.vector_load %arg12[%swap3A_399, %swap3A_400] {strides = array<i32>} : memref<80x128xf32, #tpu.memory_space<vmem>>, vector<16xf32>,
        tpu.vector_store %arg12[%swap3A_399, %swap3A_400], %get3A_398 {strides = array<i32>} : memref<80x128xf32, #tpu.memory_space<vmem>>, vector<16xf32>,
        %mul3A_402 = arith.constant 128 : i32
        %mul3A_403 = arith.muli %scan3A_357, %mul3A_402 : i32
        %add3A_404 = arith.constant 80 : i32
        %add3A_405 = arith.addi %mul3A_403, %add3A_404 : i32
        %get3A_406 = arith.index_cast %add3A_405 : i32 to index
        %get3A_407 = tpu.vector_load %arg14[%get3A_406] {strides = array<i32>} : memref<10240xf32, #tpu.memory_space<vmem>>, vector<16xf32>,
        %swap3A_408 = arith.index_cast %scan3A_357 : i32 to index
        %swap3A_409 = arith.constant 80 : index
        %swap3A_410 = tpu.vector_load %arg12[%swap3A_408, %swap3A_409] {strides = array<i32>} : memref<80x128xf32, #tpu.memory_space<vmem>>, vector<16xf32>,
        tpu.vector_store %arg12[%swap3A_408, %swap3A_409], %get3A_407 {strides = array<i32>} : memref<80x128xf32, #tpu.memory_space<vmem>>, vector<16xf32>,
        %mul3A_411 = arith.constant 128 : i32
        %mul3A_412 = arith.muli %scan3A_357, %mul3A_411 : i32
        %add3A_413 = arith.constant 96 : i32
        %add3A_414 = arith.addi %mul3A_412, %add3A_413 : i32
        %get3A_415 = arith.index_cast %add3A_414 : i32 to index
        %get3A_416 = tpu.vector_load %arg14[%get3A_415] {strides = array<i32>} : memref<10240xf32, #tpu.memory_space<vmem>>, vector<16xf32>,
        %swap3A_417 = arith.index_cast %scan3A_357 : i32 to index
        %swap3A_418 = arith.constant 96 : index
        %swap3A_419 = tpu.vector_load %arg12[%swap3A_417, %swap3A_418] {strides = array<i32>} : memref<80x128xf32, #tpu.memory_space<vmem>>, vector<16xf32>,
        tpu.vector_store %arg12[%swap3A_417, %swap3A_418], %get3A_416 {strides = array<i32>} : memref<80x128xf32, #tpu.memory_space<vmem>>, vector<16xf32>,
        %mul3A_420 = arith.constant 128 : i32
        %mul3A_421 = arith.muli %scan3A_357, %mul3A_420 : i32
        %add3A_422 = arith.constant 112 : i32
        %add3A_423 = arith.addi %mul3A_421, %add3A_422 : i32
        %get3A_424 = arith.index_cast %add3A_423 : i32 to index
        %get3A_425 = tpu.vector_load %arg14[%get3A_424] {strides = array<i32>} : memref<10240xf32, #tpu.memory_space<vmem>>, vector<16xf32>,
        %swap3A_426 = arith.index_cast %scan3A_357 : i32 to index
        %swap3A_427 = arith.constant 112 : index
        %swap3A_428 = tpu.vector_load %arg12[%swap3A_426, %swap3A_427] {strides = array<i32>} : memref<80x128xf32, #tpu.memory_space<vmem>>, vector<16xf32>,
        tpu.vector_store %arg12[%swap3A_426, %swap3A_427], %get3A_425 {strides = array<i32>} : memref<80x128xf32, #tpu.memory_space<vmem>>, vector<16xf32>,
      }
      %scan3A_350 = arith.constant 80 : i32
      "tpu.region"() ({
        %run_scoped3A = tpu.sem_alloc : memref<!tpu.dma_semaphore, #tpu.memory_space<semaphore_mem>>
        %dma_start3A_357 = arith.constant 0 : i32
        %dma_start3A_358 = arith.constant 0 : i32
        %dma_start3A_359 = tpu.memref_slice %arg12[%dma_start3A_357, %dma_start3A_358] : memref<80x128xf32, #tpu.memory_space<vmem>> -> memref<80x128xf32, #tpu.memory_space<vmem>>
        %dma_start3A_360 = arith.constant 0 : i32
        %dma_start3A_361 = arith.constant 0 : i32
        %dma_start3A_362 = tpu.memref_slice %arg16[%dma_start3A_360, %dma_start3A_361] : memref<10000x128xf32, #tpu.memory_space<vmem_shared>> -> memref<10000x128xf32, #tpu.memory_space<vmem_shared>>
        tpu.enqueue_indirect_dma source(%dma_start3A_359 : memref<80x128xf32, #tpu.memory_space<vmem>>) target(%dma_start3A_362 : memref<10000x128xf32, #tpu.memory_space<vmem_shared>>) offsets(%arg15 : memref<80xi32, #tpu.memory_space<vmem>>) semaphore(%run_scoped3A : memref<!tpu.dma_semaphore, #tpu.memory_space<semaphore_mem>>) {add = true}
        %dma_wait3A = arith.constant 0 : i32
        %dma_wait3A_363 = arith.constant 0 : i32
        %dma_wait3A_364 = tpu.memref_slice %arg12[%dma_wait3A, %dma_wait3A_363] : memref<80x128xf32, #tpu.memory_space<vmem>> -> memref<80x128xf32, #tpu.memory_space<vmem>>
        %dma_wait3A_365 = arith.constant 0 : i32
        %dma_wait3A_366 = arith.constant 0 : i32
        %dma_wait3A_367 = tpu.memref_slice %arg16[%dma_wait3A_365, %dma_wait3A_366] : memref<10000x128xf32, #tpu.memory_space<vmem_shared>> -> memref<10000x128xf32, #tpu.memory_space<vmem_shared>>
        tpu.wait_indirect_dma semaphore(%run_scoped3A : memref<!tpu.dma_semaphore, #tpu.memory_space<semaphore_mem>>) src(%dma_wait3A_364 : memref<80x128xf32, #tpu.memory_space<vmem>>) dst(%dma_wait3A_367 : memref<10000x128xf32, #tpu.memory_space<vmem_shared>>)
        tpu.yield
      }) : () -> ()
      %barrier3A_351 = arith.constant 0 : index
      tpu.barrier barrier_id(%barrier3A_351)
      %eq3A_352 = arith.constant 0 : i32
      %eq3A_353 = arith.cmpi eq, %arg1, %eq3A_352 : i32
      %convert_element_type3A_354 = arith.extui %eq3A_353 : i1 to i32
      %cond3A_355 = arith.constant 0 : i32
      %cond3A_356 = arith.cmpi ne, %convert_element_type3A_354, %cond3A_355 : i32
      scf.if %cond3A_356 {
        "tpu.region"() ({
          %run_scoped3A = tpu.sem_alloc : memref<!tpu.dma_semaphore, #tpu.memory_space<semaphore_mem>>
          %dma_start3A_357 = arith.constant 0 : i32
          %dma_start3A_358 = arith.constant 0 : i32
          %dma_start3A_359 = tpu.memref_slice %arg16[%dma_start3A_357, %dma_start3A_358] : memref<10000x128xf32, #tpu.memory_space<vmem_shared>> -> memref<80x128xf32, #tpu.memory_space<vmem_shared>>
          tpu.enqueue_dma source(%dma_start3A_359 : memref<80x128xf32, #tpu.memory_space<vmem_shared>>) target(%arg7 : memref<80x128xf32, #tpu.memory_space<hbm>>) target_semaphore(%run_scoped3A : memref<!tpu.dma_semaphore, #tpu.memory_space<semaphore_mem>>)
          %dma_wait3A = arith.constant 0 : i32
          %dma_wait3A_360 = arith.constant 0 : i32
          %dma_wait3A_361 = tpu.memref_slice %arg16[%dma_wait3A, %dma_wait3A_360] : memref<10000x128xf32, #tpu.memory_space<vmem_shared>> -> memref<80x128xf32, #tpu.memory_space<vmem_shared>>
          tpu.wait_dma2 semaphore(%run_scoped3A : memref<!tpu.dma_semaphore, #tpu.memory_space<semaphore_mem>>) src(%dma_wait3A_361 : memref<80x128xf32, #tpu.memory_space<vmem_shared>>) dst(%arg7 : memref<80x128xf32, #tpu.memory_space<hbm>>)
          tpu.yield
        }) : () -> ()
      } else {
      }
    } else {
    }
    return
  }
}

module attributes {stable_mosaic.version = 14 : i64} {
  func.func @_scale_body(%arg0: i32, %arg1: memref<2000x256xf32, #tpu.memory_space<vmem>>, %arg2: memref<2000x1xf32, #tpu.memory_space<vmem>>, %arg3: memref<2x2000x128xf32, #tpu.memory_space<vmem>>) attributes {dimension_semantics = [#tpu.dimension_semantics<arbitrary>], iteration_bounds = array<i64: 5>, scalar_prefetch = 0 : i64, scratch_operands = 0 : i64, tpu.core_type = #tpu.core_type<tc>, window_params = [{transform_indices = @transform_0, window_bounds = array<i64: 2000, 256>}, {transform_indices = @transform_1, window_bounds = array<i64: 2000, 1>}, {transform_indices = @transform_2, window_bounds = array<i64: 2, 2000, 128>}]} {
    %get3A = arith.constant 0 : index
    %get3A_0 = arith.constant 0 : index
    %get3A_1 = vector.load %arg1[%get3A, %get3A_0] : memref<2000x256xf32, #tpu.memory_space<vmem>>, vector<2000x256xf32>
    %get3A_2 = arith.constant 0 : index
    %get3A_3 = arith.constant 0 : index
    %get3A_4 = vector.load %arg2[%get3A_2, %get3A_3] : memref<2000x1xf32, #tpu.memory_space<vmem>>, vector<2000x1xf32>
    %mul3A = vector.broadcast %get3A_4 : vector<2000x1xf32> to vector<2000x256xf32>
    %mul3A_5 = arith.mulf %get3A_1, %mul3A : vector<2000x256xf32>
    %slice3A = vector.extract_strided_slice %mul3A_5 {offsets = [0, 0], sizes = [2000, 128], strides = [1, 1]} : vector<2000x256xf32> to vector<2000x128xf32>
    %swap3A = arith.constant 0 : index
    %swap3A_6 = arith.constant 0 : index
    %swap3A_7 = arith.constant 0 : index
    %swap3A_8 = vector.load %arg3[%swap3A, %swap3A_6, %swap3A_7] : memref<2x2000x128xf32, #tpu.memory_space<vmem>>, vector<1x2000x128xf32>
    %swap3A_9 = vector.shape_cast %swap3A_8 : vector<1x2000x128xf32> to vector<2000x128xf32>
    %swap3A_10 = vector.shape_cast %slice3A : vector<2000x128xf32> to vector<1x2000x128xf32>
    tpu.vector_store %arg3[%swap3A, %swap3A_6, %swap3A_7], %swap3A_10 {strides = array<i32>} : memref<2x2000x128xf32, #tpu.memory_space<vmem>>, vector<1x2000x128xf32>,
    %slice3A_11 = vector.extract_strided_slice %mul3A_5 {offsets = [0, 128], sizes = [2000, 128], strides = [1, 1]} : vector<2000x256xf32> to vector<2000x128xf32>
    %swap3A_12 = arith.constant 1 : index
    %swap3A_13 = arith.constant 0 : index
    %swap3A_14 = arith.constant 0 : index
    %swap3A_15 = vector.load %arg3[%swap3A_12, %swap3A_13, %swap3A_14] : memref<2x2000x128xf32, #tpu.memory_space<vmem>>, vector<1x2000x128xf32>
    %swap3A_16 = vector.shape_cast %swap3A_15 : vector<1x2000x128xf32> to vector<2000x128xf32>
    %swap3A_17 = vector.shape_cast %slice3A_11 : vector<2000x128xf32> to vector<1x2000x128xf32>
    tpu.vector_store %arg3[%swap3A_12, %swap3A_13, %swap3A_14], %swap3A_17 {strides = array<i32>} : memref<2x2000x128xf32, #tpu.memory_space<vmem>>, vector<1x2000x128xf32>,
    return
  }
  func.func @transform_0(%arg0: i32) -> (i32, i32) {
    %c0_i32 = arith.constant 0 : i32
    %c0_i32_0 = arith.constant 0 : i32
    return %arg0, %c0_i32 : i32, i32
  }
  func.func @transform_1(%arg0: i32) -> (i32, i32) {
    %c0_i32 = arith.constant 0 : i32
    %c0_i32_0 = arith.constant 0 : i32
    return %arg0, %c0_i32 : i32, i32
  }
  func.func @transform_2(%arg0: i32) -> (i32, i32, i32) {
    %c0_i32 = arith.constant 0 : i32
    %c0_i32_0 = arith.constant 0 : i32
    %c0_i32_1 = arith.constant 0 : i32
    return %c0_i32, %arg0, %c0_i32_0 : i32, i32, i32
  }
}

module attributes {stable_mosaic.version = 14 : i64} {
  func.func @_post_body(%arg0: i32, %arg1: memref<2000x128xf32, #tpu.memory_space<vmem>>, %arg2: memref<2000x128xf32, #tpu.memory_space<vmem>>, %arg3: memref<2000x1xf32, #tpu.memory_space<vmem>>, %arg4: memref<2x2000x128xf32, #tpu.memory_space<vmem>>, %arg5: memref<2000x1xf32, #tpu.memory_space<vmem>>, %arg6: memref<2000x512xf32, #tpu.memory_space<vmem>>, %arg7: memref<2000x256xf32, #tpu.memory_space<vmem>>, %arg8: memref<8x256xf32, #tpu.memory_space<vmem>>) attributes {dimension_semantics = [#tpu.dimension_semantics<arbitrary>], iteration_bounds = array<i64: 5>, scalar_prefetch = 0 : i64, scratch_operands = 0 : i64, tpu.core_type = #tpu.core_type<tc>, window_params = [{transform_indices = @transform_0, window_bounds = array<i64: 2000, 128>}, {transform_indices = @transform_1, window_bounds = array<i64: 2000, 128>}, {transform_indices = @transform_2, window_bounds = array<i64: 2000, 1>}, {transform_indices = @transform_3, window_bounds = array<i64: 2, 2000, 128>}, {transform_indices = @transform_4, window_bounds = array<i64: 2000, 1>}, {transform_indices = @transform_5, window_bounds = array<i64: 2000, 512>}, {transform_indices = @transform_6, window_bounds = array<i64: 2000, 256>}, {pipeline_mode = #tpu.pipeline_mode<synchronous>, transform_indices = @transform_7, window_bounds = array<i64: 8, 256>}]} {
    %eq3A = arith.constant 0 : i32
    %eq3A_0 = arith.cmpi eq, %arg0, %eq3A : i32
    %convert_element_type3A = arith.extui %eq3A_0 : i1 to i32
    %cond3A = arith.constant 0 : i32
    %cond3A_1 = arith.cmpi ne, %convert_element_type3A, %cond3A : i32
    scf.if %cond3A_1 {
      %broadcast_in_dim3A_99 = arith.constant 0.000000e+00 : f32
      %broadcast_in_dim3A_100 = vector.broadcast %broadcast_in_dim3A_99 : f32 to vector<8x256xf32>
      %swap3A_101 = arith.constant 0 : index
      %swap3A_102 = arith.constant 0 : index
      %swap3A_103 = vector.load %arg8[%swap3A_101, %swap3A_102] : memref<8x256xf32, #tpu.memory_space<vmem>>, vector<8x256xf32>
      tpu.vector_store %arg8[%swap3A_101, %swap3A_102], %broadcast_in_dim3A_100 {strides = array<i32>} : memref<8x256xf32, #tpu.memory_space<vmem>>, vector<8x256xf32>,
    } else {
    }
    %get3A = arith.constant 0 : index
    %get3A_2 = arith.constant 0 : index
    %get3A_3 = vector.load %arg3[%get3A, %get3A_2] : memref<2000x1xf32, #tpu.memory_space<vmem>>, vector<2000x1xf32>
    %max3A = arith.constant 1.000000e+00 : f32
    %max3A_4 = vector.broadcast %max3A : f32 to vector<2000x1xf32>
    %max3A_5 = arith.maximumf %get3A_3, %max3A_4 : vector<2000x1xf32>
    %div3A = arith.constant 1.000000e+00 : f32
    %div3A_6 = vector.broadcast %div3A : f32 to vector<2000x1xf32>
    %div3A_7 = arith.divf %div3A_6, %max3A_5 : vector<2000x1xf32>
    %get3A_8 = arith.constant 0 : index
    %get3A_9 = arith.constant 0 : index
    %get3A_10 = vector.load %arg1[%get3A_8, %get3A_9] : memref<2000x128xf32, #tpu.memory_space<vmem>>, vector<2000x128xf32>
    %mul3A = vector.broadcast %div3A_7 : vector<2000x1xf32> to vector<2000x128xf32>
    %mul3A_11 = arith.mulf %get3A_10, %mul3A : vector<2000x128xf32>
    %get3A_12 = arith.constant 0 : index
    %get3A_13 = arith.constant 0 : index
    %get3A_14 = vector.load %arg2[%get3A_12, %get3A_13] : memref<2000x128xf32, #tpu.memory_space<vmem>>, vector<2000x128xf32>
    %mul3A_15 = vector.broadcast %div3A_7 : vector<2000x1xf32> to vector<2000x128xf32>
    %mul3A_16 = arith.mulf %get3A_14, %mul3A_15 : vector<2000x128xf32>
    %get3A_17 = arith.constant 0 : index
    %get3A_18 = arith.constant 0 : index
    %get3A_19 = arith.constant 0 : index
    %get3A_20 = vector.load %arg4[%get3A_17, %get3A_18, %get3A_19] : memref<2x2000x128xf32, #tpu.memory_space<vmem>>, vector<1x2000x128xf32>
    %get3A_21 = vector.shape_cast %get3A_20 : vector<1x2000x128xf32> to vector<2000x128xf32>
    %get3A_22 = arith.constant 1 : index
    %get3A_23 = arith.constant 0 : index
    %get3A_24 = arith.constant 0 : index
    %get3A_25 = vector.load %arg4[%get3A_22, %get3A_23, %get3A_24] : memref<2x2000x128xf32, #tpu.memory_space<vmem>>, vector<1x2000x128xf32>
    %get3A_26 = vector.shape_cast %get3A_25 : vector<1x2000x128xf32> to vector<2000x128xf32>
    %mul3A_27 = arith.mulf %get3A_21, %get3A_21 : vector<2000x128xf32>
    %reduce_sum3A = arith.constant dense<0.000000e+00> : vector<2000xf32>
    %reduce_sum3A_28 = vector.multi_reduction <add>, %mul3A_27, %reduce_sum3A [1] : vector<2000x128xf32> to vector<2000xf32>
    %broadcast_in_dim3A = vector.shape_cast %reduce_sum3A_28 : vector<2000xf32> to vector<2000x1xf32>
    %mul3A_29 = arith.mulf %get3A_26, %get3A_26 : vector<2000x128xf32>
    %reduce_sum3A_30 = arith.constant dense<0.000000e+00> : vector<2000xf32>
    %reduce_sum3A_31 = vector.multi_reduction <add>, %mul3A_29, %reduce_sum3A_30 [1] : vector<2000x128xf32> to vector<2000xf32>
    %broadcast_in_dim3A_32 = vector.shape_cast %reduce_sum3A_31 : vector<2000xf32> to vector<2000x1xf32>
    %add3A = arith.addf %broadcast_in_dim3A, %broadcast_in_dim3A_32 : vector<2000x1xf32>
    %mul3A_33 = arith.mulf %mul3A_11, %mul3A_11 : vector<2000x128xf32>
    %reduce_sum3A_34 = arith.constant dense<0.000000e+00> : vector<2000xf32>
    %reduce_sum3A_35 = vector.multi_reduction <add>, %mul3A_33, %reduce_sum3A_34 [1] : vector<2000x128xf32> to vector<2000xf32>
    %broadcast_in_dim3A_36 = vector.shape_cast %reduce_sum3A_35 : vector<2000xf32> to vector<2000x1xf32>
    %add3A_37 = arith.addf %add3A, %broadcast_in_dim3A_36 : vector<2000x1xf32>
    %mul3A_38 = arith.mulf %mul3A_16, %mul3A_16 : vector<2000x128xf32>
    %reduce_sum3A_39 = arith.constant dense<0.000000e+00> : vector<2000xf32>
    %reduce_sum3A_40 = vector.multi_reduction <add>, %mul3A_38, %reduce_sum3A_39 [1] : vector<2000x128xf32> to vector<2000xf32>
    %broadcast_in_dim3A_41 = vector.shape_cast %reduce_sum3A_40 : vector<2000xf32> to vector<2000x1xf32>
    %add3A_42 = arith.addf %add3A_37, %broadcast_in_dim3A_41 : vector<2000x1xf32>
    %sqrt3A = math.sqrt %add3A_42 : vector<2000x1xf32>
    %max3A_43 = arith.constant 9.99999996E-13 : f32
    %max3A_44 = vector.broadcast %max3A_43 : f32 to vector<2000x1xf32>
    %max3A_45 = arith.maximumf %sqrt3A, %max3A_44 : vector<2000x1xf32>
    %div3A_46 = arith.constant 1.000000e+00 : f32
    %div3A_47 = vector.broadcast %div3A_46 : f32 to vector<2000x1xf32>
    %div3A_48 = arith.divf %div3A_47, %max3A_45 : vector<2000x1xf32>
    %mul3A_49 = vector.broadcast %div3A_48 : vector<2000x1xf32> to vector<2000x128xf32>
    %mul3A_50 = arith.mulf %get3A_21, %mul3A_49 : vector<2000x128xf32>
    %swap3A = arith.constant 0 : index
    %swap3A_51 = arith.constant 0 : index
    %swap3A_52 = vector.load %arg6[%swap3A, %swap3A_51] : memref<2000x512xf32, #tpu.memory_space<vmem>>, vector<2000x128xf32>
    tpu.vector_store %arg6[%swap3A, %swap3A_51], %mul3A_50 {strides = array<i32>} : memref<2000x512xf32, #tpu.memory_space<vmem>>, vector<2000x128xf32>,
    %mul3A_53 = vector.broadcast %div3A_48 : vector<2000x1xf32> to vector<2000x128xf32>
    %mul3A_54 = arith.mulf %get3A_26, %mul3A_53 : vector<2000x128xf32>
    %swap3A_55 = arith.constant 0 : index
    %swap3A_56 = arith.constant 128 : index
    %swap3A_57 = vector.load %arg6[%swap3A_55, %swap3A_56] : memref<2000x512xf32, #tpu.memory_space<vmem>>, vector<2000x128xf32>
    tpu.vector_store %arg6[%swap3A_55, %swap3A_56], %mul3A_54 {strides = array<i32>} : memref<2000x512xf32, #tpu.memory_space<vmem>>, vector<2000x128xf32>,
    %mul3A_58 = vector.broadcast %div3A_48 : vector<2000x1xf32> to vector<2000x128xf32>
    %mul3A_59 = arith.mulf %mul3A_11, %mul3A_58 : vector<2000x128xf32>
    %swap3A_60 = arith.constant 0 : index
    %swap3A_61 = arith.constant 256 : index
    %swap3A_62 = vector.load %arg6[%swap3A_60, %swap3A_61] : memref<2000x512xf32, #tpu.memory_space<vmem>>, vector<2000x128xf32>
    tpu.vector_store %arg6[%swap3A_60, %swap3A_61], %mul3A_59 {strides = array<i32>} : memref<2000x512xf32, #tpu.memory_space<vmem>>, vector<2000x128xf32>,
    %mul3A_63 = vector.broadcast %div3A_48 : vector<2000x1xf32> to vector<2000x128xf32>
    %mul3A_64 = arith.mulf %mul3A_16, %mul3A_63 : vector<2000x128xf32>
    %swap3A_65 = arith.constant 0 : index
    %swap3A_66 = arith.constant 384 : index
    %swap3A_67 = vector.load %arg6[%swap3A_65, %swap3A_66] : memref<2000x512xf32, #tpu.memory_space<vmem>>, vector<2000x128xf32>
    tpu.vector_store %arg6[%swap3A_65, %swap3A_66], %mul3A_64 {strides = array<i32>} : memref<2000x512xf32, #tpu.memory_space<vmem>>, vector<2000x128xf32>,
    %get3A_68 = arith.constant 0 : index
    %get3A_69 = arith.constant 0 : index
    %get3A_70 = vector.load %arg5[%get3A_68, %get3A_69] : memref<2000x1xf32, #tpu.memory_space<vmem>>, vector<2000x1xf32>
    %mul3A_71 = vector.broadcast %get3A_70 : vector<2000x1xf32> to vector<2000x128xf32>
    %mul3A_72 = arith.mulf %mul3A_11, %mul3A_71 : vector<2000x128xf32>
    %mul3A_73 = vector.broadcast %get3A_70 : vector<2000x1xf32> to vector<2000x128xf32>
    %mul3A_74 = arith.mulf %mul3A_16, %mul3A_73 : vector<2000x128xf32>
    %concatenate3A = tpu.concatenate %mul3A_72, %mul3A_74 in 1 : vector<2000x128xf32>, vector<2000x128xf32> -> vector<2000x256xf32>
    %swap3A_75 = arith.constant 0 : index
    %swap3A_76 = arith.constant 0 : index
    %swap3A_77 = vector.load %arg7[%swap3A_75, %swap3A_76] : memref<2000x256xf32, #tpu.memory_space<vmem>>, vector<2000x256xf32>
    tpu.vector_store %arg7[%swap3A_75, %swap3A_76], %concatenate3A {strides = array<i32>} : memref<2000x256xf32, #tpu.memory_space<vmem>>, vector<2000x256xf32>,
    %get3A_78 = arith.constant 0 : index
    %get3A_79 = arith.constant 0 : index
    %get3A_80 = vector.load %arg8[%get3A_78, %get3A_79] : memref<8x256xf32, #tpu.memory_space<vmem>>, vector<1x256xf32>
    %reduce_sum3A_81 = arith.constant dense<0.000000e+00> : vector<256xf32>
    %reduce_sum3A_82 = vector.multi_reduction <add>, %concatenate3A, %reduce_sum3A_81 [0] : vector<2000x256xf32> to vector<256xf32>
    %broadcast_in_dim3A_83 = vector.shape_cast %reduce_sum3A_82 : vector<256xf32> to vector<1x256xf32>
    %add3A_84 = arith.addf %get3A_80, %broadcast_in_dim3A_83 : vector<1x256xf32>
    %swap3A_85 = arith.constant 0 : index
    %swap3A_86 = arith.constant 0 : index
    %swap3A_87 = vector.load %arg8[%swap3A_85, %swap3A_86] : memref<8x256xf32, #tpu.memory_space<vmem>>, vector<1x256xf32>
    tpu.vector_store %arg8[%swap3A_85, %swap3A_86], %add3A_84 {strides = array<i32>} : memref<8x256xf32, #tpu.memory_space<vmem>>, vector<1x256xf32>,
    %get3A_88 = arith.constant 1 : index
    %get3A_89 = arith.constant 0 : index
    %get3A_90 = vector.load %arg8[%get3A_88, %get3A_89] : memref<8x256xf32, #tpu.memory_space<vmem>>, vector<1x256xf32>
    %mul3A_91 = arith.mulf %concatenate3A, %concatenate3A : vector<2000x256xf32>
    %reduce_sum3A_92 = arith.constant dense<0.000000e+00> : vector<256xf32>
    %reduce_sum3A_93 = vector.multi_reduction <add>, %mul3A_91, %reduce_sum3A_92 [0] : vector<2000x256xf32> to vector<256xf32>
    %broadcast_in_dim3A_94 = vector.shape_cast %reduce_sum3A_93 : vector<256xf32> to vector<1x256xf32>
    %add3A_95 = arith.addf %get3A_90, %broadcast_in_dim3A_94 : vector<1x256xf32>
    %swap3A_96 = arith.constant 1 : index
    %swap3A_97 = arith.constant 0 : index
    %swap3A_98 = vector.load %arg8[%swap3A_96, %swap3A_97] : memref<8x256xf32, #tpu.memory_space<vmem>>, vector<1x256xf32>
    tpu.vector_store %arg8[%swap3A_96, %swap3A_97], %add3A_95 {strides = array<i32>} : memref<8x256xf32, #tpu.memory_space<vmem>>, vector<1x256xf32>,
    return
  }
  func.func @transform_0(%arg0: i32) -> (i32, i32) {
    %c0_i32 = arith.constant 0 : i32
    %c0_i32_0 = arith.constant 0 : i32
    return %arg0, %c0_i32 : i32, i32
  }
  func.func @transform_1(%arg0: i32) -> (i32, i32) {
    %c0_i32 = arith.constant 0 : i32
    %c0_i32_0 = arith.constant 0 : i32
    return %arg0, %c0_i32 : i32, i32
  }
  func.func @transform_2(%arg0: i32) -> (i32, i32) {
    %c0_i32 = arith.constant 0 : i32
    %c0_i32_0 = arith.constant 0 : i32
    return %arg0, %c0_i32 : i32, i32
  }
  func.func @transform_3(%arg0: i32) -> (i32, i32, i32) {
    %c0_i32 = arith.constant 0 : i32
    %c0_i32_0 = arith.constant 0 : i32
    %c0_i32_1 = arith.constant 0 : i32
    return %c0_i32, %arg0, %c0_i32_0 : i32, i32, i32
  }
  func.func @transform_4(%arg0: i32) -> (i32, i32) {
    %c0_i32 = arith.constant 0 : i32
    %c0_i32_0 = arith.constant 0 : i32
    return %arg0, %c0_i32 : i32, i32
  }
  func.func @transform_5(%arg0: i32) -> (i32, i32) {
    %c0_i32 = arith.constant 0 : i32
    %c0_i32_0 = arith.constant 0 : i32
    return %arg0, %c0_i32 : i32, i32
  }
  func.func @transform_6(%arg0: i32) -> (i32, i32) {
    %c0_i32 = arith.constant 0 : i32
    %c0_i32_0 = arith.constant 0 : i32
    return %arg0, %c0_i32 : i32, i32
  }
  func.func @transform_7(%arg0: i32) -> (i32, i32) {
    %c0_i32 = arith.constant 0 : i32
    %c0_i32_0 = arith.constant 0 : i32
    %c0_i32_1 = arith.constant 0 : i32
    return %c0_i32, %c0_i32_0 : i32, i32
  }
}

module attributes {stable_mosaic.version = 14 : i64} {
  func.func @_bn_body(%arg0: i32, %arg1: memref<2000x256xf32, #tpu.memory_space<vmem>>, %arg2: memref<8x256xf32, #tpu.memory_space<vmem>>, %arg3: memref<1x256xf32, #tpu.memory_space<vmem>>, %arg4: memref<1x256xf32, #tpu.memory_space<vmem>>, %arg5: memref<2000x256xf32, #tpu.memory_space<vmem>>) attributes {dimension_semantics = [#tpu.dimension_semantics<arbitrary>], iteration_bounds = array<i64: 5>, scalar_prefetch = 0 : i64, scratch_operands = 0 : i64, tpu.core_type = #tpu.core_type<tc>, window_params = [{transform_indices = @transform_0, window_bounds = array<i64: 2000, 256>}, {pipeline_mode = #tpu.pipeline_mode<synchronous>, transform_indices = @transform_1, window_bounds = array<i64: 8, 256>}, {pipeline_mode = #tpu.pipeline_mode<synchronous>, transform_indices = @transform_2, window_bounds = array<i64: 1, 256>}, {pipeline_mode = #tpu.pipeline_mode<synchronous>, transform_indices = @transform_3, window_bounds = array<i64: 1, 256>}, {transform_indices = @transform_4, window_bounds = array<i64: 2000, 256>}]} {
    %get3A = arith.constant 0 : index
    %get3A_0 = arith.constant 0 : index
    %get3A_1 = vector.load %arg2[%get3A, %get3A_0] : memref<8x256xf32, #tpu.memory_space<vmem>>, vector<1x256xf32>
    %div3A = arith.constant 1.000000e+04 : f32
    %div3A_2 = vector.broadcast %div3A : f32 to vector<1x256xf32>
    %div3A_3 = arith.divf %get3A_1, %div3A_2 : vector<1x256xf32>
    %get3A_4 = arith.constant 1 : index
    %get3A_5 = arith.constant 0 : index
    %get3A_6 = vector.load %arg2[%get3A_4, %get3A_5] : memref<8x256xf32, #tpu.memory_space<vmem>>, vector<1x256xf32>
    %div3A_7 = arith.constant 1.000000e+04 : f32
    %div3A_8 = vector.broadcast %div3A_7 : f32 to vector<1x256xf32>
    %div3A_9 = arith.divf %get3A_6, %div3A_8 : vector<1x256xf32>
    %mul3A = arith.mulf %div3A_3, %div3A_3 : vector<1x256xf32>
    %sub3A = arith.subf %div3A_9, %mul3A : vector<1x256xf32>
    %get3A_10 = arith.constant 0 : index
    %get3A_11 = arith.constant 0 : index
    %get3A_12 = vector.load %arg3[%get3A_10, %get3A_11] : memref<1x256xf32, #tpu.memory_space<vmem>>, vector<1x256xf32>
    %add3A = arith.constant 9.99999974E-6 : f32
    %add3A_13 = vector.broadcast %add3A : f32 to vector<1x256xf32>
    %add3A_14 = arith.addf %sub3A, %add3A_13 : vector<1x256xf32>
    %rsqrt3A = math.rsqrt %add3A_14 : vector<1x256xf32>
    %mul3A_15 = arith.mulf %get3A_12, %rsqrt3A : vector<1x256xf32>
    %get3A_16 = arith.constant 0 : index
    %get3A_17 = arith.constant 0 : index
    %get3A_18 = vector.load %arg1[%get3A_16, %get3A_17] : memref<2000x256xf32, #tpu.memory_space<vmem>>, vector<2000x256xf32>
    %sub3A_19 = vector.broadcast %div3A_3 : vector<1x256xf32> to vector<2000x256xf32>
    %sub3A_20 = arith.subf %get3A_18, %sub3A_19 : vector<2000x256xf32>
    %mul3A_21 = vector.broadcast %mul3A_15 : vector<1x256xf32> to vector<2000x256xf32>
    %mul3A_22 = arith.mulf %sub3A_20, %mul3A_21 : vector<2000x256xf32>
    %get3A_23 = arith.constant 0 : index
    %get3A_24 = arith.constant 0 : index
    %get3A_25 = vector.load %arg4[%get3A_23, %get3A_24] : memref<1x256xf32, #tpu.memory_space<vmem>>, vector<1x256xf32>
    %add3A_26 = vector.broadcast %get3A_25 : vector<1x256xf32> to vector<2000x256xf32>
    %add3A_27 = arith.addf %mul3A_22, %add3A_26 : vector<2000x256xf32>
    %swap3A = arith.constant 0 : index
    %swap3A_28 = arith.constant 0 : index
    %swap3A_29 = vector.load %arg5[%swap3A, %swap3A_28] : memref<2000x256xf32, #tpu.memory_space<vmem>>, vector<2000x256xf32>
    tpu.vector_store %arg5[%swap3A, %swap3A_28], %add3A_27 {strides = array<i32>} : memref<2000x256xf32, #tpu.memory_space<vmem>>, vector<2000x256xf32>,
    return
  }
  func.func @transform_0(%arg0: i32) -> (i32, i32) {
    %c0_i32 = arith.constant 0 : i32
    %c0_i32_0 = arith.constant 0 : i32
    return %arg0, %c0_i32 : i32, i32
  }
  func.func @transform_1(%arg0: i32) -> (i32, i32) {
    %c0_i32 = arith.constant 0 : i32
    %c0_i32_0 = arith.constant 0 : i32
    %c0_i32_1 = arith.constant 0 : i32
    return %c0_i32, %c0_i32_0 : i32, i32
  }
  func.func @transform_2(%arg0: i32) -> (i32, i32) {
    %c0_i32 = arith.constant 0 : i32
    %c0_i32_0 = arith.constant 0 : i32
    %c0_i32_1 = arith.constant 0 : i32
    return %c0_i32, %c0_i32_0 : i32, i32
  }
  func.func @transform_3(%arg0: i32) -> (i32, i32) {
    %c0_i32 = arith.constant 0 : i32
    %c0_i32_0 = arith.constant 0 : i32
    %c0_i32_1 = arith.constant 0 : i32
    return %c0_i32, %c0_i32_0 : i32, i32
  }
  func.func @transform_4(%arg0: i32) -> (i32, i32) {
    %c0_i32 = arith.constant 0 : i32
    %c0_i32_0 = arith.constant 0 : i32
    return %arg0, %c0_i32 : i32, i32
  }
}

</mosaic_0001>

<sc_bundles>
// kernel: kernel.6.cloned.1.call-start
scs
__scs_entry_jumppad:
0x0: {  	(pc) =	sbr.rel $0x88, $3  }
0x1: {  	(tag) =	ssettag $0x0;
	lr =	simm.s32 $0x1  }
0x2: {  	[smem:$0x3F9C] =	sst lr;
	_ =	strace $0xD0000000  }
0x3: {  	_ = 	snop  }
0x4: {  	_ = 	snop  }
0x5: {  	_ = 	snop  }
0x6: {  	_ = 	snop  }
0x7: {  	_ = 	snop  }
__scs_overlays_trampoline_lowered:
0x8: {  	[smem:$0x3FAB] =	sst s0  }
0x9: {  	[smem:$0x3FAC] =	sst s1  }
0xa: {  	[smem:$0x3FAD] =	sst s2  }
0xb: {  	[smem:$0x3FAE] =	sst s3  }
0xc: {  	[smem:$0x3FAF] =	sst s4  }
0xd: {  	[smem:$0x3FB0] =	sst s5  }
0xe: {  	[smem:$0x3FB1] =	sst s6  }
0xf: {  	[smem:$0x3FB2] =	sst s7  }
0x10: {  	[smem:$0x3FB3] =	sst s8  }
0x11: {  	[smem:$0x3FB4] =	sst s9;
	s0 =	simm.s32 @!p0 $0x0  }
0x12: {  	s1 =	sld [smem:$0x3F9A];
	s0 =	simm.s32 @p0 $0x1  }
0x13: {  	[smem:$0x3FB5] =	sst s0;
	s0 =	simm.s32 @!p1 $0x0  }
0x14: {  	s2 =	sld [smem:$0x3F99];
	s0 =	simm.s32 @p1 $0x1  }
0x15: {  	[smem:$0x3FB6] =	sst s0;
	s0 =	simm.s32 @!p2 $0x0  }
0x16: {  	s3 =	sld [smem:$0x3FDB];
	s0 =	simm.s32 @p2 $0x1  }
0x17: {  	s4 =	simm.s32 $0x1BF5;
	[smem:$0x3FB8] =	sst s0  }
0x18: {  	s0 =	sld [smem:$0x3F9B];
	_ =	swait.ge [sflag:s4], $0x0  }
0x19: {  	s7 =	sld [smem:$0x3F9C]  }
0x1a: {  	s8 =	sadd.s32 $0xFFFFE003, lr  }
0x1b: {  	s9 =	sadd.s32 $0xFFFFFEF7, lr;
	s5 =	simm.s32 $0xFFFFFFFF;
	p2 =	slt.u32 s8, $0xFFFFF086  }
0x1c: {  	p1 =	slt.u32 s9, $0xF7A;
	s5 =	simm.s32 @!p2 $0x0  }
0x1d: {  	s5 =	simm.s32 @p1 $0x1;
	p0 =	seq.s32 s7, s2  }
0x1e: {  	s7 =	smul.u32 @!p0 $0xF7A, s2;
	p2 =	seq.s32 @!p0 s5, $0x0  }
0x1f: {  	s9 =	smul.u32 $0xF7A, s1;
	s8 =	simm.s32 @!p0 $0x1BF5;
	p2 =	por !p2, p0  }
0x20: {  	[sflag:s8] =	ssyncset.s32 @!p0 $0xFFFFF086;
	s6 =	sadd.s32 @!p0 s3, s7;
	s7 =	simm.s32 @!p0 $0x108  }
0x21: {  	s3 =	sadd.s32 s3, s9;
	s6 =	sadd.s32 @!p0 $0x88, s6;
	s7 =	simm.s32 @p2 $0x1082  }
0x22: {  	[simem:s7], [sflag:s8] =	dma.local @!p0 [hbm:s6], $0xF7A  }
0x23: {  	s9 =	sor.u32 $0xD0000000, s2;
	s6 =	simm.s32 $0x108;
	_ =	swait.ge @!p0 [sflag:s8], $0x0  }
0x24: {  	s3 =	sadd.s32 $0x88, s3;
	s6 =	simm.s32 @!p1 $0x1082;
	[sflag:s4] =	ssyncset.s32 $0xFFFFF086  }
0x25: {  	[simem:s6], [sflag:s4] =	dma.local [hbm:s3], $0xF7A  }
0x26: {  	[smem:$0x3F9C] =	sst s1;
	(tag) =	ssettag s2;
	_ =	strace s9  }
0x27: {  	s1 =	sld [smem:$0x3FAC]  }
0x28: {  	s2 =	sld [smem:$0x3FAD]  }
0x29: {  	s4 =	sld [smem:$0x3FAF]  }
0x2a: {  	p0 =	seq.s32 s5, $0x0;
	s5 =	sld [smem:$0x3FB0]  }
0x2b: {  	s6 =	sld [smem:$0x3FB1]  }
0x2c: {  	s7 =	sld [smem:$0x3FB2]  }
0x2d: {  	s3 =	simm.s32 $0x108;
	s8 =	sld [smem:$0x3FB3]  }
0x2e: {  	s3 =	simm.s32 @!p0 $0x1082;
	s9 =	sld [smem:$0x3FB4]  }
0x2f: {  	lr =	sadd.s32 s0, s3;
	s0 =	sld [smem:$0x3FAB]  }
0x30: {  	s3 =	sld [smem:$0x3FAE]  }
0x31: {  	[smem:$0x3FB7] =	sst s10  }
0x32: {  	s10 =	sld [smem:$0x3FB5];
	_ =	sdelay $0x3  }
0x33: {  	p0 =	seq.s32 s10, $0x1;
	s10 =	sld [smem:$0x3FB7];
	_ =	sdelay $0x3  }
0x34: {  	[smem:$0x3FB7] =	sst s10  }
0x35: {  	s10 =	sld [smem:$0x3FB6];
	_ =	sdelay $0x3  }
0x36: {  	p1 =	seq.s32 s10, $0x1;
	s10 =	sld [smem:$0x3FB7];
	_ =	sdelay $0x3  }
0x37: {  	[smem:$0x3FB7] =	sst s10  }
0x38: {  	s10 =	sld [smem:$0x3FB8]  }
0x39: {  	_ = 	snop;
	(pc) =	sbr.ind lr, $3  }
0x3a: {  	_ = 	snop  }
0x3b: {  	_ = 	snop  }
0x3c: {  	p2 =	seq.s32 s10, $0x1;
	s10 =	sld [smem:$0x3FB7]  }
0x3d: {  	_ =	shalt  }
0x3e: {  	_ =	shalt  }
0x3f: {  	_ =	shalt  }
0x40: {  	_ =	shalt  }
0x41: {  	_ =	shalt  }
0x42: {  	_ =	shalt  }
0x43: {  	_ =	shalt  }
0x44: {  	_ =	shalt  }
0x45: {  	_ =	shalt  }
0x46: {  	_ =	shalt  }
0x47: {  	_ =	shalt  }
0x48: {  	_ =	shalt  }
0x49: {  	_ =	shalt  }
0x4a: {  	_ =	shalt  }
0x4b: {  	_ =	shalt  }
0x4c: {  	_ =	shalt  }
0x4d: {  	_ =	shalt  }
0x4e: {  	_ =	shalt  }
0x4f: {  	_ =	shalt  }
0x50: {  	_ =	shalt  }
0x51: {  	_ =	shalt  }
0x52: {  	_ =	shalt  }
0x53: {  	_ =	shalt  }
0x54: {  	_ =	shalt  }
0x55: {  	_ =	shalt  }
0x56: {  	_ =	shalt  }
0x57: {  	_ =	shalt  }
0x58: {  	_ =	shalt  }
0x59: {  	_ =	shalt  }
0x5a: {  	_ =	shalt  }
0x5b: {  	_ =	shalt  }
0x5c: {  	_ =	shalt  }
0x5d: {  	_ =	shalt  }
0x5e: {  	_ =	shalt  }
0x5f: {  	_ =	shalt  }
0x60: {  	_ =	shalt  }
0x61: {  	_ =	shalt  }
0x62: {  	_ =	shalt  }
0x63: {  	_ =	shalt  }
0x64: {  	_ =	shalt  }
0x65: {  	_ =	shalt  }
0x66: {  	_ =	shalt  }
0x67: {  	_ =	shalt  }
0x68: {  	_ =	shalt  }
0x69: {  	_ =	shalt  }
0x6a: {  	_ =	shalt  }
0x6b: {  	_ =	shalt  }
0x6c: {  	_ =	shalt  }
0x6d: {  	_ =	shalt  }
0x6e: {  	_ =	shalt  }
0x6f: {  	_ =	shalt  }
0x70: {  	_ =	shalt  }
0x71: {  	_ =	shalt  }
0x72: {  	_ =	shalt  }
0x73: {  	_ =	shalt  }
0x74: {  	_ =	shalt  }
0x75: {  	_ =	shalt  }
0x76: {  	_ =	shalt  }
0x77: {  	_ =	shalt  }
0x78: {  	_ =	shalt  }
0x79: {  	_ =	shalt  }
0x7a: {  	_ =	shalt  }
0x7b: {  	_ =	shalt  }
0x7c: {  	_ =	shalt  }
0x7d: {  	_ =	shalt  }
0x7e: {  	_ =	shalt  }
0x7f: {  	_ =	shalt  }
0x80: {  	_ =	shalt  }
0x81: {  	_ =	shalt  }
0x82: {  	_ =	shalt  }
0x83: {  	_ =	shalt  }
0x84: {  	_ =	shalt  }
0x85: {  	_ =	shalt  }
0x86: {  	_ =	shalt  }
0x87: {  	_ =	shalt  }
.Lfunc_end0:
.L_simem_size_0:
called_computation_lowered:
.L_overlay_start_0:
0x88: {  	s2 =	sld [smem:$0x3FD9]  }
0x89: {  	s3 =	sld [smem:$0x3FFE];
	_ =	sdelay $0x1  }
0x8a: {  	s1 =	srdreg.scid  }
0x8b: {  	s0 =	sand.u32 $0x1, s1  }
0x8c: {  	s14 =	sshll.u32 s0, $0xA;
	s2 =	sadd.s32 s3, s2  }
0x8d: {  	s2 =	sadd.s32 s2, s14  }
0x8e: {  	[smem:$0x3FC3] =	sst s2  }
0x8f: {  	_ = 	snop  }
0x90: {  	s2 =	sld [smem:$0x3FD0];
	_ =	sdelay $0x2  }
0x91: {  	s15 =	simm.s32 $0xA;
	s4 =	simm.s32 $0x10  }
0x92: {  	[smem:s4], [sflag:s15] =	dma.local [hbm:s2], $0x1  }
0x93: {  	_ =	swait.eq [sflag:s15], $0x1  }
0x94: {  	[sflag:s15] =	ssyncset.done $0x0  }
0x95: {  	[sflag:s15] =	ssyncadd.s32 $0xFFFFFFFF  }
0x96: {  	s16 =	sld [smem:$0x11];
	(tm) =	ssettm $0x1  }
0x97: {  	s17 =	sld [smem:$0x3FFB];
	_ =	sdelay $0x3  }
0x98: {  	_ =	strace s17  }
0x99: {  	s3 =	sld [smem:$0x3FFC];
	_ =	sdelay $0x3  }
0x9a: {  	_ =	strace s3  }
0x9b: {  	s3 =	sld [smem:$0x3FFD];
	_ =	sdelay $0x3  }
0x9c: {  	_ =	strace s3  }
0x9d: {  	_ =	strace $0x8FFFFFFF  }
0x9e: {  	s18 =	sld [smem:$0x3FDB];
	_ =	sdelay $0x1  }
0x9f: {  	s19 =	simm.s32 $_scs_section_size  }
0xa0: {  	s5 =	simm.s32 $_size__tile_overlayer_lowered;
	s6 =	simm.s32 $_tile_overlayer_lowered  }
0xa1: {  	s22 =	simm.s32 $0x1BFF;
	s21 =	sshll.u32 s6, $0x1;
	s3 =	sadd.s32 s19, s18  }
0xa2: {  	s7 =	simm.s32 $0x0;
	s20 =	sshll.u32 s5, $0x1;
	s5 =	sadd.s32 s21, s3  }
0xa3: {  	[timem:s7], [sflag:s22] =	dma.local [hbm:s5], s20  }
0xa4: {  	_ =	swait.ge [sflag:s22], s20  }
0xa5: {  	s4 =	ssub.s32 $0x0, s20;
	[sflag:s22] =	ssyncset.done $0x0  }
0xa6: {  	[sflag:s22] =	ssyncadd.s32 s4;
	_ =	sdelay $0x1  }
0xa7: {  	s23 =	simm.s32 $0x1B8B  }
0xa8: {  	_ =	swait.ge [sflag:s23], $0x1  }
0xa9: {  	[sflag:s23] =	ssyncset.done $0x0  }
0xaa: {  	s25 =	simm.s32 $0x1B8E;
	s24 =	sld [smem:$0x3FFE];
	[sflag:s23] =	ssyncadd.s32 $0xFFFFFFFF  }
0xab: {  	s26 =	simm.s32 $execute0_lowered;
	[smem:$0x3FD2] =	sst s25  }
0xac: {  	s5 =	sshll.u32 s26, $0x1;
	_ =	strace $0x80000046;
	[dreg:$0x1] =	wrdreg $0xFFFFFFFF  }
0xad: {  	s28 =	simm.s32 $_size_execute0_lowered;
	s3 =	sadd.s32 s3, s5;
	[dreg:$0x0] =	wrdreg $0x0  }
0xae: {  	s5 =	sshll.u32 s28, $0x1;
	[dreg:$0x2] =	wrdreg s3  }
0xaf: {  	[dreg:$0x3] =	wrdreg s5  }
0xb0: {  	[dreg:$0x4] =	wrdreg $0xC0  }
0xb1: {  	_ =	task [dreg:s7], $0x5FFFF  }
0xb2: {  	[dreg:$0x1] =	wrdreg $0xFFFFFFFF  }
0xb3: {  	[dreg:$0x0] =	wrdreg $0x60  }
0xb4: {  	[dreg:$0x2] =	wrdreg s24  }
0xb5: {  	[dreg:$0x3] =	wrdreg s16  }
0xb6: {  	[dreg:$0x4] =	wrdreg $0x88800  }
0xb7: {  	[dreg:$0x5] =	wrdreg $0x9  }
0xb8: {  	_ =	task.clear_ibuf [dreg:s7], $0x6FFFF;
	_ =	strace $0x90000046  }
0xb9: {  	s29 =	simm.s32 $0x9;
	_ =	strace $0x80000048  }
0xba: {  	_ =	swait.ge [sflag:s29], $0x1  }
0xbb: {  	[sflag:s29] =	ssyncadd.s32 $0xFFFFFFFF  }
0xbc: {  	_ =	strace $0x90000048  }
0xbd: {  	_ =	sfence  }
0xbe: {  	s30 =	sld [smem:$0x0];
	_ =	sdelay $0x2  }
0xbf: {  	s31 =	sshll.u32 s1, $0xD;
	s1 =	sshrl.u32 s1, $0x2  }
0xc0: {  	s3 =	sand.u32 $0x4000, s31;
	s1 =	sadd.s32 s1, s30  }
0xc1: {  	s0 =	sor.u32 s3, s0;
	s1 =	sshll.u32 s1, $0x11  }
0xc2: {  	s0 =	sor.u32 s1, s0  }
0xc3: {  	s0 =	sadd.s32 $0x8F2B, s0  }
0xc4: {  	[sflag:s0] =	ssyncadd.remote.s32 $0x1  }
0xc5: {  	_ =	sfence.sel $0xFFFF  }
0xc6: {  	[dreg:$0x0] =	wrdreg $0xFFFFFFFF;
	(pc) =	sbr.abs _section_cstart, $3  }
0xc7: {  	[dreg:$0x1] =	wrdreg $0xFFFFFFFF  }
0xc8: {  	_ =	task.clear_ibuf [dreg:s7], $0x2FFFF;
	_ =	strace $0x9FFFFFFF  }
0xc9: {  	(tm) =	ssettm $0x7FFFFFFF  }
tec
execute0_lowered:
.L_overlay_start_1:
0x0: {  	(tag) =	ssettag $0x1  }
0x1: {  	s0 =	rddreg [dreg:$0x0]  }
0x2: {  	s1 =	rddreg [dreg:$0x1]  }
0x3: {  	s2 =	rddreg [dreg:$0x2];
	s3 =	simm.s32 $0x0  }
0x4: {  	s12 =	stileid.u32;
	s7 =	srdreg.scid;
	s29 =	simm.s32 $0x1000  }
0x5: {  	s30 =	simm.s32 $0x3;
	s31 =	simm.s32 $0x800;
	s28 =	simm.s32 $0x880  }
0x6: {  	[smem:$0x7FF] =	sst s3;
	s5 =	sadd.s32 $0x42400, s0;
	s4 =	smul.u32 $0x2780, s12  }
0x7: {  	s6 =	sadd.s32 $0x2200, s0;
	s8 =	smul.u32 $0x6400, s12;
	s10 =	sadd.s32 $0x69600, s0  }
0x8: {  	s14 =	sadd.s32 $0xB5E80, s0;
	_ =	strace $0x80000047;
	[dreg:$0x4] =	wrdreg s10  }
0x9: {  	s7 =	sand.u32 $0x1, s7;
	s17 =	sadd.s32 $0x400, s2;
	[dreg:$0xa] =	wrdreg s14  }
0xa: {  	s9 =	smul.u32 $0x4F000, s12;
	s18 =	sadd.s32 $0x800, s2;
	[dreg:$0xe] =	wrdreg s17  }
0xb: {  	s16 =	smul.u32 $0xC80, s12;
	s19 =	sadd.s32 $0xC00, s2;
	[dreg:$0xf] =	wrdreg s18  }
0xc: {  	s20 =	sadd.s32 $0x1000, s2;
	s21 =	sadd.s32 $0x1400, s2;
	[dreg:$0x10] =	wrdreg s19  }
0xd: {  	s22 =	sadd.s32 $0x1800, s2;
	p2 =	seq.s32 s12, $0xF;
	[dreg:$0x11] =	wrdreg s20  }
0xe: {  	p0 =	sne.s32 s12, $0x0;
	s12 =	simm.s32 $0x980;
	[dreg:$0x12] =	wrdreg s21  }
0xf: {  	s24 =	ssub.s32 $0x2, s7;
	[dreg:$0x13] =	wrdreg s22;
	p1 =	sne.s32 s7, $0x0  }
0x10: {  	s18 =	simm.s32 $0x50;
	s19 =	simm.s32 $0x400;
	s20 =	simm.s32 $0xC00  }
0x11: {  	s21 =	simm.s32 $0x1;
	s22 =	simm.s32 $0x80;
	s14 =	simm.s32 $0xA00  }
0x12: {  	s7 =	simm.s32 $0x600;
	s4 =	sadd.s32 s4, s0;
	s8 =	sshrl.u32 s8, $0x3  }
0x13: {  	s11 =	sshrl.u32 s24, $0x1;
	s9 =	sshrl.u32 s9, $0x2;
	s0 =	sadd.s32 $0x8EC80, s0  }
0x14: {  	s23 =	sadd.s32 s16, s6;
	s13 =	sadd.s32 s6, s8;
	[dreg:$0xc] =	wrdreg s0  }
0x15: {  	s10 =	ssub.s32 s24, s11;
	s24 =	sadd.s32 $0x1C00, s2;
	[dreg:$0x5] =	wrdreg s13  }
0x16: {  	s16 =	simm.s32 $0x900;
	s25 =	sadd.s32 $0xC800, s13;
	[dreg:$0x14] =	wrdreg s24  }
0x17: {  	s8 =	sadd.s32 s9, s2;
	s26 =	sadd.s32 $0x80, s13;
	[dreg:$0x6] =	wrdreg s25  }
0x18: {  	s0 =	simm.s32 $0x2;
	s11 =	sadd.s32 $0xC880, s13;
	[dreg:$0x7] =	wrdreg s26  }
0x19: {  	s6 =	simm.s32 $0x200;
	s13 =	sadd.s32 $0x90E00, s4;
	[dreg:$0x8] =	wrdreg s11  }
0x1a: {  	s9 =	simm.s32 $0xE00;
	s4 =	sadd.s32 $0x69C00, s4;
	[dreg:$0x9] =	wrdreg s13  }
.Ltmp0:
0x1b: {  	s15 =	smax.u32 s10, $0x1;
	[dreg:$0xb] =	wrdreg s4;
	(pc) =	sbr.rel .LBB2_1-.Ltmp0, $4  }
0x1c: {  	s24 =	simm.s32 $0x3800;
	s13 =	sadd.s32 $0x128400, s2;
	[dreg:$0xd] =	wrdreg s15  }
0x1d: {  	v0 =	vlaneseq.u32;
	s25 =	sadd.s32 $0x2000, s2;
	s26 =	sadd.s32 $0x2400, s2;
	s15 =	simm.s32 $0x180  }
0x1e: {  	v1 =	vimm.f32 $0.0e+00;
	v6 =	vimm.f32 $1.000000000e+00;
	v2 =	vor.u32 $0x10, v0;
	s4 =	simm.s32 $0xD80;
	s11 =	simm.s32 $0x0;
	[dreg:$0x15] =	wrdreg s25  }
0x1f: {  	v3 =	vor.u32 $0x20, v0;
	v4 =	vor.u32 $0x30, v0;
	v5 =	vor.u32 $0x40, v0;
	[dreg:$0x16] =	wrdreg s26;
	s25 =	simm.s32 $0x6000;
	s26 =	simm.s32 $0x100  }
.LBB2_17:
0x20: {  	_ =	swait.ge [sflag:s21], $0x2800  }
0x21: {  	[sflag:s21] =	ssyncset.done $0x0  }
0x22: {  	[sflag:s21] =	ssyncadd.s32 $0xFFFFD800  }
0x23: {  	[tilespmem:s24], [sflag:$0x1] =	stream.indirect.gather [hbm4b:s1+s18], $0x80, s22, s18, $0xb8;
	[tilespmem:$0x1C100] =	vst v63  }
0x24: {  	_ = 	snop  }
0x25: {  	[spmem:s2] =	stream.indirect.scatter.add.f32 [tilespmem:s29], [sflag:$0x3], $0x80, s31, s18, $0xb8;
	[tilespmem:$0x1C100] =	vst v63  }
0x26: {  	_ =	swait.ge [sflag:s30], $0x2800  }
0x27: {  	[sflag:s30] =	ssyncset.done $0x0  }
0x28: {  	[sflag:s30] =	ssyncadd.s32 $0xFFFFD800  }
0x29: {  	_ =	swait.ge [sflag:s21], $0x2800  }
0x2a: {  	[sflag:s21] =	ssyncset.done $0x0  }
0x2b: {  	[sflag:s21] =	ssyncadd.s32 $0xFFFFD800  }
0x2c: {  	[tilespmem:s29], [sflag:$0x1] =	stream.indirect.gather [hbm4b:s1+s18], $0x80, s26, s18, $0xb8;
	[tilespmem:$0x1C100] =	vst v63  }
0x2d: {  	_ = 	snop  }
0x2e: {  	[spmem:s2] =	stream.indirect.scatter.add.f32 [tilespmem:s24], [sflag:$0x3], $0x80, s28, s18, $0xb8;
	[tilespmem:$0x1C100] =	vst v63  }
0x2f: {  	_ =	swait.ge [sflag:s30], $0x2800  }
0x30: {  	[sflag:s30] =	ssyncset.done $0x0  }
0x31: {  	[sflag:s30] =	ssyncadd.s32 $0xFFFFD800  }
0x32: {  	_ =	swait.ge [sflag:s21], $0x2800  }
0x33: {  	[sflag:s21] =	ssyncset.done $0x0  }
0x34: {  	[sflag:s21] =	ssyncadd.s32 $0xFFFFD800  }
0x35: {  	[tilespmem:s24], [sflag:$0x1] =	stream.indirect.gather [hbm4b:s1+s18], $0x80, s15, s18, $0xb8;
	[tilespmem:$0x1C100] =	vst v63  }
0x36: {  	_ = 	snop  }
0x37: {  	[spmem:s2] =	stream.indirect.scatter.add.f32 [tilespmem:s29], [sflag:$0x3], $0x80, s16, s18, $0xb8;
	[tilespmem:$0x1C100] =	vst v63  }
0x38: {  	_ =	swait.ge [sflag:s30], $0x2800  }
0x39: {  	[sflag:s30] =	ssyncset.done $0x0  }
0x3a: {  	[sflag:s30] =	ssyncadd.s32 $0xFFFFD800  }
0x3b: {  	_ =	swait.ge [sflag:s21], $0x2800  }
0x3c: {  	[sflag:s21] =	ssyncset.done $0x0  }
0x3d: {  	[sflag:s21] =	ssyncadd.s32 $0xFFFFD800  }
0x3e: {  	[tilespmem:s29], [sflag:$0x1] =	stream.indirect.gather [hbm4b:s1+s18], $0x80, s6, s18, $0xb8;
	[tilespmem:$0x1C100] =	vst v63  }
0x3f: {  	_ = 	snop  }
0x40: {  	[spmem:s2] =	stream.indirect.scatter.add.f32 [tilespmem:s24], [sflag:$0x3], $0x80, s12, s18, $0xb8;
	[tilespmem:$0x1C100] =	vst v63  }
0x41: {  	_ =	swait.ge [sflag:s30], $0x2800  }
0x42: {  	[sflag:s30] =	ssyncset.done $0x0  }
0x43: {  	[sflag:s30] =	ssyncadd.s32 $0xFFFFD800  }
0x44: {  	_ =	swait.ge [sflag:s21], $0x2800  }
0x45: {  	[sflag:s21] =	ssyncset.done $0x0  }
0x46: {  	[sflag:s21] =	ssyncadd.s32 $0xFFFFD800  }
0x47: {  	[spmem:s2] =	stream.indirect.scatter.add.f32 [tilespmem:s29], [sflag:$0x3], $0x80, s14, s18, $0xb8;
	[tilespmem:$0x1C100] =	vst v63  }
0x48: {  	_ =	swait.ge [sflag:s30], $0x2800  }
0x49: {  	[sflag:s30] =	ssyncset.done $0x0  }
0x4a: {  	[sflag:s30] =	ssyncadd.s32 $0xFFFFD800  }
0x4b: {  	[bflag:$0x0] =	sbarrier.arrive $0xFFFF  }
0x4c: {  	s10 =	sshrl.u32 @p2 s13, $0x3;
	s11 =	simm.s32 @p2 $0x1FC3;
	s17 =	rddreg [dreg:$0xa]  }
0x4d: {  	[hbm:s17], [sflag:s11] =	dma.local @p2 [spmem:s10], $0x2080  }
0x4e: {  	s10 =	simm.s32 @p2 $0x3  }
0x4f: {  	s11 =	stileid.u32;
	_ =	swait.ge @p2 [sflag:s10], $0x2080  }
0x50: {  	s11 =	sshll.u32 @!p2 s11, $0x6;
	[sflag:s10] =	ssyncset.done @p2 $0x0;
	s17 =	rddreg [dreg:$0x9]  }
0x51: {  	[sflag:s10] =	ssyncadd.s32 @p2 $0xFFFFDF80;
	s10 =	sor.u32 @!p2 $0x1C03, s11;
	s11 =	sshrl.u32 @!p2 s8, $0x3  }
0x52: {  	[hbm:s17], [sflag:s10] =	dma.local @!p2 [spmem:s11], $0x2780  }
0x53: {  	s10 =	simm.s32 @!p2 $0x3  }
0x54: {  	_ =	swait.ge @!p2 [sflag:s10], $0x2780  }
0x55: {  	[sflag:s10] =	ssyncset.done @!p2 $0x0  }
0x56: {  	s11 =	rddreg [dreg:$0x17];
	[sflag:s10] =	ssyncadd.s32 @!p2 $0xFFFFD880  }
.LBB2_25:
0x57: {  	s11 =	sadd.s32 $0x1, s11;
	s10 =	rddreg [dreg:$0xd]  }
0x58: {  	p3 =	sne.s32 s11, s10  }
.Ltmp1:
0x59: {  	_ = 	snop;
	(pc) =	sbr.rel @!p3 .LBB2_26-.Ltmp1, $1  }
0x5a: {  	_ =	sdelay $0x3  }
.LBB2_1:
0x5b: {  	[tilespmem:$0x1000] =	vst v1  }
0x5c: {  	[tilespmem:$0x1010] =	vst v1  }
0x5d: {  	[tilespmem:$0x1020] =	vst v1  }
0x5e: {  	[tilespmem:$0x1030] =	vst v1  }
0x5f: {  	[tilespmem:$0x1040] =	vst v1  }
0x60: {  	[tilespmem:$0x1050] =	vst v1  }
0x61: {  	[tilespmem:$0x1060] =	vst v1  }
0x62: {  	[tilespmem:$0x1070] =	vst v1  }
0x63: {  	[tilespmem:$0x1080] =	vst v1  }
0x64: {  	[tilespmem:$0x1090] =	vst v1  }
0x65: {  	[tilespmem:$0x10A0] =	vst v1  }
0x66: {  	[tilespmem:$0x10B0] =	vst v1  }
0x67: {  	[tilespmem:$0x10C0] =	vst v1  }
0x68: {  	[tilespmem:$0x10D0] =	vst v1  }
0x69: {  	[tilespmem:$0x10E0] =	vst v1  }
0x6a: {  	[tilespmem:$0x10F0] =	vst v1  }
0x6b: {  	[tilespmem:$0x1100] =	vst v1  }
0x6c: {  	[tilespmem:$0x1110] =	vst v1  }
0x6d: {  	[tilespmem:$0x1120] =	vst v1  }
0x6e: {  	[tilespmem:$0x1130] =	vst v1  }
0x6f: {  	[tilespmem:$0x1140] =	vst v1  }
0x70: {  	[tilespmem:$0x1150] =	vst v1  }
0x71: {  	[tilespmem:$0x1160] =	vst v1  }
0x72: {  	[tilespmem:$0x1170] =	vst v1  }
0x73: {  	[tilespmem:$0x1180] =	vst v1  }
0x74: {  	[tilespmem:$0x1190] =	vst v1  }
0x75: {  	[tilespmem:$0x11A0] =	vst v1  }
0x76: {  	[tilespmem:$0x11B0] =	vst v1  }
0x77: {  	[tilespmem:$0x11C0] =	vst v1  }
0x78: {  	[tilespmem:$0x11D0] =	vst v1  }
0x79: {  	[tilespmem:$0x11E0] =	vst v1  }
0x7a: {  	[tilespmem:$0x11F0] =	vst v1  }
0x7b: {  	[tilespmem:$0x1200] =	vst v1  }
0x7c: {  	[tilespmem:$0x1210] =	vst v1  }
0x7d: {  	[tilespmem:$0x1220] =	vst v1  }
0x7e: {  	[tilespmem:$0x1230] =	vst v1  }
0x7f: {  	[tilespmem:$0x1240] =	vst v1  }
0x80: {  	[tilespmem:$0x1250] =	vst v1  }
0x81: {  	[tilespmem:$0x1260] =	vst v1  }
0x82: {  	[tilespmem:$0x1270] =	vst v1  }
0x83: {  	[tilespmem:$0x1280] =	vst v1  }
0x84: {  	[tilespmem:$0x1290] =	vst v1  }
0x85: {  	[tilespmem:$0x12A0] =	vst v1  }
0x86: {  	[tilespmem:$0x12B0] =	vst v1  }
0x87: {  	[tilespmem:$0x12C0] =	vst v1  }
0x88: {  	[tilespmem:$0x12D0] =	vst v1  }
0x89: {  	[tilespmem:$0x12E0] =	vst v1  }
0x8a: {  	[tilespmem:$0x12F0] =	vst v1  }
0x8b: {  	[tilespmem:$0x1300] =	vst v1  }
0x8c: {  	[tilespmem:$0x1310] =	vst v1  }
0x8d: {  	[tilespmem:$0x1320] =	vst v1  }
0x8e: {  	[tilespmem:$0x1330] =	vst v1  }
0x8f: {  	[tilespmem:$0x1340] =	vst v1  }
0x90: {  	[tilespmem:$0x1350] =	vst v1  }
0x91: {  	[tilespmem:$0x1360] =	vst v1  }
0x92: {  	[tilespmem:$0x1370] =	vst v1  }
0x93: {  	[tilespmem:$0x1380] =	vst v1  }
0x94: {  	[tilespmem:$0x1390] =	vst v1  }
0x95: {  	[tilespmem:$0x13A0] =	vst v1  }
0x96: {  	[tilespmem:$0x13B0] =	vst v1  }
0x97: {  	[tilespmem:$0x13C0] =	vst v1  }
0x98: {  	[tilespmem:$0x13D0] =	vst v1  }
0x99: {  	[tilespmem:$0x13E0] =	vst v1  }
0x9a: {  	[tilespmem:$0x13F0] =	vst v1  }
0x9b: {  	[tilespmem:$0x8800] =	vst v0  }
0x9c: {  	[tilespmem:$0x8810] =	vst v2  }
0x9d: {  	[tilespmem:$0x8820] =	vst v3  }
0x9e: {  	[tilespmem:$0x8830] =	vst v4  }
0x9f: {  	[dreg:$0x17] =	wrdreg s11;
	[tilespmem:$0x8840] =	vst v5;
	s10 =	simm.s32 $0x40;
	s11 =	simm.s32 $0x0  }
.LBB2_2:
0xa0: {  	p3 =	sne.s32 s10, $0x9FC0;
	[tilespmem:s11+$0x6000] =	vst v1;
	s11 =	smov.u32 s10;
	s10 =	sadd.s32 $0x40, s10  }
.Ltmp2:
0xa1: {  	(pc) =	sbr.rel @p3 .LBB2_2-.Ltmp2, $2  }
0xa2: {  	_ =	sdelay $0x2  }
0xa3: {  	s11 =	sshra.s32 s11, $0x2  }
.Ltmp3:
0xa4: {  	(pc) =	sbr.rel @!p2 .LBB2_4-.Ltmp3, $3  }
0xa5: {  	_ =	sdelay $0x1  }
0xa6: {  	s10 =	simm.s32 $0x0  }
0xa7: {  	[tilespmem:s11+$0x6000] =	vst v1;
	s11 =	sshra.s32 s10, $0x2  }
0xa8: {  	s11 =	sadd.s32 s11, s13  }
0xa9: {  	[spmem:s11] =	stream.linear.scatter [tilespmem:s29], [sflag:$0x3], $0x400, $0x38;
	[tilespmem:$0x1C100] =	vst v63  }
0xaa: {  	s10 =	sadd.s32 $0x1000, s10;
	_ =	swait.ge [sflag:s30], $0x400  }
.LBB2_8:
0xab: {  	s11 =	sshra.s32 s10, $0x2;
	[sflag:s30] =	ssyncset.done $0x0;
	p3 =	sne.s32 s10, $0x40000  }
.Ltmp4:
0xac: {  	s11 =	sadd.s32 s11, s13;
	[sflag:s30] =	ssyncadd.s32 $0xFFFFFC00;
	(pc) =	sbr.rel @p3 .LBB2_8-.Ltmp4, $3  }
0xad: {  	[spmem:s11] =	stream.linear.scatter [tilespmem:s29], [sflag:$0x3], $0x400, $0x38;
	[tilespmem:$0x1C100] =	vst v63  }
0xae: {  	s10 =	sadd.s32 $0x1000, s10;
	_ =	sdelay $0x1  }
0xaf: {  	_ =	swait.ge [sflag:s30], $0x400  }
.Ltmp5:
0xb0: {  	(pc) =	sbr.rel .LBB2_10-.Ltmp5, $3  }
0xb1: {  	_ =	sdelay $0x1  }
0xb2: {  	[sflag:s30] =	ssyncset.done $0x0  }
0xb3: {  	[sflag:s30] =	ssyncadd.s32 $0xFFFFFC00  }
.LBB2_4:
0xb4: {  	s11 =	sadd.s32 s11, s8  }
0xb5: {  	[spmem:s11] =	stream.linear.scatter [tilespmem:s29], [sflag:$0x3], $0x400, $0x38;
	[tilespmem:$0x1C100] =	vst v63  }
0xb6: {  	s10 =	sadd.s32 $0x1000, s10;
	_ =	swait.ge [sflag:s30], $0x400  }
.LBB2_5:
0xb7: {  	s11 =	sshra.s32 s10, $0x2;
	[sflag:s30] =	ssyncset.done $0x0;
	p3 =	seq.s32 s10, $0x4E000  }
.Ltmp6:
0xb8: {  	s11 =	sadd.s32 s11, s8;
	[sflag:s30] =	ssyncadd.s32 $0xFFFFFC00;
	(pc) =	sbr.rel @!p3 .LBB2_5-.Ltmp6, $3  }
0xb9: {  	[spmem:s11] =	stream.linear.scatter [tilespmem:s29], [sflag:$0x3], $0x400, $0x38;
	[tilespmem:$0x1C100] =	vst v63  }
0xba: {  	s10 =	sadd.s32 $0x1000, s10;
	_ =	sdelay $0x1  }
0xbb: {  	_ =	swait.ge [sflag:s30], $0x400  }
0xbc: {  	[sflag:s30] =	ssyncset.done $0x0  }
0xbd: {  	[sflag:s30] =	ssyncadd.s32 $0xFFFFFC00  }
.LBB2_10:
0xbe: {  	s10 =	rddreg [dreg:$0x5]  }
0xbf: {  	[tilespmem:s3], [sflag:$0x2] =	stream.linear.gather [hbm4b:s10+s3], $0x280, $0x38;
	[tilespmem:$0x1C100] =	vst v63  }
0xc0: {  	s17 =	rddreg [dreg:$0x6]  }
0xc1: {  	[tilespmem:s31], [sflag:$0x2] =	stream.linear.gather [hbm4b:s17+s3], $0x280, $0x38;
	[tilespmem:$0x1C100] =	vst v63  }
0xc2: {  	[bflag:$0x0] =	sbarrier.arrive $0xFFFF  }
0xc3: {  	_ =	swait.ge [sflag:s0], $0x280  }
.Ltmp7:
0xc4: {  	[sflag:s0] =	ssyncset.done $0x0;
	(pc) =	sbr.rel @p1 .LBB2_14-.Ltmp7, $4  }
0xc5: {  	[sflag:s0] =	ssyncadd.s32 $0xFFFFFD80  }
0xc6: {  	_ =	swait.ge [sflag:s0], $0x280  }
0xc7: {  	[sflag:s0] =	ssyncset.done $0x0  }
0xc8: {  	[sflag:s0] =	ssyncadd.s32 $0xFFFFFD80  }
0xc9: {  	[tilespmem:s29], [sflag:$0x1] =	stream.indirect.gather [hbm4b:s5+s18], $0x80, s3, s18, $0xb8;
	[tilespmem:$0x1C100] =	vst v63  }
0xca: {  	s10 =	rddreg [dreg:$0x7]  }
0xcb: {  	[tilespmem:s19], [sflag:$0x2] =	stream.linear.gather [hbm4b:s10+s3], $0x280, $0x38;
	[tilespmem:$0x1C100] =	vst v63  }
0xcc: {  	s17 =	rddreg [dreg:$0x8];
	s10 =	simm.s32 $0xFFFFF500  }
0xcd: {  	[tilespmem:s20], [sflag:$0x2] =	stream.linear.gather [hbm4b:s17+s3], $0x280, $0x38;
	[tilespmem:$0x1C100] =	vst v63  }
.LBB2_12:
0xce: {  	_ =	swait.ge [sflag:s21], $0x2800  }
0xcf: {  	[sflag:s21] =	ssyncset.done $0x0  }
0xd0: {  	[sflag:s21] =	ssyncadd.s32 $0xFFFFD800  }
0xd1: {  	[tilespmem:s24], [sflag:$0x1] =	stream.indirect.gather [hbm4b:s5+s18], $0x80, s22, s18, $0xb8;
	[tilespmem:$0x1C100] =	vst v63  }
0xd2: {  	_ = 	snop  }
0xd3: {  	[spmem:s2] =	stream.indirect.scatter.add.f32 [tilespmem:s29], [sflag:$0x3], $0x80, s31, s18, $0xb8;
	[tilespmem:$0x1C100] =	vst v63  }
0xd4: {  	_ =	swait.ge [sflag:s30], $0x2800  }
0xd5: {  	[sflag:s30] =	ssyncset.done $0x0  }
0xd6: {  	[sflag:s30] =	ssyncadd.s32 $0xFFFFD800  }
0xd7: {  	v7 =	vld [tilespmem:$0x800];
	_ =	sdelay $0x7  }
0xd8: {  	[tilespmem:v7+s25+$0x0] =	vst.idx.add.f32.msk $0xffff, v6  }
0xd9: {  	v7 =	vld [tilespmem:$0x810];
	_ =	sdelay $0x7  }
0xda: {  	[tilespmem:v7+s25+$0x0] =	vst.idx.add.f32.msk $0xffff, v6  }
0xdb: {  	v7 =	vld [tilespmem:$0x820];
	_ =	sdelay $0x7  }
0xdc: {  	[tilespmem:v7+s25+$0x0] =	vst.idx.add.f32.msk $0xffff, v6  }
0xdd: {  	v7 =	vld [tilespmem:$0x830];
	_ =	sdelay $0x7  }
0xde: {  	[tilespmem:v7+s25+$0x0] =	vst.idx.add.f32.msk $0xffff, v6  }
0xdf: {  	v7 =	vld [tilespmem:$0x840];
	_ =	sdelay $0x7  }
0xe0: {  	[tilespmem:v7+s25+$0x0] =	vst.idx.add.f32.msk $0xffff, v6  }
0xe1: {  	_ =	swait.ge [sflag:s21], $0x2800  }
0xe2: {  	[sflag:s21] =	ssyncset.done $0x0  }
0xe3: {  	[sflag:s21] =	ssyncadd.s32 $0xFFFFD800  }
0xe4: {  	[tilespmem:s29], [sflag:$0x1] =	stream.indirect.gather [hbm4b:s5+s18], $0x80, s26, s18, $0xb8;
	[tilespmem:$0x1C100] =	vst v63  }
0xe5: {  	_ = 	snop  }
0xe6: {  	[spmem:s2] =	stream.indirect.scatter.add.f32 [tilespmem:s24], [sflag:$0x3], $0x80, s28, s18, $0xb8;
	[tilespmem:$0x1C100] =	vst v63  }
0xe7: {  	_ =	swait.ge [sflag:s30], $0x2800  }
0xe8: {  	[sflag:s30] =	ssyncset.done $0x0  }
0xe9: {  	[sflag:s30] =	ssyncadd.s32 $0xFFFFD800  }
0xea: {  	v7 =	vld [tilespmem:$0x880];
	_ =	sdelay $0x7  }
0xeb: {  	[tilespmem:v7+s25+$0x0] =	vst.idx.add.f32.msk $0xffff, v6  }
0xec: {  	v7 =	vld [tilespmem:$0x890];
	_ =	sdelay $0x7  }
0xed: {  	[tilespmem:v7+s25+$0x0] =	vst.idx.add.f32.msk $0xffff, v6  }
0xee: {  	v7 =	vld [tilespmem:$0x8A0];
	_ =	sdelay $0x7  }
0xef: {  	[tilespmem:v7+s25+$0x0] =	vst.idx.add.f32.msk $0xffff, v6  }
0xf0: {  	v7 =	vld [tilespmem:$0x8B0];
	_ =	sdelay $0x7  }
0xf1: {  	[tilespmem:v7+s25+$0x0] =	vst.idx.add.f32.msk $0xffff, v6  }
0xf2: {  	v7 =	vld [tilespmem:$0x8C0];
	_ =	sdelay $0x7  }
0xf3: {  	[tilespmem:v7+s25+$0x0] =	vst.idx.add.f32.msk $0xffff, v6  }
0xf4: {  	_ =	swait.ge [sflag:s21], $0x2800  }
0xf5: {  	[sflag:s21] =	ssyncset.done $0x0  }
0xf6: {  	[sflag:s21] =	ssyncadd.s32 $0xFFFFD800  }
0xf7: {  	[tilespmem:s24], [sflag:$0x1] =	stream.indirect.gather [hbm4b:s5+s18], $0x80, s15, s18, $0xb8;
	[tilespmem:$0x1C100] =	vst v63  }
0xf8: {  	_ = 	snop  }
0xf9: {  	[spmem:s2] =	stream.indirect.scatter.add.f32 [tilespmem:s29], [sflag:$0x3], $0x80, s16, s18, $0xb8;
	[tilespmem:$0x1C100] =	vst v63  }
0xfa: {  	_ =	swait.ge [sflag:s30], $0x2800  }
0xfb: {  	[sflag:s30] =	ssyncset.done $0x0  }
0xfc: {  	[sflag:s30] =	ssyncadd.s32 $0xFFFFD800  }
0xfd: {  	v7 =	vld [tilespmem:$0x900];
	_ =	sdelay $0x7  }
0xfe: {  	[tilespmem:v7+s25+$0x0] =	vst.idx.add.f32.msk $0xffff, v6  }
0xff: {  	v7 =	vld [tilespmem:$0x910];
	_ =	sdelay $0x7  }
0x100: {  	[tilespmem:v7+s25+$0x0] =	vst.idx.add.f32.msk $0xffff, v6  }
0x101: {  	v7 =	vld [tilespmem:$0x920];
	_ =	sdelay $0x7  }
0x102: {  	[tilespmem:v7+s25+$0x0] =	vst.idx.add.f32.msk $0xffff, v6  }
0x103: {  	v7 =	vld [tilespmem:$0x930];
	_ =	sdelay $0x7  }
0x104: {  	[tilespmem:v7+s25+$0x0] =	vst.idx.add.f32.msk $0xffff, v6  }
0x105: {  	v7 =	vld [tilespmem:$0x940];
	_ =	sdelay $0x7  }
0x106: {  	[tilespmem:v7+s25+$0x0] =	vst.idx.add.f32.msk $0xffff, v6  }
0x107: {  	_ =	swait.ge [sflag:s21], $0x2800  }
0x108: {  	[sflag:s21] =	ssyncset.done $0x0  }
0x109: {  	[sflag:s21] =	ssyncadd.s32 $0xFFFFD800  }
0x10a: {  	[tilespmem:s29], [sflag:$0x1] =	stream.indirect.gather [hbm4b:s5+s18], $0x80, s6, s18, $0xb8;
	[tilespmem:$0x1C100] =	vst v63  }
0x10b: {  	_ = 	snop  }
0x10c: {  	[spmem:s2] =	stream.indirect.scatter.add.f32 [tilespmem:s24], [sflag:$0x3], $0x80, s12, s18, $0xb8;
	[tilespmem:$0x1C100] =	vst v63  }
0x10d: {  	_ =	swait.ge [sflag:s30], $0x2800  }
0x10e: {  	[sflag:s30] =	ssyncset.done $0x0  }
0x10f: {  	[sflag:s30] =	ssyncadd.s32 $0xFFFFD800  }
0x110: {  	v7 =	vld [tilespmem:$0x980];
	_ =	sdelay $0x7  }
0x111: {  	[tilespmem:v7+s25+$0x0] =	vst.idx.add.f32.msk $0xffff, v6  }
0x112: {  	v7 =	vld [tilespmem:$0x990];
	_ =	sdelay $0x7  }
0x113: {  	[tilespmem:v7+s25+$0x0] =	vst.idx.add.f32.msk $0xffff, v6  }
0x114: {  	v7 =	vld [tilespmem:$0x9A0];
	_ =	sdelay $0x7  }
0x115: {  	[tilespmem:v7+s25+$0x0] =	vst.idx.add.f32.msk $0xffff, v6  }
0x116: {  	v7 =	vld [tilespmem:$0x9B0];
	_ =	sdelay $0x7  }
0x117: {  	[tilespmem:v7+s25+$0x0] =	vst.idx.add.f32.msk $0xffff, v6  }
0x118: {  	v7 =	vld [tilespmem:$0x9C0];
	_ =	sdelay $0x7  }
0x119: {  	[tilespmem:v7+s25+$0x0] =	vst.idx.add.f32.msk $0xffff, v6  }
0x11a: {  	_ =	swait.ge [sflag:s21], $0x2800  }
0x11b: {  	[sflag:s21] =	ssyncset.done $0x0  }
0x11c: {  	[sflag:s21] =	ssyncadd.s32 $0xFFFFD800  }
0x11d: {  	_ =	swait.ge [sflag:s0], $0x280  }
0x11e: {  	[sflag:s0] =	ssyncset.done $0x0  }
0x11f: {  	[sflag:s0] =	ssyncadd.s32 $0xFFFFFD80  }
0x120: {  	_ =	swait.ge [sflag:s0], $0x280  }
0x121: {  	[sflag:s0] =	ssyncset.done $0x0  }
0x122: {  	[sflag:s0] =	ssyncadd.s32 $0xFFFFFD80  }
0x123: {  	[tilespmem:s24], [sflag:$0x1] =	stream.indirect.gather [hbm4b:s5+s18], $0x80, s19, s18, $0xb8;
	[tilespmem:$0x1C100] =	vst v63  }
0x124: {  	_ = 	snop  }
0x125: {  	[spmem:s2] =	stream.indirect.scatter.add.f32 [tilespmem:s29], [sflag:$0x3], $0x80, s14, s18, $0xb8;
	[tilespmem:$0x1C100] =	vst v63  }
0x126: {  	_ =	swait.ge [sflag:s30], $0x2800  }
0x127: {  	[sflag:s30] =	ssyncset.done $0x0  }
0x128: {  	[sflag:s30] =	ssyncadd.s32 $0xFFFFD800  }
0x129: {  	v7 =	vld [tilespmem:$0xA00];
	_ =	sdelay $0x7  }
0x12a: {  	[tilespmem:v7+s25+$0x0] =	vst.idx.add.f32.msk $0xffff, v6  }
0x12b: {  	v7 =	vld [tilespmem:$0xA10];
	_ =	sdelay $0x7  }
0x12c: {  	[tilespmem:v7+s25+$0x0] =	vst.idx.add.f32.msk $0xffff, v6  }
0x12d: {  	v7 =	vld [tilespmem:$0xA20];
	_ =	sdelay $0x7  }
0x12e: {  	[tilespmem:v7+s25+$0x0] =	vst.idx.add.f32.msk $0xffff, v6  }
0x12f: {  	v7 =	vld [tilespmem:$0xA30];
	_ =	sdelay $0x7  }
0x130: {  	[tilespmem:v7+s25+$0x0] =	vst.idx.add.f32.msk $0xffff, v6  }
0x131: {  	v7 =	vld [tilespmem:$0xA40];
	_ =	sdelay $0x6  }
0x132: {  	s11 =	sadd.s32 s10, s23  }
0x133: {  	s17 =	sadd.s32 $0xC00, s11;
	[tilespmem:v7+s25+$0x0] =	vst.idx.add.f32.msk $0xffff, v6  }
0x134: {  	[tilespmem:s3], [sflag:$0x2] =	stream.linear.gather [hbm4b:s17+s3], $0x280, $0x38;
	[tilespmem:$0x1C100] =	vst v63  }
0x135: {  	s17 =	sadd.s32 $0xD400, s11  }
0x136: {  	[tilespmem:s31], [sflag:$0x2] =	stream.linear.gather [hbm4b:s17+s3], $0x280, $0x38;
	[tilespmem:$0x1C100] =	vst v63  }
0x137: {  	_ =	swait.ge [sflag:s21], $0x2800  }
0x138: {  	[sflag:s21] =	ssyncset.done $0x0  }
0x139: {  	s17 =	simm.s32 $0x480;
	[sflag:s21] =	ssyncadd.s32 $0xFFFFD800  }
0x13a: {  	[tilespmem:s29], [sflag:$0x1] =	stream.indirect.gather [hbm4b:s5+s18], $0x80, s17, s18, $0xb8;
	[tilespmem:$0x1C100] =	vst v63  }
0x13b: {  	_ = 	snop  }
0x13c: {  	[spmem:s2] =	stream.indirect.scatter.add.f32 [tilespmem:s24], [sflag:$0x3], $0x80, s20, s18, $0xb8;
	[tilespmem:$0x1C100] =	vst v63  }
0x13d: {  	_ =	swait.ge [sflag:s30], $0x2800  }
0x13e: {  	[sflag:s30] =	ssyncset.done $0x0  }
0x13f: {  	[sflag:s30] =	ssyncadd.s32 $0xFFFFD800  }
0x140: {  	v7 =	vld [tilespmem:$0xC00];
	_ =	sdelay $0x7  }
0x141: {  	[tilespmem:v7+s25+$0x0] =	vst.idx.add.f32.msk $0xffff, v6  }
0x142: {  	v7 =	vld [tilespmem:$0xC10];
	_ =	sdelay $0x7  }
0x143: {  	[tilespmem:v7+s25+$0x0] =	vst.idx.add.f32.msk $0xffff, v6  }
0x144: {  	v7 =	vld [tilespmem:$0xC20];
	_ =	sdelay $0x7  }
0x145: {  	[tilespmem:v7+s25+$0x0] =	vst.idx.add.f32.msk $0xffff, v6  }
0x146: {  	v7 =	vld [tilespmem:$0xC30];
	_ =	sdelay $0x7  }
0x147: {  	[tilespmem:v7+s25+$0x0] =	vst.idx.add.f32.msk $0xffff, v6  }
0x148: {  	v7 =	vld [tilespmem:$0xC40];
	_ =	sdelay $0x7  }
0x149: {  	[tilespmem:v7+s25+$0x0] =	vst.idx.add.f32.msk $0xffff, v6  }
0x14a: {  	_ =	swait.ge [sflag:s21], $0x2800  }
0x14b: {  	[sflag:s21] =	ssyncset.done $0x0  }
0x14c: {  	s17 =	simm.s32 $0x500;
	[sflag:s21] =	ssyncadd.s32 $0xFFFFD800  }
0x14d: {  	[tilespmem:s24], [sflag:$0x1] =	stream.indirect.gather [hbm4b:s5+s18], $0x80, s17, s18, $0xb8;
	[tilespmem:$0x1C100] =	vst v63  }
0x14e: {  	s17 =	simm.s32 $0xC80  }
0x14f: {  	[spmem:s2] =	stream.indirect.scatter.add.f32 [tilespmem:s29], [sflag:$0x3], $0x80, s17, s18, $0xb8;
	[tilespmem:$0x1C100] =	vst v63  }
0x150: {  	_ =	swait.ge [sflag:s30], $0x2800  }
0x151: {  	[sflag:s30] =	ssyncset.done $0x0  }
0x152: {  	[sflag:s30] =	ssyncadd.s32 $0xFFFFD800  }
0x153: {  	v7 =	vld [tilespmem:$0xC80];
	_ =	sdelay $0x7  }
0x154: {  	[tilespmem:v7+s25+$0x0] =	vst.idx.add.f32.msk $0xffff, v6  }
0x155: {  	v7 =	vld [tilespmem:$0xC90];
	_ =	sdelay $0x7  }
0x156: {  	[tilespmem:v7+s25+$0x0] =	vst.idx.add.f32.msk $0xffff, v6  }
0x157: {  	v7 =	vld [tilespmem:$0xCA0];
	_ =	sdelay $0x7  }
0x158: {  	[tilespmem:v7+s25+$0x0] =	vst.idx.add.f32.msk $0xffff, v6  }
0x159: {  	v7 =	vld [tilespmem:$0xCB0];
	_ =	sdelay $0x7  }
0x15a: {  	[tilespmem:v7+s25+$0x0] =	vst.idx.add.f32.msk $0xffff, v6  }
0x15b: {  	v7 =	vld [tilespmem:$0xCC0];
	_ =	sdelay $0x7  }
0x15c: {  	[tilespmem:v7+s25+$0x0] =	vst.idx.add.f32.msk $0xffff, v6  }
0x15d: {  	_ =	swait.ge [sflag:s21], $0x2800  }
0x15e: {  	[sflag:s21] =	ssyncset.done $0x0  }
0x15f: {  	s17 =	simm.s32 $0x580;
	[sflag:s21] =	ssyncadd.s32 $0xFFFFD800  }
0x160: {  	[tilespmem:s29], [sflag:$0x1] =	stream.indirect.gather [hbm4b:s5+s18], $0x80, s17, s18, $0xb8;
	[tilespmem:$0x1C100] =	vst v63  }
0x161: {  	s17 =	simm.s32 $0xD00  }
0x162: {  	[spmem:s2] =	stream.indirect.scatter.add.f32 [tilespmem:s24], [sflag:$0x3], $0x80, s17, s18, $0xb8;
	[tilespmem:$0x1C100] =	vst v63  }
0x163: {  	_ =	swait.ge [sflag:s30], $0x2800  }
0x164: {  	[sflag:s30] =	ssyncset.done $0x0  }
0x165: {  	[sflag:s30] =	ssyncadd.s32 $0xFFFFD800  }
0x166: {  	v7 =	vld [tilespmem:$0xD00];
	_ =	sdelay $0x7  }
0x167: {  	[tilespmem:v7+s25+$0x0] =	vst.idx.add.f32.msk $0xffff, v6  }
0x168: {  	v7 =	vld [tilespmem:$0xD10];
	_ =	sdelay $0x7  }
0x169: {  	[tilespmem:v7+s25+$0x0] =	vst.idx.add.f32.msk $0xffff, v6  }
0x16a: {  	v7 =	vld [tilespmem:$0xD20];
	_ =	sdelay $0x7  }
0x16b: {  	[tilespmem:v7+s25+$0x0] =	vst.idx.add.f32.msk $0xffff, v6  }
0x16c: {  	v7 =	vld [tilespmem:$0xD30];
	_ =	sdelay $0x7  }
0x16d: {  	[tilespmem:v7+s25+$0x0] =	vst.idx.add.f32.msk $0xffff, v6  }
0x16e: {  	v7 =	vld [tilespmem:$0xD40];
	_ =	sdelay $0x7  }
0x16f: {  	[tilespmem:v7+s25+$0x0] =	vst.idx.add.f32.msk $0xffff, v6  }
0x170: {  	_ =	swait.ge [sflag:s21], $0x2800  }
0x171: {  	[sflag:s21] =	ssyncset.done $0x0  }
0x172: {  	[sflag:s21] =	ssyncadd.s32 $0xFFFFD800  }
0x173: {  	[tilespmem:s24], [sflag:$0x1] =	stream.indirect.gather [hbm4b:s5+s18], $0x80, s7, s18, $0xb8;
	[tilespmem:$0x1C100] =	vst v63  }
0x174: {  	_ = 	snop  }
0x175: {  	[spmem:s2] =	stream.indirect.scatter.add.f32 [tilespmem:s29], [sflag:$0x3], $0x80, s4, s18, $0xb8;
	[tilespmem:$0x1C100] =	vst v63  }
0x176: {  	_ =	swait.ge [sflag:s30], $0x2800  }
0x177: {  	[sflag:s30] =	ssyncset.done $0x0  }
0x178: {  	[sflag:s30] =	ssyncadd.s32 $0xFFFFD800  }
0x179: {  	v7 =	vld [tilespmem:$0xD80];
	_ =	sdelay $0x7  }
0x17a: {  	[tilespmem:v7+s25+$0x0] =	vst.idx.add.f32.msk $0xffff, v6  }
0x17b: {  	v7 =	vld [tilespmem:$0xD90];
	_ =	sdelay $0x7  }
0x17c: {  	[tilespmem:v7+s25+$0x0] =	vst.idx.add.f32.msk $0xffff, v6  }
0x17d: {  	v7 =	vld [tilespmem:$0xDA0];
	_ =	sdelay $0x7  }
0x17e: {  	[tilespmem:v7+s25+$0x0] =	vst.idx.add.f32.msk $0xffff, v6  }
0x17f: {  	v7 =	vld [tilespmem:$0xDB0];
	_ =	sdelay $0x7  }
0x180: {  	[tilespmem:v7+s25+$0x0] =	vst.idx.add.f32.msk $0xffff, v6  }
0x181: {  	v7 =	vld [tilespmem:$0xDC0];
	_ =	sdelay $0x7  }
0x182: {  	[tilespmem:v7+s25+$0x0] =	vst.idx.add.f32.msk $0xffff, v6  }
0x183: {  	_ =	swait.ge [sflag:s21], $0x2800  }
0x184: {  	[sflag:s21] =	ssyncset.done $0x0  }
0x185: {  	[sflag:s21] =	ssyncadd.s32 $0xFFFFD800  }
0x186: {  	_ =	swait.ge [sflag:s0], $0x280  }
0x187: {  	[sflag:s0] =	ssyncset.done $0x0  }
0x188: {  	[sflag:s0] =	ssyncadd.s32 $0xFFFFFD80  }
0x189: {  	_ =	swait.ge [sflag:s0], $0x280  }
0x18a: {  	[sflag:s0] =	ssyncset.done $0x0  }
0x18b: {  	[sflag:s0] =	ssyncadd.s32 $0xFFFFFD80  }
0x18c: {  	[tilespmem:s29], [sflag:$0x1] =	stream.indirect.gather [hbm4b:s5+s18], $0x80, s3, s18, $0xb8;
	[tilespmem:$0x1C100] =	vst v63  }
0x18d: {  	_ = 	snop  }
0x18e: {  	[spmem:s2] =	stream.indirect.scatter.add.f32 [tilespmem:s24], [sflag:$0x3], $0x80, s9, s18, $0xb8;
	[tilespmem:$0x1C100] =	vst v63  }
0x18f: {  	_ =	swait.ge [sflag:s30], $0x2800  }
0x190: {  	[sflag:s30] =	ssyncset.done $0x0  }
0x191: {  	[sflag:s30] =	ssyncadd.s32 $0xFFFFD800  }
0x192: {  	v7 =	vld [tilespmem:$0xE00];
	_ =	sdelay $0x7  }
0x193: {  	[tilespmem:v7+s25+$0x0] =	vst.idx.add.f32.msk $0xffff, v6  }
0x194: {  	v7 =	vld [tilespmem:$0xE10];
	_ =	sdelay $0x7  }
0x195: {  	[tilespmem:v7+s25+$0x0] =	vst.idx.add.f32.msk $0xffff, v6  }
0x196: {  	v7 =	vld [tilespmem:$0xE20];
	_ =	sdelay $0x7  }
0x197: {  	[tilespmem:v7+s25+$0x0] =	vst.idx.add.f32.msk $0xffff, v6  }
0x198: {  	v7 =	vld [tilespmem:$0xE30];
	_ =	sdelay $0x7  }
0x199: {  	[tilespmem:v7+s25+$0x0] =	vst.idx.add.f32.msk $0xffff, v6  }
0x19a: {  	v7 =	vld [tilespmem:$0xE40];
	_ =	sdelay $0x2  }
0x19b: {  	p3 =	seq.s32 s10, $0x0  }
.Ltmp8:
0x19c: {  	_ = 	snop;
	(pc) =	sbr.rel @p3 .LBB2_19-.Ltmp8, $2  }
0x19d: {  	_ =	sdelay $0x2  }
0x19e: {  	[tilespmem:v7+s25+$0x0] =	vst.idx.add.f32.msk $0xffff, v6  }
.Ltmp9:
0x19f: {  	(pc) =	sbr.rel .LBB2_12-.Ltmp9, $4  }
0x1a0: {  	s17 =	sadd.s32 $0xC80, s11  }
0x1a1: {  	[tilespmem:s19], [sflag:$0x2] =	stream.linear.gather [hbm4b:s17+s3], $0x280, $0x38;
	[tilespmem:$0x1C100] =	vst v63  }
0x1a2: {  	s10 =	sadd.s32 $0x100, s10;
	s17 =	sadd.s32 $0xD480, s11  }
0x1a3: {  	[tilespmem:s20], [sflag:$0x2] =	stream.linear.gather [hbm4b:s17+s3], $0x280, $0x38;
	[tilespmem:$0x1C100] =	vst v63  }
.LBB2_14:
0x1a4: {  	[tilespmem:s29], [sflag:$0x1] =	stream.indirect.gather [hbm4b:s1+s18], $0x80, s3, s18, $0xb8;
	[tilespmem:$0x1C100] =	vst v63  }
0x1a5: {  	s10 =	rddreg [dreg:$0x7]  }
0x1a6: {  	[tilespmem:s19], [sflag:$0x2] =	stream.linear.gather [hbm4b:s10+s3], $0x280, $0x38;
	[tilespmem:$0x1C100] =	vst v63  }
0x1a7: {  	s17 =	rddreg [dreg:$0x8];
	s10 =	simm.s32 $0xFFFFF500  }
0x1a8: {  	[tilespmem:s20], [sflag:$0x2] =	stream.linear.gather [hbm4b:s17+s3], $0x280, $0x38;
	[tilespmem:$0x1C100] =	vst v63  }
.LBB2_15:
0x1a9: {  	_ =	swait.ge [sflag:s21], $0x2800  }
0x1aa: {  	[sflag:s21] =	ssyncset.done $0x0  }
0x1ab: {  	[sflag:s21] =	ssyncadd.s32 $0xFFFFD800  }
0x1ac: {  	[tilespmem:s24], [sflag:$0x1] =	stream.indirect.gather [hbm4b:s1+s18], $0x80, s22, s18, $0xb8;
	[tilespmem:$0x1C100] =	vst v63  }
0x1ad: {  	_ = 	snop  }
0x1ae: {  	[spmem:s2] =	stream.indirect.scatter.add.f32 [tilespmem:s29], [sflag:$0x3], $0x80, s31, s18, $0xb8;
	[tilespmem:$0x1C100] =	vst v63  }
0x1af: {  	_ =	swait.ge [sflag:s30], $0x2800  }
0x1b0: {  	[sflag:s30] =	ssyncset.done $0x0  }
0x1b1: {  	[sflag:s30] =	ssyncadd.s32 $0xFFFFD800  }
0x1b2: {  	_ =	swait.ge [sflag:s21], $0x2800  }
0x1b3: {  	[sflag:s21] =	ssyncset.done $0x0  }
0x1b4: {  	[sflag:s21] =	ssyncadd.s32 $0xFFFFD800  }
0x1b5: {  	[tilespmem:s29], [sflag:$0x1] =	stream.indirect.gather [hbm4b:s1+s18], $0x80, s26, s18, $0xb8;
	[tilespmem:$0x1C100] =	vst v63  }
0x1b6: {  	_ = 	snop  }
0x1b7: {  	[spmem:s2] =	stream.indirect.scatter.add.f32 [tilespmem:s24], [sflag:$0x3], $0x80, s28, s18, $0xb8;
	[tilespmem:$0x1C100] =	vst v63  }
0x1b8: {  	_ =	swait.ge [sflag:s30], $0x2800  }
0x1b9: {  	[sflag:s30] =	ssyncset.done $0x0  }
0x1ba: {  	[sflag:s30] =	ssyncadd.s32 $0xFFFFD800  }
0x1bb: {  	_ =	swait.ge [sflag:s21], $0x2800  }
0x1bc: {  	[sflag:s21] =	ssyncset.done $0x0  }
0x1bd: {  	[sflag:s21] =	ssyncadd.s32 $0xFFFFD800  }
0x1be: {  	[tilespmem:s24], [sflag:$0x1] =	stream.indirect.gather [hbm4b:s1+s18], $0x80, s15, s18, $0xb8;
	[tilespmem:$0x1C100] =	vst v63  }
0x1bf: {  	_ = 	snop  }
0x1c0: {  	[spmem:s2] =	stream.indirect.scatter.add.f32 [tilespmem:s29], [sflag:$0x3], $0x80, s16, s18, $0xb8;
	[tilespmem:$0x1C100] =	vst v63  }
0x1c1: {  	_ =	swait.ge [sflag:s30], $0x2800  }
0x1c2: {  	[sflag:s30] =	ssyncset.done $0x0  }
0x1c3: {  	[sflag:s30] =	ssyncadd.s32 $0xFFFFD800  }
0x1c4: {  	_ =	swait.ge [sflag:s21], $0x2800  }
0x1c5: {  	[sflag:s21] =	ssyncset.done $0x0  }
0x1c6: {  	[sflag:s21] =	ssyncadd.s32 $0xFFFFD800  }
0x1c7: {  	[tilespmem:s29], [sflag:$0x1] =	stream.indirect.gather [hbm4b:s1+s18], $0x80, s6, s18, $0xb8;
	[tilespmem:$0x1C100] =	vst v63  }
0x1c8: {  	_ = 	snop  }
0x1c9: {  	[spmem:s2] =	stream.indirect.scatter.add.f32 [tilespmem:s24], [sflag:$0x3], $0x80, s12, s18, $0xb8;
	[tilespmem:$0x1C100] =	vst v63  }
0x1ca: {  	_ =	swait.ge [sflag:s30], $0x2800  }
0x1cb: {  	[sflag:s30] =	ssyncset.done $0x0  }
0x1cc: {  	[sflag:s30] =	ssyncadd.s32 $0xFFFFD800  }
0x1cd: {  	_ =	swait.ge [sflag:s21], $0x2800  }
0x1ce: {  	[sflag:s21] =	ssyncset.done $0x0  }
0x1cf: {  	[sflag:s21] =	ssyncadd.s32 $0xFFFFD800  }
0x1d0: {  	_ =	swait.ge [sflag:s0], $0x280  }
0x1d1: {  	[sflag:s0] =	ssyncset.done $0x0  }
0x1d2: {  	[sflag:s0] =	ssyncadd.s32 $0xFFFFFD80  }
0x1d3: {  	_ =	swait.ge [sflag:s0], $0x280  }
0x1d4: {  	[sflag:s0] =	ssyncset.done $0x0  }
0x1d5: {  	[sflag:s0] =	ssyncadd.s32 $0xFFFFFD80  }
0x1d6: {  	[tilespmem:s24], [sflag:$0x1] =	stream.indirect.gather [hbm4b:s1+s18], $0x80, s19, s18, $0xb8;
	[tilespmem:$0x1C100] =	vst v63  }
0x1d7: {  	_ = 	snop  }
0x1d8: {  	[spmem:s2] =	stream.indirect.scatter.add.f32 [tilespmem:s29], [sflag:$0x3], $0x80, s14, s18, $0xb8;
	[tilespmem:$0x1C100] =	vst v63  }
0x1d9: {  	_ =	swait.ge [sflag:s30], $0x2800  }
0x1da: {  	s11 =	sadd.s32 s10, s23;
	[sflag:s30] =	ssyncset.done $0x0  }
0x1db: {  	s17 =	sadd.s32 $0xC00, s11;
	[sflag:s30] =	ssyncadd.s32 $0xFFFFD800  }
0x1dc: {  	[tilespmem:s3], [sflag:$0x2] =	stream.linear.gather [hbm4b:s17+s3], $0x280, $0x38;
	[tilespmem:$0x1C100] =	vst v63  }
0x1dd: {  	s17 =	sadd.s32 $0xD400, s11  }
0x1de: {  	[tilespmem:s31], [sflag:$0x2] =	stream.linear.gather [hbm4b:s17+s3], $0x280, $0x38;
	[tilespmem:$0x1C100] =	vst v63  }
0x1df: {  	_ =	swait.ge [sflag:s21], $0x2800  }
0x1e0: {  	[sflag:s21] =	ssyncset.done $0x0  }
0x1e1: {  	s17 =	simm.s32 $0x480;
	[sflag:s21] =	ssyncadd.s32 $0xFFFFD800  }
0x1e2: {  	[tilespmem:s29], [sflag:$0x1] =	stream.indirect.gather [hbm4b:s1+s18], $0x80, s17, s18, $0xb8;
	[tilespmem:$0x1C100] =	vst v63  }
0x1e3: {  	_ = 	snop  }
0x1e4: {  	[spmem:s2] =	stream.indirect.scatter.add.f32 [tilespmem:s24], [sflag:$0x3], $0x80, s20, s18, $0xb8;
	[tilespmem:$0x1C100] =	vst v63  }
0x1e5: {  	_ =	swait.ge [sflag:s30], $0x2800  }
0x1e6: {  	[sflag:s30] =	ssyncset.done $0x0  }
0x1e7: {  	[sflag:s30] =	ssyncadd.s32 $0xFFFFD800  }
0x1e8: {  	_ =	swait.ge [sflag:s21], $0x2800  }
0x1e9: {  	[sflag:s21] =	ssyncset.done $0x0  }
0x1ea: {  	s17 =	simm.s32 $0x500;
	[sflag:s21] =	ssyncadd.s32 $0xFFFFD800  }
0x1eb: {  	[tilespmem:s24], [sflag:$0x1] =	stream.indirect.gather [hbm4b:s1+s18], $0x80, s17, s18, $0xb8;
	[tilespmem:$0x1C100] =	vst v63  }
0x1ec: {  	s17 =	simm.s32 $0xC80  }
0x1ed: {  	[spmem:s2] =	stream.indirect.scatter.add.f32 [tilespmem:s29], [sflag:$0x3], $0x80, s17, s18, $0xb8;
	[tilespmem:$0x1C100] =	vst v63  }
0x1ee: {  	_ =	swait.ge [sflag:s30], $0x2800  }
0x1ef: {  	[sflag:s30] =	ssyncset.done $0x0  }
0x1f0: {  	[sflag:s30] =	ssyncadd.s32 $0xFFFFD800  }
0x1f1: {  	_ =	swait.ge [sflag:s21], $0x2800  }
0x1f2: {  	[sflag:s21] =	ssyncset.done $0x0  }
0x1f3: {  	s17 =	simm.s32 $0x580;
	[sflag:s21] =	ssyncadd.s32 $0xFFFFD800  }
0x1f4: {  	[tilespmem:s29], [sflag:$0x1] =	stream.indirect.gather [hbm4b:s1+s18], $0x80, s17, s18, $0xb8;
	[tilespmem:$0x1C100] =	vst v63  }
0x1f5: {  	s17 =	simm.s32 $0xD00  }
0x1f6: {  	[spmem:s2] =	stream.indirect.scatter.add.f32 [tilespmem:s24], [sflag:$0x3], $0x80, s17, s18, $0xb8;
	[tilespmem:$0x1C100] =	vst v63  }
0x1f7: {  	_ =	swait.ge [sflag:s30], $0x2800  }
0x1f8: {  	[sflag:s30] =	ssyncset.done $0x0  }
0x1f9: {  	[sflag:s30] =	ssyncadd.s32 $0xFFFFD800  }
0x1fa: {  	_ =	swait.ge [sflag:s21], $0x2800  }
0x1fb: {  	[sflag:s21] =	ssyncset.done $0x0  }
0x1fc: {  	[sflag:s21] =	ssyncadd.s32 $0xFFFFD800  }
0x1fd: {  	[tilespmem:s24], [sflag:$0x1] =	stream.indirect.gather [hbm4b:s1+s18], $0x80, s7, s18, $0xb8;
	[tilespmem:$0x1C100] =	vst v63  }
0x1fe: {  	_ = 	snop  }
0x1ff: {  	[spmem:s2] =	stream.indirect.scatter.add.f32 [tilespmem:s29], [sflag:$0x3], $0x80, s4, s18, $0xb8;
	[tilespmem:$0x1C100] =	vst v63  }
0x200: {  	_ =	swait.ge [sflag:s30], $0x2800  }
0x201: {  	[sflag:s30] =	ssyncset.done $0x0  }
0x202: {  	[sflag:s30] =	ssyncadd.s32 $0xFFFFD800  }
0x203: {  	_ =	swait.ge [sflag:s21], $0x2800  }
0x204: {  	[sflag:s21] =	ssyncset.done $0x0  }
0x205: {  	[sflag:s21] =	ssyncadd.s32 $0xFFFFD800  }
0x206: {  	_ =	swait.ge [sflag:s0], $0x280  }
0x207: {  	[sflag:s0] =	ssyncset.done $0x0  }
0x208: {  	[sflag:s0] =	ssyncadd.s32 $0xFFFFFD80  }
0x209: {  	_ =	swait.ge [sflag:s0], $0x280  }
0x20a: {  	[sflag:s0] =	ssyncset.done $0x0  }
0x20b: {  	p3 =	seq.s32 s10, $0x0;
	[sflag:s0] =	ssyncadd.s32 $0xFFFFFD80  }
0x20c: {  	[tilespmem:s29], [sflag:$0x1] =	stream.indirect.gather [hbm4b:s1+s18], $0x80, s3, s18, $0xb8;
	[tilespmem:$0x1C100] =	vst v63  }
.Ltmp10:
0x20d: {  	_ = 	snop;
	(pc) =	sbr.rel @p3 .LBB2_17-.Ltmp10, $4  }
0x20e: {  	[spmem:s2] =	stream.indirect.scatter.add.f32 [tilespmem:s24], [sflag:$0x3], $0x80, s9, s18, $0xb8;
	[tilespmem:$0x1C100] =	vst v63  }
0x20f: {  	_ =	swait.ge [sflag:s30], $0x2800  }
0x210: {  	[sflag:s30] =	ssyncset.done $0x0  }
0x211: {  	[sflag:s30] =	ssyncadd.s32 $0xFFFFD800  }
.Ltmp11:
0x212: {  	(pc) =	sbr.rel .LBB2_15-.Ltmp11, $4  }
0x213: {  	s17 =	sadd.s32 $0xC80, s11  }
0x214: {  	[tilespmem:s19], [sflag:$0x2] =	stream.linear.gather [hbm4b:s17+s3], $0x280, $0x38;
	[tilespmem:$0x1C100] =	vst v63  }
0x215: {  	s10 =	sadd.s32 $0x100, s10;
	s17 =	sadd.s32 $0xD480, s11  }
0x216: {  	[tilespmem:s20], [sflag:$0x2] =	stream.linear.gather [hbm4b:s17+s3], $0x280, $0x38;
	[tilespmem:$0x1C100] =	vst v63  }
.LBB2_19:
0x217: {  	_ =	swait.ge [sflag:s21], $0x2800  }
0x218: {  	[sflag:s21] =	ssyncset.done $0x0  }
0x219: {  	[sflag:s21] =	ssyncadd.s32 $0xFFFFD800  }
0x21a: {  	[tilespmem:s24], [sflag:$0x1] =	stream.indirect.gather [hbm4b:s5+s18], $0x80, s22, s18, $0xb8;
	[tilespmem:$0x1C100] =	vst v63  }
0x21b: {  	_ = 	snop  }
0x21c: {  	[spmem:s2] =	stream.indirect.scatter.add.f32 [tilespmem:s29], [sflag:$0x3], $0x80, s31, s18, $0xb8;
	[tilespmem:$0x1C100] =	vst v63  }
0x21d: {  	_ =	swait.ge [sflag:s30], $0x2800  }
0x21e: {  	[sflag:s30] =	ssyncset.done $0x0  }
0x21f: {  	[sflag:s30] =	ssyncadd.s32 $0xFFFFD800  }
0x220: {  	v7 =	vld [tilespmem:$0x800];
	_ =	sdelay $0x7  }
0x221: {  	[tilespmem:v7+s25+$0x0] =	vst.idx.add.f32.msk $0xffff, v6  }
0x222: {  	v7 =	vld [tilespmem:$0x810];
	_ =	sdelay $0x7  }
0x223: {  	[tilespmem:v7+s25+$0x0] =	vst.idx.add.f32.msk $0xffff, v6  }
0x224: {  	v7 =	vld [tilespmem:$0x820];
	_ =	sdelay $0x7  }
0x225: {  	[tilespmem:v7+s25+$0x0] =	vst.idx.add.f32.msk $0xffff, v6  }
0x226: {  	v7 =	vld [tilespmem:$0x830];
	_ =	sdelay $0x7  }
0x227: {  	[tilespmem:v7+s25+$0x0] =	vst.idx.add.f32.msk $0xffff, v6  }
0x228: {  	v7 =	vld [tilespmem:$0x840];
	_ =	sdelay $0x7  }
0x229: {  	[tilespmem:v7+s25+$0x0] =	vst.idx.add.f32.msk $0xffff, v6  }
0x22a: {  	_ =	swait.ge [sflag:s21], $0x2800  }
0x22b: {  	[sflag:s21] =	ssyncset.done $0x0  }
0x22c: {  	[sflag:s21] =	ssyncadd.s32 $0xFFFFD800  }
0x22d: {  	[tilespmem:s29], [sflag:$0x1] =	stream.indirect.gather [hbm4b:s5+s18], $0x80, s26, s18, $0xb8;
	[tilespmem:$0x1C100] =	vst v63  }
0x22e: {  	_ = 	snop  }
0x22f: {  	[spmem:s2] =	stream.indirect.scatter.add.f32 [tilespmem:s24], [sflag:$0x3], $0x80, s28, s18, $0xb8;
	[tilespmem:$0x1C100] =	vst v63  }
0x230: {  	_ =	swait.ge [sflag:s30], $0x2800  }
0x231: {  	[sflag:s30] =	ssyncset.done $0x0  }
0x232: {  	[sflag:s30] =	ssyncadd.s32 $0xFFFFD800  }
0x233: {  	v7 =	vld [tilespmem:$0x880];
	_ =	sdelay $0x7  }
0x234: {  	[tilespmem:v7+s25+$0x0] =	vst.idx.add.f32.msk $0xffff, v6  }
0x235: {  	v7 =	vld [tilespmem:$0x890];
	_ =	sdelay $0x7  }
0x236: {  	[tilespmem:v7+s25+$0x0] =	vst.idx.add.f32.msk $0xffff, v6  }
0x237: {  	v7 =	vld [tilespmem:$0x8A0];
	_ =	sdelay $0x7  }
0x238: {  	[tilespmem:v7+s25+$0x0] =	vst.idx.add.f32.msk $0xffff, v6  }
0x239: {  	v7 =	vld [tilespmem:$0x8B0];
	_ =	sdelay $0x7  }
0x23a: {  	[tilespmem:v7+s25+$0x0] =	vst.idx.add.f32.msk $0xffff, v6  }
0x23b: {  	v7 =	vld [tilespmem:$0x8C0];
	_ =	sdelay $0x7  }
0x23c: {  	[tilespmem:v7+s25+$0x0] =	vst.idx.add.f32.msk $0xffff, v6  }
0x23d: {  	_ =	swait.ge [sflag:s21], $0x2800  }
0x23e: {  	[sflag:s21] =	ssyncset.done $0x0  }
0x23f: {  	[sflag:s21] =	ssyncadd.s32 $0xFFFFD800  }
0x240: {  	[tilespmem:s24], [sflag:$0x1] =	stream.indirect.gather [hbm4b:s5+s18], $0x80, s15, s18, $0xb8;
	[tilespmem:$0x1C100] =	vst v63  }
0x241: {  	_ = 	snop  }
0x242: {  	[spmem:s2] =	stream.indirect.scatter.add.f32 [tilespmem:s29], [sflag:$0x3], $0x80, s16, s18, $0xb8;
	[tilespmem:$0x1C100] =	vst v63  }
0x243: {  	_ =	swait.ge [sflag:s30], $0x2800  }
0x244: {  	[sflag:s30] =	ssyncset.done $0x0  }
0x245: {  	[sflag:s30] =	ssyncadd.s32 $0xFFFFD800  }
0x246: {  	v7 =	vld [tilespmem:$0x900];
	_ =	sdelay $0x7  }
0x247: {  	[tilespmem:v7+s25+$0x0] =	vst.idx.add.f32.msk $0xffff, v6  }
0x248: {  	v7 =	vld [tilespmem:$0x910];
	_ =	sdelay $0x7  }
0x249: {  	[tilespmem:v7+s25+$0x0] =	vst.idx.add.f32.msk $0xffff, v6  }
0x24a: {  	v7 =	vld [tilespmem:$0x920];
	_ =	sdelay $0x7  }
0x24b: {  	[tilespmem:v7+s25+$0x0] =	vst.idx.add.f32.msk $0xffff, v6  }
0x24c: {  	v7 =	vld [tilespmem:$0x930];
	_ =	sdelay $0x7  }
0x24d: {  	[tilespmem:v7+s25+$0x0] =	vst.idx.add.f32.msk $0xffff, v6  }
0x24e: {  	v7 =	vld [tilespmem:$0x940];
	_ =	sdelay $0x7  }
0x24f: {  	[tilespmem:v7+s25+$0x0] =	vst.idx.add.f32.msk $0xffff, v6  }
0x250: {  	_ =	swait.ge [sflag:s21], $0x2800  }
0x251: {  	[sflag:s21] =	ssyncset.done $0x0  }
0x252: {  	[sflag:s21] =	ssyncadd.s32 $0xFFFFD800  }
0x253: {  	[tilespmem:s29], [sflag:$0x1] =	stream.indirect.gather [hbm4b:s5+s18], $0x80, s6, s18, $0xb8;
	[tilespmem:$0x1C100] =	vst v63  }
0x254: {  	_ = 	snop  }
0x255: {  	[spmem:s2] =	stream.indirect.scatter.add.f32 [tilespmem:s24], [sflag:$0x3], $0x80, s12, s18, $0xb8;
	[tilespmem:$0x1C100] =	vst v63  }
0x256: {  	_ =	swait.ge [sflag:s30], $0x2800  }
0x257: {  	[sflag:s30] =	ssyncset.done $0x0  }
0x258: {  	[sflag:s30] =	ssyncadd.s32 $0xFFFFD800  }
0x259: {  	v7 =	vld [tilespmem:$0x980];
	_ =	sdelay $0x7  }
0x25a: {  	[tilespmem:v7+s25+$0x0] =	vst.idx.add.f32.msk $0xffff, v6  }
0x25b: {  	v7 =	vld [tilespmem:$0x990];
	_ =	sdelay $0x7  }
0x25c: {  	[tilespmem:v7+s25+$0x0] =	vst.idx.add.f32.msk $0xffff, v6  }
0x25d: {  	v7 =	vld [tilespmem:$0x9A0];
	_ =	sdelay $0x7  }
0x25e: {  	[tilespmem:v7+s25+$0x0] =	vst.idx.add.f32.msk $0xffff, v6  }
0x25f: {  	v7 =	vld [tilespmem:$0x9B0];
	_ =	sdelay $0x7  }
0x260: {  	[tilespmem:v7+s25+$0x0] =	vst.idx.add.f32.msk $0xffff, v6  }
0x261: {  	v7 =	vld [tilespmem:$0x9C0];
	_ =	sdelay $0x7  }
0x262: {  	[tilespmem:v7+s25+$0x0] =	vst.idx.add.f32.msk $0xffff, v6  }
0x263: {  	_ =	swait.ge [sflag:s21], $0x2800  }
0x264: {  	[sflag:s21] =	ssyncset.done $0x0  }
0x265: {  	[sflag:s21] =	ssyncadd.s32 $0xFFFFD800  }
0x266: {  	[spmem:s2] =	stream.indirect.scatter.add.f32 [tilespmem:s29], [sflag:$0x3], $0x80, s14, s18, $0xb8;
	[tilespmem:$0x1C100] =	vst v63  }
0x267: {  	_ =	swait.ge [sflag:s30], $0x2800  }
0x268: {  	[sflag:s30] =	ssyncset.done $0x0  }
0x269: {  	[sflag:s30] =	ssyncadd.s32 $0xFFFFD800  }
0x26a: {  	v7 =	vld [tilespmem:$0xA00];
	_ =	sdelay $0x7  }
0x26b: {  	[tilespmem:v7+s25+$0x0] =	vst.idx.add.f32.msk $0xffff, v6  }
0x26c: {  	v7 =	vld [tilespmem:$0xA10];
	_ =	sdelay $0x7  }
0x26d: {  	[tilespmem:v7+s25+$0x0] =	vst.idx.add.f32.msk $0xffff, v6  }
0x26e: {  	v7 =	vld [tilespmem:$0xA20];
	_ =	sdelay $0x7  }
0x26f: {  	[tilespmem:v7+s25+$0x0] =	vst.idx.add.f32.msk $0xffff, v6  }
0x270: {  	v7 =	vld [tilespmem:$0xA30];
	_ =	sdelay $0x7  }
0x271: {  	[tilespmem:v7+s25+$0x0] =	vst.idx.add.f32.msk $0xffff, v6  }
0x272: {  	v7 =	vld [tilespmem:$0xA40];
	_ =	sdelay $0x5  }
.Ltmp12:
0x273: {  	_ = 	snop;
	(pc) =	sbr.rel @!p2 .LBB2_20-.Ltmp12, $3  }
0x274: {  	_ = 	snop  }
0x275: {  	[tilespmem:v7+s25+$0x0] =	vst.idx.add.f32.msk $0xffff, v6  }
0x276: {  	[bflag:$0x0] =	sbarrier.arrive $0xFFFF;
	_ =	sdelay $0x1  }
0x277: {  	s10 =	sshrl.u32 s13, $0x3  }
.Ltmp13:
0x278: {  	s11 =	rddreg [dreg:$0xc];
	s17 =	simm.s32 $0x1FC3;
	(pc) =	sbr.rel .LBB2_22-.Ltmp13, $4  }
0x279: {  	[hbm:s11], [sflag:s17] =	dma.local [spmem:s10], $0x2080  }
0x27a: {  	_ =	swait.ge [sflag:s30], $0x2080  }
0x27b: {  	[sflag:s30] =	ssyncset.done $0x0  }
0x27c: {  	p3 =	por $0x0, $0x0;
	[sflag:s30] =	ssyncadd.s32 $0xFFFFDF80  }
.LBB2_20:
0x27d: {  	s10 =	stileid.u32  }
0x27e: {  	s11 =	sshrl.u32 s8, $0x3;
	s10 =	sshll.u32 s10, $0x6  }
.Ltmp14:
0x27f: {  	s17 =	rddreg [dreg:$0xb];
	s10 =	sor.u32 $0x1C03, s10;
	(pc) =	sbr.rel @p0 .LBB2_22-.Ltmp14, $4  }
0x280: {  	[hbm:s17], [sflag:s10] =	dma.local [spmem:s11], $0x2780  }
0x281: {  	_ =	swait.ge [sflag:s30], $0x2780  }
0x282: {  	[sflag:s30] =	ssyncset.done $0x0  }
0x283: {  	p3 =	por $0x0, $0x0;
	[sflag:s30] =	ssyncadd.s32 $0xFFFFD880  }
0x284: {  	[tilespmem:$0x3800] =	vst v1  }
0x285: {  	[tilespmem:$0x3810] =	vst v1  }
0x286: {  	[tilespmem:$0x3820] =	vst v1  }
0x287: {  	[tilespmem:$0x3830] =	vst v1  }
0x288: {  	[tilespmem:$0x3840] =	vst v1  }
0x289: {  	[tilespmem:$0x3850] =	vst v1  }
0x28a: {  	[tilespmem:$0x3860] =	vst v1  }
0x28b: {  	[tilespmem:$0x3870] =	vst v1  }
0x28c: {  	[tilespmem:$0x3880] =	vst v1  }
0x28d: {  	[tilespmem:$0x3890] =	vst v1  }
0x28e: {  	[tilespmem:$0x38A0] =	vst v1  }
0x28f: {  	[tilespmem:$0x38B0] =	vst v1  }
0x290: {  	[tilespmem:$0x38C0] =	vst v1  }
0x291: {  	[tilespmem:$0x38D0] =	vst v1  }
0x292: {  	[tilespmem:$0x38E0] =	vst v1  }
0x293: {  	[tilespmem:$0x38F0] =	vst v1  }
0x294: {  	[tilespmem:$0x3900] =	vst v1  }
0x295: {  	[tilespmem:$0x3910] =	vst v1  }
0x296: {  	[tilespmem:$0x3920] =	vst v1  }
0x297: {  	[tilespmem:$0x3930] =	vst v1  }
0x298: {  	[tilespmem:$0x3940] =	vst v1  }
0x299: {  	[tilespmem:$0x3950] =	vst v1  }
0x29a: {  	[tilespmem:$0x3960] =	vst v1  }
0x29b: {  	[tilespmem:$0x3970] =	vst v1  }
0x29c: {  	[tilespmem:$0x3980] =	vst v1  }
0x29d: {  	[tilespmem:$0x3990] =	vst v1  }
0x29e: {  	[tilespmem:$0x39A0] =	vst v1  }
0x29f: {  	[tilespmem:$0x39B0] =	vst v1  }
0x2a0: {  	[tilespmem:$0x39C0] =	vst v1  }
0x2a1: {  	[tilespmem:$0x39D0] =	vst v1  }
0x2a2: {  	[tilespmem:$0x39E0] =	vst v1  }
0x2a3: {  	[tilespmem:$0x39F0] =	vst v1  }
0x2a4: {  	[tilespmem:$0x3A00] =	vst v1  }
0x2a5: {  	[tilespmem:$0x3A10] =	vst v1  }
0x2a6: {  	[tilespmem:$0x3A20] =	vst v1  }
0x2a7: {  	[tilespmem:$0x3A30] =	vst v1  }
0x2a8: {  	[tilespmem:$0x3A40] =	vst v1  }
0x2a9: {  	[tilespmem:$0x3A50] =	vst v1  }
0x2aa: {  	[tilespmem:$0x3A60] =	vst v1  }
0x2ab: {  	[tilespmem:$0x3A70] =	vst v1  }
0x2ac: {  	[tilespmem:$0x3A80] =	vst v1  }
0x2ad: {  	[tilespmem:$0x3A90] =	vst v1  }
0x2ae: {  	[tilespmem:$0x3AA0] =	vst v1  }
0x2af: {  	[tilespmem:$0x3AB0] =	vst v1  }
0x2b0: {  	[tilespmem:$0x3AC0] =	vst v1  }
0x2b1: {  	[tilespmem:$0x3AD0] =	vst v1  }
0x2b2: {  	[tilespmem:$0x3AE0] =	vst v1  }
0x2b3: {  	[tilespmem:$0x3AF0] =	vst v1  }
0x2b4: {  	[tilespmem:$0x3B00] =	vst v1  }
0x2b5: {  	[tilespmem:$0x3B10] =	vst v1  }
0x2b6: {  	[tilespmem:$0x3B20] =	vst v1  }
0x2b7: {  	[tilespmem:$0x3B30] =	vst v1  }
0x2b8: {  	[tilespmem:$0x3B40] =	vst v1  }
0x2b9: {  	[tilespmem:$0x3B50] =	vst v1  }
0x2ba: {  	[tilespmem:$0x3B60] =	vst v1  }
0x2bb: {  	[tilespmem:$0x3B70] =	vst v1  }
0x2bc: {  	[tilespmem:$0x3B80] =	vst v1  }
0x2bd: {  	[tilespmem:$0x3B90] =	vst v1  }
0x2be: {  	[tilespmem:$0x3BA0] =	vst v1  }
0x2bf: {  	[tilespmem:$0x3BB0] =	vst v1  }
0x2c0: {  	[tilespmem:$0x3BC0] =	vst v1  }
0x2c1: {  	[tilespmem:$0x3BD0] =	vst v1  }
0x2c2: {  	[tilespmem:$0x3BE0] =	vst v1  }
0x2c3: {  	[tilespmem:$0x3BF0] =	vst v1  }
0x2c4: {  	[spmem:s2] =	stream.linear.scatter [tilespmem:s24], [sflag:$0x3], $0x400, $0x38;
	[tilespmem:$0x1C100] =	vst v63  }
0x2c5: {  	_ =	swait.ge [sflag:s30], $0x400  }
0x2c6: {  	[sflag:s30] =	ssyncset.done $0x0  }
0x2c7: {  	s10 =	rddreg [dreg:$0xe];
	[sflag:s30] =	ssyncadd.s32 $0xFFFFFC00  }
0x2c8: {  	[spmem:s10] =	stream.linear.scatter [tilespmem:s24], [sflag:$0x3], $0x400, $0x38;
	[tilespmem:$0x1C100] =	vst v63  }
0x2c9: {  	_ =	swait.ge [sflag:s30], $0x400  }
0x2ca: {  	[sflag:s30] =	ssyncset.done $0x0  }
0x2cb: {  	s11 =	rddreg [dreg:$0xf];
	[sflag:s30] =	ssyncadd.s32 $0xFFFFFC00  }
0x2cc: {  	[spmem:s11] =	stream.linear.scatter [tilespmem:s24], [sflag:$0x3], $0x400, $0x38;
	[tilespmem:$0x1C100] =	vst v63  }
0x2cd: {  	_ =	swait.ge [sflag:s30], $0x400  }
0x2ce: {  	[sflag:s30] =	ssyncset.done $0x0  }
0x2cf: {  	s17 =	rddreg [dreg:$0x10];
	[sflag:s30] =	ssyncadd.s32 $0xFFFFFC00  }
0x2d0: {  	[spmem:s17] =	stream.linear.scatter [tilespmem:s24], [sflag:$0x3], $0x400, $0x38;
	[tilespmem:$0x1C100] =	vst v63  }
0x2d1: {  	_ =	swait.ge [sflag:s30], $0x400  }
0x2d2: {  	[sflag:s30] =	ssyncset.done $0x0  }
0x2d3: {  	s11 =	rddreg [dreg:$0x11];
	[sflag:s30] =	ssyncadd.s32 $0xFFFFFC00  }
0x2d4: {  	[spmem:s11] =	stream.linear.scatter [tilespmem:s24], [sflag:$0x3], $0x400, $0x38;
	[tilespmem:$0x1C100] =	vst v63  }
0x2d5: {  	_ =	swait.ge [sflag:s30], $0x400  }
0x2d6: {  	[sflag:s30] =	ssyncset.done $0x0  }
0x2d7: {  	s17 =	rddreg [dreg:$0x12];
	[sflag:s30] =	ssyncadd.s32 $0xFFFFFC00  }
0x2d8: {  	[spmem:s17] =	stream.linear.scatter [tilespmem:s24], [sflag:$0x3], $0x400, $0x38;
	[tilespmem:$0x1C100] =	vst v63  }
0x2d9: {  	_ =	swait.ge [sflag:s30], $0x400  }
0x2da: {  	[sflag:s30] =	ssyncset.done $0x0  }
0x2db: {  	s11 =	rddreg [dreg:$0x13];
	[sflag:s30] =	ssyncadd.s32 $0xFFFFFC00  }
0x2dc: {  	[spmem:s11] =	stream.linear.scatter [tilespmem:s24], [sflag:$0x3], $0x400, $0x38;
	[tilespmem:$0x1C100] =	vst v63  }
0x2dd: {  	_ =	swait.ge [sflag:s30], $0x400  }
0x2de: {  	[sflag:s30] =	ssyncset.done $0x0  }
0x2df: {  	s17 =	rddreg [dreg:$0x14];
	[sflag:s30] =	ssyncadd.s32 $0xFFFFFC00  }
0x2e0: {  	[spmem:s17] =	stream.linear.scatter [tilespmem:s24], [sflag:$0x3], $0x400, $0x38;
	[tilespmem:$0x1C100] =	vst v63  }
0x2e1: {  	_ =	swait.ge [sflag:s30], $0x400  }
0x2e2: {  	[sflag:s30] =	ssyncset.done $0x0  }
0x2e3: {  	s11 =	rddreg [dreg:$0x15];
	[sflag:s30] =	ssyncadd.s32 $0xFFFFFC00  }
0x2e4: {  	[spmem:s11] =	stream.linear.scatter [tilespmem:s24], [sflag:$0x3], $0x400, $0x38;
	[tilespmem:$0x1C100] =	vst v63  }
0x2e5: {  	_ =	swait.ge [sflag:s30], $0x400  }
0x2e6: {  	[sflag:s30] =	ssyncset.done $0x0  }
0x2e7: {  	s17 =	rddreg [dreg:$0x16];
	[sflag:s30] =	ssyncadd.s32 $0xFFFFFC00  }
0x2e8: {  	[spmem:s17] =	stream.linear.scatter [tilespmem:s24], [sflag:$0x3], $0x400, $0x38;
	[tilespmem:$0x1C100] =	vst v63  }
0x2e9: {  	_ =	swait.ge [sflag:s30], $0x400  }
0x2ea: {  	[sflag:s30] =	ssyncset.done $0x0  }
0x2eb: {  	p3 =	por $0x1, $0x1;
	[sflag:s30] =	ssyncadd.s32 $0xFFFFFC00  }
.LBB2_22:
0x2ec: {  	[bflag:$0x0] =	sbarrier.arrive $0xFFFF;
	s10 =	simm.s32 $0x0  }
0x2ed: {  	v10 =	vld [tilespmem:s10+$0x6070]  }
0x2ee: {  	v11 =	vld [tilespmem:s10+$0x6000]  }
0x2ef: {  	v12 =	vld [tilespmem:s10+$0x6010]  }
0x2f0: {  	v9 =	vld [tilespmem:s10+$0x6020]  }
0x2f1: {  	v7 =	vld [tilespmem:s10+$0x6030]  }
0x2f2: {  	v8 =	vld [tilespmem:s10+$0x6040];
	[tilespmem:s10+$0x1070] =	vst v10  }
0x2f3: {  	[tilespmem:s10+$0x1000] =	vst v11;
	v10 =	vld [tilespmem:s10+$0x6050]  }
0x2f4: {  	s11 =	simm.s32 $0x80;
	s17 =	simm.s32 $0x400;
	[tilespmem:s10+$0x1010] =	vst v12;
	v11 =	vld [tilespmem:s10+$0x6060]  }
.LBB2_23:
0x2f5: {  	p4 =	sne.s32 s17, $0x9E00;
	v12 =	vld [tilespmem:s11+$0x6070];
	[tilespmem:s10+$0x1020] =	vst v9  }
0x2f6: {  	v13 =	vld [tilespmem:s11+$0x6000];
	[tilespmem:s10+$0x1030] =	vst v7  }
0x2f7: {  	v14 =	vld [tilespmem:s11+$0x6010];
	[tilespmem:s10+$0x1040] =	vst v8  }
.Ltmp15:
0x2f8: {  	v9 =	vld [tilespmem:s11+$0x6020];
	[tilespmem:s10+$0x1050] =	vst v10;
	(pc) =	sbr.rel @p4 .LBB2_23-.Ltmp15, $4  }
0x2f9: {  	v7 =	vld [tilespmem:s11+$0x6030];
	[tilespmem:s10+$0x1060] =	vst v11;
	s10 =	smov.u32 s11  }
0x2fa: {  	v8 =	vld [tilespmem:s10+$0x6040];
	[tilespmem:s10+$0x1070] =	vst v12  }
0x2fb: {  	[tilespmem:s10+$0x1000] =	vst v13;
	v10 =	vld [tilespmem:s10+$0x6050]  }
0x2fc: {  	s11 =	sshra.s32 s17, $0x2;
	s17 =	sadd.s32 $0x200, s17;
	[tilespmem:s10+$0x1010] =	vst v14;
	v11 =	vld [tilespmem:s10+$0x6060]  }
0x2fd: {  	v12 =	vld [tilespmem:s11+$0x6070];
	[tilespmem:s10+$0x1020] =	vst v9  }
0x2fe: {  	v9 =	vld [tilespmem:s11+$0x6000];
	[tilespmem:s10+$0x1030] =	vst v7  }
0x2ff: {  	v7 =	vld [tilespmem:s11+$0x6010];
	[tilespmem:s10+$0x1040] =	vst v8  }
0x300: {  	v8 =	vld [tilespmem:s11+$0x6020];
	[tilespmem:s10+$0x1050] =	vst v10  }
0x301: {  	v10 =	vld [tilespmem:s11+$0x6030];
	[tilespmem:s10+$0x1060] =	vst v11  }
0x302: {  	v11 =	vld [tilespmem:s11+$0x6040];
	[tilespmem:s11+$0x1070] =	vst v12  }
0x303: {  	v63 =	vld [tilespmem:s11+$0x6050];
	[tilespmem:s11+$0x1000] =	vst v9  }
0x304: {  	[tilespmem:s11+$0x1010] =	vst v7;
	v7 =	vld [tilespmem:s11+$0x6060]  }
0x305: {  	[tilespmem:s11+$0x1020] =	vst v8  }
0x306: {  	[tilespmem:s11+$0x1030] =	vst v10  }
0x307: {  	[tilespmem:s11+$0x1040] =	vst v11  }
0x308: {  	[tilespmem:s11+$0x1050] =	vst v63  }
0x309: {  	s17 =	simm.s32 $0x8800;
	[tilespmem:s11+$0x1060] =	vst v7  }
0x30a: {  	[spmem:s2] =	stream.indirect.scatter.add.f32 [tilespmem:s29], [sflag:$0x3], $0x80, s17, s18, $0xb8;
	[tilespmem:$0x1C100] =	vst v63  }
0x30b: {  	_ =	swait.ge [sflag:s30], $0x2800  }
0x30c: {  	[sflag:s30] =	ssyncset.done $0x0  }
0x30d: {  	s10 =	stileid.u32;
	[sflag:s30] =	ssyncadd.s32 $0xFFFFD800  }
0x30e: {  	s10 =	sshll.u32 @p3 s10, $0x6;
	[bflag:$0x0] =	sbarrier.arrive $0xFFFF  }
0x30f: {  	s10 =	sor.u32 @p3 $0x1C03, s10;
	s11 =	sshrl.u32 @p3 s2, $0x3;
	s17 =	rddreg [dreg:$0x4]  }
0x310: {  	[hbm:s17], [sflag:s10] =	dma.local @p3 [spmem:s11], $0x500  }
.Ltmp16:
0x311: {  	_ = 	snop;
	(pc) =	sbr.rel .LBB2_25-.Ltmp16, $4  }
0x312: {  	s10 =	simm.s32 @p3 $0x3  }
0x313: {  	_ =	swait.ge @p3 [sflag:s10], $0x500  }
0x314: {  	[sflag:s10] =	ssyncset.done @p3 $0x0  }
0x315: {  	s11 =	rddreg [dreg:$0x17];
	[sflag:s10] =	ssyncadd.s32 @p3 $0xFFFFFB00  }
.LBB2_26:
0x316: {  	_ =	sfence.sel $0x180000  }
0x317: {  	[bflag:$0x0] =	sbarrier.arrive $0xFFFF  }
0x318: {  	_ =	strace $0x90000047  }
0x319: {  	[bflag:$0x2] =	sbarrier.arrive $0xFFFF  }
0x31a: {  	s0 =	rddreg [dreg:$0x3]  }
0x31b: {  	s0 =	sadd.s32 @!p0 $0x100000, s0  }
0x31c: {  	[sflag:s0] =	ssyncadd.tile.s32 @!p0 $0x1;
	_ =	shalt  }
.Lfunc_end2:
_tile_overlayer_lowered:
.L_overlay_start_2:
0x31d: {  	(tag) =	ssettag $0x2  }
0x31e: {  	s0 =	rddreg [dreg:$0x0];
	s2 =	stileid.u32  }
0x31f: {  	s1 =	rddreg [dreg:$0x1];
	p0 =	sne.s32 s2, $0x0  }
0x320: {  	s3 =	rddreg [dreg:$0x2];
	[bflag:$0x3] =	sbarrier.arrive $0xFFFF;
	s2 =	simm.s32 @!p0 $0x1C03  }
0x321: {  	[timem:s3], [sflag:s2] =	dma.local @!p0 [hbm:s0], s1  }
0x322: {  	s0 =	simm.s32 @!p0 $0x3  }
0x323: {  	_ =	swait.ge @!p0 [sflag:s0], s1  }
0x324: {  	s1 =	ssub.s32 @!p0 $0x0, s1;
	[sflag:s0] =	ssyncset.done @!p0 $0x0  }
0x325: {  	[sflag:s0] =	ssyncadd.s32 @!p0 s1  }
0x326: {  	[bflag:$0x3] =	sbarrier.arrive $0xFFFF  }
0x327: {  	_ =	shalt  }

</sc_bundles>
